<compile_context>
chip_gen: v7x
topology: tpu7x:2x2x1
jax: 0.10.2.dev20260603
libtpu: 0.0.44.dev20260713+nightly
codegen_flags: <defaults>
</compile_context>

<pallas_src>
import functools

import jax
import jax.numpy as jnp
from jax import lax
from jax.experimental import pallas as pl
from jax.experimental.pallas import tpu as pltpu
from jax.experimental.pallas import tpu_sc as plsc

_C = 1000
_L = 16
_NC = 2
_NS = 16
_W = _NC * _NS
_CH = 64
_NBUF = 2
_FULL = _C // _L
_TAIL = _C - _FULL * _L


def _hsum(x, lane):
    dnums = lax.GatherDimensionNumbers(
        offset_dims=(), collapsed_slice_dims=(0,), start_index_map=(0,)
    )
    for sh in (8, 4, 2, 1):
        idx = jnp.bitwise_and(lane + sh, _L - 1)
        perm = lax.gather(
            x,
            idx[:, None],
            dnums,
            (1,),
            mode=lax.GatherScatterMode.PROMISE_IN_BOUNDS,
        )
        x = x + perm
    return x


def _sc_kernel(
    row0, rpw, pol_hbm, act_hbm, s_hbm, t_hbm, g_hbm, *scratch
):
    bufs = scratch[:_NBUF]
    act_c = scratch[_NBUF:2 * _NBUF]
    s_c = scratch[2 * _NBUF:3 * _NBUF]
    t_c = scratch[3 * _NBUF:4 * _NBUF]
    g_c = scratch[4 * _NBUF:5 * _NBUF]
    sems = scratch[5 * _NBUF:6 * _NBUF]
    osems = scratch[6 * _NBUF:7 * _NBUF]
    wid = lax.axis_index("s") * _NC + lax.axis_index("c")
    nch = rpw // _CH
    obase = wid * rpw
    base = row0 + obase
    lane = lax.iota(jnp.int32, _L)
    tail_keep = lane >= (_L - _TAIL)
    zeros = jnp.zeros((_L,), jnp.float32)

    def start_fetch(ci, pari):
        pltpu.async_copy(
            pol_hbm.at[pl.ds((base + ci * _CH) * _C, _CH * _C)], bufs[pari], sems[pari]
        )
        pltpu.async_copy(
            act_hbm.at[pl.ds(base + ci * _CH, _CH)], act_c[pari], sems[pari]
        )

    def flush_outputs(ci, pari):
        o = obase + ci * _CH
        pltpu.async_copy(s_c[pari], s_hbm.at[pl.ds(o, _CH)], osems[pari])
        pltpu.async_copy(t_c[pari], t_hbm.at[pl.ds(o, _CH)], osems[pari])
        pltpu.async_copy(g_c[pari], g_hbm.at[pl.ds(o, _CH)], osems[pari])

    def drain_outputs(pari):
        o = obase
        pltpu.make_async_copy(s_c[pari], s_hbm.at[pl.ds(o, _CH)], osems[pari]).wait()
        pltpu.make_async_copy(t_c[pari], t_hbm.at[pl.ds(o, _CH)], osems[pari]).wait()
        pltpu.make_async_copy(g_c[pari], g_hbm.at[pl.ds(o, _CH)], osems[pari]).wait()

    def compute_chunk(ci, pari):
        buf = bufs[pari]

        def group_body(gi, _):
            grow0 = gi * _L
            s_vec = zeros
            t_vec = zeros
            for q in range(_L // 4):
                offs = tuple((grow0 + q * 4 + k) * _C for k in range(4))

                @plsc.parallel_loop(
                    0, _FULL, unroll=2, carry=(zeros,) * 8
                )
                def acc(i, carry):
                    out = []
                    for k in range(4):
                        sa, ta = carry[2 * k], carry[2 * k + 1]
                        v = buf[pl.ds(offs[k] + i * _L, _L)]
                        e = jnp.exp(v)
                        out.extend((sa + e, ta + v * e))
                    return tuple(out)

                for k in range(4):
                    sa, ta = acc[2 * k], acc[2 * k + 1]
                    v = buf[pl.ds(offs[k] + _C - _L, _L)]
                    e = jnp.exp(v)
                    sa = sa + jnp.where(tail_keep, e, 0.0)
                    ta = ta + jnp.where(tail_keep, v * e, 0.0)
                    here = lane == (q * 4 + k)
                    s_vec = jnp.where(here, _hsum(sa, lane), s_vec)
                    t_vec = jnp.where(here, _hsum(ta, lane), t_vec)
            a16 = act_c[pari][pl.ds(grow0, _L)]
            gidx = (grow0 + lane) * _C + a16
            g_vec = plsc.load_gather(buf, [gidx])
            s_c[pari][pl.ds(grow0, _L)] = s_vec
            t_c[pari][pl.ds(grow0, _L)] = t_vec
            g_c[pari][pl.ds(grow0, _L)] = g_vec
            return 0

        lax.fori_loop(0, _CH // _L, group_body, 0)

    def wait_fetch(pari):
        pltpu.make_async_copy(
            pol_hbm.at[pl.ds(base * _C, _CH * _C)], bufs[pari], sems[pari]
        ).wait()
        pltpu.make_async_copy(
            act_hbm.at[pl.ds(base * 1, _CH)], act_c[pari], sems[pari]
        ).wait()

    for k in range(_NBUF):
        start_fetch(k, k)

    def chunk_body(j, _):
        for k in range(_NBUF):
            ci = j * _NBUF + k
            wait_fetch(k)

            @pl.when(ci >= _NBUF)
            def _():
                drain_outputs(k)

            compute_chunk(ci, k)
            flush_outputs(ci, k)

            @pl.when(ci + _NBUF < nch)
            def _():
                start_fetch(ci + _NBUF, k)

        return 0

    lax.fori_loop(0, nch // _NBUF, chunk_body, 0)
    for k in range(_NBUF):
        drain_outputs(k)


@functools.partial(jax.jit, static_argnames=("n", "row0"))
def _sc_stats(pol_flat, act_flat, n, row0=0):
    rpw = n // _W
    mesh = plsc.VectorSubcoreMesh(
        core_axis_name="c", subcore_axis_name="s", num_cores=_NC, num_subcores=_NS
    )
    f32 = jnp.float32
    run = pl.kernel(
        functools.partial(_sc_kernel, row0, rpw),
        out_type=[
            jax.ShapeDtypeStruct((n,), f32),
            jax.ShapeDtypeStruct((n,), f32),
            jax.ShapeDtypeStruct((n,), f32),
        ],
        mesh=mesh,
        compiler_params=pltpu.CompilerParams(needs_layout_passes=False),
        scratch_types=(
            [pltpu.VMEM((_CH * _C,), f32) for _ in range(_NBUF)]
            + [pltpu.VMEM((_CH,), jnp.int32) for _ in range(_NBUF)]
            + [pltpu.VMEM((_CH,), f32) for _ in range(3 * _NBUF)]
            + [pltpu.SemaphoreType.DMA for _ in range(2 * _NBUF)]
        ),
    )
    return run(pol_flat, act_flat)


def _finish_kernel(s_ref, t_ref, g_ref, alp_ref, ent_ref):
    s = s_ref[...]
    t = t_ref[...]
    logs = jnp.log(s)
    alp_ref[...] = g_ref[...] - logs
    ent_ref[...] = jnp.sum(logs - t / s).reshape(1, 1)


@jax.jit
def _finish(s, t, g):
    n = s.shape[0]
    rows = n // 128
    shp = (rows, 128)
    alp, ent = pl.pallas_call(
        _finish_kernel,
        out_shape=[
            jax.ShapeDtypeStruct(shp, jnp.float32),
            jax.ShapeDtypeStruct((1, 1), jnp.float32),
        ],
    )(s.reshape(shp), t.reshape(shp), g.reshape(shp))
    return alp.reshape(n), ent


def kernel(policy, value_predictions, actions):
    b = policy.shape[0]
    n = policy.shape[0] * policy.shape[1] // _C
    act = actions.reshape(-1).astype(jnp.int32)
    s, t, g = _sc_stats(policy.reshape(-1), act, n, row0=0)
    alp, ent = _finish(s, t, g)
    action_log_probs = alp.reshape(b, -1)
    dist_entropy = (ent[0, 0] / b).astype(jnp.float32)
    return (value_predictions, action_log_probs, dist_entropy)

# --- scband reference (transcript-rebuilt; emitter-appended) ---
"""Pipeline reference for scband-multi-softmax-ppo-9766755631178 (READ-ONLY COPY).

The authoritative reference and input builder live on the scoring server;
editing this copy changes nothing except your own understanding.
"""

import jax, jax.numpy as jnp
import numpy as np

OUTPUT_CHANNELS = 1000


def setup_inputs(seed: int = 0) -> dict:
    key = jax.random.key(seed)
    k1, k2, k3 = jax.random.split(key, 3)
    policy = jax.random.normal(k1, (16384, 4000), dtype=jnp.float32)
    value_predictions = jax.random.normal(k2, (16384, 1), dtype=jnp.float32)
    actions = jax.random.randint(k3, (16384, 4), 0, OUTPUT_CHANNELS, dtype=jnp.int64)
    return {"policy": policy, "value_predictions": value_predictions, "actions": actions}


def reference(policy, value_predictions, actions):
    B = policy.shape[0]
    flat = policy.reshape(-1, OUTPUT_CHANNELS)
    log_probs = jax.nn.log_softmax(flat, axis=1)
    action_log_probs = jnp.take_along_axis(log_probs, actions.reshape(-1, 1), axis=1)
    action_log_probs = action_log_probs.reshape(B, -1)
    probs = jax.nn.softmax(flat, axis=1)
    dist_entropy = -(log_probs * probs).reshape(B, -1).sum(axis=-1).mean()
    return (value_predictions, action_log_probs, dist_entropy)

if __name__ == "__main__":
    import jax
    _d = setup_inputs()
    print(jax.jit(kernel)(*tuple(_d.values())))

</pallas_src>

<mosaic_0001>
#map = affine_map<(d0, d1) -> (0)>
module attributes {stable_mosaic.version = 14 : i64} {
  func.func @_sc_kernel(%arg0: i32, %arg1: i32, %arg2: memref<65536000xf32, #tpu.memory_space<hbm>>, %arg3: memref<65536xi32, #tpu.memory_space<hbm>>, %arg4: memref<65536xf32, #tpu.memory_space<hbm>>, %arg5: memref<65536xf32, #tpu.memory_space<hbm>>, %arg6: memref<65536xf32, #tpu.memory_space<hbm>>, %arg7: memref<64000xf32, #tpu.memory_space<vmem>>, %arg8: memref<64000xf32, #tpu.memory_space<vmem>>, %arg9: memref<64xi32, #tpu.memory_space<vmem>>, %arg10: memref<64xi32, #tpu.memory_space<vmem>>, %arg11: memref<64xf32, #tpu.memory_space<vmem>>, %arg12: memref<64xf32, #tpu.memory_space<vmem>>, %arg13: memref<64xf32, #tpu.memory_space<vmem>>, %arg14: memref<64xf32, #tpu.memory_space<vmem>>, %arg15: memref<64xf32, #tpu.memory_space<vmem>>, %arg16: memref<64xf32, #tpu.memory_space<vmem>>, %arg17: memref<!tpu.dma_semaphore, #tpu.memory_space<semaphore_mem>>, %arg18: memref<!tpu.dma_semaphore, #tpu.memory_space<semaphore_mem>>, %arg19: memref<!tpu.dma_semaphore, #tpu.memory_space<semaphore_mem>>, %arg20: memref<!tpu.dma_semaphore, #tpu.memory_space<semaphore_mem>>) attributes {dimension_semantics = [#tpu.dimension_semantics<core_parallel>, #tpu.dimension_semantics<subcore_parallel>], iteration_bounds = array<i64: 2, 16>, scalar_prefetch = 0 : i64, scratch_operands = 14 : i64, tpu.core_type = #tpu.core_type<sc_vector_subcore>, window_params = [{transform_indices = #map}, {transform_indices = #map}, {transform_indices = #map}, {transform_indices = #map}, {transform_indices = #map}]} {
    %mul3A = arith.constant 2 : i32
    %mul3A_0 = arith.muli %arg1, %mul3A : i32
    %add3A = arith.addi %mul3A_0, %arg0 : i32
    %mul3A_1 = arith.constant 2048 : i32
    %mul3A_2 = arith.muli %add3A, %mul3A_1 : i32
    %add3A_3 = arith.constant 0 : i32
    %add3A_4 = arith.addi %add3A_3, %mul3A_2 : i32
    %iota3A = tpu.iota {dimensions = array<i32: 0>} : vector<16xi32>
    %ge3A = arith.constant 8 : i32
    %ge3A_5 = vector.broadcast %ge3A : i32 to vector<16xi32>
    %ge3A_6 = arith.cmpi sge, %iota3A, %ge3A_5 : vector<16xi32>
    %broadcast_in_dim3A = arith.constant 0.000000e+00 : f32
    %broadcast_in_dim3A_7 = vector.broadcast %broadcast_in_dim3A : f32 to vector<16xf32>
    %add3A_8 = arith.constant 0 : i32
    %add3A_9 = arith.addi %add3A_4, %add3A_8 : i32
    %mul3A_10 = arith.constant 1000 : i32
    %mul3A_11 = arith.muli %add3A_9, %mul3A_10 : i32
    %dma_start3A = tpu.memref_slice %arg2[%mul3A_11] : memref<65536000xf32, #tpu.memory_space<hbm>> -> memref<64000xf32, #tpu.memory_space<hbm>>
    %dma_start3A_12 = tpu.memref_slice %arg2[%mul3A_11] : memref<65536000xf32, #tpu.memory_space<hbm>> -> memref<64000xf32, #tpu.memory_space<hbm>>
    tpu.enqueue_dma source(%dma_start3A_12 : memref<64000xf32, #tpu.memory_space<hbm>>) target(%arg7 : memref<64000xf32, #tpu.memory_space<vmem>>) target_semaphore(%arg17 : memref<!tpu.dma_semaphore, #tpu.memory_space<semaphore_mem>>)
    %add3A_13 = arith.constant 0 : i32
    %add3A_14 = arith.addi %add3A_4, %add3A_13 : i32
    %dma_start3A_15 = tpu.memref_slice %arg3[%add3A_14] : memref<65536xi32, #tpu.memory_space<hbm>> -> memref<64xi32, #tpu.memory_space<hbm>>
    %dma_start3A_16 = tpu.memref_slice %arg3[%add3A_14] : memref<65536xi32, #tpu.memory_space<hbm>> -> memref<64xi32, #tpu.memory_space<hbm>>
    tpu.enqueue_dma source(%dma_start3A_16 : memref<64xi32, #tpu.memory_space<hbm>>) target(%arg9 : memref<64xi32, #tpu.memory_space<vmem>>) target_semaphore(%arg17 : memref<!tpu.dma_semaphore, #tpu.memory_space<semaphore_mem>>)
    %add3A_17 = arith.constant 64 : i32
    %add3A_18 = arith.addi %add3A_4, %add3A_17 : i32
    %mul3A_19 = arith.constant 1000 : i32
    %mul3A_20 = arith.muli %add3A_18, %mul3A_19 : i32
    %dma_start3A_21 = tpu.memref_slice %arg2[%mul3A_20] : memref<65536000xf32, #tpu.memory_space<hbm>> -> memref<64000xf32, #tpu.memory_space<hbm>>
    %dma_start3A_22 = tpu.memref_slice %arg2[%mul3A_20] : memref<65536000xf32, #tpu.memory_space<hbm>> -> memref<64000xf32, #tpu.memory_space<hbm>>
    tpu.enqueue_dma source(%dma_start3A_22 : memref<64000xf32, #tpu.memory_space<hbm>>) target(%arg8 : memref<64000xf32, #tpu.memory_space<vmem>>) target_semaphore(%arg18 : memref<!tpu.dma_semaphore, #tpu.memory_space<semaphore_mem>>)
    %add3A_23 = arith.constant 64 : i32
    %add3A_24 = arith.addi %add3A_4, %add3A_23 : i32
    %dma_start3A_25 = tpu.memref_slice %arg3[%add3A_24] : memref<65536xi32, #tpu.memory_space<hbm>> -> memref<64xi32, #tpu.memory_space<hbm>>
    %dma_start3A_26 = tpu.memref_slice %arg3[%add3A_24] : memref<65536xi32, #tpu.memory_space<hbm>> -> memref<64xi32, #tpu.memory_space<hbm>>
    tpu.enqueue_dma source(%dma_start3A_26 : memref<64xi32, #tpu.memory_space<hbm>>) target(%arg10 : memref<64xi32, #tpu.memory_space<vmem>>) target_semaphore(%arg18 : memref<!tpu.dma_semaphore, #tpu.memory_space<semaphore_mem>>)
    %scan3A = arith.constant 0 : i32
    %scan3A_27 = arith.constant 0 : i32
    %scan3A_28 = arith.constant 16 : i32
    %scan3A_29 = arith.addi %scan3A_27, %scan3A_28 : i32
    %scan3A_30 = arith.constant 1 : i32
    %scan3A_31 = scf.for %scan3A_44 = %scan3A_27 to %scan3A_29 step %scan3A_30 iter_args(%scan3A_45 = %scan3A) -> (i32)  : i32 {
      %mul3A_46 = arith.constant 2 : i32
      %mul3A_47 = arith.muli %scan3A_44, %mul3A_46 : i32
      %add3A_48 = arith.constant 0 : i32
      %add3A_49 = arith.addi %mul3A_47, %add3A_48 : i32
      %mul3A_50 = arith.constant 1000 : i32
      %mul3A_51 = arith.muli %add3A_4, %mul3A_50 : i32
      %dma_wait3A_52 = tpu.memref_slice %arg2[%mul3A_51] : memref<65536000xf32, #tpu.memory_space<hbm>> -> memref<64000xf32, #tpu.memory_space<hbm>>
      %dma_wait3A_53 = tpu.memref_slice %arg2[%mul3A_51] : memref<65536000xf32, #tpu.memory_space<hbm>> -> memref<64000xf32, #tpu.memory_space<hbm>>
      tpu.wait_dma2 semaphore(%arg17 : memref<!tpu.dma_semaphore, #tpu.memory_space<semaphore_mem>>) src(%dma_wait3A_53 : memref<64000xf32, #tpu.memory_space<hbm>>) dst(%arg7 : memref<64000xf32, #tpu.memory_space<vmem>>)
      %mul3A_54 = arith.constant 1 : i32
      %mul3A_55 = arith.muli %add3A_4, %mul3A_54 : i32
      %dma_wait3A_56 = tpu.memref_slice %arg3[%mul3A_55] : memref<65536xi32, #tpu.memory_space<hbm>> -> memref<64xi32, #tpu.memory_space<hbm>>
      %dma_wait3A_57 = tpu.memref_slice %arg3[%mul3A_55] : memref<65536xi32, #tpu.memory_space<hbm>> -> memref<64xi32, #tpu.memory_space<hbm>>
      tpu.wait_dma2 semaphore(%arg17 : memref<!tpu.dma_semaphore, #tpu.memory_space<semaphore_mem>>) src(%dma_wait3A_57 : memref<64xi32, #tpu.memory_space<hbm>>) dst(%arg9 : memref<64xi32, #tpu.memory_space<vmem>>)
      %ge3A_58 = arith.constant 2 : i32
      %ge3A_59 = arith.cmpi sge, %add3A_49, %ge3A_58 : i32
      %convert_element_type3A = arith.extui %ge3A_59 : i1 to i32
      %cond3A = arith.constant 0 : i32
      %cond3A_60 = arith.cmpi ne, %convert_element_type3A, %cond3A : i32
      scf.if %cond3A_60 {
        %dma_wait3A_124 = tpu.memref_slice %arg4[%mul3A_2] : memref<65536xf32, #tpu.memory_space<hbm>> -> memref<64xf32, #tpu.memory_space<hbm>>
        %dma_wait3A_125 = tpu.memref_slice %arg4[%mul3A_2] : memref<65536xf32, #tpu.memory_space<hbm>> -> memref<64xf32, #tpu.memory_space<hbm>>
        tpu.wait_dma2 semaphore(%arg19 : memref<!tpu.dma_semaphore, #tpu.memory_space<semaphore_mem>>) src(%arg11 : memref<64xf32, #tpu.memory_space<vmem>>) dst(%dma_wait3A_125 : memref<64xf32, #tpu.memory_space<hbm>>)
        %dma_wait3A_126 = tpu.memref_slice %arg5[%mul3A_2] : memref<65536xf32, #tpu.memory_space<hbm>> -> memref<64xf32, #tpu.memory_space<hbm>>
        %dma_wait3A_127 = tpu.memref_slice %arg5[%mul3A_2] : memref<65536xf32, #tpu.memory_space<hbm>> -> memref<64xf32, #tpu.memory_space<hbm>>
        tpu.wait_dma2 semaphore(%arg19 : memref<!tpu.dma_semaphore, #tpu.memory_space<semaphore_mem>>) src(%arg13 : memref<64xf32, #tpu.memory_space<vmem>>) dst(%dma_wait3A_127 : memref<64xf32, #tpu.memory_space<hbm>>)
        %dma_wait3A_128 = tpu.memref_slice %arg6[%mul3A_2] : memref<65536xf32, #tpu.memory_space<hbm>> -> memref<64xf32, #tpu.memory_space<hbm>>
        %dma_wait3A_129 = tpu.memref_slice %arg6[%mul3A_2] : memref<65536xf32, #tpu.memory_space<hbm>> -> memref<64xf32, #tpu.memory_space<hbm>>
        tpu.wait_dma2 semaphore(%arg19 : memref<!tpu.dma_semaphore, #tpu.memory_space<semaphore_mem>>) src(%arg15 : memref<64xf32, #tpu.memory_space<vmem>>) dst(%dma_wait3A_129 : memref<64xf32, #tpu.memory_space<hbm>>)
      } else {
      }
      %scan3A_61 = arith.constant 0 : i32
      %scan3A_62 = arith.constant 0 : i32
      %scan3A_63 = arith.constant 4 : i32
      %scan3A_64 = arith.addi %scan3A_62, %scan3A_63 : i32
      %scan3A_65 = arith.constant 1 : i32
      %scan3A_66 = scf.for %scan3A_124 = %scan3A_62 to %scan3A_64 step %scan3A_65 iter_args(%scan3A_125 = %scan3A_61) -> (i32)  : i32 {
        %mul3A_126 = arith.constant 16 : i32
        %mul3A_127 = arith.muli %scan3A_124, %mul3A_126 : i32
        %add3A_128 = arith.constant 0 : i32
        %add3A_129 = arith.addi %mul3A_127, %add3A_128 : i32
        %add3A_130 = arith.constant 0 : i32
        %add3A_131 = arith.addi %add3A_129, %add3A_130 : i32
        %mul3A_132 = arith.constant 1000 : i32
        %mul3A_133 = arith.muli %add3A_131, %mul3A_132 : i32
        %add3A_134 = arith.constant 0 : i32
        %add3A_135 = arith.addi %mul3A_127, %add3A_134 : i32
        %add3A_136 = arith.constant 1 : i32
        %add3A_137 = arith.addi %add3A_135, %add3A_136 : i32
        %mul3A_138 = arith.constant 1000 : i32
        %mul3A_139 = arith.muli %add3A_137, %mul3A_138 : i32
        %add3A_140 = arith.constant 0 : i32
        %add3A_141 = arith.addi %mul3A_127, %add3A_140 : i32
        %add3A_142 = arith.constant 2 : i32
        %add3A_143 = arith.addi %add3A_141, %add3A_142 : i32
        %mul3A_144 = arith.constant 1000 : i32
        %mul3A_145 = arith.muli %add3A_143, %mul3A_144 : i32
        %add3A_146 = arith.constant 0 : i32
        %add3A_147 = arith.addi %mul3A_127, %add3A_146 : i32
        %add3A_148 = arith.constant 3 : i32
        %add3A_149 = arith.addi %add3A_147, %add3A_148 : i32
        %mul3A_150 = arith.constant 1000 : i32
        %mul3A_151 = arith.muli %add3A_149, %mul3A_150 : i32
        %parallel_loop3A = arith.constant 0 : i32
        %parallel_loop3A_152 = arith.constant 62 : i32
        %parallel_loop3A_153 = arith.constant 1 : i32
        %parallel_loop3A_154:8 = scf.for %parallel_loop3A_1862 = %parallel_loop3A to %parallel_loop3A_152 step %parallel_loop3A_153 iter_args(%parallel_loop3A_1863 = %broadcast_in_dim3A_7, %parallel_loop3A_1864 = %broadcast_in_dim3A_7, %parallel_loop3A_1865 = %broadcast_in_dim3A_7, %parallel_loop3A_1866 = %broadcast_in_dim3A_7, %parallel_loop3A_1867 = %broadcast_in_dim3A_7, %parallel_loop3A_1868 = %broadcast_in_dim3A_7, %parallel_loop3A_1869 = %broadcast_in_dim3A_7, %parallel_loop3A_1870 = %broadcast_in_dim3A_7) -> (vector<16xf32>, vector<16xf32>, vector<16xf32>, vector<16xf32>, vector<16xf32>, vector<16xf32>, vector<16xf32>, vector<16xf32>)  : i32 {
          %parallel_loop3A_1871 = arith.constant 16 : i32
          %parallel_loop3A_1872 = arith.muli %parallel_loop3A_1862, %parallel_loop3A_1871 : i32
          %parallel_loop3A_1873 = arith.addi %mul3A_133, %parallel_loop3A_1872 : i32
          %parallel_loop3A_1874 = arith.index_cast %parallel_loop3A_1873 : i32 to index
          %parallel_loop3A_1875 = tpu.vector_load %arg7[%parallel_loop3A_1874] {strides = array<i32>} : memref<64000xf32, #tpu.memory_space<vmem>>, vector<16xf32>,
          %parallel_loop3A_1876 = math.exp %parallel_loop3A_1875 : vector<16xf32>
          %parallel_loop3A_1877 = arith.addf %parallel_loop3A_1863, %parallel_loop3A_1876 : vector<16xf32>
          %parallel_loop3A_1878 = arith.mulf %parallel_loop3A_1875, %parallel_loop3A_1876 : vector<16xf32>
          %parallel_loop3A_1879 = arith.addf %parallel_loop3A_1864, %parallel_loop3A_1878 : vector<16xf32>
          %parallel_loop3A_1880 = arith.constant 16 : i32
          %parallel_loop3A_1881 = arith.muli %parallel_loop3A_1862, %parallel_loop3A_1880 : i32
          %parallel_loop3A_1882 = arith.addi %mul3A_139, %parallel_loop3A_1881 : i32
          %parallel_loop3A_1883 = arith.index_cast %parallel_loop3A_1882 : i32 to index
          %parallel_loop3A_1884 = tpu.vector_load %arg7[%parallel_loop3A_1883] {strides = array<i32>} : memref<64000xf32, #tpu.memory_space<vmem>>, vector<16xf32>,
          %parallel_loop3A_1885 = math.exp %parallel_loop3A_1884 : vector<16xf32>
          %parallel_loop3A_1886 = arith.addf %parallel_loop3A_1865, %parallel_loop3A_1885 : vector<16xf32>
          %parallel_loop3A_1887 = arith.mulf %parallel_loop3A_1884, %parallel_loop3A_1885 : vector<16xf32>
          %parallel_loop3A_1888 = arith.addf %parallel_loop3A_1866, %parallel_loop3A_1887 : vector<16xf32>
          %parallel_loop3A_1889 = arith.constant 16 : i32
          %parallel_loop3A_1890 = arith.muli %parallel_loop3A_1862, %parallel_loop3A_1889 : i32
          %parallel_loop3A_1891 = arith.addi %mul3A_145, %parallel_loop3A_1890 : i32
          %parallel_loop3A_1892 = arith.index_cast %parallel_loop3A_1891 : i32 to index
          %parallel_loop3A_1893 = tpu.vector_load %arg7[%parallel_loop3A_1892] {strides = array<i32>} : memref<64000xf32, #tpu.memory_space<vmem>>, vector<16xf32>,
          %parallel_loop3A_1894 = math.exp %parallel_loop3A_1893 : vector<16xf32>
          %parallel_loop3A_1895 = arith.addf %parallel_loop3A_1867, %parallel_loop3A_1894 : vector<16xf32>
          %parallel_loop3A_1896 = arith.mulf %parallel_loop3A_1893, %parallel_loop3A_1894 : vector<16xf32>
          %parallel_loop3A_1897 = arith.addf %parallel_loop3A_1868, %parallel_loop3A_1896 : vector<16xf32>
          %parallel_loop3A_1898 = arith.constant 16 : i32
          %parallel_loop3A_1899 = arith.muli %parallel_loop3A_1862, %parallel_loop3A_1898 : i32
          %parallel_loop3A_1900 = arith.addi %mul3A_151, %parallel_loop3A_1899 : i32
          %parallel_loop3A_1901 = arith.index_cast %parallel_loop3A_1900 : i32 to index
          %parallel_loop3A_1902 = tpu.vector_load %arg7[%parallel_loop3A_1901] {strides = array<i32>} : memref<64000xf32, #tpu.memory_space<vmem>>, vector<16xf32>,
          %parallel_loop3A_1903 = math.exp %parallel_loop3A_1902 : vector<16xf32>
          %parallel_loop3A_1904 = arith.addf %parallel_loop3A_1869, %parallel_loop3A_1903 : vector<16xf32>
          %parallel_loop3A_1905 = arith.mulf %parallel_loop3A_1902, %parallel_loop3A_1903 : vector<16xf32>
          %parallel_loop3A_1906 = arith.addf %parallel_loop3A_1870, %parallel_loop3A_1905 : vector<16xf32>
          scf.yield %parallel_loop3A_1877, %parallel_loop3A_1879, %parallel_loop3A_1886, %parallel_loop3A_1888, %parallel_loop3A_1895, %parallel_loop3A_1897, %parallel_loop3A_1904, %parallel_loop3A_1906 : vector<16xf32>, vector<16xf32>, vector<16xf32>, vector<16xf32>, vector<16xf32>, vector<16xf32>, vector<16xf32>, vector<16xf32>
        } {sc.loop_unroll_factor = 2 : i64, sc.parallel_access}
        %add3A_155 = arith.constant 1000 : i32
        %add3A_156 = arith.addi %mul3A_133, %add3A_155 : i32
        %sub3A = arith.constant 16 : i32
        %sub3A_157 = arith.subi %add3A_156, %sub3A : i32
        %get3A = arith.index_cast %sub3A_157 : i32 to index
        %get3A_158 = tpu.vector_load %arg7[%get3A] {strides = array<i32>} : memref<64000xf32, #tpu.memory_space<vmem>>, vector<16xf32>,
        %exp3A = math.exp %get3A_158 : vector<16xf32>
        %jit3A = arith.constant 0.000000e+00 : f32
        %broadcast_in_dim3A_159 = vector.broadcast %jit3A : f32 to vector<16xf32>
        %select_n3A = arith.select %ge3A_6, %exp3A, %broadcast_in_dim3A_159 : vector<16xi1>, vector<16xf32>
        %add3A_160 = arith.addf %parallel_loop3A_154#0, %select_n3A : vector<16xf32>
        %mul3A_161 = arith.mulf %get3A_158, %exp3A : vector<16xf32>
        %jit3A_162 = arith.constant 0.000000e+00 : f32
        %broadcast_in_dim3A_163 = vector.broadcast %jit3A_162 : f32 to vector<16xf32>
        %select_n3A_164 = arith.select %ge3A_6, %mul3A_161, %broadcast_in_dim3A_163 : vector<16xi1>, vector<16xf32>
        %add3A_165 = arith.addf %parallel_loop3A_154#1, %select_n3A_164 : vector<16xf32>
        %eq3A = arith.constant 0 : i32
        %eq3A_166 = vector.broadcast %eq3A : i32 to vector<16xi32>
        %eq3A_167 = arith.cmpi eq, %iota3A, %eq3A_166 : vector<16xi32>
        %add3A_168 = arith.constant 8 : i32
        %add3A_169 = vector.broadcast %add3A_168 : i32 to vector<16xi32>
        %add3A_170 = arith.addi %iota3A, %add3A_169 : vector<16xi32>
        %and3A = arith.constant 15 : i32
        %and3A_171 = vector.broadcast %and3A : i32 to vector<16xi32>
        %and3A_172 = arith.andi %add3A_170, %and3A_171 : vector<16xi32>
        %broadcast_in_dim3A_173 = vector.shape_cast %and3A_172 : vector<16xi32> to vector<16x1xi32>
        %gather3A = vector.shape_cast %broadcast_in_dim3A_173 : vector<16x1xi32> to vector<16xi32>
        %gather3A_174 = tpu.dynamic_gather %add3A_160[%gather3A] in [0] : vector<16xf32>, vector<16xi32> -> vector<16xf32>
        %add3A_175 = arith.addf %add3A_160, %gather3A_174 : vector<16xf32>
        %add3A_176 = arith.constant 4 : i32
        %add3A_177 = vector.broadcast %add3A_176 : i32 to vector<16xi32>
        %add3A_178 = arith.addi %iota3A, %add3A_177 : vector<16xi32>
        %and3A_179 = arith.constant 15 : i32
        %and3A_180 = vector.broadcast %and3A_179 : i32 to vector<16xi32>
        %and3A_181 = arith.andi %add3A_178, %and3A_180 : vector<16xi32>
        %broadcast_in_dim3A_182 = vector.shape_cast %and3A_181 : vector<16xi32> to vector<16x1xi32>
        %gather3A_183 = vector.shape_cast %broadcast_in_dim3A_182 : vector<16x1xi32> to vector<16xi32>
        %gather3A_184 = tpu.dynamic_gather %add3A_175[%gather3A_183] in [0] : vector<16xf32>, vector<16xi32> -> vector<16xf32>
        %add3A_185 = arith.addf %add3A_175, %gather3A_184 : vector<16xf32>
        %add3A_186 = arith.constant 2 : i32
        %add3A_187 = vector.broadcast %add3A_186 : i32 to vector<16xi32>
        %add3A_188 = arith.addi %iota3A, %add3A_187 : vector<16xi32>
        %and3A_189 = arith.constant 15 : i32
        %and3A_190 = vector.broadcast %and3A_189 : i32 to vector<16xi32>
        %and3A_191 = arith.andi %add3A_188, %and3A_190 : vector<16xi32>
        %broadcast_in_dim3A_192 = vector.shape_cast %and3A_191 : vector<16xi32> to vector<16x1xi32>
        %gather3A_193 = vector.shape_cast %broadcast_in_dim3A_192 : vector<16x1xi32> to vector<16xi32>
        %gather3A_194 = tpu.dynamic_gather %add3A_185[%gather3A_193] in [0] : vector<16xf32>, vector<16xi32> -> vector<16xf32>
        %add3A_195 = arith.addf %add3A_185, %gather3A_194 : vector<16xf32>
        %add3A_196 = arith.constant 1 : i32
        %add3A_197 = vector.broadcast %add3A_196 : i32 to vector<16xi32>
        %add3A_198 = arith.addi %iota3A, %add3A_197 : vector<16xi32>
        %and3A_199 = arith.constant 15 : i32
        %and3A_200 = vector.broadcast %and3A_199 : i32 to vector<16xi32>
        %and3A_201 = arith.andi %add3A_198, %and3A_200 : vector<16xi32>
        %broadcast_in_dim3A_202 = vector.shape_cast %and3A_201 : vector<16xi32> to vector<16x1xi32>
        %gather3A_203 = vector.shape_cast %broadcast_in_dim3A_202 : vector<16x1xi32> to vector<16xi32>
        %gather3A_204 = tpu.dynamic_gather %add3A_195[%gather3A_203] in [0] : vector<16xf32>, vector<16xi32> -> vector<16xf32>
        %add3A_205 = arith.addf %add3A_195, %gather3A_204 : vector<16xf32>
        %select_n3A_206 = arith.select %eq3A_167, %add3A_205, %broadcast_in_dim3A_7 : vector<16xi1>, vector<16xf32>
        %add3A_207 = arith.constant 8 : i32
        %add3A_208 = vector.broadcast %add3A_207 : i32 to vector<16xi32>
        %add3A_209 = arith.addi %iota3A, %add3A_208 : vector<16xi32>
        %and3A_210 = arith.constant 15 : i32
        %and3A_211 = vector.broadcast %and3A_210 : i32 to vector<16xi32>
        %and3A_212 = arith.andi %add3A_209, %and3A_211 : vector<16xi32>
        %broadcast_in_dim3A_213 = vector.shape_cast %and3A_212 : vector<16xi32> to vector<16x1xi32>
        %gather3A_214 = vector.shape_cast %broadcast_in_dim3A_213 : vector<16x1xi32> to vector<16xi32>
        %gather3A_215 = tpu.dynamic_gather %add3A_165[%gather3A_214] in [0] : vector<16xf32>, vector<16xi32> -> vector<16xf32>
        %add3A_216 = arith.addf %add3A_165, %gather3A_215 : vector<16xf32>
        %add3A_217 = arith.constant 4 : i32
        %add3A_218 = vector.broadcast %add3A_217 : i32 to vector<16xi32>
        %add3A_219 = arith.addi %iota3A, %add3A_218 : vector<16xi32>
        %and3A_220 = arith.constant 15 : i32
        %and3A_221 = vector.broadcast %and3A_220 : i32 to vector<16xi32>
        %and3A_222 = arith.andi %add3A_219, %and3A_221 : vector<16xi32>
        %broadcast_in_dim3A_223 = vector.shape_cast %and3A_222 : vector<16xi32> to vector<16x1xi32>
        %gather3A_224 = vector.shape_cast %broadcast_in_dim3A_223 : vector<16x1xi32> to vector<16xi32>
        %gather3A_225 = tpu.dynamic_gather %add3A_216[%gather3A_224] in [0] : vector<16xf32>, vector<16xi32> -> vector<16xf32>
        %add3A_226 = arith.addf %add3A_216, %gather3A_225 : vector<16xf32>
        %add3A_227 = arith.constant 2 : i32
        %add3A_228 = vector.broadcast %add3A_227 : i32 to vector<16xi32>
        %add3A_229 = arith.addi %iota3A, %add3A_228 : vector<16xi32>
        %and3A_230 = arith.constant 15 : i32
        %and3A_231 = vector.broadcast %and3A_230 : i32 to vector<16xi32>
        %and3A_232 = arith.andi %add3A_229, %and3A_231 : vector<16xi32>
        %broadcast_in_dim3A_233 = vector.shape_cast %and3A_232 : vector<16xi32> to vector<16x1xi32>
        %gather3A_234 = vector.shape_cast %broadcast_in_dim3A_233 : vector<16x1xi32> to vector<16xi32>
        %gather3A_235 = tpu.dynamic_gather %add3A_226[%gather3A_234] in [0] : vector<16xf32>, vector<16xi32> -> vector<16xf32>
        %add3A_236 = arith.addf %add3A_226, %gather3A_235 : vector<16xf32>
        %add3A_237 = arith.constant 1 : i32
        %add3A_238 = vector.broadcast %add3A_237 : i32 to vector<16xi32>
        %add3A_239 = arith.addi %iota3A, %add3A_238 : vector<16xi32>
        %and3A_240 = arith.constant 15 : i32
        %and3A_241 = vector.broadcast %and3A_240 : i32 to vector<16xi32>
        %and3A_242 = arith.andi %add3A_239, %and3A_241 : vector<16xi32>
        %broadcast_in_dim3A_243 = vector.shape_cast %and3A_242 : vector<16xi32> to vector<16x1xi32>
        %gather3A_244 = vector.shape_cast %broadcast_in_dim3A_243 : vector<16x1xi32> to vector<16xi32>
        %gather3A_245 = tpu.dynamic_gather %add3A_236[%gather3A_244] in [0] : vector<16xf32>, vector<16xi32> -> vector<16xf32>
        %add3A_246 = arith.addf %add3A_236, %gather3A_245 : vector<16xf32>
        %select_n3A_247 = arith.select %eq3A_167, %add3A_246, %broadcast_in_dim3A_7 : vector<16xi1>, vector<16xf32>
        %add3A_248 = arith.constant 1000 : i32
        %add3A_249 = arith.addi %mul3A_139, %add3A_248 : i32
        %sub3A_250 = arith.constant 16 : i32
        %sub3A_251 = arith.subi %add3A_249, %sub3A_250 : i32
        %get3A_252 = arith.index_cast %sub3A_251 : i32 to index
        %get3A_253 = tpu.vector_load %arg7[%get3A_252] {strides = array<i32>} : memref<64000xf32, #tpu.memory_space<vmem>>, vector<16xf32>,
        %exp3A_254 = math.exp %get3A_253 : vector<16xf32>
        %jit3A_255 = arith.constant 0.000000e+00 : f32
        %broadcast_in_dim3A_256 = vector.broadcast %jit3A_255 : f32 to vector<16xf32>
        %select_n3A_257 = arith.select %ge3A_6, %exp3A_254, %broadcast_in_dim3A_256 : vector<16xi1>, vector<16xf32>
        %add3A_258 = arith.addf %parallel_loop3A_154#2, %select_n3A_257 : vector<16xf32>
        %mul3A_259 = arith.mulf %get3A_253, %exp3A_254 : vector<16xf32>
        %jit3A_260 = arith.constant 0.000000e+00 : f32
        %broadcast_in_dim3A_261 = vector.broadcast %jit3A_260 : f32 to vector<16xf32>
        %select_n3A_262 = arith.select %ge3A_6, %mul3A_259, %broadcast_in_dim3A_261 : vector<16xi1>, vector<16xf32>
        %add3A_263 = arith.addf %parallel_loop3A_154#3, %select_n3A_262 : vector<16xf32>
        %eq3A_264 = arith.constant 1 : i32
        %eq3A_265 = vector.broadcast %eq3A_264 : i32 to vector<16xi32>
        %eq3A_266 = arith.cmpi eq, %iota3A, %eq3A_265 : vector<16xi32>
        %add3A_267 = arith.constant 8 : i32
        %add3A_268 = vector.broadcast %add3A_267 : i32 to vector<16xi32>
        %add3A_269 = arith.addi %iota3A, %add3A_268 : vector<16xi32>
        %and3A_270 = arith.constant 15 : i32
        %and3A_271 = vector.broadcast %and3A_270 : i32 to vector<16xi32>
        %and3A_272 = arith.andi %add3A_269, %and3A_271 : vector<16xi32>
        %broadcast_in_dim3A_273 = vector.shape_cast %and3A_272 : vector<16xi32> to vector<16x1xi32>
        %gather3A_274 = vector.shape_cast %broadcast_in_dim3A_273 : vector<16x1xi32> to vector<16xi32>
        %gather3A_275 = tpu.dynamic_gather %add3A_258[%gather3A_274] in [0] : vector<16xf32>, vector<16xi32> -> vector<16xf32>
        %add3A_276 = arith.addf %add3A_258, %gather3A_275 : vector<16xf32>
        %add3A_277 = arith.constant 4 : i32
        %add3A_278 = vector.broadcast %add3A_277 : i32 to vector<16xi32>
        %add3A_279 = arith.addi %iota3A, %add3A_278 : vector<16xi32>
        %and3A_280 = arith.constant 15 : i32
        %and3A_281 = vector.broadcast %and3A_280 : i32 to vector<16xi32>
        %and3A_282 = arith.andi %add3A_279, %and3A_281 : vector<16xi32>
        %broadcast_in_dim3A_283 = vector.shape_cast %and3A_282 : vector<16xi32> to vector<16x1xi32>
        %gather3A_284 = vector.shape_cast %broadcast_in_dim3A_283 : vector<16x1xi32> to vector<16xi32>
        %gather3A_285 = tpu.dynamic_gather %add3A_276[%gather3A_284] in [0] : vector<16xf32>, vector<16xi32> -> vector<16xf32>
        %add3A_286 = arith.addf %add3A_276, %gather3A_285 : vector<16xf32>
        %add3A_287 = arith.constant 2 : i32
        %add3A_288 = vector.broadcast %add3A_287 : i32 to vector<16xi32>
        %add3A_289 = arith.addi %iota3A, %add3A_288 : vector<16xi32>
        %and3A_290 = arith.constant 15 : i32
        %and3A_291 = vector.broadcast %and3A_290 : i32 to vector<16xi32>
        %and3A_292 = arith.andi %add3A_289, %and3A_291 : vector<16xi32>
        %broadcast_in_dim3A_293 = vector.shape_cast %and3A_292 : vector<16xi32> to vector<16x1xi32>
        %gather3A_294 = vector.shape_cast %broadcast_in_dim3A_293 : vector<16x1xi32> to vector<16xi32>
        %gather3A_295 = tpu.dynamic_gather %add3A_286[%gather3A_294] in [0] : vector<16xf32>, vector<16xi32> -> vector<16xf32>
        %add3A_296 = arith.addf %add3A_286, %gather3A_295 : vector<16xf32>
        %add3A_297 = arith.constant 1 : i32
        %add3A_298 = vector.broadcast %add3A_297 : i32 to vector<16xi32>
        %add3A_299 = arith.addi %iota3A, %add3A_298 : vector<16xi32>
        %and3A_300 = arith.constant 15 : i32
        %and3A_301 = vector.broadcast %and3A_300 : i32 to vector<16xi32>
        %and3A_302 = arith.andi %add3A_299, %and3A_301 : vector<16xi32>
        %broadcast_in_dim3A_303 = vector.shape_cast %and3A_302 : vector<16xi32> to vector<16x1xi32>
        %gather3A_304 = vector.shape_cast %broadcast_in_dim3A_303 : vector<16x1xi32> to vector<16xi32>
        %gather3A_305 = tpu.dynamic_gather %add3A_296[%gather3A_304] in [0] : vector<16xf32>, vector<16xi32> -> vector<16xf32>
        %add3A_306 = arith.addf %add3A_296, %gather3A_305 : vector<16xf32>
        %select_n3A_307 = arith.select %eq3A_266, %add3A_306, %select_n3A_206 : vector<16xi1>, vector<16xf32>
        %add3A_308 = arith.constant 8 : i32
        %add3A_309 = vector.broadcast %add3A_308 : i32 to vector<16xi32>
        %add3A_310 = arith.addi %iota3A, %add3A_309 : vector<16xi32>
        %and3A_311 = arith.constant 15 : i32
        %and3A_312 = vector.broadcast %and3A_311 : i32 to vector<16xi32>
        %and3A_313 = arith.andi %add3A_310, %and3A_312 : vector<16xi32>
        %broadcast_in_dim3A_314 = vector.shape_cast %and3A_313 : vector<16xi32> to vector<16x1xi32>
        %gather3A_315 = vector.shape_cast %broadcast_in_dim3A_314 : vector<16x1xi32> to vector<16xi32>
        %gather3A_316 = tpu.dynamic_gather %add3A_263[%gather3A_315] in [0] : vector<16xf32>, vector<16xi32> -> vector<16xf32>
        %add3A_317 = arith.addf %add3A_263, %gather3A_316 : vector<16xf32>
        %add3A_318 = arith.constant 4 : i32
        %add3A_319 = vector.broadcast %add3A_318 : i32 to vector<16xi32>
        %add3A_320 = arith.addi %iota3A, %add3A_319 : vector<16xi32>
        %and3A_321 = arith.constant 15 : i32
        %and3A_322 = vector.broadcast %and3A_321 : i32 to vector<16xi32>
        %and3A_323 = arith.andi %add3A_320, %and3A_322 : vector<16xi32>
        %broadcast_in_dim3A_324 = vector.shape_cast %and3A_323 : vector<16xi32> to vector<16x1xi32>
        %gather3A_325 = vector.shape_cast %broadcast_in_dim3A_324 : vector<16x1xi32> to vector<16xi32>
        %gather3A_326 = tpu.dynamic_gather %add3A_317[%gather3A_325] in [0] : vector<16xf32>, vector<16xi32> -> vector<16xf32>
        %add3A_327 = arith.addf %add3A_317, %gather3A_326 : vector<16xf32>
        %add3A_328 = arith.constant 2 : i32
        %add3A_329 = vector.broadcast %add3A_328 : i32 to vector<16xi32>
        %add3A_330 = arith.addi %iota3A, %add3A_329 : vector<16xi32>
        %and3A_331 = arith.constant 15 : i32
        %and3A_332 = vector.broadcast %and3A_331 : i32 to vector<16xi32>
        %and3A_333 = arith.andi %add3A_330, %and3A_332 : vector<16xi32>
        %broadcast_in_dim3A_334 = vector.shape_cast %and3A_333 : vector<16xi32> to vector<16x1xi32>
        %gather3A_335 = vector.shape_cast %broadcast_in_dim3A_334 : vector<16x1xi32> to vector<16xi32>
        %gather3A_336 = tpu.dynamic_gather %add3A_327[%gather3A_335] in [0] : vector<16xf32>, vector<16xi32> -> vector<16xf32>
        %add3A_337 = arith.addf %add3A_327, %gather3A_336 : vector<16xf32>
        %add3A_338 = arith.constant 1 : i32
        %add3A_339 = vector.broadcast %add3A_338 : i32 to vector<16xi32>
        %add3A_340 = arith.addi %iota3A, %add3A_339 : vector<16xi32>
        %and3A_341 = arith.constant 15 : i32
        %and3A_342 = vector.broadcast %and3A_341 : i32 to vector<16xi32>
        %and3A_343 = arith.andi %add3A_340, %and3A_342 : vector<16xi32>
        %broadcast_in_dim3A_344 = vector.shape_cast %and3A_343 : vector<16xi32> to vector<16x1xi32>
        %gather3A_345 = vector.shape_cast %broadcast_in_dim3A_344 : vector<16x1xi32> to vector<16xi32>
        %gather3A_346 = tpu.dynamic_gather %add3A_337[%gather3A_345] in [0] : vector<16xf32>, vector<16xi32> -> vector<16xf32>
        %add3A_347 = arith.addf %add3A_337, %gather3A_346 : vector<16xf32>
        %select_n3A_348 = arith.select %eq3A_266, %add3A_347, %select_n3A_247 : vector<16xi1>, vector<16xf32>
        %add3A_349 = arith.constant 1000 : i32
        %add3A_350 = arith.addi %mul3A_145, %add3A_349 : i32
        %sub3A_351 = arith.constant 16 : i32
        %sub3A_352 = arith.subi %add3A_350, %sub3A_351 : i32
        %get3A_353 = arith.index_cast %sub3A_352 : i32 to index
        %get3A_354 = tpu.vector_load %arg7[%get3A_353] {strides = array<i32>} : memref<64000xf32, #tpu.memory_space<vmem>>, vector<16xf32>,
        %exp3A_355 = math.exp %get3A_354 : vector<16xf32>
        %jit3A_356 = arith.constant 0.000000e+00 : f32
        %broadcast_in_dim3A_357 = vector.broadcast %jit3A_356 : f32 to vector<16xf32>
        %select_n3A_358 = arith.select %ge3A_6, %exp3A_355, %broadcast_in_dim3A_357 : vector<16xi1>, vector<16xf32>
        %add3A_359 = arith.addf %parallel_loop3A_154#4, %select_n3A_358 : vector<16xf32>
        %mul3A_360 = arith.mulf %get3A_354, %exp3A_355 : vector<16xf32>
        %jit3A_361 = arith.constant 0.000000e+00 : f32
        %broadcast_in_dim3A_362 = vector.broadcast %jit3A_361 : f32 to vector<16xf32>
        %select_n3A_363 = arith.select %ge3A_6, %mul3A_360, %broadcast_in_dim3A_362 : vector<16xi1>, vector<16xf32>
        %add3A_364 = arith.addf %parallel_loop3A_154#5, %select_n3A_363 : vector<16xf32>
        %eq3A_365 = arith.constant 2 : i32
        %eq3A_366 = vector.broadcast %eq3A_365 : i32 to vector<16xi32>
        %eq3A_367 = arith.cmpi eq, %iota3A, %eq3A_366 : vector<16xi32>
        %add3A_368 = arith.constant 8 : i32
        %add3A_369 = vector.broadcast %add3A_368 : i32 to vector<16xi32>
        %add3A_370 = arith.addi %iota3A, %add3A_369 : vector<16xi32>
        %and3A_371 = arith.constant 15 : i32
        %and3A_372 = vector.broadcast %and3A_371 : i32 to vector<16xi32>
        %and3A_373 = arith.andi %add3A_370, %and3A_372 : vector<16xi32>
        %broadcast_in_dim3A_374 = vector.shape_cast %and3A_373 : vector<16xi32> to vector<16x1xi32>
        %gather3A_375 = vector.shape_cast %broadcast_in_dim3A_374 : vector<16x1xi32> to vector<16xi32>
        %gather3A_376 = tpu.dynamic_gather %add3A_359[%gather3A_375] in [0] : vector<16xf32>, vector<16xi32> -> vector<16xf32>
        %add3A_377 = arith.addf %add3A_359, %gather3A_376 : vector<16xf32>
        %add3A_378 = arith.constant 4 : i32
        %add3A_379 = vector.broadcast %add3A_378 : i32 to vector<16xi32>
        %add3A_380 = arith.addi %iota3A, %add3A_379 : vector<16xi32>
        %and3A_381 = arith.constant 15 : i32
        %and3A_382 = vector.broadcast %and3A_381 : i32 to vector<16xi32>
        %and3A_383 = arith.andi %add3A_380, %and3A_382 : vector<16xi32>
        %broadcast_in_dim3A_384 = vector.shape_cast %and3A_383 : vector<16xi32> to vector<16x1xi32>
        %gather3A_385 = vector.shape_cast %broadcast_in_dim3A_384 : vector<16x1xi32> to vector<16xi32>
        %gather3A_386 = tpu.dynamic_gather %add3A_377[%gather3A_385] in [0] : vector<16xf32>, vector<16xi32> -> vector<16xf32>
        %add3A_387 = arith.addf %add3A_377, %gather3A_386 : vector<16xf32>
        %add3A_388 = arith.constant 2 : i32
        %add3A_389 = vector.broadcast %add3A_388 : i32 to vector<16xi32>
        %add3A_390 = arith.addi %iota3A, %add3A_389 : vector<16xi32>
        %and3A_391 = arith.constant 15 : i32
        %and3A_392 = vector.broadcast %and3A_391 : i32 to vector<16xi32>
        %and3A_393 = arith.andi %add3A_390, %and3A_392 : vector<16xi32>
        %broadcast_in_dim3A_394 = vector.shape_cast %and3A_393 : vector<16xi32> to vector<16x1xi32>
        %gather3A_395 = vector.shape_cast %broadcast_in_dim3A_394 : vector<16x1xi32> to vector<16xi32>
        %gather3A_396 = tpu.dynamic_gather %add3A_387[%gather3A_395] in [0] : vector<16xf32>, vector<16xi32> -> vector<16xf32>
        %add3A_397 = arith.addf %add3A_387, %gather3A_396 : vector<16xf32>
        %add3A_398 = arith.constant 1 : i32
        %add3A_399 = vector.broadcast %add3A_398 : i32 to vector<16xi32>
        %add3A_400 = arith.addi %iota3A, %add3A_399 : vector<16xi32>
        %and3A_401 = arith.constant 15 : i32
        %and3A_402 = vector.broadcast %and3A_401 : i32 to vector<16xi32>
        %and3A_403 = arith.andi %add3A_400, %and3A_402 : vector<16xi32>
        %broadcast_in_dim3A_404 = vector.shape_cast %and3A_403 : vector<16xi32> to vector<16x1xi32>
        %gather3A_405 = vector.shape_cast %broadcast_in_dim3A_404 : vector<16x1xi32> to vector<16xi32>
        %gather3A_406 = tpu.dynamic_gather %add3A_397[%gather3A_405] in [0] : vector<16xf32>, vector<16xi32> -> vector<16xf32>
        %add3A_407 = arith.addf %add3A_397, %gather3A_406 : vector<16xf32>
        %select_n3A_408 = arith.select %eq3A_367, %add3A_407, %select_n3A_307 : vector<16xi1>, vector<16xf32>
        %add3A_409 = arith.constant 8 : i32
        %add3A_410 = vector.broadcast %add3A_409 : i32 to vector<16xi32>
        %add3A_411 = arith.addi %iota3A, %add3A_410 : vector<16xi32>
        %and3A_412 = arith.constant 15 : i32
        %and3A_413 = vector.broadcast %and3A_412 : i32 to vector<16xi32>
        %and3A_414 = arith.andi %add3A_411, %and3A_413 : vector<16xi32>
        %broadcast_in_dim3A_415 = vector.shape_cast %and3A_414 : vector<16xi32> to vector<16x1xi32>
        %gather3A_416 = vector.shape_cast %broadcast_in_dim3A_415 : vector<16x1xi32> to vector<16xi32>
        %gather3A_417 = tpu.dynamic_gather %add3A_364[%gather3A_416] in [0] : vector<16xf32>, vector<16xi32> -> vector<16xf32>
        %add3A_418 = arith.addf %add3A_364, %gather3A_417 : vector<16xf32>
        %add3A_419 = arith.constant 4 : i32
        %add3A_420 = vector.broadcast %add3A_419 : i32 to vector<16xi32>
        %add3A_421 = arith.addi %iota3A, %add3A_420 : vector<16xi32>
        %and3A_422 = arith.constant 15 : i32
        %and3A_423 = vector.broadcast %and3A_422 : i32 to vector<16xi32>
        %and3A_424 = arith.andi %add3A_421, %and3A_423 : vector<16xi32>
        %broadcast_in_dim3A_425 = vector.shape_cast %and3A_424 : vector<16xi32> to vector<16x1xi32>
        %gather3A_426 = vector.shape_cast %broadcast_in_dim3A_425 : vector<16x1xi32> to vector<16xi32>
        %gather3A_427 = tpu.dynamic_gather %add3A_418[%gather3A_426] in [0] : vector<16xf32>, vector<16xi32> -> vector<16xf32>
        %add3A_428 = arith.addf %add3A_418, %gather3A_427 : vector<16xf32>
        %add3A_429 = arith.constant 2 : i32
        %add3A_430 = vector.broadcast %add3A_429 : i32 to vector<16xi32>
        %add3A_431 = arith.addi %iota3A, %add3A_430 : vector<16xi32>
        %and3A_432 = arith.constant 15 : i32
        %and3A_433 = vector.broadcast %and3A_432 : i32 to vector<16xi32>
        %and3A_434 = arith.andi %add3A_431, %and3A_433 : vector<16xi32>
        %broadcast_in_dim3A_435 = vector.shape_cast %and3A_434 : vector<16xi32> to vector<16x1xi32>
        %gather3A_436 = vector.shape_cast %broadcast_in_dim3A_435 : vector<16x1xi32> to vector<16xi32>
        %gather3A_437 = tpu.dynamic_gather %add3A_428[%gather3A_436] in [0] : vector<16xf32>, vector<16xi32> -> vector<16xf32>
        %add3A_438 = arith.addf %add3A_428, %gather3A_437 : vector<16xf32>
        %add3A_439 = arith.constant 1 : i32
        %add3A_440 = vector.broadcast %add3A_439 : i32 to vector<16xi32>
        %add3A_441 = arith.addi %iota3A, %add3A_440 : vector<16xi32>
        %and3A_442 = arith.constant 15 : i32
        %and3A_443 = vector.broadcast %and3A_442 : i32 to vector<16xi32>
        %and3A_444 = arith.andi %add3A_441, %and3A_443 : vector<16xi32>
        %broadcast_in_dim3A_445 = vector.shape_cast %and3A_444 : vector<16xi32> to vector<16x1xi32>
        %gather3A_446 = vector.shape_cast %broadcast_in_dim3A_445 : vector<16x1xi32> to vector<16xi32>
        %gather3A_447 = tpu.dynamic_gather %add3A_438[%gather3A_446] in [0] : vector<16xf32>, vector<16xi32> -> vector<16xf32>
        %add3A_448 = arith.addf %add3A_438, %gather3A_447 : vector<16xf32>
        %select_n3A_449 = arith.select %eq3A_367, %add3A_448, %select_n3A_348 : vector<16xi1>, vector<16xf32>
        %add3A_450 = arith.constant 1000 : i32
        %add3A_451 = arith.addi %mul3A_151, %add3A_450 : i32
        %sub3A_452 = arith.constant 16 : i32
        %sub3A_453 = arith.subi %add3A_451, %sub3A_452 : i32
        %get3A_454 = arith.index_cast %sub3A_453 : i32 to index
        %get3A_455 = tpu.vector_load %arg7[%get3A_454] {strides = array<i32>} : memref<64000xf32, #tpu.memory_space<vmem>>, vector<16xf32>,
        %exp3A_456 = math.exp %get3A_455 : vector<16xf32>
        %jit3A_457 = arith.constant 0.000000e+00 : f32
        %broadcast_in_dim3A_458 = vector.broadcast %jit3A_457 : f32 to vector<16xf32>
        %select_n3A_459 = arith.select %ge3A_6, %exp3A_456, %broadcast_in_dim3A_458 : vector<16xi1>, vector<16xf32>
        %add3A_460 = arith.addf %parallel_loop3A_154#6, %select_n3A_459 : vector<16xf32>
        %mul3A_461 = arith.mulf %get3A_455, %exp3A_456 : vector<16xf32>
        %jit3A_462 = arith.constant 0.000000e+00 : f32
        %broadcast_in_dim3A_463 = vector.broadcast %jit3A_462 : f32 to vector<16xf32>
        %select_n3A_464 = arith.select %ge3A_6, %mul3A_461, %broadcast_in_dim3A_463 : vector<16xi1>, vector<16xf32>
        %add3A_465 = arith.addf %parallel_loop3A_154#7, %select_n3A_464 : vector<16xf32>
        %eq3A_466 = arith.constant 3 : i32
        %eq3A_467 = vector.broadcast %eq3A_466 : i32 to vector<16xi32>
        %eq3A_468 = arith.cmpi eq, %iota3A, %eq3A_467 : vector<16xi32>
        %add3A_469 = arith.constant 8 : i32
        %add3A_470 = vector.broadcast %add3A_469 : i32 to vector<16xi32>
        %add3A_471 = arith.addi %iota3A, %add3A_470 : vector<16xi32>
        %and3A_472 = arith.constant 15 : i32
        %and3A_473 = vector.broadcast %and3A_472 : i32 to vector<16xi32>
        %and3A_474 = arith.andi %add3A_471, %and3A_473 : vector<16xi32>
        %broadcast_in_dim3A_475 = vector.shape_cast %and3A_474 : vector<16xi32> to vector<16x1xi32>
        %gather3A_476 = vector.shape_cast %broadcast_in_dim3A_475 : vector<16x1xi32> to vector<16xi32>
        %gather3A_477 = tpu.dynamic_gather %add3A_460[%gather3A_476] in [0] : vector<16xf32>, vector<16xi32> -> vector<16xf32>
        %add3A_478 = arith.addf %add3A_460, %gather3A_477 : vector<16xf32>
        %add3A_479 = arith.constant 4 : i32
        %add3A_480 = vector.broadcast %add3A_479 : i32 to vector<16xi32>
        %add3A_481 = arith.addi %iota3A, %add3A_480 : vector<16xi32>
        %and3A_482 = arith.constant 15 : i32
        %and3A_483 = vector.broadcast %and3A_482 : i32 to vector<16xi32>
        %and3A_484 = arith.andi %add3A_481, %and3A_483 : vector<16xi32>
        %broadcast_in_dim3A_485 = vector.shape_cast %and3A_484 : vector<16xi32> to vector<16x1xi32>
        %gather3A_486 = vector.shape_cast %broadcast_in_dim3A_485 : vector<16x1xi32> to vector<16xi32>
        %gather3A_487 = tpu.dynamic_gather %add3A_478[%gather3A_486] in [0] : vector<16xf32>, vector<16xi32> -> vector<16xf32>
        %add3A_488 = arith.addf %add3A_478, %gather3A_487 : vector<16xf32>
        %add3A_489 = arith.constant 2 : i32
        %add3A_490 = vector.broadcast %add3A_489 : i32 to vector<16xi32>
        %add3A_491 = arith.addi %iota3A, %add3A_490 : vector<16xi32>
        %and3A_492 = arith.constant 15 : i32
        %and3A_493 = vector.broadcast %and3A_492 : i32 to vector<16xi32>
        %and3A_494 = arith.andi %add3A_491, %and3A_493 : vector<16xi32>
        %broadcast_in_dim3A_495 = vector.shape_cast %and3A_494 : vector<16xi32> to vector<16x1xi32>
        %gather3A_496 = vector.shape_cast %broadcast_in_dim3A_495 : vector<16x1xi32> to vector<16xi32>
        %gather3A_497 = tpu.dynamic_gather %add3A_488[%gather3A_496] in [0] : vector<16xf32>, vector<16xi32> -> vector<16xf32>
        %add3A_498 = arith.addf %add3A_488, %gather3A_497 : vector<16xf32>
        %add3A_499 = arith.constant 1 : i32
        %add3A_500 = vector.broadcast %add3A_499 : i32 to vector<16xi32>
        %add3A_501 = arith.addi %iota3A, %add3A_500 : vector<16xi32>
        %and3A_502 = arith.constant 15 : i32
        %and3A_503 = vector.broadcast %and3A_502 : i32 to vector<16xi32>
        %and3A_504 = arith.andi %add3A_501, %and3A_503 : vector<16xi32>
        %broadcast_in_dim3A_505 = vector.shape_cast %and3A_504 : vector<16xi32> to vector<16x1xi32>
        %gather3A_506 = vector.shape_cast %broadcast_in_dim3A_505 : vector<16x1xi32> to vector<16xi32>
        %gather3A_507 = tpu.dynamic_gather %add3A_498[%gather3A_506] in [0] : vector<16xf32>, vector<16xi32> -> vector<16xf32>
        %add3A_508 = arith.addf %add3A_498, %gather3A_507 : vector<16xf32>
        %select_n3A_509 = arith.select %eq3A_468, %add3A_508, %select_n3A_408 : vector<16xi1>, vector<16xf32>
        %add3A_510 = arith.constant 8 : i32
        %add3A_511 = vector.broadcast %add3A_510 : i32 to vector<16xi32>
        %add3A_512 = arith.addi %iota3A, %add3A_511 : vector<16xi32>
        %and3A_513 = arith.constant 15 : i32
        %and3A_514 = vector.broadcast %and3A_513 : i32 to vector<16xi32>
        %and3A_515 = arith.andi %add3A_512, %and3A_514 : vector<16xi32>
        %broadcast_in_dim3A_516 = vector.shape_cast %and3A_515 : vector<16xi32> to vector<16x1xi32>
        %gather3A_517 = vector.shape_cast %broadcast_in_dim3A_516 : vector<16x1xi32> to vector<16xi32>
        %gather3A_518 = tpu.dynamic_gather %add3A_465[%gather3A_517] in [0] : vector<16xf32>, vector<16xi32> -> vector<16xf32>
        %add3A_519 = arith.addf %add3A_465, %gather3A_518 : vector<16xf32>
        %add3A_520 = arith.constant 4 : i32
        %add3A_521 = vector.broadcast %add3A_520 : i32 to vector<16xi32>
        %add3A_522 = arith.addi %iota3A, %add3A_521 : vector<16xi32>
        %and3A_523 = arith.constant 15 : i32
        %and3A_524 = vector.broadcast %and3A_523 : i32 to vector<16xi32>
        %and3A_525 = arith.andi %add3A_522, %and3A_524 : vector<16xi32>
        %broadcast_in_dim3A_526 = vector.shape_cast %and3A_525 : vector<16xi32> to vector<16x1xi32>
        %gather3A_527 = vector.shape_cast %broadcast_in_dim3A_526 : vector<16x1xi32> to vector<16xi32>
        %gather3A_528 = tpu.dynamic_gather %add3A_519[%gather3A_527] in [0] : vector<16xf32>, vector<16xi32> -> vector<16xf32>
        %add3A_529 = arith.addf %add3A_519, %gather3A_528 : vector<16xf32>
        %add3A_530 = arith.constant 2 : i32
        %add3A_531 = vector.broadcast %add3A_530 : i32 to vector<16xi32>
        %add3A_532 = arith.addi %iota3A, %add3A_531 : vector<16xi32>
        %and3A_533 = arith.constant 15 : i32
        %and3A_534 = vector.broadcast %and3A_533 : i32 to vector<16xi32>
        %and3A_535 = arith.andi %add3A_532, %and3A_534 : vector<16xi32>
        %broadcast_in_dim3A_536 = vector.shape_cast %and3A_535 : vector<16xi32> to vector<16x1xi32>
        %gather3A_537 = vector.shape_cast %broadcast_in_dim3A_536 : vector<16x1xi32> to vector<16xi32>
        %gather3A_538 = tpu.dynamic_gather %add3A_529[%gather3A_537] in [0] : vector<16xf32>, vector<16xi32> -> vector<16xf32>
        %add3A_539 = arith.addf %add3A_529, %gather3A_538 : vector<16xf32>
        %add3A_540 = arith.constant 1 : i32
        %add3A_541 = vector.broadcast %add3A_540 : i32 to vector<16xi32>
        %add3A_542 = arith.addi %iota3A, %add3A_541 : vector<16xi32>
        %and3A_543 = arith.constant 15 : i32
        %and3A_544 = vector.broadcast %and3A_543 : i32 to vector<16xi32>
        %and3A_545 = arith.andi %add3A_542, %and3A_544 : vector<16xi32>
        %broadcast_in_dim3A_546 = vector.shape_cast %and3A_545 : vector<16xi32> to vector<16x1xi32>
        %gather3A_547 = vector.shape_cast %broadcast_in_dim3A_546 : vector<16x1xi32> to vector<16xi32>
        %gather3A_548 = tpu.dynamic_gather %add3A_539[%gather3A_547] in [0] : vector<16xf32>, vector<16xi32> -> vector<16xf32>
        %add3A_549 = arith.addf %add3A_539, %gather3A_548 : vector<16xf32>
        %select_n3A_550 = arith.select %eq3A_468, %add3A_549, %select_n3A_449 : vector<16xi1>, vector<16xf32>
        %add3A_551 = arith.constant 4 : i32
        %add3A_552 = arith.addi %mul3A_127, %add3A_551 : i32
        %add3A_553 = arith.constant 0 : i32
        %add3A_554 = arith.addi %add3A_552, %add3A_553 : i32
        %mul3A_555 = arith.constant 1000 : i32
        %mul3A_556 = arith.muli %add3A_554, %mul3A_555 : i32
        %add3A_557 = arith.constant 4 : i32
        %add3A_558 = arith.addi %mul3A_127, %add3A_557 : i32
        %add3A_559 = arith.constant 1 : i32
        %add3A_560 = arith.addi %add3A_558, %add3A_559 : i32
        %mul3A_561 = arith.constant 1000 : i32
        %mul3A_562 = arith.muli %add3A_560, %mul3A_561 : i32
        %add3A_563 = arith.constant 4 : i32
        %add3A_564 = arith.addi %mul3A_127, %add3A_563 : i32
        %add3A_565 = arith.constant 2 : i32
        %add3A_566 = arith.addi %add3A_564, %add3A_565 : i32
        %mul3A_567 = arith.constant 1000 : i32
        %mul3A_568 = arith.muli %add3A_566, %mul3A_567 : i32
        %add3A_569 = arith.constant 4 : i32
        %add3A_570 = arith.addi %mul3A_127, %add3A_569 : i32
        %add3A_571 = arith.constant 3 : i32
        %add3A_572 = arith.addi %add3A_570, %add3A_571 : i32
        %mul3A_573 = arith.constant 1000 : i32
        %mul3A_574 = arith.muli %add3A_572, %mul3A_573 : i32
        %parallel_loop3A_575 = arith.constant 0 : i32
        %parallel_loop3A_576 = arith.constant 62 : i32
        %parallel_loop3A_577 = arith.constant 1 : i32
        %parallel_loop3A_578:8 = scf.for %parallel_loop3A_1862 = %parallel_loop3A_575 to %parallel_loop3A_576 step %parallel_loop3A_577 iter_args(%parallel_loop3A_1863 = %broadcast_in_dim3A_7, %parallel_loop3A_1864 = %broadcast_in_dim3A_7, %parallel_loop3A_1865 = %broadcast_in_dim3A_7, %parallel_loop3A_1866 = %broadcast_in_dim3A_7, %parallel_loop3A_1867 = %broadcast_in_dim3A_7, %parallel_loop3A_1868 = %broadcast_in_dim3A_7, %parallel_loop3A_1869 = %broadcast_in_dim3A_7, %parallel_loop3A_1870 = %broadcast_in_dim3A_7) -> (vector<16xf32>, vector<16xf32>, vector<16xf32>, vector<16xf32>, vector<16xf32>, vector<16xf32>, vector<16xf32>, vector<16xf32>)  : i32 {
          %parallel_loop3A_1871 = arith.constant 16 : i32
          %parallel_loop3A_1872 = arith.muli %parallel_loop3A_1862, %parallel_loop3A_1871 : i32
          %parallel_loop3A_1873 = arith.addi %mul3A_556, %parallel_loop3A_1872 : i32
          %parallel_loop3A_1874 = arith.index_cast %parallel_loop3A_1873 : i32 to index
          %parallel_loop3A_1875 = tpu.vector_load %arg7[%parallel_loop3A_1874] {strides = array<i32>} : memref<64000xf32, #tpu.memory_space<vmem>>, vector<16xf32>,
          %parallel_loop3A_1876 = math.exp %parallel_loop3A_1875 : vector<16xf32>
          %parallel_loop3A_1877 = arith.addf %parallel_loop3A_1863, %parallel_loop3A_1876 : vector<16xf32>
          %parallel_loop3A_1878 = arith.mulf %parallel_loop3A_1875, %parallel_loop3A_1876 : vector<16xf32>
          %parallel_loop3A_1879 = arith.addf %parallel_loop3A_1864, %parallel_loop3A_1878 : vector<16xf32>
          %parallel_loop3A_1880 = arith.constant 16 : i32
          %parallel_loop3A_1881 = arith.muli %parallel_loop3A_1862, %parallel_loop3A_1880 : i32
          %parallel_loop3A_1882 = arith.addi %mul3A_562, %parallel_loop3A_1881 : i32
          %parallel_loop3A_1883 = arith.index_cast %parallel_loop3A_1882 : i32 to index
          %parallel_loop3A_1884 = tpu.vector_load %arg7[%parallel_loop3A_1883] {strides = array<i32>} : memref<64000xf32, #tpu.memory_space<vmem>>, vector<16xf32>,
          %parallel_loop3A_1885 = math.exp %parallel_loop3A_1884 : vector<16xf32>
          %parallel_loop3A_1886 = arith.addf %parallel_loop3A_1865, %parallel_loop3A_1885 : vector<16xf32>
          %parallel_loop3A_1887 = arith.mulf %parallel_loop3A_1884, %parallel_loop3A_1885 : vector<16xf32>
          %parallel_loop3A_1888 = arith.addf %parallel_loop3A_1866, %parallel_loop3A_1887 : vector<16xf32>
          %parallel_loop3A_1889 = arith.constant 16 : i32
          %parallel_loop3A_1890 = arith.muli %parallel_loop3A_1862, %parallel_loop3A_1889 : i32
          %parallel_loop3A_1891 = arith.addi %mul3A_568, %parallel_loop3A_1890 : i32
          %parallel_loop3A_1892 = arith.index_cast %parallel_loop3A_1891 : i32 to index
          %parallel_loop3A_1893 = tpu.vector_load %arg7[%parallel_loop3A_1892] {strides = array<i32>} : memref<64000xf32, #tpu.memory_space<vmem>>, vector<16xf32>,
          %parallel_loop3A_1894 = math.exp %parallel_loop3A_1893 : vector<16xf32>
          %parallel_loop3A_1895 = arith.addf %parallel_loop3A_1867, %parallel_loop3A_1894 : vector<16xf32>
          %parallel_loop3A_1896 = arith.mulf %parallel_loop3A_1893, %parallel_loop3A_1894 : vector<16xf32>
          %parallel_loop3A_1897 = arith.addf %parallel_loop3A_1868, %parallel_loop3A_1896 : vector<16xf32>
          %parallel_loop3A_1898 = arith.constant 16 : i32
          %parallel_loop3A_1899 = arith.muli %parallel_loop3A_1862, %parallel_loop3A_1898 : i32
          %parallel_loop3A_1900 = arith.addi %mul3A_574, %parallel_loop3A_1899 : i32
          %parallel_loop3A_1901 = arith.index_cast %parallel_loop3A_1900 : i32 to index
          %parallel_loop3A_1902 = tpu.vector_load %arg7[%parallel_loop3A_1901] {strides = array<i32>} : memref<64000xf32, #tpu.memory_space<vmem>>, vector<16xf32>,
          %parallel_loop3A_1903 = math.exp %parallel_loop3A_1902 : vector<16xf32>
          %parallel_loop3A_1904 = arith.addf %parallel_loop3A_1869, %parallel_loop3A_1903 : vector<16xf32>
          %parallel_loop3A_1905 = arith.mulf %parallel_loop3A_1902, %parallel_loop3A_1903 : vector<16xf32>
          %parallel_loop3A_1906 = arith.addf %parallel_loop3A_1870, %parallel_loop3A_1905 : vector<16xf32>
          scf.yield %parallel_loop3A_1877, %parallel_loop3A_1879, %parallel_loop3A_1886, %parallel_loop3A_1888, %parallel_loop3A_1895, %parallel_loop3A_1897, %parallel_loop3A_1904, %parallel_loop3A_1906 : vector<16xf32>, vector<16xf32>, vector<16xf32>, vector<16xf32>, vector<16xf32>, vector<16xf32>, vector<16xf32>, vector<16xf32>
        } {sc.loop_unroll_factor = 2 : i64, sc.parallel_access}
        %add3A_579 = arith.constant 1000 : i32
        %add3A_580 = arith.addi %mul3A_556, %add3A_579 : i32
        %sub3A_581 = arith.constant 16 : i32
        %sub3A_582 = arith.subi %add3A_580, %sub3A_581 : i32
        %get3A_583 = arith.index_cast %sub3A_582 : i32 to index
        %get3A_584 = tpu.vector_load %arg7[%get3A_583] {strides = array<i32>} : memref<64000xf32, #tpu.memory_space<vmem>>, vector<16xf32>,
        %exp3A_585 = math.exp %get3A_584 : vector<16xf32>
        %jit3A_586 = arith.constant 0.000000e+00 : f32
        %broadcast_in_dim3A_587 = vector.broadcast %jit3A_586 : f32 to vector<16xf32>
        %select_n3A_588 = arith.select %ge3A_6, %exp3A_585, %broadcast_in_dim3A_587 : vector<16xi1>, vector<16xf32>
        %add3A_589 = arith.addf %parallel_loop3A_578#0, %select_n3A_588 : vector<16xf32>
        %mul3A_590 = arith.mulf %get3A_584, %exp3A_585 : vector<16xf32>
        %jit3A_591 = arith.constant 0.000000e+00 : f32
        %broadcast_in_dim3A_592 = vector.broadcast %jit3A_591 : f32 to vector<16xf32>
        %select_n3A_593 = arith.select %ge3A_6, %mul3A_590, %broadcast_in_dim3A_592 : vector<16xi1>, vector<16xf32>
        %add3A_594 = arith.addf %parallel_loop3A_578#1, %select_n3A_593 : vector<16xf32>
        %eq3A_595 = arith.constant 4 : i32
        %eq3A_596 = vector.broadcast %eq3A_595 : i32 to vector<16xi32>
        %eq3A_597 = arith.cmpi eq, %iota3A, %eq3A_596 : vector<16xi32>
        %add3A_598 = arith.constant 8 : i32
        %add3A_599 = vector.broadcast %add3A_598 : i32 to vector<16xi32>
        %add3A_600 = arith.addi %iota3A, %add3A_599 : vector<16xi32>
        %and3A_601 = arith.constant 15 : i32
        %and3A_602 = vector.broadcast %and3A_601 : i32 to vector<16xi32>
        %and3A_603 = arith.andi %add3A_600, %and3A_602 : vector<16xi32>
        %broadcast_in_dim3A_604 = vector.shape_cast %and3A_603 : vector<16xi32> to vector<16x1xi32>
        %gather3A_605 = vector.shape_cast %broadcast_in_dim3A_604 : vector<16x1xi32> to vector<16xi32>
        %gather3A_606 = tpu.dynamic_gather %add3A_589[%gather3A_605] in [0] : vector<16xf32>, vector<16xi32> -> vector<16xf32>
        %add3A_607 = arith.addf %add3A_589, %gather3A_606 : vector<16xf32>
        %add3A_608 = arith.constant 4 : i32
        %add3A_609 = vector.broadcast %add3A_608 : i32 to vector<16xi32>
        %add3A_610 = arith.addi %iota3A, %add3A_609 : vector<16xi32>
        %and3A_611 = arith.constant 15 : i32
        %and3A_612 = vector.broadcast %and3A_611 : i32 to vector<16xi32>
        %and3A_613 = arith.andi %add3A_610, %and3A_612 : vector<16xi32>
        %broadcast_in_dim3A_614 = vector.shape_cast %and3A_613 : vector<16xi32> to vector<16x1xi32>
        %gather3A_615 = vector.shape_cast %broadcast_in_dim3A_614 : vector<16x1xi32> to vector<16xi32>
        %gather3A_616 = tpu.dynamic_gather %add3A_607[%gather3A_615] in [0] : vector<16xf32>, vector<16xi32> -> vector<16xf32>
        %add3A_617 = arith.addf %add3A_607, %gather3A_616 : vector<16xf32>
        %add3A_618 = arith.constant 2 : i32
        %add3A_619 = vector.broadcast %add3A_618 : i32 to vector<16xi32>
        %add3A_620 = arith.addi %iota3A, %add3A_619 : vector<16xi32>
        %and3A_621 = arith.constant 15 : i32
        %and3A_622 = vector.broadcast %and3A_621 : i32 to vector<16xi32>
        %and3A_623 = arith.andi %add3A_620, %and3A_622 : vector<16xi32>
        %broadcast_in_dim3A_624 = vector.shape_cast %and3A_623 : vector<16xi32> to vector<16x1xi32>
        %gather3A_625 = vector.shape_cast %broadcast_in_dim3A_624 : vector<16x1xi32> to vector<16xi32>
        %gather3A_626 = tpu.dynamic_gather %add3A_617[%gather3A_625] in [0] : vector<16xf32>, vector<16xi32> -> vector<16xf32>
        %add3A_627 = arith.addf %add3A_617, %gather3A_626 : vector<16xf32>
        %add3A_628 = arith.constant 1 : i32
        %add3A_629 = vector.broadcast %add3A_628 : i32 to vector<16xi32>
        %add3A_630 = arith.addi %iota3A, %add3A_629 : vector<16xi32>
        %and3A_631 = arith.constant 15 : i32
        %and3A_632 = vector.broadcast %and3A_631 : i32 to vector<16xi32>
        %and3A_633 = arith.andi %add3A_630, %and3A_632 : vector<16xi32>
        %broadcast_in_dim3A_634 = vector.shape_cast %and3A_633 : vector<16xi32> to vector<16x1xi32>
        %gather3A_635 = vector.shape_cast %broadcast_in_dim3A_634 : vector<16x1xi32> to vector<16xi32>
        %gather3A_636 = tpu.dynamic_gather %add3A_627[%gather3A_635] in [0] : vector<16xf32>, vector<16xi32> -> vector<16xf32>
        %add3A_637 = arith.addf %add3A_627, %gather3A_636 : vector<16xf32>
        %select_n3A_638 = arith.select %eq3A_597, %add3A_637, %select_n3A_509 : vector<16xi1>, vector<16xf32>
        %add3A_639 = arith.constant 8 : i32
        %add3A_640 = vector.broadcast %add3A_639 : i32 to vector<16xi32>
        %add3A_641 = arith.addi %iota3A, %add3A_640 : vector<16xi32>
        %and3A_642 = arith.constant 15 : i32
        %and3A_643 = vector.broadcast %and3A_642 : i32 to vector<16xi32>
        %and3A_644 = arith.andi %add3A_641, %and3A_643 : vector<16xi32>
        %broadcast_in_dim3A_645 = vector.shape_cast %and3A_644 : vector<16xi32> to vector<16x1xi32>
        %gather3A_646 = vector.shape_cast %broadcast_in_dim3A_645 : vector<16x1xi32> to vector<16xi32>
        %gather3A_647 = tpu.dynamic_gather %add3A_594[%gather3A_646] in [0] : vector<16xf32>, vector<16xi32> -> vector<16xf32>
        %add3A_648 = arith.addf %add3A_594, %gather3A_647 : vector<16xf32>
        %add3A_649 = arith.constant 4 : i32
        %add3A_650 = vector.broadcast %add3A_649 : i32 to vector<16xi32>
        %add3A_651 = arith.addi %iota3A, %add3A_650 : vector<16xi32>
        %and3A_652 = arith.constant 15 : i32
        %and3A_653 = vector.broadcast %and3A_652 : i32 to vector<16xi32>
        %and3A_654 = arith.andi %add3A_651, %and3A_653 : vector<16xi32>
        %broadcast_in_dim3A_655 = vector.shape_cast %and3A_654 : vector<16xi32> to vector<16x1xi32>
        %gather3A_656 = vector.shape_cast %broadcast_in_dim3A_655 : vector<16x1xi32> to vector<16xi32>
        %gather3A_657 = tpu.dynamic_gather %add3A_648[%gather3A_656] in [0] : vector<16xf32>, vector<16xi32> -> vector<16xf32>
        %add3A_658 = arith.addf %add3A_648, %gather3A_657 : vector<16xf32>
        %add3A_659 = arith.constant 2 : i32
        %add3A_660 = vector.broadcast %add3A_659 : i32 to vector<16xi32>
        %add3A_661 = arith.addi %iota3A, %add3A_660 : vector<16xi32>
        %and3A_662 = arith.constant 15 : i32
        %and3A_663 = vector.broadcast %and3A_662 : i32 to vector<16xi32>
        %and3A_664 = arith.andi %add3A_661, %and3A_663 : vector<16xi32>
        %broadcast_in_dim3A_665 = vector.shape_cast %and3A_664 : vector<16xi32> to vector<16x1xi32>
        %gather3A_666 = vector.shape_cast %broadcast_in_dim3A_665 : vector<16x1xi32> to vector<16xi32>
        %gather3A_667 = tpu.dynamic_gather %add3A_658[%gather3A_666] in [0] : vector<16xf32>, vector<16xi32> -> vector<16xf32>
        %add3A_668 = arith.addf %add3A_658, %gather3A_667 : vector<16xf32>
        %add3A_669 = arith.constant 1 : i32
        %add3A_670 = vector.broadcast %add3A_669 : i32 to vector<16xi32>
        %add3A_671 = arith.addi %iota3A, %add3A_670 : vector<16xi32>
        %and3A_672 = arith.constant 15 : i32
        %and3A_673 = vector.broadcast %and3A_672 : i32 to vector<16xi32>
        %and3A_674 = arith.andi %add3A_671, %and3A_673 : vector<16xi32>
        %broadcast_in_dim3A_675 = vector.shape_cast %and3A_674 : vector<16xi32> to vector<16x1xi32>
        %gather3A_676 = vector.shape_cast %broadcast_in_dim3A_675 : vector<16x1xi32> to vector<16xi32>
        %gather3A_677 = tpu.dynamic_gather %add3A_668[%gather3A_676] in [0] : vector<16xf32>, vector<16xi32> -> vector<16xf32>
        %add3A_678 = arith.addf %add3A_668, %gather3A_677 : vector<16xf32>
        %select_n3A_679 = arith.select %eq3A_597, %add3A_678, %select_n3A_550 : vector<16xi1>, vector<16xf32>
        %add3A_680 = arith.constant 1000 : i32
        %add3A_681 = arith.addi %mul3A_562, %add3A_680 : i32
        %sub3A_682 = arith.constant 16 : i32
        %sub3A_683 = arith.subi %add3A_681, %sub3A_682 : i32
        %get3A_684 = arith.index_cast %sub3A_683 : i32 to index
        %get3A_685 = tpu.vector_load %arg7[%get3A_684] {strides = array<i32>} : memref<64000xf32, #tpu.memory_space<vmem>>, vector<16xf32>,
        %exp3A_686 = math.exp %get3A_685 : vector<16xf32>
        %jit3A_687 = arith.constant 0.000000e+00 : f32
        %broadcast_in_dim3A_688 = vector.broadcast %jit3A_687 : f32 to vector<16xf32>
        %select_n3A_689 = arith.select %ge3A_6, %exp3A_686, %broadcast_in_dim3A_688 : vector<16xi1>, vector<16xf32>
        %add3A_690 = arith.addf %parallel_loop3A_578#2, %select_n3A_689 : vector<16xf32>
        %mul3A_691 = arith.mulf %get3A_685, %exp3A_686 : vector<16xf32>
        %jit3A_692 = arith.constant 0.000000e+00 : f32
        %broadcast_in_dim3A_693 = vector.broadcast %jit3A_692 : f32 to vector<16xf32>
        %select_n3A_694 = arith.select %ge3A_6, %mul3A_691, %broadcast_in_dim3A_693 : vector<16xi1>, vector<16xf32>
        %add3A_695 = arith.addf %parallel_loop3A_578#3, %select_n3A_694 : vector<16xf32>
        %eq3A_696 = arith.constant 5 : i32
        %eq3A_697 = vector.broadcast %eq3A_696 : i32 to vector<16xi32>
        %eq3A_698 = arith.cmpi eq, %iota3A, %eq3A_697 : vector<16xi32>
        %add3A_699 = arith.constant 8 : i32
        %add3A_700 = vector.broadcast %add3A_699 : i32 to vector<16xi32>
        %add3A_701 = arith.addi %iota3A, %add3A_700 : vector<16xi32>
        %and3A_702 = arith.constant 15 : i32
        %and3A_703 = vector.broadcast %and3A_702 : i32 to vector<16xi32>
        %and3A_704 = arith.andi %add3A_701, %and3A_703 : vector<16xi32>
        %broadcast_in_dim3A_705 = vector.shape_cast %and3A_704 : vector<16xi32> to vector<16x1xi32>
        %gather3A_706 = vector.shape_cast %broadcast_in_dim3A_705 : vector<16x1xi32> to vector<16xi32>
        %gather3A_707 = tpu.dynamic_gather %add3A_690[%gather3A_706] in [0] : vector<16xf32>, vector<16xi32> -> vector<16xf32>
        %add3A_708 = arith.addf %add3A_690, %gather3A_707 : vector<16xf32>
        %add3A_709 = arith.constant 4 : i32
        %add3A_710 = vector.broadcast %add3A_709 : i32 to vector<16xi32>
        %add3A_711 = arith.addi %iota3A, %add3A_710 : vector<16xi32>
        %and3A_712 = arith.constant 15 : i32
        %and3A_713 = vector.broadcast %and3A_712 : i32 to vector<16xi32>
        %and3A_714 = arith.andi %add3A_711, %and3A_713 : vector<16xi32>
        %broadcast_in_dim3A_715 = vector.shape_cast %and3A_714 : vector<16xi32> to vector<16x1xi32>
        %gather3A_716 = vector.shape_cast %broadcast_in_dim3A_715 : vector<16x1xi32> to vector<16xi32>
        %gather3A_717 = tpu.dynamic_gather %add3A_708[%gather3A_716] in [0] : vector<16xf32>, vector<16xi32> -> vector<16xf32>
        %add3A_718 = arith.addf %add3A_708, %gather3A_717 : vector<16xf32>
        %add3A_719 = arith.constant 2 : i32
        %add3A_720 = vector.broadcast %add3A_719 : i32 to vector<16xi32>
        %add3A_721 = arith.addi %iota3A, %add3A_720 : vector<16xi32>
        %and3A_722 = arith.constant 15 : i32
        %and3A_723 = vector.broadcast %and3A_722 : i32 to vector<16xi32>
        %and3A_724 = arith.andi %add3A_721, %and3A_723 : vector<16xi32>
        %broadcast_in_dim3A_725 = vector.shape_cast %and3A_724 : vector<16xi32> to vector<16x1xi32>
        %gather3A_726 = vector.shape_cast %broadcast_in_dim3A_725 : vector<16x1xi32> to vector<16xi32>
        %gather3A_727 = tpu.dynamic_gather %add3A_718[%gather3A_726] in [0] : vector<16xf32>, vector<16xi32> -> vector<16xf32>
        %add3A_728 = arith.addf %add3A_718, %gather3A_727 : vector<16xf32>
        %add3A_729 = arith.constant 1 : i32
        %add3A_730 = vector.broadcast %add3A_729 : i32 to vector<16xi32>
        %add3A_731 = arith.addi %iota3A, %add3A_730 : vector<16xi32>
        %and3A_732 = arith.constant 15 : i32
        %and3A_733 = vector.broadcast %and3A_732 : i32 to vector<16xi32>
        %and3A_734 = arith.andi %add3A_731, %and3A_733 : vector<16xi32>
        %broadcast_in_dim3A_735 = vector.shape_cast %and3A_734 : vector<16xi32> to vector<16x1xi32>
        %gather3A_736 = vector.shape_cast %broadcast_in_dim3A_735 : vector<16x1xi32> to vector<16xi32>
        %gather3A_737 = tpu.dynamic_gather %add3A_728[%gather3A_736] in [0] : vector<16xf32>, vector<16xi32> -> vector<16xf32>
        %add3A_738 = arith.addf %add3A_728, %gather3A_737 : vector<16xf32>
        %select_n3A_739 = arith.select %eq3A_698, %add3A_738, %select_n3A_638 : vector<16xi1>, vector<16xf32>
        %add3A_740 = arith.constant 8 : i32
        %add3A_741 = vector.broadcast %add3A_740 : i32 to vector<16xi32>
        %add3A_742 = arith.addi %iota3A, %add3A_741 : vector<16xi32>
        %and3A_743 = arith.constant 15 : i32
        %and3A_744 = vector.broadcast %and3A_743 : i32 to vector<16xi32>
        %and3A_745 = arith.andi %add3A_742, %and3A_744 : vector<16xi32>
        %broadcast_in_dim3A_746 = vector.shape_cast %and3A_745 : vector<16xi32> to vector<16x1xi32>
        %gather3A_747 = vector.shape_cast %broadcast_in_dim3A_746 : vector<16x1xi32> to vector<16xi32>
        %gather3A_748 = tpu.dynamic_gather %add3A_695[%gather3A_747] in [0] : vector<16xf32>, vector<16xi32> -> vector<16xf32>
        %add3A_749 = arith.addf %add3A_695, %gather3A_748 : vector<16xf32>
        %add3A_750 = arith.constant 4 : i32
        %add3A_751 = vector.broadcast %add3A_750 : i32 to vector<16xi32>
        %add3A_752 = arith.addi %iota3A, %add3A_751 : vector<16xi32>
        %and3A_753 = arith.constant 15 : i32
        %and3A_754 = vector.broadcast %and3A_753 : i32 to vector<16xi32>
        %and3A_755 = arith.andi %add3A_752, %and3A_754 : vector<16xi32>
        %broadcast_in_dim3A_756 = vector.shape_cast %and3A_755 : vector<16xi32> to vector<16x1xi32>
        %gather3A_757 = vector.shape_cast %broadcast_in_dim3A_756 : vector<16x1xi32> to vector<16xi32>
        %gather3A_758 = tpu.dynamic_gather %add3A_749[%gather3A_757] in [0] : vector<16xf32>, vector<16xi32> -> vector<16xf32>
        %add3A_759 = arith.addf %add3A_749, %gather3A_758 : vector<16xf32>
        %add3A_760 = arith.constant 2 : i32
        %add3A_761 = vector.broadcast %add3A_760 : i32 to vector<16xi32>
        %add3A_762 = arith.addi %iota3A, %add3A_761 : vector<16xi32>
        %and3A_763 = arith.constant 15 : i32
        %and3A_764 = vector.broadcast %and3A_763 : i32 to vector<16xi32>
        %and3A_765 = arith.andi %add3A_762, %and3A_764 : vector<16xi32>
        %broadcast_in_dim3A_766 = vector.shape_cast %and3A_765 : vector<16xi32> to vector<16x1xi32>
        %gather3A_767 = vector.shape_cast %broadcast_in_dim3A_766 : vector<16x1xi32> to vector<16xi32>
        %gather3A_768 = tpu.dynamic_gather %add3A_759[%gather3A_767] in [0] : vector<16xf32>, vector<16xi32> -> vector<16xf32>
        %add3A_769 = arith.addf %add3A_759, %gather3A_768 : vector<16xf32>
        %add3A_770 = arith.constant 1 : i32
        %add3A_771 = vector.broadcast %add3A_770 : i32 to vector<16xi32>
        %add3A_772 = arith.addi %iota3A, %add3A_771 : vector<16xi32>
        %and3A_773 = arith.constant 15 : i32
        %and3A_774 = vector.broadcast %and3A_773 : i32 to vector<16xi32>
        %and3A_775 = arith.andi %add3A_772, %and3A_774 : vector<16xi32>
        %broadcast_in_dim3A_776 = vector.shape_cast %and3A_775 : vector<16xi32> to vector<16x1xi32>
        %gather3A_777 = vector.shape_cast %broadcast_in_dim3A_776 : vector<16x1xi32> to vector<16xi32>
        %gather3A_778 = tpu.dynamic_gather %add3A_769[%gather3A_777] in [0] : vector<16xf32>, vector<16xi32> -> vector<16xf32>
        %add3A_779 = arith.addf %add3A_769, %gather3A_778 : vector<16xf32>
        %select_n3A_780 = arith.select %eq3A_698, %add3A_779, %select_n3A_679 : vector<16xi1>, vector<16xf32>
        %add3A_781 = arith.constant 1000 : i32
        %add3A_782 = arith.addi %mul3A_568, %add3A_781 : i32
        %sub3A_783 = arith.constant 16 : i32
        %sub3A_784 = arith.subi %add3A_782, %sub3A_783 : i32
        %get3A_785 = arith.index_cast %sub3A_784 : i32 to index
        %get3A_786 = tpu.vector_load %arg7[%get3A_785] {strides = array<i32>} : memref<64000xf32, #tpu.memory_space<vmem>>, vector<16xf32>,
        %exp3A_787 = math.exp %get3A_786 : vector<16xf32>
        %jit3A_788 = arith.constant 0.000000e+00 : f32
        %broadcast_in_dim3A_789 = vector.broadcast %jit3A_788 : f32 to vector<16xf32>
        %select_n3A_790 = arith.select %ge3A_6, %exp3A_787, %broadcast_in_dim3A_789 : vector<16xi1>, vector<16xf32>
        %add3A_791 = arith.addf %parallel_loop3A_578#4, %select_n3A_790 : vector<16xf32>
        %mul3A_792 = arith.mulf %get3A_786, %exp3A_787 : vector<16xf32>
        %jit3A_793 = arith.constant 0.000000e+00 : f32
        %broadcast_in_dim3A_794 = vector.broadcast %jit3A_793 : f32 to vector<16xf32>
        %select_n3A_795 = arith.select %ge3A_6, %mul3A_792, %broadcast_in_dim3A_794 : vector<16xi1>, vector<16xf32>
        %add3A_796 = arith.addf %parallel_loop3A_578#5, %select_n3A_795 : vector<16xf32>
        %eq3A_797 = arith.constant 6 : i32
        %eq3A_798 = vector.broadcast %eq3A_797 : i32 to vector<16xi32>
        %eq3A_799 = arith.cmpi eq, %iota3A, %eq3A_798 : vector<16xi32>
        %add3A_800 = arith.constant 8 : i32
        %add3A_801 = vector.broadcast %add3A_800 : i32 to vector<16xi32>
        %add3A_802 = arith.addi %iota3A, %add3A_801 : vector<16xi32>
        %and3A_803 = arith.constant 15 : i32
        %and3A_804 = vector.broadcast %and3A_803 : i32 to vector<16xi32>
        %and3A_805 = arith.andi %add3A_802, %and3A_804 : vector<16xi32>
        %broadcast_in_dim3A_806 = vector.shape_cast %and3A_805 : vector<16xi32> to vector<16x1xi32>
        %gather3A_807 = vector.shape_cast %broadcast_in_dim3A_806 : vector<16x1xi32> to vector<16xi32>
        %gather3A_808 = tpu.dynamic_gather %add3A_791[%gather3A_807] in [0] : vector<16xf32>, vector<16xi32> -> vector<16xf32>
        %add3A_809 = arith.addf %add3A_791, %gather3A_808 : vector<16xf32>
        %add3A_810 = arith.constant 4 : i32
        %add3A_811 = vector.broadcast %add3A_810 : i32 to vector<16xi32>
        %add3A_812 = arith.addi %iota3A, %add3A_811 : vector<16xi32>
        %and3A_813 = arith.constant 15 : i32
        %and3A_814 = vector.broadcast %and3A_813 : i32 to vector<16xi32>
        %and3A_815 = arith.andi %add3A_812, %and3A_814 : vector<16xi32>
        %broadcast_in_dim3A_816 = vector.shape_cast %and3A_815 : vector<16xi32> to vector<16x1xi32>
        %gather3A_817 = vector.shape_cast %broadcast_in_dim3A_816 : vector<16x1xi32> to vector<16xi32>
        %gather3A_818 = tpu.dynamic_gather %add3A_809[%gather3A_817] in [0] : vector<16xf32>, vector<16xi32> -> vector<16xf32>
        %add3A_819 = arith.addf %add3A_809, %gather3A_818 : vector<16xf32>
        %add3A_820 = arith.constant 2 : i32
        %add3A_821 = vector.broadcast %add3A_820 : i32 to vector<16xi32>
        %add3A_822 = arith.addi %iota3A, %add3A_821 : vector<16xi32>
        %and3A_823 = arith.constant 15 : i32
        %and3A_824 = vector.broadcast %and3A_823 : i32 to vector<16xi32>
        %and3A_825 = arith.andi %add3A_822, %and3A_824 : vector<16xi32>
        %broadcast_in_dim3A_826 = vector.shape_cast %and3A_825 : vector<16xi32> to vector<16x1xi32>
        %gather3A_827 = vector.shape_cast %broadcast_in_dim3A_826 : vector<16x1xi32> to vector<16xi32>
        %gather3A_828 = tpu.dynamic_gather %add3A_819[%gather3A_827] in [0] : vector<16xf32>, vector<16xi32> -> vector<16xf32>
        %add3A_829 = arith.addf %add3A_819, %gather3A_828 : vector<16xf32>
        %add3A_830 = arith.constant 1 : i32
        %add3A_831 = vector.broadcast %add3A_830 : i32 to vector<16xi32>
        %add3A_832 = arith.addi %iota3A, %add3A_831 : vector<16xi32>
        %and3A_833 = arith.constant 15 : i32
        %and3A_834 = vector.broadcast %and3A_833 : i32 to vector<16xi32>
        %and3A_835 = arith.andi %add3A_832, %and3A_834 : vector<16xi32>
        %broadcast_in_dim3A_836 = vector.shape_cast %and3A_835 : vector<16xi32> to vector<16x1xi32>
        %gather3A_837 = vector.shape_cast %broadcast_in_dim3A_836 : vector<16x1xi32> to vector<16xi32>
        %gather3A_838 = tpu.dynamic_gather %add3A_829[%gather3A_837] in [0] : vector<16xf32>, vector<16xi32> -> vector<16xf32>
        %add3A_839 = arith.addf %add3A_829, %gather3A_838 : vector<16xf32>
        %select_n3A_840 = arith.select %eq3A_799, %add3A_839, %select_n3A_739 : vector<16xi1>, vector<16xf32>
        %add3A_841 = arith.constant 8 : i32
        %add3A_842 = vector.broadcast %add3A_841 : i32 to vector<16xi32>
        %add3A_843 = arith.addi %iota3A, %add3A_842 : vector<16xi32>
        %and3A_844 = arith.constant 15 : i32
        %and3A_845 = vector.broadcast %and3A_844 : i32 to vector<16xi32>
        %and3A_846 = arith.andi %add3A_843, %and3A_845 : vector<16xi32>
        %broadcast_in_dim3A_847 = vector.shape_cast %and3A_846 : vector<16xi32> to vector<16x1xi32>
        %gather3A_848 = vector.shape_cast %broadcast_in_dim3A_847 : vector<16x1xi32> to vector<16xi32>
        %gather3A_849 = tpu.dynamic_gather %add3A_796[%gather3A_848] in [0] : vector<16xf32>, vector<16xi32> -> vector<16xf32>
        %add3A_850 = arith.addf %add3A_796, %gather3A_849 : vector<16xf32>
        %add3A_851 = arith.constant 4 : i32
        %add3A_852 = vector.broadcast %add3A_851 : i32 to vector<16xi32>
        %add3A_853 = arith.addi %iota3A, %add3A_852 : vector<16xi32>
        %and3A_854 = arith.constant 15 : i32
        %and3A_855 = vector.broadcast %and3A_854 : i32 to vector<16xi32>
        %and3A_856 = arith.andi %add3A_853, %and3A_855 : vector<16xi32>
        %broadcast_in_dim3A_857 = vector.shape_cast %and3A_856 : vector<16xi32> to vector<16x1xi32>
        %gather3A_858 = vector.shape_cast %broadcast_in_dim3A_857 : vector<16x1xi32> to vector<16xi32>
        %gather3A_859 = tpu.dynamic_gather %add3A_850[%gather3A_858] in [0] : vector<16xf32>, vector<16xi32> -> vector<16xf32>
        %add3A_860 = arith.addf %add3A_850, %gather3A_859 : vector<16xf32>
        %add3A_861 = arith.constant 2 : i32
        %add3A_862 = vector.broadcast %add3A_861 : i32 to vector<16xi32>
        %add3A_863 = arith.addi %iota3A, %add3A_862 : vector<16xi32>
        %and3A_864 = arith.constant 15 : i32
        %and3A_865 = vector.broadcast %and3A_864 : i32 to vector<16xi32>
        %and3A_866 = arith.andi %add3A_863, %and3A_865 : vector<16xi32>
        %broadcast_in_dim3A_867 = vector.shape_cast %and3A_866 : vector<16xi32> to vector<16x1xi32>
        %gather3A_868 = vector.shape_cast %broadcast_in_dim3A_867 : vector<16x1xi32> to vector<16xi32>
        %gather3A_869 = tpu.dynamic_gather %add3A_860[%gather3A_868] in [0] : vector<16xf32>, vector<16xi32> -> vector<16xf32>
        %add3A_870 = arith.addf %add3A_860, %gather3A_869 : vector<16xf32>
        %add3A_871 = arith.constant 1 : i32
        %add3A_872 = vector.broadcast %add3A_871 : i32 to vector<16xi32>
        %add3A_873 = arith.addi %iota3A, %add3A_872 : vector<16xi32>
        %and3A_874 = arith.constant 15 : i32
        %and3A_875 = vector.broadcast %and3A_874 : i32 to vector<16xi32>
        %and3A_876 = arith.andi %add3A_873, %and3A_875 : vector<16xi32>
        %broadcast_in_dim3A_877 = vector.shape_cast %and3A_876 : vector<16xi32> to vector<16x1xi32>
        %gather3A_878 = vector.shape_cast %broadcast_in_dim3A_877 : vector<16x1xi32> to vector<16xi32>
        %gather3A_879 = tpu.dynamic_gather %add3A_870[%gather3A_878] in [0] : vector<16xf32>, vector<16xi32> -> vector<16xf32>
        %add3A_880 = arith.addf %add3A_870, %gather3A_879 : vector<16xf32>
        %select_n3A_881 = arith.select %eq3A_799, %add3A_880, %select_n3A_780 : vector<16xi1>, vector<16xf32>
        %add3A_882 = arith.constant 1000 : i32
        %add3A_883 = arith.addi %mul3A_574, %add3A_882 : i32
        %sub3A_884 = arith.constant 16 : i32
        %sub3A_885 = arith.subi %add3A_883, %sub3A_884 : i32
        %get3A_886 = arith.index_cast %sub3A_885 : i32 to index
        %get3A_887 = tpu.vector_load %arg7[%get3A_886] {strides = array<i32>} : memref<64000xf32, #tpu.memory_space<vmem>>, vector<16xf32>,
        %exp3A_888 = math.exp %get3A_887 : vector<16xf32>
        %jit3A_889 = arith.constant 0.000000e+00 : f32
        %broadcast_in_dim3A_890 = vector.broadcast %jit3A_889 : f32 to vector<16xf32>
        %select_n3A_891 = arith.select %ge3A_6, %exp3A_888, %broadcast_in_dim3A_890 : vector<16xi1>, vector<16xf32>
        %add3A_892 = arith.addf %parallel_loop3A_578#6, %select_n3A_891 : vector<16xf32>
        %mul3A_893 = arith.mulf %get3A_887, %exp3A_888 : vector<16xf32>
        %jit3A_894 = arith.constant 0.000000e+00 : f32
        %broadcast_in_dim3A_895 = vector.broadcast %jit3A_894 : f32 to vector<16xf32>
        %select_n3A_896 = arith.select %ge3A_6, %mul3A_893, %broadcast_in_dim3A_895 : vector<16xi1>, vector<16xf32>
        %add3A_897 = arith.addf %parallel_loop3A_578#7, %select_n3A_896 : vector<16xf32>
        %eq3A_898 = arith.constant 7 : i32
        %eq3A_899 = vector.broadcast %eq3A_898 : i32 to vector<16xi32>
        %eq3A_900 = arith.cmpi eq, %iota3A, %eq3A_899 : vector<16xi32>
        %add3A_901 = arith.constant 8 : i32
        %add3A_902 = vector.broadcast %add3A_901 : i32 to vector<16xi32>
        %add3A_903 = arith.addi %iota3A, %add3A_902 : vector<16xi32>
        %and3A_904 = arith.constant 15 : i32
        %and3A_905 = vector.broadcast %and3A_904 : i32 to vector<16xi32>
        %and3A_906 = arith.andi %add3A_903, %and3A_905 : vector<16xi32>
        %broadcast_in_dim3A_907 = vector.shape_cast %and3A_906 : vector<16xi32> to vector<16x1xi32>
        %gather3A_908 = vector.shape_cast %broadcast_in_dim3A_907 : vector<16x1xi32> to vector<16xi32>
        %gather3A_909 = tpu.dynamic_gather %add3A_892[%gather3A_908] in [0] : vector<16xf32>, vector<16xi32> -> vector<16xf32>
        %add3A_910 = arith.addf %add3A_892, %gather3A_909 : vector<16xf32>
        %add3A_911 = arith.constant 4 : i32
        %add3A_912 = vector.broadcast %add3A_911 : i32 to vector<16xi32>
        %add3A_913 = arith.addi %iota3A, %add3A_912 : vector<16xi32>
        %and3A_914 = arith.constant 15 : i32
        %and3A_915 = vector.broadcast %and3A_914 : i32 to vector<16xi32>
        %and3A_916 = arith.andi %add3A_913, %and3A_915 : vector<16xi32>
        %broadcast_in_dim3A_917 = vector.shape_cast %and3A_916 : vector<16xi32> to vector<16x1xi32>
        %gather3A_918 = vector.shape_cast %broadcast_in_dim3A_917 : vector<16x1xi32> to vector<16xi32>
        %gather3A_919 = tpu.dynamic_gather %add3A_910[%gather3A_918] in [0] : vector<16xf32>, vector<16xi32> -> vector<16xf32>
        %add3A_920 = arith.addf %add3A_910, %gather3A_919 : vector<16xf32>
        %add3A_921 = arith.constant 2 : i32
        %add3A_922 = vector.broadcast %add3A_921 : i32 to vector<16xi32>
        %add3A_923 = arith.addi %iota3A, %add3A_922 : vector<16xi32>
        %and3A_924 = arith.constant 15 : i32
        %and3A_925 = vector.broadcast %and3A_924 : i32 to vector<16xi32>
        %and3A_926 = arith.andi %add3A_923, %and3A_925 : vector<16xi32>
        %broadcast_in_dim3A_927 = vector.shape_cast %and3A_926 : vector<16xi32> to vector<16x1xi32>
        %gather3A_928 = vector.shape_cast %broadcast_in_dim3A_927 : vector<16x1xi32> to vector<16xi32>
        %gather3A_929 = tpu.dynamic_gather %add3A_920[%gather3A_928] in [0] : vector<16xf32>, vector<16xi32> -> vector<16xf32>
        %add3A_930 = arith.addf %add3A_920, %gather3A_929 : vector<16xf32>
        %add3A_931 = arith.constant 1 : i32
        %add3A_932 = vector.broadcast %add3A_931 : i32 to vector<16xi32>
        %add3A_933 = arith.addi %iota3A, %add3A_932 : vector<16xi32>
        %and3A_934 = arith.constant 15 : i32
        %and3A_935 = vector.broadcast %and3A_934 : i32 to vector<16xi32>
        %and3A_936 = arith.andi %add3A_933, %and3A_935 : vector<16xi32>
        %broadcast_in_dim3A_937 = vector.shape_cast %and3A_936 : vector<16xi32> to vector<16x1xi32>
        %gather3A_938 = vector.shape_cast %broadcast_in_dim3A_937 : vector<16x1xi32> to vector<16xi32>
        %gather3A_939 = tpu.dynamic_gather %add3A_930[%gather3A_938] in [0] : vector<16xf32>, vector<16xi32> -> vector<16xf32>
        %add3A_940 = arith.addf %add3A_930, %gather3A_939 : vector<16xf32>
        %select_n3A_941 = arith.select %eq3A_900, %add3A_940, %select_n3A_840 : vector<16xi1>, vector<16xf32>
        %add3A_942 = arith.constant 8 : i32
        %add3A_943 = vector.broadcast %add3A_942 : i32 to vector<16xi32>
        %add3A_944 = arith.addi %iota3A, %add3A_943 : vector<16xi32>
        %and3A_945 = arith.constant 15 : i32
        %and3A_946 = vector.broadcast %and3A_945 : i32 to vector<16xi32>
        %and3A_947 = arith.andi %add3A_944, %and3A_946 : vector<16xi32>
        %broadcast_in_dim3A_948 = vector.shape_cast %and3A_947 : vector<16xi32> to vector<16x1xi32>
        %gather3A_949 = vector.shape_cast %broadcast_in_dim3A_948 : vector<16x1xi32> to vector<16xi32>
        %gather3A_950 = tpu.dynamic_gather %add3A_897[%gather3A_949] in [0] : vector<16xf32>, vector<16xi32> -> vector<16xf32>
        %add3A_951 = arith.addf %add3A_897, %gather3A_950 : vector<16xf32>
        %add3A_952 = arith.constant 4 : i32
        %add3A_953 = vector.broadcast %add3A_952 : i32 to vector<16xi32>
        %add3A_954 = arith.addi %iota3A, %add3A_953 : vector<16xi32>
        %and3A_955 = arith.constant 15 : i32
        %and3A_956 = vector.broadcast %and3A_955 : i32 to vector<16xi32>
        %and3A_957 = arith.andi %add3A_954, %and3A_956 : vector<16xi32>
        %broadcast_in_dim3A_958 = vector.shape_cast %and3A_957 : vector<16xi32> to vector<16x1xi32>
        %gather3A_959 = vector.shape_cast %broadcast_in_dim3A_958 : vector<16x1xi32> to vector<16xi32>
        %gather3A_960 = tpu.dynamic_gather %add3A_951[%gather3A_959] in [0] : vector<16xf32>, vector<16xi32> -> vector<16xf32>
        %add3A_961 = arith.addf %add3A_951, %gather3A_960 : vector<16xf32>
        %add3A_962 = arith.constant 2 : i32
        %add3A_963 = vector.broadcast %add3A_962 : i32 to vector<16xi32>
        %add3A_964 = arith.addi %iota3A, %add3A_963 : vector<16xi32>
        %and3A_965 = arith.constant 15 : i32
        %and3A_966 = vector.broadcast %and3A_965 : i32 to vector<16xi32>
        %and3A_967 = arith.andi %add3A_964, %and3A_966 : vector<16xi32>
        %broadcast_in_dim3A_968 = vector.shape_cast %and3A_967 : vector<16xi32> to vector<16x1xi32>
        %gather3A_969 = vector.shape_cast %broadcast_in_dim3A_968 : vector<16x1xi32> to vector<16xi32>
        %gather3A_970 = tpu.dynamic_gather %add3A_961[%gather3A_969] in [0] : vector<16xf32>, vector<16xi32> -> vector<16xf32>
        %add3A_971 = arith.addf %add3A_961, %gather3A_970 : vector<16xf32>
        %add3A_972 = arith.constant 1 : i32
        %add3A_973 = vector.broadcast %add3A_972 : i32 to vector<16xi32>
        %add3A_974 = arith.addi %iota3A, %add3A_973 : vector<16xi32>
        %and3A_975 = arith.constant 15 : i32
        %and3A_976 = vector.broadcast %and3A_975 : i32 to vector<16xi32>
        %and3A_977 = arith.andi %add3A_974, %and3A_976 : vector<16xi32>
        %broadcast_in_dim3A_978 = vector.shape_cast %and3A_977 : vector<16xi32> to vector<16x1xi32>
        %gather3A_979 = vector.shape_cast %broadcast_in_dim3A_978 : vector<16x1xi32> to vector<16xi32>
        %gather3A_980 = tpu.dynamic_gather %add3A_971[%gather3A_979] in [0] : vector<16xf32>, vector<16xi32> -> vector<16xf32>
        %add3A_981 = arith.addf %add3A_971, %gather3A_980 : vector<16xf32>
        %select_n3A_982 = arith.select %eq3A_900, %add3A_981, %select_n3A_881 : vector<16xi1>, vector<16xf32>
        %add3A_983 = arith.constant 8 : i32
        %add3A_984 = arith.addi %mul3A_127, %add3A_983 : i32
        %add3A_985 = arith.constant 0 : i32
        %add3A_986 = arith.addi %add3A_984, %add3A_985 : i32
        %mul3A_987 = arith.constant 1000 : i32
        %mul3A_988 = arith.muli %add3A_986, %mul3A_987 : i32
        %add3A_989 = arith.constant 8 : i32
        %add3A_990 = arith.addi %mul3A_127, %add3A_989 : i32
        %add3A_991 = arith.constant 1 : i32
        %add3A_992 = arith.addi %add3A_990, %add3A_991 : i32
        %mul3A_993 = arith.constant 1000 : i32
        %mul3A_994 = arith.muli %add3A_992, %mul3A_993 : i32
        %add3A_995 = arith.constant 8 : i32
        %add3A_996 = arith.addi %mul3A_127, %add3A_995 : i32
        %add3A_997 = arith.constant 2 : i32
        %add3A_998 = arith.addi %add3A_996, %add3A_997 : i32
        %mul3A_999 = arith.constant 1000 : i32
        %mul3A_1000 = arith.muli %add3A_998, %mul3A_999 : i32
        %add3A_1001 = arith.constant 8 : i32
        %add3A_1002 = arith.addi %mul3A_127, %add3A_1001 : i32
        %add3A_1003 = arith.constant 3 : i32
        %add3A_1004 = arith.addi %add3A_1002, %add3A_1003 : i32
        %mul3A_1005 = arith.constant 1000 : i32
        %mul3A_1006 = arith.muli %add3A_1004, %mul3A_1005 : i32
        %parallel_loop3A_1007 = arith.constant 0 : i32
        %parallel_loop3A_1008 = arith.constant 62 : i32
        %parallel_loop3A_1009 = arith.constant 1 : i32
        %parallel_loop3A_1010:8 = scf.for %parallel_loop3A_1862 = %parallel_loop3A_1007 to %parallel_loop3A_1008 step %parallel_loop3A_1009 iter_args(%parallel_loop3A_1863 = %broadcast_in_dim3A_7, %parallel_loop3A_1864 = %broadcast_in_dim3A_7, %parallel_loop3A_1865 = %broadcast_in_dim3A_7, %parallel_loop3A_1866 = %broadcast_in_dim3A_7, %parallel_loop3A_1867 = %broadcast_in_dim3A_7, %parallel_loop3A_1868 = %broadcast_in_dim3A_7, %parallel_loop3A_1869 = %broadcast_in_dim3A_7, %parallel_loop3A_1870 = %broadcast_in_dim3A_7) -> (vector<16xf32>, vector<16xf32>, vector<16xf32>, vector<16xf32>, vector<16xf32>, vector<16xf32>, vector<16xf32>, vector<16xf32>)  : i32 {
          %parallel_loop3A_1871 = arith.constant 16 : i32
          %parallel_loop3A_1872 = arith.muli %parallel_loop3A_1862, %parallel_loop3A_1871 : i32
          %parallel_loop3A_1873 = arith.addi %mul3A_988, %parallel_loop3A_1872 : i32
          %parallel_loop3A_1874 = arith.index_cast %parallel_loop3A_1873 : i32 to index
          %parallel_loop3A_1875 = tpu.vector_load %arg7[%parallel_loop3A_1874] {strides = array<i32>} : memref<64000xf32, #tpu.memory_space<vmem>>, vector<16xf32>,
          %parallel_loop3A_1876 = math.exp %parallel_loop3A_1875 : vector<16xf32>
          %parallel_loop3A_1877 = arith.addf %parallel_loop3A_1863, %parallel_loop3A_1876 : vector<16xf32>
          %parallel_loop3A_1878 = arith.mulf %parallel_loop3A_1875, %parallel_loop3A_1876 : vector<16xf32>
          %parallel_loop3A_1879 = arith.addf %parallel_loop3A_1864, %parallel_loop3A_1878 : vector<16xf32>
          %parallel_loop3A_1880 = arith.constant 16 : i32
          %parallel_loop3A_1881 = arith.muli %parallel_loop3A_1862, %parallel_loop3A_1880 : i32
          %parallel_loop3A_1882 = arith.addi %mul3A_994, %parallel_loop3A_1881 : i32
          %parallel_loop3A_1883 = arith.index_cast %parallel_loop3A_1882 : i32 to index
          %parallel_loop3A_1884 = tpu.vector_load %arg7[%parallel_loop3A_1883] {strides = array<i32>} : memref<64000xf32, #tpu.memory_space<vmem>>, vector<16xf32>,
          %parallel_loop3A_1885 = math.exp %parallel_loop3A_1884 : vector<16xf32>
          %parallel_loop3A_1886 = arith.addf %parallel_loop3A_1865, %parallel_loop3A_1885 : vector<16xf32>
          %parallel_loop3A_1887 = arith.mulf %parallel_loop3A_1884, %parallel_loop3A_1885 : vector<16xf32>
          %parallel_loop3A_1888 = arith.addf %parallel_loop3A_1866, %parallel_loop3A_1887 : vector<16xf32>
          %parallel_loop3A_1889 = arith.constant 16 : i32
          %parallel_loop3A_1890 = arith.muli %parallel_loop3A_1862, %parallel_loop3A_1889 : i32
          %parallel_loop3A_1891 = arith.addi %mul3A_1000, %parallel_loop3A_1890 : i32
          %parallel_loop3A_1892 = arith.index_cast %parallel_loop3A_1891 : i32 to index
          %parallel_loop3A_1893 = tpu.vector_load %arg7[%parallel_loop3A_1892] {strides = array<i32>} : memref<64000xf32, #tpu.memory_space<vmem>>, vector<16xf32>,
          %parallel_loop3A_1894 = math.exp %parallel_loop3A_1893 : vector<16xf32>
          %parallel_loop3A_1895 = arith.addf %parallel_loop3A_1867, %parallel_loop3A_1894 : vector<16xf32>
          %parallel_loop3A_1896 = arith.mulf %parallel_loop3A_1893, %parallel_loop3A_1894 : vector<16xf32>
          %parallel_loop3A_1897 = arith.addf %parallel_loop3A_1868, %parallel_loop3A_1896 : vector<16xf32>
          %parallel_loop3A_1898 = arith.constant 16 : i32
          %parallel_loop3A_1899 = arith.muli %parallel_loop3A_1862, %parallel_loop3A_1898 : i32
          %parallel_loop3A_1900 = arith.addi %mul3A_1006, %parallel_loop3A_1899 : i32
          %parallel_loop3A_1901 = arith.index_cast %parallel_loop3A_1900 : i32 to index
          %parallel_loop3A_1902 = tpu.vector_load %arg7[%parallel_loop3A_1901] {strides = array<i32>} : memref<64000xf32, #tpu.memory_space<vmem>>, vector<16xf32>,
          %parallel_loop3A_1903 = math.exp %parallel_loop3A_1902 : vector<16xf32>
          %parallel_loop3A_1904 = arith.addf %parallel_loop3A_1869, %parallel_loop3A_1903 : vector<16xf32>
          %parallel_loop3A_1905 = arith.mulf %parallel_loop3A_1902, %parallel_loop3A_1903 : vector<16xf32>
          %parallel_loop3A_1906 = arith.addf %parallel_loop3A_1870, %parallel_loop3A_1905 : vector<16xf32>
          scf.yield %parallel_loop3A_1877, %parallel_loop3A_1879, %parallel_loop3A_1886, %parallel_loop3A_1888, %parallel_loop3A_1895, %parallel_loop3A_1897, %parallel_loop3A_1904, %parallel_loop3A_1906 : vector<16xf32>, vector<16xf32>, vector<16xf32>, vector<16xf32>, vector<16xf32>, vector<16xf32>, vector<16xf32>, vector<16xf32>
        } {sc.loop_unroll_factor = 2 : i64, sc.parallel_access}
        %add3A_1011 = arith.constant 1000 : i32
        %add3A_1012 = arith.addi %mul3A_988, %add3A_1011 : i32
        %sub3A_1013 = arith.constant 16 : i32
        %sub3A_1014 = arith.subi %add3A_1012, %sub3A_1013 : i32
        %get3A_1015 = arith.index_cast %sub3A_1014 : i32 to index
        %get3A_1016 = tpu.vector_load %arg7[%get3A_1015] {strides = array<i32>} : memref<64000xf32, #tpu.memory_space<vmem>>, vector<16xf32>,
        %exp3A_1017 = math.exp %get3A_1016 : vector<16xf32>
        %jit3A_1018 = arith.constant 0.000000e+00 : f32
        %broadcast_in_dim3A_1019 = vector.broadcast %jit3A_1018 : f32 to vector<16xf32>
        %select_n3A_1020 = arith.select %ge3A_6, %exp3A_1017, %broadcast_in_dim3A_1019 : vector<16xi1>, vector<16xf32>
        %add3A_1021 = arith.addf %parallel_loop3A_1010#0, %select_n3A_1020 : vector<16xf32>
        %mul3A_1022 = arith.mulf %get3A_1016, %exp3A_1017 : vector<16xf32>
        %jit3A_1023 = arith.constant 0.000000e+00 : f32
        %broadcast_in_dim3A_1024 = vector.broadcast %jit3A_1023 : f32 to vector<16xf32>
        %select_n3A_1025 = arith.select %ge3A_6, %mul3A_1022, %broadcast_in_dim3A_1024 : vector<16xi1>, vector<16xf32>
        %add3A_1026 = arith.addf %parallel_loop3A_1010#1, %select_n3A_1025 : vector<16xf32>
        %eq3A_1027 = arith.constant 8 : i32
        %eq3A_1028 = vector.broadcast %eq3A_1027 : i32 to vector<16xi32>
        %eq3A_1029 = arith.cmpi eq, %iota3A, %eq3A_1028 : vector<16xi32>
        %add3A_1030 = arith.constant 8 : i32
        %add3A_1031 = vector.broadcast %add3A_1030 : i32 to vector<16xi32>
        %add3A_1032 = arith.addi %iota3A, %add3A_1031 : vector<16xi32>
        %and3A_1033 = arith.constant 15 : i32
        %and3A_1034 = vector.broadcast %and3A_1033 : i32 to vector<16xi32>
        %and3A_1035 = arith.andi %add3A_1032, %and3A_1034 : vector<16xi32>
        %broadcast_in_dim3A_1036 = vector.shape_cast %and3A_1035 : vector<16xi32> to vector<16x1xi32>
        %gather3A_1037 = vector.shape_cast %broadcast_in_dim3A_1036 : vector<16x1xi32> to vector<16xi32>
        %gather3A_1038 = tpu.dynamic_gather %add3A_1021[%gather3A_1037] in [0] : vector<16xf32>, vector<16xi32> -> vector<16xf32>
        %add3A_1039 = arith.addf %add3A_1021, %gather3A_1038 : vector<16xf32>
        %add3A_1040 = arith.constant 4 : i32
        %add3A_1041 = vector.broadcast %add3A_1040 : i32 to vector<16xi32>
        %add3A_1042 = arith.addi %iota3A, %add3A_1041 : vector<16xi32>
        %and3A_1043 = arith.constant 15 : i32
        %and3A_1044 = vector.broadcast %and3A_1043 : i32 to vector<16xi32>
        %and3A_1045 = arith.andi %add3A_1042, %and3A_1044 : vector<16xi32>
        %broadcast_in_dim3A_1046 = vector.shape_cast %and3A_1045 : vector<16xi32> to vector<16x1xi32>
        %gather3A_1047 = vector.shape_cast %broadcast_in_dim3A_1046 : vector<16x1xi32> to vector<16xi32>
        %gather3A_1048 = tpu.dynamic_gather %add3A_1039[%gather3A_1047] in [0] : vector<16xf32>, vector<16xi32> -> vector<16xf32>
        %add3A_1049 = arith.addf %add3A_1039, %gather3A_1048 : vector<16xf32>
        %add3A_1050 = arith.constant 2 : i32
        %add3A_1051 = vector.broadcast %add3A_1050 : i32 to vector<16xi32>
        %add3A_1052 = arith.addi %iota3A, %add3A_1051 : vector<16xi32>
        %and3A_1053 = arith.constant 15 : i32
        %and3A_1054 = vector.broadcast %and3A_1053 : i32 to vector<16xi32>
        %and3A_1055 = arith.andi %add3A_1052, %and3A_1054 : vector<16xi32>
        %broadcast_in_dim3A_1056 = vector.shape_cast %and3A_1055 : vector<16xi32> to vector<16x1xi32>
        %gather3A_1057 = vector.shape_cast %broadcast_in_dim3A_1056 : vector<16x1xi32> to vector<16xi32>
        %gather3A_1058 = tpu.dynamic_gather %add3A_1049[%gather3A_1057] in [0] : vector<16xf32>, vector<16xi32> -> vector<16xf32>
        %add3A_1059 = arith.addf %add3A_1049, %gather3A_1058 : vector<16xf32>
        %add3A_1060 = arith.constant 1 : i32
        %add3A_1061 = vector.broadcast %add3A_1060 : i32 to vector<16xi32>
        %add3A_1062 = arith.addi %iota3A, %add3A_1061 : vector<16xi32>
        %and3A_1063 = arith.constant 15 : i32
        %and3A_1064 = vector.broadcast %and3A_1063 : i32 to vector<16xi32>
        %and3A_1065 = arith.andi %add3A_1062, %and3A_1064 : vector<16xi32>
        %broadcast_in_dim3A_1066 = vector.shape_cast %and3A_1065 : vector<16xi32> to vector<16x1xi32>
        %gather3A_1067 = vector.shape_cast %broadcast_in_dim3A_1066 : vector<16x1xi32> to vector<16xi32>
        %gather3A_1068 = tpu.dynamic_gather %add3A_1059[%gather3A_1067] in [0] : vector<16xf32>, vector<16xi32> -> vector<16xf32>
        %add3A_1069 = arith.addf %add3A_1059, %gather3A_1068 : vector<16xf32>
        %select_n3A_1070 = arith.select %eq3A_1029, %add3A_1069, %select_n3A_941 : vector<16xi1>, vector<16xf32>
        %add3A_1071 = arith.constant 8 : i32
        %add3A_1072 = vector.broadcast %add3A_1071 : i32 to vector<16xi32>
        %add3A_1073 = arith.addi %iota3A, %add3A_1072 : vector<16xi32>
        %and3A_1074 = arith.constant 15 : i32
        %and3A_1075 = vector.broadcast %and3A_1074 : i32 to vector<16xi32>
        %and3A_1076 = arith.andi %add3A_1073, %and3A_1075 : vector<16xi32>
        %broadcast_in_dim3A_1077 = vector.shape_cast %and3A_1076 : vector<16xi32> to vector<16x1xi32>
        %gather3A_1078 = vector.shape_cast %broadcast_in_dim3A_1077 : vector<16x1xi32> to vector<16xi32>
        %gather3A_1079 = tpu.dynamic_gather %add3A_1026[%gather3A_1078] in [0] : vector<16xf32>, vector<16xi32> -> vector<16xf32>
        %add3A_1080 = arith.addf %add3A_1026, %gather3A_1079 : vector<16xf32>
        %add3A_1081 = arith.constant 4 : i32
        %add3A_1082 = vector.broadcast %add3A_1081 : i32 to vector<16xi32>
        %add3A_1083 = arith.addi %iota3A, %add3A_1082 : vector<16xi32>
        %and3A_1084 = arith.constant 15 : i32
        %and3A_1085 = vector.broadcast %and3A_1084 : i32 to vector<16xi32>
        %and3A_1086 = arith.andi %add3A_1083, %and3A_1085 : vector<16xi32>
        %broadcast_in_dim3A_1087 = vector.shape_cast %and3A_1086 : vector<16xi32> to vector<16x1xi32>
        %gather3A_1088 = vector.shape_cast %broadcast_in_dim3A_1087 : vector<16x1xi32> to vector<16xi32>
        %gather3A_1089 = tpu.dynamic_gather %add3A_1080[%gather3A_1088] in [0] : vector<16xf32>, vector<16xi32> -> vector<16xf32>
        %add3A_1090 = arith.addf %add3A_1080, %gather3A_1089 : vector<16xf32>
        %add3A_1091 = arith.constant 2 : i32
        %add3A_1092 = vector.broadcast %add3A_1091 : i32 to vector<16xi32>
        %add3A_1093 = arith.addi %iota3A, %add3A_1092 : vector<16xi32>
        %and3A_1094 = arith.constant 15 : i32
        %and3A_1095 = vector.broadcast %and3A_1094 : i32 to vector<16xi32>
        %and3A_1096 = arith.andi %add3A_1093, %and3A_1095 : vector<16xi32>
        %broadcast_in_dim3A_1097 = vector.shape_cast %and3A_1096 : vector<16xi32> to vector<16x1xi32>
        %gather3A_1098 = vector.shape_cast %broadcast_in_dim3A_1097 : vector<16x1xi32> to vector<16xi32>
        %gather3A_1099 = tpu.dynamic_gather %add3A_1090[%gather3A_1098] in [0] : vector<16xf32>, vector<16xi32> -> vector<16xf32>
        %add3A_1100 = arith.addf %add3A_1090, %gather3A_1099 : vector<16xf32>
        %add3A_1101 = arith.constant 1 : i32
        %add3A_1102 = vector.broadcast %add3A_1101 : i32 to vector<16xi32>
        %add3A_1103 = arith.addi %iota3A, %add3A_1102 : vector<16xi32>
        %and3A_1104 = arith.constant 15 : i32
        %and3A_1105 = vector.broadcast %and3A_1104 : i32 to vector<16xi32>
        %and3A_1106 = arith.andi %add3A_1103, %and3A_1105 : vector<16xi32>
        %broadcast_in_dim3A_1107 = vector.shape_cast %and3A_1106 : vector<16xi32> to vector<16x1xi32>
        %gather3A_1108 = vector.shape_cast %broadcast_in_dim3A_1107 : vector<16x1xi32> to vector<16xi32>
        %gather3A_1109 = tpu.dynamic_gather %add3A_1100[%gather3A_1108] in [0] : vector<16xf32>, vector<16xi32> -> vector<16xf32>
        %add3A_1110 = arith.addf %add3A_1100, %gather3A_1109 : vector<16xf32>
        %select_n3A_1111 = arith.select %eq3A_1029, %add3A_1110, %select_n3A_982 : vector<16xi1>, vector<16xf32>
        %add3A_1112 = arith.constant 1000 : i32
        %add3A_1113 = arith.addi %mul3A_994, %add3A_1112 : i32
        %sub3A_1114 = arith.constant 16 : i32
        %sub3A_1115 = arith.subi %add3A_1113, %sub3A_1114 : i32
        %get3A_1116 = arith.index_cast %sub3A_1115 : i32 to index
        %get3A_1117 = tpu.vector_load %arg7[%get3A_1116] {strides = array<i32>} : memref<64000xf32, #tpu.memory_space<vmem>>, vector<16xf32>,
        %exp3A_1118 = math.exp %get3A_1117 : vector<16xf32>
        %jit3A_1119 = arith.constant 0.000000e+00 : f32
        %broadcast_in_dim3A_1120 = vector.broadcast %jit3A_1119 : f32 to vector<16xf32>
        %select_n3A_1121 = arith.select %ge3A_6, %exp3A_1118, %broadcast_in_dim3A_1120 : vector<16xi1>, vector<16xf32>
        %add3A_1122 = arith.addf %parallel_loop3A_1010#2, %select_n3A_1121 : vector<16xf32>
        %mul3A_1123 = arith.mulf %get3A_1117, %exp3A_1118 : vector<16xf32>
        %jit3A_1124 = arith.constant 0.000000e+00 : f32
        %broadcast_in_dim3A_1125 = vector.broadcast %jit3A_1124 : f32 to vector<16xf32>
        %select_n3A_1126 = arith.select %ge3A_6, %mul3A_1123, %broadcast_in_dim3A_1125 : vector<16xi1>, vector<16xf32>
        %add3A_1127 = arith.addf %parallel_loop3A_1010#3, %select_n3A_1126 : vector<16xf32>
        %eq3A_1128 = arith.constant 9 : i32
        %eq3A_1129 = vector.broadcast %eq3A_1128 : i32 to vector<16xi32>
        %eq3A_1130 = arith.cmpi eq, %iota3A, %eq3A_1129 : vector<16xi32>
        %add3A_1131 = arith.constant 8 : i32
        %add3A_1132 = vector.broadcast %add3A_1131 : i32 to vector<16xi32>
        %add3A_1133 = arith.addi %iota3A, %add3A_1132 : vector<16xi32>
        %and3A_1134 = arith.constant 15 : i32
        %and3A_1135 = vector.broadcast %and3A_1134 : i32 to vector<16xi32>
        %and3A_1136 = arith.andi %add3A_1133, %and3A_1135 : vector<16xi32>
        %broadcast_in_dim3A_1137 = vector.shape_cast %and3A_1136 : vector<16xi32> to vector<16x1xi32>
        %gather3A_1138 = vector.shape_cast %broadcast_in_dim3A_1137 : vector<16x1xi32> to vector<16xi32>
        %gather3A_1139 = tpu.dynamic_gather %add3A_1122[%gather3A_1138] in [0] : vector<16xf32>, vector<16xi32> -> vector<16xf32>
        %add3A_1140 = arith.addf %add3A_1122, %gather3A_1139 : vector<16xf32>
        %add3A_1141 = arith.constant 4 : i32
        %add3A_1142 = vector.broadcast %add3A_1141 : i32 to vector<16xi32>
        %add3A_1143 = arith.addi %iota3A, %add3A_1142 : vector<16xi32>
        %and3A_1144 = arith.constant 15 : i32
        %and3A_1145 = vector.broadcast %and3A_1144 : i32 to vector<16xi32>
        %and3A_1146 = arith.andi %add3A_1143, %and3A_1145 : vector<16xi32>
        %broadcast_in_dim3A_1147 = vector.shape_cast %and3A_1146 : vector<16xi32> to vector<16x1xi32>
        %gather3A_1148 = vector.shape_cast %broadcast_in_dim3A_1147 : vector<16x1xi32> to vector<16xi32>
        %gather3A_1149 = tpu.dynamic_gather %add3A_1140[%gather3A_1148] in [0] : vector<16xf32>, vector<16xi32> -> vector<16xf32>
        %add3A_1150 = arith.addf %add3A_1140, %gather3A_1149 : vector<16xf32>
        %add3A_1151 = arith.constant 2 : i32
        %add3A_1152 = vector.broadcast %add3A_1151 : i32 to vector<16xi32>
        %add3A_1153 = arith.addi %iota3A, %add3A_1152 : vector<16xi32>
        %and3A_1154 = arith.constant 15 : i32
        %and3A_1155 = vector.broadcast %and3A_1154 : i32 to vector<16xi32>
        %and3A_1156 = arith.andi %add3A_1153, %and3A_1155 : vector<16xi32>
        %broadcast_in_dim3A_1157 = vector.shape_cast %and3A_1156 : vector<16xi32> to vector<16x1xi32>
        %gather3A_1158 = vector.shape_cast %broadcast_in_dim3A_1157 : vector<16x1xi32> to vector<16xi32>
        %gather3A_1159 = tpu.dynamic_gather %add3A_1150[%gather3A_1158] in [0] : vector<16xf32>, vector<16xi32> -> vector<16xf32>
        %add3A_1160 = arith.addf %add3A_1150, %gather3A_1159 : vector<16xf32>
        %add3A_1161 = arith.constant 1 : i32
        %add3A_1162 = vector.broadcast %add3A_1161 : i32 to vector<16xi32>
        %add3A_1163 = arith.addi %iota3A, %add3A_1162 : vector<16xi32>
        %and3A_1164 = arith.constant 15 : i32
        %and3A_1165 = vector.broadcast %and3A_1164 : i32 to vector<16xi32>
        %and3A_1166 = arith.andi %add3A_1163, %and3A_1165 : vector<16xi32>
        %broadcast_in_dim3A_1167 = vector.shape_cast %and3A_1166 : vector<16xi32> to vector<16x1xi32>
        %gather3A_1168 = vector.shape_cast %broadcast_in_dim3A_1167 : vector<16x1xi32> to vector<16xi32>
        %gather3A_1169 = tpu.dynamic_gather %add3A_1160[%gather3A_1168] in [0] : vector<16xf32>, vector<16xi32> -> vector<16xf32>
        %add3A_1170 = arith.addf %add3A_1160, %gather3A_1169 : vector<16xf32>
        %select_n3A_1171 = arith.select %eq3A_1130, %add3A_1170, %select_n3A_1070 : vector<16xi1>, vector<16xf32>
        %add3A_1172 = arith.constant 8 : i32
        %add3A_1173 = vector.broadcast %add3A_1172 : i32 to vector<16xi32>
        %add3A_1174 = arith.addi %iota3A, %add3A_1173 : vector<16xi32>
        %and3A_1175 = arith.constant 15 : i32
        %and3A_1176 = vector.broadcast %and3A_1175 : i32 to vector<16xi32>
        %and3A_1177 = arith.andi %add3A_1174, %and3A_1176 : vector<16xi32>
        %broadcast_in_dim3A_1178 = vector.shape_cast %and3A_1177 : vector<16xi32> to vector<16x1xi32>
        %gather3A_1179 = vector.shape_cast %broadcast_in_dim3A_1178 : vector<16x1xi32> to vector<16xi32>
        %gather3A_1180 = tpu.dynamic_gather %add3A_1127[%gather3A_1179] in [0] : vector<16xf32>, vector<16xi32> -> vector<16xf32>
        %add3A_1181 = arith.addf %add3A_1127, %gather3A_1180 : vector<16xf32>
        %add3A_1182 = arith.constant 4 : i32
        %add3A_1183 = vector.broadcast %add3A_1182 : i32 to vector<16xi32>
        %add3A_1184 = arith.addi %iota3A, %add3A_1183 : vector<16xi32>
        %and3A_1185 = arith.constant 15 : i32
        %and3A_1186 = vector.broadcast %and3A_1185 : i32 to vector<16xi32>
        %and3A_1187 = arith.andi %add3A_1184, %and3A_1186 : vector<16xi32>
        %broadcast_in_dim3A_1188 = vector.shape_cast %and3A_1187 : vector<16xi32> to vector<16x1xi32>
        %gather3A_1189 = vector.shape_cast %broadcast_in_dim3A_1188 : vector<16x1xi32> to vector<16xi32>
        %gather3A_1190 = tpu.dynamic_gather %add3A_1181[%gather3A_1189] in [0] : vector<16xf32>, vector<16xi32> -> vector<16xf32>
        %add3A_1191 = arith.addf %add3A_1181, %gather3A_1190 : vector<16xf32>
        %add3A_1192 = arith.constant 2 : i32
        %add3A_1193 = vector.broadcast %add3A_1192 : i32 to vector<16xi32>
        %add3A_1194 = arith.addi %iota3A, %add3A_1193 : vector<16xi32>
        %and3A_1195 = arith.constant 15 : i32
        %and3A_1196 = vector.broadcast %and3A_1195 : i32 to vector<16xi32>
        %and3A_1197 = arith.andi %add3A_1194, %and3A_1196 : vector<16xi32>
        %broadcast_in_dim3A_1198 = vector.shape_cast %and3A_1197 : vector<16xi32> to vector<16x1xi32>
        %gather3A_1199 = vector.shape_cast %broadcast_in_dim3A_1198 : vector<16x1xi32> to vector<16xi32>
        %gather3A_1200 = tpu.dynamic_gather %add3A_1191[%gather3A_1199] in [0] : vector<16xf32>, vector<16xi32> -> vector<16xf32>
        %add3A_1201 = arith.addf %add3A_1191, %gather3A_1200 : vector<16xf32>
        %add3A_1202 = arith.constant 1 : i32
        %add3A_1203 = vector.broadcast %add3A_1202 : i32 to vector<16xi32>
        %add3A_1204 = arith.addi %iota3A, %add3A_1203 : vector<16xi32>
        %and3A_1205 = arith.constant 15 : i32
        %and3A_1206 = vector.broadcast %and3A_1205 : i32 to vector<16xi32>
        %and3A_1207 = arith.andi %add3A_1204, %and3A_1206 : vector<16xi32>
        %broadcast_in_dim3A_1208 = vector.shape_cast %and3A_1207 : vector<16xi32> to vector<16x1xi32>
        %gather3A_1209 = vector.shape_cast %broadcast_in_dim3A_1208 : vector<16x1xi32> to vector<16xi32>
        %gather3A_1210 = tpu.dynamic_gather %add3A_1201[%gather3A_1209] in [0] : vector<16xf32>, vector<16xi32> -> vector<16xf32>
        %add3A_1211 = arith.addf %add3A_1201, %gather3A_1210 : vector<16xf32>
        %select_n3A_1212 = arith.select %eq3A_1130, %add3A_1211, %select_n3A_1111 : vector<16xi1>, vector<16xf32>
        %add3A_1213 = arith.constant 1000 : i32
        %add3A_1214 = arith.addi %mul3A_1000, %add3A_1213 : i32
        %sub3A_1215 = arith.constant 16 : i32
        %sub3A_1216 = arith.subi %add3A_1214, %sub3A_1215 : i32
        %get3A_1217 = arith.index_cast %sub3A_1216 : i32 to index
        %get3A_1218 = tpu.vector_load %arg7[%get3A_1217] {strides = array<i32>} : memref<64000xf32, #tpu.memory_space<vmem>>, vector<16xf32>,
        %exp3A_1219 = math.exp %get3A_1218 : vector<16xf32>
        %jit3A_1220 = arith.constant 0.000000e+00 : f32
        %broadcast_in_dim3A_1221 = vector.broadcast %jit3A_1220 : f32 to vector<16xf32>
        %select_n3A_1222 = arith.select %ge3A_6, %exp3A_1219, %broadcast_in_dim3A_1221 : vector<16xi1>, vector<16xf32>
        %add3A_1223 = arith.addf %parallel_loop3A_1010#4, %select_n3A_1222 : vector<16xf32>
        %mul3A_1224 = arith.mulf %get3A_1218, %exp3A_1219 : vector<16xf32>
        %jit3A_1225 = arith.constant 0.000000e+00 : f32
        %broadcast_in_dim3A_1226 = vector.broadcast %jit3A_1225 : f32 to vector<16xf32>
        %select_n3A_1227 = arith.select %ge3A_6, %mul3A_1224, %broadcast_in_dim3A_1226 : vector<16xi1>, vector<16xf32>
        %add3A_1228 = arith.addf %parallel_loop3A_1010#5, %select_n3A_1227 : vector<16xf32>
        %eq3A_1229 = arith.constant 10 : i32
        %eq3A_1230 = vector.broadcast %eq3A_1229 : i32 to vector<16xi32>
        %eq3A_1231 = arith.cmpi eq, %iota3A, %eq3A_1230 : vector<16xi32>
        %add3A_1232 = arith.constant 8 : i32
        %add3A_1233 = vector.broadcast %add3A_1232 : i32 to vector<16xi32>
        %add3A_1234 = arith.addi %iota3A, %add3A_1233 : vector<16xi32>
        %and3A_1235 = arith.constant 15 : i32
        %and3A_1236 = vector.broadcast %and3A_1235 : i32 to vector<16xi32>
        %and3A_1237 = arith.andi %add3A_1234, %and3A_1236 : vector<16xi32>
        %broadcast_in_dim3A_1238 = vector.shape_cast %and3A_1237 : vector<16xi32> to vector<16x1xi32>
        %gather3A_1239 = vector.shape_cast %broadcast_in_dim3A_1238 : vector<16x1xi32> to vector<16xi32>
        %gather3A_1240 = tpu.dynamic_gather %add3A_1223[%gather3A_1239] in [0] : vector<16xf32>, vector<16xi32> -> vector<16xf32>
        %add3A_1241 = arith.addf %add3A_1223, %gather3A_1240 : vector<16xf32>
        %add3A_1242 = arith.constant 4 : i32
        %add3A_1243 = vector.broadcast %add3A_1242 : i32 to vector<16xi32>
        %add3A_1244 = arith.addi %iota3A, %add3A_1243 : vector<16xi32>
        %and3A_1245 = arith.constant 15 : i32
        %and3A_1246 = vector.broadcast %and3A_1245 : i32 to vector<16xi32>
        %and3A_1247 = arith.andi %add3A_1244, %and3A_1246 : vector<16xi32>
        %broadcast_in_dim3A_1248 = vector.shape_cast %and3A_1247 : vector<16xi32> to vector<16x1xi32>
        %gather3A_1249 = vector.shape_cast %broadcast_in_dim3A_1248 : vector<16x1xi32> to vector<16xi32>
        %gather3A_1250 = tpu.dynamic_gather %add3A_1241[%gather3A_1249] in [0] : vector<16xf32>, vector<16xi32> -> vector<16xf32>
        %add3A_1251 = arith.addf %add3A_1241, %gather3A_1250 : vector<16xf32>
        %add3A_1252 = arith.constant 2 : i32
        %add3A_1253 = vector.broadcast %add3A_1252 : i32 to vector<16xi32>
        %add3A_1254 = arith.addi %iota3A, %add3A_1253 : vector<16xi32>
        %and3A_1255 = arith.constant 15 : i32
        %and3A_1256 = vector.broadcast %and3A_1255 : i32 to vector<16xi32>
        %and3A_1257 = arith.andi %add3A_1254, %and3A_1256 : vector<16xi32>
        %broadcast_in_dim3A_1258 = vector.shape_cast %and3A_1257 : vector<16xi32> to vector<16x1xi32>
        %gather3A_1259 = vector.shape_cast %broadcast_in_dim3A_1258 : vector<16x1xi32> to vector<16xi32>
        %gather3A_1260 = tpu.dynamic_gather %add3A_1251[%gather3A_1259] in [0] : vector<16xf32>, vector<16xi32> -> vector<16xf32>
        %add3A_1261 = arith.addf %add3A_1251, %gather3A_1260 : vector<16xf32>
        %add3A_1262 = arith.constant 1 : i32
        %add3A_1263 = vector.broadcast %add3A_1262 : i32 to vector<16xi32>
        %add3A_1264 = arith.addi %iota3A, %add3A_1263 : vector<16xi32>
        %and3A_1265 = arith.constant 15 : i32
        %and3A_1266 = vector.broadcast %and3A_1265 : i32 to vector<16xi32>
        %and3A_1267 = arith.andi %add3A_1264, %and3A_1266 : vector<16xi32>
        %broadcast_in_dim3A_1268 = vector.shape_cast %and3A_1267 : vector<16xi32> to vector<16x1xi32>
        %gather3A_1269 = vector.shape_cast %broadcast_in_dim3A_1268 : vector<16x1xi32> to vector<16xi32>
        %gather3A_1270 = tpu.dynamic_gather %add3A_1261[%gather3A_1269] in [0] : vector<16xf32>, vector<16xi32> -> vector<16xf32>
        %add3A_1271 = arith.addf %add3A_1261, %gather3A_1270 : vector<16xf32>
        %select_n3A_1272 = arith.select %eq3A_1231, %add3A_1271, %select_n3A_1171 : vector<16xi1>, vector<16xf32>
        %add3A_1273 = arith.constant 8 : i32
        %add3A_1274 = vector.broadcast %add3A_1273 : i32 to vector<16xi32>
        %add3A_1275 = arith.addi %iota3A, %add3A_1274 : vector<16xi32>
        %and3A_1276 = arith.constant 15 : i32
        %and3A_1277 = vector.broadcast %and3A_1276 : i32 to vector<16xi32>
        %and3A_1278 = arith.andi %add3A_1275, %and3A_1277 : vector<16xi32>
        %broadcast_in_dim3A_1279 = vector.shape_cast %and3A_1278 : vector<16xi32> to vector<16x1xi32>
        %gather3A_1280 = vector.shape_cast %broadcast_in_dim3A_1279 : vector<16x1xi32> to vector<16xi32>
        %gather3A_1281 = tpu.dynamic_gather %add3A_1228[%gather3A_1280] in [0] : vector<16xf32>, vector<16xi32> -> vector<16xf32>
        %add3A_1282 = arith.addf %add3A_1228, %gather3A_1281 : vector<16xf32>
        %add3A_1283 = arith.constant 4 : i32
        %add3A_1284 = vector.broadcast %add3A_1283 : i32 to vector<16xi32>
        %add3A_1285 = arith.addi %iota3A, %add3A_1284 : vector<16xi32>
        %and3A_1286 = arith.constant 15 : i32
        %and3A_1287 = vector.broadcast %and3A_1286 : i32 to vector<16xi32>
        %and3A_1288 = arith.andi %add3A_1285, %and3A_1287 : vector<16xi32>
        %broadcast_in_dim3A_1289 = vector.shape_cast %and3A_1288 : vector<16xi32> to vector<16x1xi32>
        %gather3A_1290 = vector.shape_cast %broadcast_in_dim3A_1289 : vector<16x1xi32> to vector<16xi32>
        %gather3A_1291 = tpu.dynamic_gather %add3A_1282[%gather3A_1290] in [0] : vector<16xf32>, vector<16xi32> -> vector<16xf32>
        %add3A_1292 = arith.addf %add3A_1282, %gather3A_1291 : vector<16xf32>
        %add3A_1293 = arith.constant 2 : i32
        %add3A_1294 = vector.broadcast %add3A_1293 : i32 to vector<16xi32>
        %add3A_1295 = arith.addi %iota3A, %add3A_1294 : vector<16xi32>
        %and3A_1296 = arith.constant 15 : i32
        %and3A_1297 = vector.broadcast %and3A_1296 : i32 to vector<16xi32>
        %and3A_1298 = arith.andi %add3A_1295, %and3A_1297 : vector<16xi32>
        %broadcast_in_dim3A_1299 = vector.shape_cast %and3A_1298 : vector<16xi32> to vector<16x1xi32>
        %gather3A_1300 = vector.shape_cast %broadcast_in_dim3A_1299 : vector<16x1xi32> to vector<16xi32>
        %gather3A_1301 = tpu.dynamic_gather %add3A_1292[%gather3A_1300] in [0] : vector<16xf32>, vector<16xi32> -> vector<16xf32>
        %add3A_1302 = arith.addf %add3A_1292, %gather3A_1301 : vector<16xf32>
        %add3A_1303 = arith.constant 1 : i32
        %add3A_1304 = vector.broadcast %add3A_1303 : i32 to vector<16xi32>
        %add3A_1305 = arith.addi %iota3A, %add3A_1304 : vector<16xi32>
        %and3A_1306 = arith.constant 15 : i32
        %and3A_1307 = vector.broadcast %and3A_1306 : i32 to vector<16xi32>
        %and3A_1308 = arith.andi %add3A_1305, %and3A_1307 : vector<16xi32>
        %broadcast_in_dim3A_1309 = vector.shape_cast %and3A_1308 : vector<16xi32> to vector<16x1xi32>
        %gather3A_1310 = vector.shape_cast %broadcast_in_dim3A_1309 : vector<16x1xi32> to vector<16xi32>
        %gather3A_1311 = tpu.dynamic_gather %add3A_1302[%gather3A_1310] in [0] : vector<16xf32>, vector<16xi32> -> vector<16xf32>
        %add3A_1312 = arith.addf %add3A_1302, %gather3A_1311 : vector<16xf32>
        %select_n3A_1313 = arith.select %eq3A_1231, %add3A_1312, %select_n3A_1212 : vector<16xi1>, vector<16xf32>
        %add3A_1314 = arith.constant 1000 : i32
        %add3A_1315 = arith.addi %mul3A_1006, %add3A_1314 : i32
        %sub3A_1316 = arith.constant 16 : i32
        %sub3A_1317 = arith.subi %add3A_1315, %sub3A_1316 : i32
        %get3A_1318 = arith.index_cast %sub3A_1317 : i32 to index
        %get3A_1319 = tpu.vector_load %arg7[%get3A_1318] {strides = array<i32>} : memref<64000xf32, #tpu.memory_space<vmem>>, vector<16xf32>,
        %exp3A_1320 = math.exp %get3A_1319 : vector<16xf32>
        %jit3A_1321 = arith.constant 0.000000e+00 : f32
        %broadcast_in_dim3A_1322 = vector.broadcast %jit3A_1321 : f32 to vector<16xf32>
        %select_n3A_1323 = arith.select %ge3A_6, %exp3A_1320, %broadcast_in_dim3A_1322 : vector<16xi1>, vector<16xf32>
        %add3A_1324 = arith.addf %parallel_loop3A_1010#6, %select_n3A_1323 : vector<16xf32>
        %mul3A_1325 = arith.mulf %get3A_1319, %exp3A_1320 : vector<16xf32>
        %jit3A_1326 = arith.constant 0.000000e+00 : f32
        %broadcast_in_dim3A_1327 = vector.broadcast %jit3A_1326 : f32 to vector<16xf32>
        %select_n3A_1328 = arith.select %ge3A_6, %mul3A_1325, %broadcast_in_dim3A_1327 : vector<16xi1>, vector<16xf32>
        %add3A_1329 = arith.addf %parallel_loop3A_1010#7, %select_n3A_1328 : vector<16xf32>
        %eq3A_1330 = arith.constant 11 : i32
        %eq3A_1331 = vector.broadcast %eq3A_1330 : i32 to vector<16xi32>
        %eq3A_1332 = arith.cmpi eq, %iota3A, %eq3A_1331 : vector<16xi32>
        %add3A_1333 = arith.constant 8 : i32
        %add3A_1334 = vector.broadcast %add3A_1333 : i32 to vector<16xi32>
        %add3A_1335 = arith.addi %iota3A, %add3A_1334 : vector<16xi32>
        %and3A_1336 = arith.constant 15 : i32
        %and3A_1337 = vector.broadcast %and3A_1336 : i32 to vector<16xi32>
        %and3A_1338 = arith.andi %add3A_1335, %and3A_1337 : vector<16xi32>
        %broadcast_in_dim3A_1339 = vector.shape_cast %and3A_1338 : vector<16xi32> to vector<16x1xi32>
        %gather3A_1340 = vector.shape_cast %broadcast_in_dim3A_1339 : vector<16x1xi32> to vector<16xi32>
        %gather3A_1341 = tpu.dynamic_gather %add3A_1324[%gather3A_1340] in [0] : vector<16xf32>, vector<16xi32> -> vector<16xf32>
        %add3A_1342 = arith.addf %add3A_1324, %gather3A_1341 : vector<16xf32>
        %add3A_1343 = arith.constant 4 : i32
        %add3A_1344 = vector.broadcast %add3A_1343 : i32 to vector<16xi32>
        %add3A_1345 = arith.addi %iota3A, %add3A_1344 : vector<16xi32>
        %and3A_1346 = arith.constant 15 : i32
        %and3A_1347 = vector.broadcast %and3A_1346 : i32 to vector<16xi32>
        %and3A_1348 = arith.andi %add3A_1345, %and3A_1347 : vector<16xi32>
        %broadcast_in_dim3A_1349 = vector.shape_cast %and3A_1348 : vector<16xi32> to vector<16x1xi32>
        %gather3A_1350 = vector.shape_cast %broadcast_in_dim3A_1349 : vector<16x1xi32> to vector<16xi32>
        %gather3A_1351 = tpu.dynamic_gather %add3A_1342[%gather3A_1350] in [0] : vector<16xf32>, vector<16xi32> -> vector<16xf32>
        %add3A_1352 = arith.addf %add3A_1342, %gather3A_1351 : vector<16xf32>
        %add3A_1353 = arith.constant 2 : i32
        %add3A_1354 = vector.broadcast %add3A_1353 : i32 to vector<16xi32>
        %add3A_1355 = arith.addi %iota3A, %add3A_1354 : vector<16xi32>
        %and3A_1356 = arith.constant 15 : i32
        %and3A_1357 = vector.broadcast %and3A_1356 : i32 to vector<16xi32>
        %and3A_1358 = arith.andi %add3A_1355, %and3A_1357 : vector<16xi32>
        %broadcast_in_dim3A_1359 = vector.shape_cast %and3A_1358 : vector<16xi32> to vector<16x1xi32>
        %gather3A_1360 = vector.shape_cast %broadcast_in_dim3A_1359 : vector<16x1xi32> to vector<16xi32>
        %gather3A_1361 = tpu.dynamic_gather %add3A_1352[%gather3A_1360] in [0] : vector<16xf32>, vector<16xi32> -> vector<16xf32>
        %add3A_1362 = arith.addf %add3A_1352, %gather3A_1361 : vector<16xf32>
        %add3A_1363 = arith.constant 1 : i32
        %add3A_1364 = vector.broadcast %add3A_1363 : i32 to vector<16xi32>
        %add3A_1365 = arith.addi %iota3A, %add3A_1364 : vector<16xi32>
        %and3A_1366 = arith.constant 15 : i32
        %and3A_1367 = vector.broadcast %and3A_1366 : i32 to vector<16xi32>
        %and3A_1368 = arith.andi %add3A_1365, %and3A_1367 : vector<16xi32>
        %broadcast_in_dim3A_1369 = vector.shape_cast %and3A_1368 : vector<16xi32> to vector<16x1xi32>
        %gather3A_1370 = vector.shape_cast %broadcast_in_dim3A_1369 : vector<16x1xi32> to vector<16xi32>
        %gather3A_1371 = tpu.dynamic_gather %add3A_1362[%gather3A_1370] in [0] : vector<16xf32>, vector<16xi32> -> vector<16xf32>
        %add3A_1372 = arith.addf %add3A_1362, %gather3A_1371 : vector<16xf32>
        %select_n3A_1373 = arith.select %eq3A_1332, %add3A_1372, %select_n3A_1272 : vector<16xi1>, vector<16xf32>
        %add3A_1374 = arith.constant 8 : i32
        %add3A_1375 = vector.broadcast %add3A_1374 : i32 to vector<16xi32>
        %add3A_1376 = arith.addi %iota3A, %add3A_1375 : vector<16xi32>
        %and3A_1377 = arith.constant 15 : i32
        %and3A_1378 = vector.broadcast %and3A_1377 : i32 to vector<16xi32>
        %and3A_1379 = arith.andi %add3A_1376, %and3A_1378 : vector<16xi32>
        %broadcast_in_dim3A_1380 = vector.shape_cast %and3A_1379 : vector<16xi32> to vector<16x1xi32>
        %gather3A_1381 = vector.shape_cast %broadcast_in_dim3A_1380 : vector<16x1xi32> to vector<16xi32>
        %gather3A_1382 = tpu.dynamic_gather %add3A_1329[%gather3A_1381] in [0] : vector<16xf32>, vector<16xi32> -> vector<16xf32>
        %add3A_1383 = arith.addf %add3A_1329, %gather3A_1382 : vector<16xf32>
        %add3A_1384 = arith.constant 4 : i32
        %add3A_1385 = vector.broadcast %add3A_1384 : i32 to vector<16xi32>
        %add3A_1386 = arith.addi %iota3A, %add3A_1385 : vector<16xi32>
        %and3A_1387 = arith.constant 15 : i32
        %and3A_1388 = vector.broadcast %and3A_1387 : i32 to vector<16xi32>
        %and3A_1389 = arith.andi %add3A_1386, %and3A_1388 : vector<16xi32>
        %broadcast_in_dim3A_1390 = vector.shape_cast %and3A_1389 : vector<16xi32> to vector<16x1xi32>
        %gather3A_1391 = vector.shape_cast %broadcast_in_dim3A_1390 : vector<16x1xi32> to vector<16xi32>
        %gather3A_1392 = tpu.dynamic_gather %add3A_1383[%gather3A_1391] in [0] : vector<16xf32>, vector<16xi32> -> vector<16xf32>
        %add3A_1393 = arith.addf %add3A_1383, %gather3A_1392 : vector<16xf32>
        %add3A_1394 = arith.constant 2 : i32
        %add3A_1395 = vector.broadcast %add3A_1394 : i32 to vector<16xi32>
        %add3A_1396 = arith.addi %iota3A, %add3A_1395 : vector<16xi32>
        %and3A_1397 = arith.constant 15 : i32
        %and3A_1398 = vector.broadcast %and3A_1397 : i32 to vector<16xi32>
        %and3A_1399 = arith.andi %add3A_1396, %and3A_1398 : vector<16xi32>
        %broadcast_in_dim3A_1400 = vector.shape_cast %and3A_1399 : vector<16xi32> to vector<16x1xi32>
        %gather3A_1401 = vector.shape_cast %broadcast_in_dim3A_1400 : vector<16x1xi32> to vector<16xi32>
        %gather3A_1402 = tpu.dynamic_gather %add3A_1393[%gather3A_1401] in [0] : vector<16xf32>, vector<16xi32> -> vector<16xf32>
        %add3A_1403 = arith.addf %add3A_1393, %gather3A_1402 : vector<16xf32>
        %add3A_1404 = arith.constant 1 : i32
        %add3A_1405 = vector.broadcast %add3A_1404 : i32 to vector<16xi32>
        %add3A_1406 = arith.addi %iota3A, %add3A_1405 : vector<16xi32>
        %and3A_1407 = arith.constant 15 : i32
        %and3A_1408 = vector.broadcast %and3A_1407 : i32 to vector<16xi32>
        %and3A_1409 = arith.andi %add3A_1406, %and3A_1408 : vector<16xi32>
        %broadcast_in_dim3A_1410 = vector.shape_cast %and3A_1409 : vector<16xi32> to vector<16x1xi32>
        %gather3A_1411 = vector.shape_cast %broadcast_in_dim3A_1410 : vector<16x1xi32> to vector<16xi32>
        %gather3A_1412 = tpu.dynamic_gather %add3A_1403[%gather3A_1411] in [0] : vector<16xf32>, vector<16xi32> -> vector<16xf32>
        %add3A_1413 = arith.addf %add3A_1403, %gather3A_1412 : vector<16xf32>
        %select_n3A_1414 = arith.select %eq3A_1332, %add3A_1413, %select_n3A_1313 : vector<16xi1>, vector<16xf32>
        %add3A_1415 = arith.constant 12 : i32
        %add3A_1416 = arith.addi %mul3A_127, %add3A_1415 : i32
        %add3A_1417 = arith.constant 0 : i32
        %add3A_1418 = arith.addi %add3A_1416, %add3A_1417 : i32
        %mul3A_1419 = arith.constant 1000 : i32
        %mul3A_1420 = arith.muli %add3A_1418, %mul3A_1419 : i32
        %add3A_1421 = arith.constant 12 : i32
        %add3A_1422 = arith.addi %mul3A_127, %add3A_1421 : i32
        %add3A_1423 = arith.constant 1 : i32
        %add3A_1424 = arith.addi %add3A_1422, %add3A_1423 : i32
        %mul3A_1425 = arith.constant 1000 : i32
        %mul3A_1426 = arith.muli %add3A_1424, %mul3A_1425 : i32
        %add3A_1427 = arith.constant 12 : i32
        %add3A_1428 = arith.addi %mul3A_127, %add3A_1427 : i32
        %add3A_1429 = arith.constant 2 : i32
        %add3A_1430 = arith.addi %add3A_1428, %add3A_1429 : i32
        %mul3A_1431 = arith.constant 1000 : i32
        %mul3A_1432 = arith.muli %add3A_1430, %mul3A_1431 : i32
        %add3A_1433 = arith.constant 12 : i32
        %add3A_1434 = arith.addi %mul3A_127, %add3A_1433 : i32
        %add3A_1435 = arith.constant 3 : i32
        %add3A_1436 = arith.addi %add3A_1434, %add3A_1435 : i32
        %mul3A_1437 = arith.constant 1000 : i32
        %mul3A_1438 = arith.muli %add3A_1436, %mul3A_1437 : i32
        %parallel_loop3A_1439 = arith.constant 0 : i32
        %parallel_loop3A_1440 = arith.constant 62 : i32
        %parallel_loop3A_1441 = arith.constant 1 : i32
        %parallel_loop3A_1442:8 = scf.for %parallel_loop3A_1862 = %parallel_loop3A_1439 to %parallel_loop3A_1440 step %parallel_loop3A_1441 iter_args(%parallel_loop3A_1863 = %broadcast_in_dim3A_7, %parallel_loop3A_1864 = %broadcast_in_dim3A_7, %parallel_loop3A_1865 = %broadcast_in_dim3A_7, %parallel_loop3A_1866 = %broadcast_in_dim3A_7, %parallel_loop3A_1867 = %broadcast_in_dim3A_7, %parallel_loop3A_1868 = %broadcast_in_dim3A_7, %parallel_loop3A_1869 = %broadcast_in_dim3A_7, %parallel_loop3A_1870 = %broadcast_in_dim3A_7) -> (vector<16xf32>, vector<16xf32>, vector<16xf32>, vector<16xf32>, vector<16xf32>, vector<16xf32>, vector<16xf32>, vector<16xf32>)  : i32 {
          %parallel_loop3A_1871 = arith.constant 16 : i32
          %parallel_loop3A_1872 = arith.muli %parallel_loop3A_1862, %parallel_loop3A_1871 : i32
          %parallel_loop3A_1873 = arith.addi %mul3A_1420, %parallel_loop3A_1872 : i32
          %parallel_loop3A_1874 = arith.index_cast %parallel_loop3A_1873 : i32 to index
          %parallel_loop3A_1875 = tpu.vector_load %arg7[%parallel_loop3A_1874] {strides = array<i32>} : memref<64000xf32, #tpu.memory_space<vmem>>, vector<16xf32>,
          %parallel_loop3A_1876 = math.exp %parallel_loop3A_1875 : vector<16xf32>
          %parallel_loop3A_1877 = arith.addf %parallel_loop3A_1863, %parallel_loop3A_1876 : vector<16xf32>
          %parallel_loop3A_1878 = arith.mulf %parallel_loop3A_1875, %parallel_loop3A_1876 : vector<16xf32>
          %parallel_loop3A_1879 = arith.addf %parallel_loop3A_1864, %parallel_loop3A_1878 : vector<16xf32>
          %parallel_loop3A_1880 = arith.constant 16 : i32
          %parallel_loop3A_1881 = arith.muli %parallel_loop3A_1862, %parallel_loop3A_1880 : i32
          %parallel_loop3A_1882 = arith.addi %mul3A_1426, %parallel_loop3A_1881 : i32
          %parallel_loop3A_1883 = arith.index_cast %parallel_loop3A_1882 : i32 to index
          %parallel_loop3A_1884 = tpu.vector_load %arg7[%parallel_loop3A_1883] {strides = array<i32>} : memref<64000xf32, #tpu.memory_space<vmem>>, vector<16xf32>,
          %parallel_loop3A_1885 = math.exp %parallel_loop3A_1884 : vector<16xf32>
          %parallel_loop3A_1886 = arith.addf %parallel_loop3A_1865, %parallel_loop3A_1885 : vector<16xf32>
          %parallel_loop3A_1887 = arith.mulf %parallel_loop3A_1884, %parallel_loop3A_1885 : vector<16xf32>
          %parallel_loop3A_1888 = arith.addf %parallel_loop3A_1866, %parallel_loop3A_1887 : vector<16xf32>
          %parallel_loop3A_1889 = arith.constant 16 : i32
          %parallel_loop3A_1890 = arith.muli %parallel_loop3A_1862, %parallel_loop3A_1889 : i32
          %parallel_loop3A_1891 = arith.addi %mul3A_1432, %parallel_loop3A_1890 : i32
          %parallel_loop3A_1892 = arith.index_cast %parallel_loop3A_1891 : i32 to index
          %parallel_loop3A_1893 = tpu.vector_load %arg7[%parallel_loop3A_1892] {strides = array<i32>} : memref<64000xf32, #tpu.memory_space<vmem>>, vector<16xf32>,
          %parallel_loop3A_1894 = math.exp %parallel_loop3A_1893 : vector<16xf32>
          %parallel_loop3A_1895 = arith.addf %parallel_loop3A_1867, %parallel_loop3A_1894 : vector<16xf32>
          %parallel_loop3A_1896 = arith.mulf %parallel_loop3A_1893, %parallel_loop3A_1894 : vector<16xf32>
          %parallel_loop3A_1897 = arith.addf %parallel_loop3A_1868, %parallel_loop3A_1896 : vector<16xf32>
          %parallel_loop3A_1898 = arith.constant 16 : i32
          %parallel_loop3A_1899 = arith.muli %parallel_loop3A_1862, %parallel_loop3A_1898 : i32
          %parallel_loop3A_1900 = arith.addi %mul3A_1438, %parallel_loop3A_1899 : i32
          %parallel_loop3A_1901 = arith.index_cast %parallel_loop3A_1900 : i32 to index
          %parallel_loop3A_1902 = tpu.vector_load %arg7[%parallel_loop3A_1901] {strides = array<i32>} : memref<64000xf32, #tpu.memory_space<vmem>>, vector<16xf32>,
          %parallel_loop3A_1903 = math.exp %parallel_loop3A_1902 : vector<16xf32>
          %parallel_loop3A_1904 = arith.addf %parallel_loop3A_1869, %parallel_loop3A_1903 : vector<16xf32>
          %parallel_loop3A_1905 = arith.mulf %parallel_loop3A_1902, %parallel_loop3A_1903 : vector<16xf32>
          %parallel_loop3A_1906 = arith.addf %parallel_loop3A_1870, %parallel_loop3A_1905 : vector<16xf32>
          scf.yield %parallel_loop3A_1877, %parallel_loop3A_1879, %parallel_loop3A_1886, %parallel_loop3A_1888, %parallel_loop3A_1895, %parallel_loop3A_1897, %parallel_loop3A_1904, %parallel_loop3A_1906 : vector<16xf32>, vector<16xf32>, vector<16xf32>, vector<16xf32>, vector<16xf32>, vector<16xf32>, vector<16xf32>, vector<16xf32>
        } {sc.loop_unroll_factor = 2 : i64, sc.parallel_access}
        %add3A_1443 = arith.constant 1000 : i32
        %add3A_1444 = arith.addi %mul3A_1420, %add3A_1443 : i32
        %sub3A_1445 = arith.constant 16 : i32
        %sub3A_1446 = arith.subi %add3A_1444, %sub3A_1445 : i32
        %get3A_1447 = arith.index_cast %sub3A_1446 : i32 to index
        %get3A_1448 = tpu.vector_load %arg7[%get3A_1447] {strides = array<i32>} : memref<64000xf32, #tpu.memory_space<vmem>>, vector<16xf32>,
        %exp3A_1449 = math.exp %get3A_1448 : vector<16xf32>
        %jit3A_1450 = arith.constant 0.000000e+00 : f32
        %broadcast_in_dim3A_1451 = vector.broadcast %jit3A_1450 : f32 to vector<16xf32>
        %select_n3A_1452 = arith.select %ge3A_6, %exp3A_1449, %broadcast_in_dim3A_1451 : vector<16xi1>, vector<16xf32>
        %add3A_1453 = arith.addf %parallel_loop3A_1442#0, %select_n3A_1452 : vector<16xf32>
        %mul3A_1454 = arith.mulf %get3A_1448, %exp3A_1449 : vector<16xf32>
        %jit3A_1455 = arith.constant 0.000000e+00 : f32
        %broadcast_in_dim3A_1456 = vector.broadcast %jit3A_1455 : f32 to vector<16xf32>
        %select_n3A_1457 = arith.select %ge3A_6, %mul3A_1454, %broadcast_in_dim3A_1456 : vector<16xi1>, vector<16xf32>
        %add3A_1458 = arith.addf %parallel_loop3A_1442#1, %select_n3A_1457 : vector<16xf32>
        %eq3A_1459 = arith.constant 12 : i32
        %eq3A_1460 = vector.broadcast %eq3A_1459 : i32 to vector<16xi32>
        %eq3A_1461 = arith.cmpi eq, %iota3A, %eq3A_1460 : vector<16xi32>
        %add3A_1462 = arith.constant 8 : i32
        %add3A_1463 = vector.broadcast %add3A_1462 : i32 to vector<16xi32>
        %add3A_1464 = arith.addi %iota3A, %add3A_1463 : vector<16xi32>
        %and3A_1465 = arith.constant 15 : i32
        %and3A_1466 = vector.broadcast %and3A_1465 : i32 to vector<16xi32>
        %and3A_1467 = arith.andi %add3A_1464, %and3A_1466 : vector<16xi32>
        %broadcast_in_dim3A_1468 = vector.shape_cast %and3A_1467 : vector<16xi32> to vector<16x1xi32>
        %gather3A_1469 = vector.shape_cast %broadcast_in_dim3A_1468 : vector<16x1xi32> to vector<16xi32>
        %gather3A_1470 = tpu.dynamic_gather %add3A_1453[%gather3A_1469] in [0] : vector<16xf32>, vector<16xi32> -> vector<16xf32>
        %add3A_1471 = arith.addf %add3A_1453, %gather3A_1470 : vector<16xf32>
        %add3A_1472 = arith.constant 4 : i32
        %add3A_1473 = vector.broadcast %add3A_1472 : i32 to vector<16xi32>
        %add3A_1474 = arith.addi %iota3A, %add3A_1473 : vector<16xi32>
        %and3A_1475 = arith.constant 15 : i32
        %and3A_1476 = vector.broadcast %and3A_1475 : i32 to vector<16xi32>
        %and3A_1477 = arith.andi %add3A_1474, %and3A_1476 : vector<16xi32>
        %broadcast_in_dim3A_1478 = vector.shape_cast %and3A_1477 : vector<16xi32> to vector<16x1xi32>
        %gather3A_1479 = vector.shape_cast %broadcast_in_dim3A_1478 : vector<16x1xi32> to vector<16xi32>
        %gather3A_1480 = tpu.dynamic_gather %add3A_1471[%gather3A_1479] in [0] : vector<16xf32>, vector<16xi32> -> vector<16xf32>
        %add3A_1481 = arith.addf %add3A_1471, %gather3A_1480 : vector<16xf32>
        %add3A_1482 = arith.constant 2 : i32
        %add3A_1483 = vector.broadcast %add3A_1482 : i32 to vector<16xi32>
        %add3A_1484 = arith.addi %iota3A, %add3A_1483 : vector<16xi32>
        %and3A_1485 = arith.constant 15 : i32
        %and3A_1486 = vector.broadcast %and3A_1485 : i32 to vector<16xi32>
        %and3A_1487 = arith.andi %add3A_1484, %and3A_1486 : vector<16xi32>
        %broadcast_in_dim3A_1488 = vector.shape_cast %and3A_1487 : vector<16xi32> to vector<16x1xi32>
        %gather3A_1489 = vector.shape_cast %broadcast_in_dim3A_1488 : vector<16x1xi32> to vector<16xi32>
        %gather3A_1490 = tpu.dynamic_gather %add3A_1481[%gather3A_1489] in [0] : vector<16xf32>, vector<16xi32> -> vector<16xf32>
        %add3A_1491 = arith.addf %add3A_1481, %gather3A_1490 : vector<16xf32>
        %add3A_1492 = arith.constant 1 : i32
        %add3A_1493 = vector.broadcast %add3A_1492 : i32 to vector<16xi32>
        %add3A_1494 = arith.addi %iota3A, %add3A_1493 : vector<16xi32>
        %and3A_1495 = arith.constant 15 : i32
        %and3A_1496 = vector.broadcast %and3A_1495 : i32 to vector<16xi32>
        %and3A_1497 = arith.andi %add3A_1494, %and3A_1496 : vector<16xi32>
        %broadcast_in_dim3A_1498 = vector.shape_cast %and3A_1497 : vector<16xi32> to vector<16x1xi32>
        %gather3A_1499 = vector.shape_cast %broadcast_in_dim3A_1498 : vector<16x1xi32> to vector<16xi32>
        %gather3A_1500 = tpu.dynamic_gather %add3A_1491[%gather3A_1499] in [0] : vector<16xf32>, vector<16xi32> -> vector<16xf32>
        %add3A_1501 = arith.addf %add3A_1491, %gather3A_1500 : vector<16xf32>
        %select_n3A_1502 = arith.select %eq3A_1461, %add3A_1501, %select_n3A_1373 : vector<16xi1>, vector<16xf32>
        %add3A_1503 = arith.constant 8 : i32
        %add3A_1504 = vector.broadcast %add3A_1503 : i32 to vector<16xi32>
        %add3A_1505 = arith.addi %iota3A, %add3A_1504 : vector<16xi32>
        %and3A_1506 = arith.constant 15 : i32
        %and3A_1507 = vector.broadcast %and3A_1506 : i32 to vector<16xi32>
        %and3A_1508 = arith.andi %add3A_1505, %and3A_1507 : vector<16xi32>
        %broadcast_in_dim3A_1509 = vector.shape_cast %and3A_1508 : vector<16xi32> to vector<16x1xi32>
        %gather3A_1510 = vector.shape_cast %broadcast_in_dim3A_1509 : vector<16x1xi32> to vector<16xi32>
        %gather3A_1511 = tpu.dynamic_gather %add3A_1458[%gather3A_1510] in [0] : vector<16xf32>, vector<16xi32> -> vector<16xf32>
        %add3A_1512 = arith.addf %add3A_1458, %gather3A_1511 : vector<16xf32>
        %add3A_1513 = arith.constant 4 : i32
        %add3A_1514 = vector.broadcast %add3A_1513 : i32 to vector<16xi32>
        %add3A_1515 = arith.addi %iota3A, %add3A_1514 : vector<16xi32>
        %and3A_1516 = arith.constant 15 : i32
        %and3A_1517 = vector.broadcast %and3A_1516 : i32 to vector<16xi32>
        %and3A_1518 = arith.andi %add3A_1515, %and3A_1517 : vector<16xi32>
        %broadcast_in_dim3A_1519 = vector.shape_cast %and3A_1518 : vector<16xi32> to vector<16x1xi32>
        %gather3A_1520 = vector.shape_cast %broadcast_in_dim3A_1519 : vector<16x1xi32> to vector<16xi32>
        %gather3A_1521 = tpu.dynamic_gather %add3A_1512[%gather3A_1520] in [0] : vector<16xf32>, vector<16xi32> -> vector<16xf32>
        %add3A_1522 = arith.addf %add3A_1512, %gather3A_1521 : vector<16xf32>
        %add3A_1523 = arith.constant 2 : i32
        %add3A_1524 = vector.broadcast %add3A_1523 : i32 to vector<16xi32>
        %add3A_1525 = arith.addi %iota3A, %add3A_1524 : vector<16xi32>
        %and3A_1526 = arith.constant 15 : i32
        %and3A_1527 = vector.broadcast %and3A_1526 : i32 to vector<16xi32>
        %and3A_1528 = arith.andi %add3A_1525, %and3A_1527 : vector<16xi32>
        %broadcast_in_dim3A_1529 = vector.shape_cast %and3A_1528 : vector<16xi32> to vector<16x1xi32>
        %gather3A_1530 = vector.shape_cast %broadcast_in_dim3A_1529 : vector<16x1xi32> to vector<16xi32>
        %gather3A_1531 = tpu.dynamic_gather %add3A_1522[%gather3A_1530] in [0] : vector<16xf32>, vector<16xi32> -> vector<16xf32>
        %add3A_1532 = arith.addf %add3A_1522, %gather3A_1531 : vector<16xf32>
        %add3A_1533 = arith.constant 1 : i32
        %add3A_1534 = vector.broadcast %add3A_1533 : i32 to vector<16xi32>
        %add3A_1535 = arith.addi %iota3A, %add3A_1534 : vector<16xi32>
        %and3A_1536 = arith.constant 15 : i32
        %and3A_1537 = vector.broadcast %and3A_1536 : i32 to vector<16xi32>
        %and3A_1538 = arith.andi %add3A_1535, %and3A_1537 : vector<16xi32>
        %broadcast_in_dim3A_1539 = vector.shape_cast %and3A_1538 : vector<16xi32> to vector<16x1xi32>
        %gather3A_1540 = vector.shape_cast %broadcast_in_dim3A_1539 : vector<16x1xi32> to vector<16xi32>
        %gather3A_1541 = tpu.dynamic_gather %add3A_1532[%gather3A_1540] in [0] : vector<16xf32>, vector<16xi32> -> vector<16xf32>
        %add3A_1542 = arith.addf %add3A_1532, %gather3A_1541 : vector<16xf32>
        %select_n3A_1543 = arith.select %eq3A_1461, %add3A_1542, %select_n3A_1414 : vector<16xi1>, vector<16xf32>
        %add3A_1544 = arith.constant 1000 : i32
        %add3A_1545 = arith.addi %mul3A_1426, %add3A_1544 : i32
        %sub3A_1546 = arith.constant 16 : i32
        %sub3A_1547 = arith.subi %add3A_1545, %sub3A_1546 : i32
        %get3A_1548 = arith.index_cast %sub3A_1547 : i32 to index
        %get3A_1549 = tpu.vector_load %arg7[%get3A_1548] {strides = array<i32>} : memref<64000xf32, #tpu.memory_space<vmem>>, vector<16xf32>,
        %exp3A_1550 = math.exp %get3A_1549 : vector<16xf32>
        %jit3A_1551 = arith.constant 0.000000e+00 : f32
        %broadcast_in_dim3A_1552 = vector.broadcast %jit3A_1551 : f32 to vector<16xf32>
        %select_n3A_1553 = arith.select %ge3A_6, %exp3A_1550, %broadcast_in_dim3A_1552 : vector<16xi1>, vector<16xf32>
        %add3A_1554 = arith.addf %parallel_loop3A_1442#2, %select_n3A_1553 : vector<16xf32>
        %mul3A_1555 = arith.mulf %get3A_1549, %exp3A_1550 : vector<16xf32>
        %jit3A_1556 = arith.constant 0.000000e+00 : f32
        %broadcast_in_dim3A_1557 = vector.broadcast %jit3A_1556 : f32 to vector<16xf32>
        %select_n3A_1558 = arith.select %ge3A_6, %mul3A_1555, %broadcast_in_dim3A_1557 : vector<16xi1>, vector<16xf32>
        %add3A_1559 = arith.addf %parallel_loop3A_1442#3, %select_n3A_1558 : vector<16xf32>
        %eq3A_1560 = arith.constant 13 : i32
        %eq3A_1561 = vector.broadcast %eq3A_1560 : i32 to vector<16xi32>
        %eq3A_1562 = arith.cmpi eq, %iota3A, %eq3A_1561 : vector<16xi32>
        %add3A_1563 = arith.constant 8 : i32
        %add3A_1564 = vector.broadcast %add3A_1563 : i32 to vector<16xi32>
        %add3A_1565 = arith.addi %iota3A, %add3A_1564 : vector<16xi32>
        %and3A_1566 = arith.constant 15 : i32
        %and3A_1567 = vector.broadcast %and3A_1566 : i32 to vector<16xi32>
        %and3A_1568 = arith.andi %add3A_1565, %and3A_1567 : vector<16xi32>
        %broadcast_in_dim3A_1569 = vector.shape_cast %and3A_1568 : vector<16xi32> to vector<16x1xi32>
        %gather3A_1570 = vector.shape_cast %broadcast_in_dim3A_1569 : vector<16x1xi32> to vector<16xi32>
        %gather3A_1571 = tpu.dynamic_gather %add3A_1554[%gather3A_1570] in [0] : vector<16xf32>, vector<16xi32> -> vector<16xf32>
        %add3A_1572 = arith.addf %add3A_1554, %gather3A_1571 : vector<16xf32>
        %add3A_1573 = arith.constant 4 : i32
        %add3A_1574 = vector.broadcast %add3A_1573 : i32 to vector<16xi32>
        %add3A_1575 = arith.addi %iota3A, %add3A_1574 : vector<16xi32>
        %and3A_1576 = arith.constant 15 : i32
        %and3A_1577 = vector.broadcast %and3A_1576 : i32 to vector<16xi32>
        %and3A_1578 = arith.andi %add3A_1575, %and3A_1577 : vector<16xi32>
        %broadcast_in_dim3A_1579 = vector.shape_cast %and3A_1578 : vector<16xi32> to vector<16x1xi32>
        %gather3A_1580 = vector.shape_cast %broadcast_in_dim3A_1579 : vector<16x1xi32> to vector<16xi32>
        %gather3A_1581 = tpu.dynamic_gather %add3A_1572[%gather3A_1580] in [0] : vector<16xf32>, vector<16xi32> -> vector<16xf32>
        %add3A_1582 = arith.addf %add3A_1572, %gather3A_1581 : vector<16xf32>
        %add3A_1583 = arith.constant 2 : i32
        %add3A_1584 = vector.broadcast %add3A_1583 : i32 to vector<16xi32>
        %add3A_1585 = arith.addi %iota3A, %add3A_1584 : vector<16xi32>
        %and3A_1586 = arith.constant 15 : i32
        %and3A_1587 = vector.broadcast %and3A_1586 : i32 to vector<16xi32>
        %and3A_1588 = arith.andi %add3A_1585, %and3A_1587 : vector<16xi32>
        %broadcast_in_dim3A_1589 = vector.shape_cast %and3A_1588 : vector<16xi32> to vector<16x1xi32>
        %gather3A_1590 = vector.shape_cast %broadcast_in_dim3A_1589 : vector<16x1xi32> to vector<16xi32>
        %gather3A_1591 = tpu.dynamic_gather %add3A_1582[%gather3A_1590] in [0] : vector<16xf32>, vector<16xi32> -> vector<16xf32>
        %add3A_1592 = arith.addf %add3A_1582, %gather3A_1591 : vector<16xf32>
        %add3A_1593 = arith.constant 1 : i32
        %add3A_1594 = vector.broadcast %add3A_1593 : i32 to vector<16xi32>
        %add3A_1595 = arith.addi %iota3A, %add3A_1594 : vector<16xi32>
        %and3A_1596 = arith.constant 15 : i32
        %and3A_1597 = vector.broadcast %and3A_1596 : i32 to vector<16xi32>
        %and3A_1598 = arith.andi %add3A_1595, %and3A_1597 : vector<16xi32>
        %broadcast_in_dim3A_1599 = vector.shape_cast %and3A_1598 : vector<16xi32> to vector<16x1xi32>
        %gather3A_1600 = vector.shape_cast %broadcast_in_dim3A_1599 : vector<16x1xi32> to vector<16xi32>
        %gather3A_1601 = tpu.dynamic_gather %add3A_1592[%gather3A_1600] in [0] : vector<16xf32>, vector<16xi32> -> vector<16xf32>
        %add3A_1602 = arith.addf %add3A_1592, %gather3A_1601 : vector<16xf32>
        %select_n3A_1603 = arith.select %eq3A_1562, %add3A_1602, %select_n3A_1502 : vector<16xi1>, vector<16xf32>
        %add3A_1604 = arith.constant 8 : i32
        %add3A_1605 = vector.broadcast %add3A_1604 : i32 to vector<16xi32>
        %add3A_1606 = arith.addi %iota3A, %add3A_1605 : vector<16xi32>
        %and3A_1607 = arith.constant 15 : i32
        %and3A_1608 = vector.broadcast %and3A_1607 : i32 to vector<16xi32>
        %and3A_1609 = arith.andi %add3A_1606, %and3A_1608 : vector<16xi32>
        %broadcast_in_dim3A_1610 = vector.shape_cast %and3A_1609 : vector<16xi32> to vector<16x1xi32>
        %gather3A_1611 = vector.shape_cast %broadcast_in_dim3A_1610 : vector<16x1xi32> to vector<16xi32>
        %gather3A_1612 = tpu.dynamic_gather %add3A_1559[%gather3A_1611] in [0] : vector<16xf32>, vector<16xi32> -> vector<16xf32>
        %add3A_1613 = arith.addf %add3A_1559, %gather3A_1612 : vector<16xf32>
        %add3A_1614 = arith.constant 4 : i32
        %add3A_1615 = vector.broadcast %add3A_1614 : i32 to vector<16xi32>
        %add3A_1616 = arith.addi %iota3A, %add3A_1615 : vector<16xi32>
        %and3A_1617 = arith.constant 15 : i32
        %and3A_1618 = vector.broadcast %and3A_1617 : i32 to vector<16xi32>
        %and3A_1619 = arith.andi %add3A_1616, %and3A_1618 : vector<16xi32>
        %broadcast_in_dim3A_1620 = vector.shape_cast %and3A_1619 : vector<16xi32> to vector<16x1xi32>
        %gather3A_1621 = vector.shape_cast %broadcast_in_dim3A_1620 : vector<16x1xi32> to vector<16xi32>
        %gather3A_1622 = tpu.dynamic_gather %add3A_1613[%gather3A_1621] in [0] : vector<16xf32>, vector<16xi32> -> vector<16xf32>
        %add3A_1623 = arith.addf %add3A_1613, %gather3A_1622 : vector<16xf32>
        %add3A_1624 = arith.constant 2 : i32
        %add3A_1625 = vector.broadcast %add3A_1624 : i32 to vector<16xi32>
        %add3A_1626 = arith.addi %iota3A, %add3A_1625 : vector<16xi32>
        %and3A_1627 = arith.constant 15 : i32
        %and3A_1628 = vector.broadcast %and3A_1627 : i32 to vector<16xi32>
        %and3A_1629 = arith.andi %add3A_1626, %and3A_1628 : vector<16xi32>
        %broadcast_in_dim3A_1630 = vector.shape_cast %and3A_1629 : vector<16xi32> to vector<16x1xi32>
        %gather3A_1631 = vector.shape_cast %broadcast_in_dim3A_1630 : vector<16x1xi32> to vector<16xi32>
        %gather3A_1632 = tpu.dynamic_gather %add3A_1623[%gather3A_1631] in [0] : vector<16xf32>, vector<16xi32> -> vector<16xf32>
        %add3A_1633 = arith.addf %add3A_1623, %gather3A_1632 : vector<16xf32>
        %add3A_1634 = arith.constant 1 : i32
        %add3A_1635 = vector.broadcast %add3A_1634 : i32 to vector<16xi32>
        %add3A_1636 = arith.addi %iota3A, %add3A_1635 : vector<16xi32>
        %and3A_1637 = arith.constant 15 : i32
        %and3A_1638 = vector.broadcast %and3A_1637 : i32 to vector<16xi32>
        %and3A_1639 = arith.andi %add3A_1636, %and3A_1638 : vector<16xi32>
        %broadcast_in_dim3A_1640 = vector.shape_cast %and3A_1639 : vector<16xi32> to vector<16x1xi32>
        %gather3A_1641 = vector.shape_cast %broadcast_in_dim3A_1640 : vector<16x1xi32> to vector<16xi32>
        %gather3A_1642 = tpu.dynamic_gather %add3A_1633[%gather3A_1641] in [0] : vector<16xf32>, vector<16xi32> -> vector<16xf32>
        %add3A_1643 = arith.addf %add3A_1633, %gather3A_1642 : vector<16xf32>
        %select_n3A_1644 = arith.select %eq3A_1562, %add3A_1643, %select_n3A_1543 : vector<16xi1>, vector<16xf32>
        %add3A_1645 = arith.constant 1000 : i32
        %add3A_1646 = arith.addi %mul3A_1432, %add3A_1645 : i32
        %sub3A_1647 = arith.constant 16 : i32
        %sub3A_1648 = arith.subi %add3A_1646, %sub3A_1647 : i32
        %get3A_1649 = arith.index_cast %sub3A_1648 : i32 to index
        %get3A_1650 = tpu.vector_load %arg7[%get3A_1649] {strides = array<i32>} : memref<64000xf32, #tpu.memory_space<vmem>>, vector<16xf32>,
        %exp3A_1651 = math.exp %get3A_1650 : vector<16xf32>
        %jit3A_1652 = arith.constant 0.000000e+00 : f32
        %broadcast_in_dim3A_1653 = vector.broadcast %jit3A_1652 : f32 to vector<16xf32>
        %select_n3A_1654 = arith.select %ge3A_6, %exp3A_1651, %broadcast_in_dim3A_1653 : vector<16xi1>, vector<16xf32>
        %add3A_1655 = arith.addf %parallel_loop3A_1442#4, %select_n3A_1654 : vector<16xf32>
        %mul3A_1656 = arith.mulf %get3A_1650, %exp3A_1651 : vector<16xf32>
        %jit3A_1657 = arith.constant 0.000000e+00 : f32
        %broadcast_in_dim3A_1658 = vector.broadcast %jit3A_1657 : f32 to vector<16xf32>
        %select_n3A_1659 = arith.select %ge3A_6, %mul3A_1656, %broadcast_in_dim3A_1658 : vector<16xi1>, vector<16xf32>
        %add3A_1660 = arith.addf %parallel_loop3A_1442#5, %select_n3A_1659 : vector<16xf32>
        %eq3A_1661 = arith.constant 14 : i32
        %eq3A_1662 = vector.broadcast %eq3A_1661 : i32 to vector<16xi32>
        %eq3A_1663 = arith.cmpi eq, %iota3A, %eq3A_1662 : vector<16xi32>
        %add3A_1664 = arith.constant 8 : i32
        %add3A_1665 = vector.broadcast %add3A_1664 : i32 to vector<16xi32>
        %add3A_1666 = arith.addi %iota3A, %add3A_1665 : vector<16xi32>
        %and3A_1667 = arith.constant 15 : i32
        %and3A_1668 = vector.broadcast %and3A_1667 : i32 to vector<16xi32>
        %and3A_1669 = arith.andi %add3A_1666, %and3A_1668 : vector<16xi32>
        %broadcast_in_dim3A_1670 = vector.shape_cast %and3A_1669 : vector<16xi32> to vector<16x1xi32>
        %gather3A_1671 = vector.shape_cast %broadcast_in_dim3A_1670 : vector<16x1xi32> to vector<16xi32>
        %gather3A_1672 = tpu.dynamic_gather %add3A_1655[%gather3A_1671] in [0] : vector<16xf32>, vector<16xi32> -> vector<16xf32>
        %add3A_1673 = arith.addf %add3A_1655, %gather3A_1672 : vector<16xf32>
        %add3A_1674 = arith.constant 4 : i32
        %add3A_1675 = vector.broadcast %add3A_1674 : i32 to vector<16xi32>
        %add3A_1676 = arith.addi %iota3A, %add3A_1675 : vector<16xi32>
        %and3A_1677 = arith.constant 15 : i32
        %and3A_1678 = vector.broadcast %and3A_1677 : i32 to vector<16xi32>
        %and3A_1679 = arith.andi %add3A_1676, %and3A_1678 : vector<16xi32>
        %broadcast_in_dim3A_1680 = vector.shape_cast %and3A_1679 : vector<16xi32> to vector<16x1xi32>
        %gather3A_1681 = vector.shape_cast %broadcast_in_dim3A_1680 : vector<16x1xi32> to vector<16xi32>
        %gather3A_1682 = tpu.dynamic_gather %add3A_1673[%gather3A_1681] in [0] : vector<16xf32>, vector<16xi32> -> vector<16xf32>
        %add3A_1683 = arith.addf %add3A_1673, %gather3A_1682 : vector<16xf32>
        %add3A_1684 = arith.constant 2 : i32
        %add3A_1685 = vector.broadcast %add3A_1684 : i32 to vector<16xi32>
        %add3A_1686 = arith.addi %iota3A, %add3A_1685 : vector<16xi32>
        %and3A_1687 = arith.constant 15 : i32
        %and3A_1688 = vector.broadcast %and3A_1687 : i32 to vector<16xi32>
        %and3A_1689 = arith.andi %add3A_1686, %and3A_1688 : vector<16xi32>
        %broadcast_in_dim3A_1690 = vector.shape_cast %and3A_1689 : vector<16xi32> to vector<16x1xi32>
        %gather3A_1691 = vector.shape_cast %broadcast_in_dim3A_1690 : vector<16x1xi32> to vector<16xi32>
        %gather3A_1692 = tpu.dynamic_gather %add3A_1683[%gather3A_1691] in [0] : vector<16xf32>, vector<16xi32> -> vector<16xf32>
        %add3A_1693 = arith.addf %add3A_1683, %gather3A_1692 : vector<16xf32>
        %add3A_1694 = arith.constant 1 : i32
        %add3A_1695 = vector.broadcast %add3A_1694 : i32 to vector<16xi32>
        %add3A_1696 = arith.addi %iota3A, %add3A_1695 : vector<16xi32>
        %and3A_1697 = arith.constant 15 : i32
        %and3A_1698 = vector.broadcast %and3A_1697 : i32 to vector<16xi32>
        %and3A_1699 = arith.andi %add3A_1696, %and3A_1698 : vector<16xi32>
        %broadcast_in_dim3A_1700 = vector.shape_cast %and3A_1699 : vector<16xi32> to vector<16x1xi32>
        %gather3A_1701 = vector.shape_cast %broadcast_in_dim3A_1700 : vector<16x1xi32> to vector<16xi32>
        %gather3A_1702 = tpu.dynamic_gather %add3A_1693[%gather3A_1701] in [0] : vector<16xf32>, vector<16xi32> -> vector<16xf32>
        %add3A_1703 = arith.addf %add3A_1693, %gather3A_1702 : vector<16xf32>
        %select_n3A_1704 = arith.select %eq3A_1663, %add3A_1703, %select_n3A_1603 : vector<16xi1>, vector<16xf32>
        %add3A_1705 = arith.constant 8 : i32
        %add3A_1706 = vector.broadcast %add3A_1705 : i32 to vector<16xi32>
        %add3A_1707 = arith.addi %iota3A, %add3A_1706 : vector<16xi32>
        %and3A_1708 = arith.constant 15 : i32
        %and3A_1709 = vector.broadcast %and3A_1708 : i32 to vector<16xi32>
        %and3A_1710 = arith.andi %add3A_1707, %and3A_1709 : vector<16xi32>
        %broadcast_in_dim3A_1711 = vector.shape_cast %and3A_1710 : vector<16xi32> to vector<16x1xi32>
        %gather3A_1712 = vector.shape_cast %broadcast_in_dim3A_1711 : vector<16x1xi32> to vector<16xi32>
        %gather3A_1713 = tpu.dynamic_gather %add3A_1660[%gather3A_1712] in [0] : vector<16xf32>, vector<16xi32> -> vector<16xf32>
        %add3A_1714 = arith.addf %add3A_1660, %gather3A_1713 : vector<16xf32>
        %add3A_1715 = arith.constant 4 : i32
        %add3A_1716 = vector.broadcast %add3A_1715 : i32 to vector<16xi32>
        %add3A_1717 = arith.addi %iota3A, %add3A_1716 : vector<16xi32>
        %and3A_1718 = arith.constant 15 : i32
        %and3A_1719 = vector.broadcast %and3A_1718 : i32 to vector<16xi32>
        %and3A_1720 = arith.andi %add3A_1717, %and3A_1719 : vector<16xi32>
        %broadcast_in_dim3A_1721 = vector.shape_cast %and3A_1720 : vector<16xi32> to vector<16x1xi32>
        %gather3A_1722 = vector.shape_cast %broadcast_in_dim3A_1721 : vector<16x1xi32> to vector<16xi32>
        %gather3A_1723 = tpu.dynamic_gather %add3A_1714[%gather3A_1722] in [0] : vector<16xf32>, vector<16xi32> -> vector<16xf32>
        %add3A_1724 = arith.addf %add3A_1714, %gather3A_1723 : vector<16xf32>
        %add3A_1725 = arith.constant 2 : i32
        %add3A_1726 = vector.broadcast %add3A_1725 : i32 to vector<16xi32>
        %add3A_1727 = arith.addi %iota3A, %add3A_1726 : vector<16xi32>
        %and3A_1728 = arith.constant 15 : i32
        %and3A_1729 = vector.broadcast %and3A_1728 : i32 to vector<16xi32>
        %and3A_1730 = arith.andi %add3A_1727, %and3A_1729 : vector<16xi32>
        %broadcast_in_dim3A_1731 = vector.shape_cast %and3A_1730 : vector<16xi32> to vector<16x1xi32>
        %gather3A_1732 = vector.shape_cast %broadcast_in_dim3A_1731 : vector<16x1xi32> to vector<16xi32>
        %gather3A_1733 = tpu.dynamic_gather %add3A_1724[%gather3A_1732] in [0] : vector<16xf32>, vector<16xi32> -> vector<16xf32>
        %add3A_1734 = arith.addf %add3A_1724, %gather3A_1733 : vector<16xf32>
        %add3A_1735 = arith.constant 1 : i32
        %add3A_1736 = vector.broadcast %add3A_1735 : i32 to vector<16xi32>
        %add3A_1737 = arith.addi %iota3A, %add3A_1736 : vector<16xi32>
        %and3A_1738 = arith.constant 15 : i32
        %and3A_1739 = vector.broadcast %and3A_1738 : i32 to vector<16xi32>
        %and3A_1740 = arith.andi %add3A_1737, %and3A_1739 : vector<16xi32>
        %broadcast_in_dim3A_1741 = vector.shape_cast %and3A_1740 : vector<16xi32> to vector<16x1xi32>
        %gather3A_1742 = vector.shape_cast %broadcast_in_dim3A_1741 : vector<16x1xi32> to vector<16xi32>
        %gather3A_1743 = tpu.dynamic_gather %add3A_1734[%gather3A_1742] in [0] : vector<16xf32>, vector<16xi32> -> vector<16xf32>
        %add3A_1744 = arith.addf %add3A_1734, %gather3A_1743 : vector<16xf32>
        %select_n3A_1745 = arith.select %eq3A_1663, %add3A_1744, %select_n3A_1644 : vector<16xi1>, vector<16xf32>
        %add3A_1746 = arith.constant 1000 : i32
        %add3A_1747 = arith.addi %mul3A_1438, %add3A_1746 : i32
        %sub3A_1748 = arith.constant 16 : i32
        %sub3A_1749 = arith.subi %add3A_1747, %sub3A_1748 : i32
        %get3A_1750 = arith.index_cast %sub3A_1749 : i32 to index
        %get3A_1751 = tpu.vector_load %arg7[%get3A_1750] {strides = array<i32>} : memref<64000xf32, #tpu.memory_space<vmem>>, vector<16xf32>,
        %exp3A_1752 = math.exp %get3A_1751 : vector<16xf32>
        %jit3A_1753 = arith.constant 0.000000e+00 : f32
        %broadcast_in_dim3A_1754 = vector.broadcast %jit3A_1753 : f32 to vector<16xf32>
        %select_n3A_1755 = arith.select %ge3A_6, %exp3A_1752, %broadcast_in_dim3A_1754 : vector<16xi1>, vector<16xf32>
        %add3A_1756 = arith.addf %parallel_loop3A_1442#6, %select_n3A_1755 : vector<16xf32>
        %mul3A_1757 = arith.mulf %get3A_1751, %exp3A_1752 : vector<16xf32>
        %jit3A_1758 = arith.constant 0.000000e+00 : f32
        %broadcast_in_dim3A_1759 = vector.broadcast %jit3A_1758 : f32 to vector<16xf32>
        %select_n3A_1760 = arith.select %ge3A_6, %mul3A_1757, %broadcast_in_dim3A_1759 : vector<16xi1>, vector<16xf32>
        %add3A_1761 = arith.addf %parallel_loop3A_1442#7, %select_n3A_1760 : vector<16xf32>
        %eq3A_1762 = arith.constant 15 : i32
        %eq3A_1763 = vector.broadcast %eq3A_1762 : i32 to vector<16xi32>
        %eq3A_1764 = arith.cmpi eq, %iota3A, %eq3A_1763 : vector<16xi32>
        %add3A_1765 = arith.constant 8 : i32
        %add3A_1766 = vector.broadcast %add3A_1765 : i32 to vector<16xi32>
        %add3A_1767 = arith.addi %iota3A, %add3A_1766 : vector<16xi32>
        %and3A_1768 = arith.constant 15 : i32
        %and3A_1769 = vector.broadcast %and3A_1768 : i32 to vector<16xi32>
        %and3A_1770 = arith.andi %add3A_1767, %and3A_1769 : vector<16xi32>
        %broadcast_in_dim3A_1771 = vector.shape_cast %and3A_1770 : vector<16xi32> to vector<16x1xi32>
        %gather3A_1772 = vector.shape_cast %broadcast_in_dim3A_1771 : vector<16x1xi32> to vector<16xi32>
        %gather3A_1773 = tpu.dynamic_gather %add3A_1756[%gather3A_1772] in [0] : vector<16xf32>, vector<16xi32> -> vector<16xf32>
        %add3A_1774 = arith.addf %add3A_1756, %gather3A_1773 : vector<16xf32>
        %add3A_1775 = arith.constant 4 : i32
        %add3A_1776 = vector.broadcast %add3A_1775 : i32 to vector<16xi32>
        %add3A_1777 = arith.addi %iota3A, %add3A_1776 : vector<16xi32>
        %and3A_1778 = arith.constant 15 : i32
        %and3A_1779 = vector.broadcast %and3A_1778 : i32 to vector<16xi32>
        %and3A_1780 = arith.andi %add3A_1777, %and3A_1779 : vector<16xi32>
        %broadcast_in_dim3A_1781 = vector.shape_cast %and3A_1780 : vector<16xi32> to vector<16x1xi32>
        %gather3A_1782 = vector.shape_cast %broadcast_in_dim3A_1781 : vector<16x1xi32> to vector<16xi32>
        %gather3A_1783 = tpu.dynamic_gather %add3A_1774[%gather3A_1782] in [0] : vector<16xf32>, vector<16xi32> -> vector<16xf32>
        %add3A_1784 = arith.addf %add3A_1774, %gather3A_1783 : vector<16xf32>
        %add3A_1785 = arith.constant 2 : i32
        %add3A_1786 = vector.broadcast %add3A_1785 : i32 to vector<16xi32>
        %add3A_1787 = arith.addi %iota3A, %add3A_1786 : vector<16xi32>
        %and3A_1788 = arith.constant 15 : i32
        %and3A_1789 = vector.broadcast %and3A_1788 : i32 to vector<16xi32>
        %and3A_1790 = arith.andi %add3A_1787, %and3A_1789 : vector<16xi32>
        %broadcast_in_dim3A_1791 = vector.shape_cast %and3A_1790 : vector<16xi32> to vector<16x1xi32>
        %gather3A_1792 = vector.shape_cast %broadcast_in_dim3A_1791 : vector<16x1xi32> to vector<16xi32>
        %gather3A_1793 = tpu.dynamic_gather %add3A_1784[%gather3A_1792] in [0] : vector<16xf32>, vector<16xi32> -> vector<16xf32>
        %add3A_1794 = arith.addf %add3A_1784, %gather3A_1793 : vector<16xf32>
        %add3A_1795 = arith.constant 1 : i32
        %add3A_1796 = vector.broadcast %add3A_1795 : i32 to vector<16xi32>
        %add3A_1797 = arith.addi %iota3A, %add3A_1796 : vector<16xi32>
        %and3A_1798 = arith.constant 15 : i32
        %and3A_1799 = vector.broadcast %and3A_1798 : i32 to vector<16xi32>
        %and3A_1800 = arith.andi %add3A_1797, %and3A_1799 : vector<16xi32>
        %broadcast_in_dim3A_1801 = vector.shape_cast %and3A_1800 : vector<16xi32> to vector<16x1xi32>
        %gather3A_1802 = vector.shape_cast %broadcast_in_dim3A_1801 : vector<16x1xi32> to vector<16xi32>
        %gather3A_1803 = tpu.dynamic_gather %add3A_1794[%gather3A_1802] in [0] : vector<16xf32>, vector<16xi32> -> vector<16xf32>
        %add3A_1804 = arith.addf %add3A_1794, %gather3A_1803 : vector<16xf32>
        %select_n3A_1805 = arith.select %eq3A_1764, %add3A_1804, %select_n3A_1704 : vector<16xi1>, vector<16xf32>
        %add3A_1806 = arith.constant 8 : i32
        %add3A_1807 = vector.broadcast %add3A_1806 : i32 to vector<16xi32>
        %add3A_1808 = arith.addi %iota3A, %add3A_1807 : vector<16xi32>
        %and3A_1809 = arith.constant 15 : i32
        %and3A_1810 = vector.broadcast %and3A_1809 : i32 to vector<16xi32>
        %and3A_1811 = arith.andi %add3A_1808, %and3A_1810 : vector<16xi32>
        %broadcast_in_dim3A_1812 = vector.shape_cast %and3A_1811 : vector<16xi32> to vector<16x1xi32>
        %gather3A_1813 = vector.shape_cast %broadcast_in_dim3A_1812 : vector<16x1xi32> to vector<16xi32>
        %gather3A_1814 = tpu.dynamic_gather %add3A_1761[%gather3A_1813] in [0] : vector<16xf32>, vector<16xi32> -> vector<16xf32>
        %add3A_1815 = arith.addf %add3A_1761, %gather3A_1814 : vector<16xf32>
        %add3A_1816 = arith.constant 4 : i32
        %add3A_1817 = vector.broadcast %add3A_1816 : i32 to vector<16xi32>
        %add3A_1818 = arith.addi %iota3A, %add3A_1817 : vector<16xi32>
        %and3A_1819 = arith.constant 15 : i32
        %and3A_1820 = vector.broadcast %and3A_1819 : i32 to vector<16xi32>
        %and3A_1821 = arith.andi %add3A_1818, %and3A_1820 : vector<16xi32>
        %broadcast_in_dim3A_1822 = vector.shape_cast %and3A_1821 : vector<16xi32> to vector<16x1xi32>
        %gather3A_1823 = vector.shape_cast %broadcast_in_dim3A_1822 : vector<16x1xi32> to vector<16xi32>
        %gather3A_1824 = tpu.dynamic_gather %add3A_1815[%gather3A_1823] in [0] : vector<16xf32>, vector<16xi32> -> vector<16xf32>
        %add3A_1825 = arith.addf %add3A_1815, %gather3A_1824 : vector<16xf32>
        %add3A_1826 = arith.constant 2 : i32
        %add3A_1827 = vector.broadcast %add3A_1826 : i32 to vector<16xi32>
        %add3A_1828 = arith.addi %iota3A, %add3A_1827 : vector<16xi32>
        %and3A_1829 = arith.constant 15 : i32
        %and3A_1830 = vector.broadcast %and3A_1829 : i32 to vector<16xi32>
        %and3A_1831 = arith.andi %add3A_1828, %and3A_1830 : vector<16xi32>
        %broadcast_in_dim3A_1832 = vector.shape_cast %and3A_1831 : vector<16xi32> to vector<16x1xi32>
        %gather3A_1833 = vector.shape_cast %broadcast_in_dim3A_1832 : vector<16x1xi32> to vector<16xi32>
        %gather3A_1834 = tpu.dynamic_gather %add3A_1825[%gather3A_1833] in [0] : vector<16xf32>, vector<16xi32> -> vector<16xf32>
        %add3A_1835 = arith.addf %add3A_1825, %gather3A_1834 : vector<16xf32>
        %add3A_1836 = arith.constant 1 : i32
        %add3A_1837 = vector.broadcast %add3A_1836 : i32 to vector<16xi32>
        %add3A_1838 = arith.addi %iota3A, %add3A_1837 : vector<16xi32>
        %and3A_1839 = arith.constant 15 : i32
        %and3A_1840 = vector.broadcast %and3A_1839 : i32 to vector<16xi32>
        %and3A_1841 = arith.andi %add3A_1838, %and3A_1840 : vector<16xi32>
        %broadcast_in_dim3A_1842 = vector.shape_cast %and3A_1841 : vector<16xi32> to vector<16x1xi32>
        %gather3A_1843 = vector.shape_cast %broadcast_in_dim3A_1842 : vector<16x1xi32> to vector<16xi32>
        %gather3A_1844 = tpu.dynamic_gather %add3A_1835[%gather3A_1843] in [0] : vector<16xf32>, vector<16xi32> -> vector<16xf32>
        %add3A_1845 = arith.addf %add3A_1835, %gather3A_1844 : vector<16xf32>
        %select_n3A_1846 = arith.select %eq3A_1764, %add3A_1845, %select_n3A_1745 : vector<16xi1>, vector<16xf32>
        %get3A_1847 = arith.index_cast %mul3A_127 : i32 to index
        %get3A_1848 = tpu.vector_load %arg9[%get3A_1847] {strides = array<i32>} : memref<64xi32, #tpu.memory_space<vmem>>, vector<16xi32>,
        %add3A_1849 = vector.broadcast %mul3A_127 : i32 to vector<16xi32>
        %add3A_1850 = arith.addi %add3A_1849, %iota3A : vector<16xi32>
        %mul3A_1851 = arith.constant 1000 : i32
        %mul3A_1852 = vector.broadcast %mul3A_1851 : i32 to vector<16xi32>
        %mul3A_1853 = arith.muli %add3A_1850, %mul3A_1852 : vector<16xi32>
        %add3A_1854 = arith.addi %mul3A_1853, %get3A_1848 : vector<16xi32>
        %gather3A_1855 = tpu.vector_load_idx %arg7[%add3A_1854] : memref<64000xf32, #tpu.memory_space<vmem>>[vector<16xi32>], vector<16xf32>,
        %swap3A = arith.index_cast %mul3A_127 : i32 to index
        %swap3A_1856 = tpu.vector_load %arg11[%swap3A] {strides = array<i32>} : memref<64xf32, #tpu.memory_space<vmem>>, vector<16xf32>,
        tpu.vector_store %arg11[%swap3A], %select_n3A_1805 {strides = array<i32>} : memref<64xf32, #tpu.memory_space<vmem>>, vector<16xf32>,
        %swap3A_1857 = arith.index_cast %mul3A_127 : i32 to index
        %swap3A_1858 = tpu.vector_load %arg13[%swap3A_1857] {strides = array<i32>} : memref<64xf32, #tpu.memory_space<vmem>>, vector<16xf32>,
        tpu.vector_store %arg13[%swap3A_1857], %select_n3A_1846 {strides = array<i32>} : memref<64xf32, #tpu.memory_space<vmem>>, vector<16xf32>,
        %swap3A_1859 = arith.index_cast %mul3A_127 : i32 to index
        %swap3A_1860 = tpu.vector_load %arg15[%swap3A_1859] {strides = array<i32>} : memref<64xf32, #tpu.memory_space<vmem>>, vector<16xf32>,
        tpu.vector_store %arg15[%swap3A_1859], %gather3A_1855 {strides = array<i32>} : memref<64xf32, #tpu.memory_space<vmem>>, vector<16xf32>,
        %scan3A_1861 = arith.constant 0 : i32
        scf.yield %scan3A_1861 : i32
      }
      %scan3A_67 = arith.constant 4 : i32
      %mul3A_68 = arith.constant 64 : i32
      %mul3A_69 = arith.muli %add3A_49, %mul3A_68 : i32
      %add3A_70 = arith.addi %mul3A_2, %mul3A_69 : i32
      %dma_start3A_71 = tpu.memref_slice %arg4[%add3A_70] : memref<65536xf32, #tpu.memory_space<hbm>> -> memref<64xf32, #tpu.memory_space<hbm>>
      %dma_start3A_72 = tpu.memref_slice %arg4[%add3A_70] : memref<65536xf32, #tpu.memory_space<hbm>> -> memref<64xf32, #tpu.memory_space<hbm>>
      tpu.enqueue_dma source(%arg11 : memref<64xf32, #tpu.memory_space<vmem>>) target(%dma_start3A_72 : memref<64xf32, #tpu.memory_space<hbm>>) target_semaphore(%arg19 : memref<!tpu.dma_semaphore, #tpu.memory_space<semaphore_mem>>)
      %dma_start3A_73 = tpu.memref_slice %arg5[%add3A_70] : memref<65536xf32, #tpu.memory_space<hbm>> -> memref<64xf32, #tpu.memory_space<hbm>>
      %dma_start3A_74 = tpu.memref_slice %arg5[%add3A_70] : memref<65536xf32, #tpu.memory_space<hbm>> -> memref<64xf32, #tpu.memory_space<hbm>>
      tpu.enqueue_dma source(%arg13 : memref<64xf32, #tpu.memory_space<vmem>>) target(%dma_start3A_74 : memref<64xf32, #tpu.memory_space<hbm>>) target_semaphore(%arg19 : memref<!tpu.dma_semaphore, #tpu.memory_space<semaphore_mem>>)
      %dma_start3A_75 = tpu.memref_slice %arg6[%add3A_70] : memref<65536xf32, #tpu.memory_space<hbm>> -> memref<64xf32, #tpu.memory_space<hbm>>
      %dma_start3A_76 = tpu.memref_slice %arg6[%add3A_70] : memref<65536xf32, #tpu.memory_space<hbm>> -> memref<64xf32, #tpu.memory_space<hbm>>
      tpu.enqueue_dma source(%arg15 : memref<64xf32, #tpu.memory_space<vmem>>) target(%dma_start3A_76 : memref<64xf32, #tpu.memory_space<hbm>>) target_semaphore(%arg19 : memref<!tpu.dma_semaphore, #tpu.memory_space<semaphore_mem>>)
      %add3A_77 = arith.constant 2 : i32
      %add3A_78 = arith.addi %add3A_49, %add3A_77 : i32
      %lt3A = arith.constant 32 : i32
      %lt3A_79 = arith.cmpi slt, %add3A_78, %lt3A : i32
      %convert_element_type3A_80 = arith.extui %lt3A_79 : i1 to i32
      %cond3A_81 = arith.constant 0 : i32
      %cond3A_82 = arith.cmpi ne, %convert_element_type3A_80, %cond3A_81 : i32
      scf.if %cond3A_82 {
        %add3A_124 = arith.constant 2 : i32
        %add3A_125 = arith.addi %add3A_49, %add3A_124 : i32
        %mul3A_126 = arith.constant 64 : i32
        %mul3A_127 = arith.muli %add3A_125, %mul3A_126 : i32
        %add3A_128 = arith.addi %add3A_4, %mul3A_127 : i32
        %mul3A_129 = arith.constant 1000 : i32
        %mul3A_130 = arith.muli %add3A_128, %mul3A_129 : i32
        %dma_start3A_131 = tpu.memref_slice %arg2[%mul3A_130] : memref<65536000xf32, #tpu.memory_space<hbm>> -> memref<64000xf32, #tpu.memory_space<hbm>>
        %dma_start3A_132 = tpu.memref_slice %arg2[%mul3A_130] : memref<65536000xf32, #tpu.memory_space<hbm>> -> memref<64000xf32, #tpu.memory_space<hbm>>
        tpu.enqueue_dma source(%dma_start3A_132 : memref<64000xf32, #tpu.memory_space<hbm>>) target(%arg7 : memref<64000xf32, #tpu.memory_space<vmem>>) target_semaphore(%arg17 : memref<!tpu.dma_semaphore, #tpu.memory_space<semaphore_mem>>)
        %mul3A_133 = arith.constant 64 : i32
        %mul3A_134 = arith.muli %add3A_125, %mul3A_133 : i32
        %add3A_135 = arith.addi %add3A_4, %mul3A_134 : i32
        %dma_start3A_136 = tpu.memref_slice %arg3[%add3A_135] : memref<65536xi32, #tpu.memory_space<hbm>> -> memref<64xi32, #tpu.memory_space<hbm>>
        %dma_start3A_137 = tpu.memref_slice %arg3[%add3A_135] : memref<65536xi32, #tpu.memory_space<hbm>> -> memref<64xi32, #tpu.memory_space<hbm>>
        tpu.enqueue_dma source(%dma_start3A_137 : memref<64xi32, #tpu.memory_space<hbm>>) target(%arg9 : memref<64xi32, #tpu.memory_space<vmem>>) target_semaphore(%arg17 : memref<!tpu.dma_semaphore, #tpu.memory_space<semaphore_mem>>)
      } else {
      }
      %mul3A_83 = arith.constant 2 : i32
      %mul3A_84 = arith.muli %scan3A_44, %mul3A_83 : i32
      %add3A_85 = arith.constant 1 : i32
      %add3A_86 = arith.addi %mul3A_84, %add3A_85 : i32
      %mul3A_87 = arith.constant 1000 : i32
      %mul3A_88 = arith.muli %add3A_4, %mul3A_87 : i32
      %dma_wait3A_89 = tpu.memref_slice %arg2[%mul3A_88] : memref<65536000xf32, #tpu.memory_space<hbm>> -> memref<64000xf32, #tpu.memory_space<hbm>>
      %dma_wait3A_90 = tpu.memref_slice %arg2[%mul3A_88] : memref<65536000xf32, #tpu.memory_space<hbm>> -> memref<64000xf32, #tpu.memory_space<hbm>>
      tpu.wait_dma2 semaphore(%arg18 : memref<!tpu.dma_semaphore, #tpu.memory_space<semaphore_mem>>) src(%dma_wait3A_90 : memref<64000xf32, #tpu.memory_space<hbm>>) dst(%arg8 : memref<64000xf32, #tpu.memory_space<vmem>>)
      %mul3A_91 = arith.constant 1 : i32
      %mul3A_92 = arith.muli %add3A_4, %mul3A_91 : i32
      %dma_wait3A_93 = tpu.memref_slice %arg3[%mul3A_92] : memref<65536xi32, #tpu.memory_space<hbm>> -> memref<64xi32, #tpu.memory_space<hbm>>
      %dma_wait3A_94 = tpu.memref_slice %arg3[%mul3A_92] : memref<65536xi32, #tpu.memory_space<hbm>> -> memref<64xi32, #tpu.memory_space<hbm>>
      tpu.wait_dma2 semaphore(%arg18 : memref<!tpu.dma_semaphore, #tpu.memory_space<semaphore_mem>>) src(%dma_wait3A_94 : memref<64xi32, #tpu.memory_space<hbm>>) dst(%arg10 : memref<64xi32, #tpu.memory_space<vmem>>)
      %ge3A_95 = arith.constant 2 : i32
      %ge3A_96 = arith.cmpi sge, %add3A_86, %ge3A_95 : i32
      %convert_element_type3A_97 = arith.extui %ge3A_96 : i1 to i32
      %cond3A_98 = arith.constant 0 : i32
      %cond3A_99 = arith.cmpi ne, %convert_element_type3A_97, %cond3A_98 : i32
      scf.if %cond3A_99 {
        %dma_wait3A_124 = tpu.memref_slice %arg4[%mul3A_2] : memref<65536xf32, #tpu.memory_space<hbm>> -> memref<64xf32, #tpu.memory_space<hbm>>
        %dma_wait3A_125 = tpu.memref_slice %arg4[%mul3A_2] : memref<65536xf32, #tpu.memory_space<hbm>> -> memref<64xf32, #tpu.memory_space<hbm>>
        tpu.wait_dma2 semaphore(%arg20 : memref<!tpu.dma_semaphore, #tpu.memory_space<semaphore_mem>>) src(%arg12 : memref<64xf32, #tpu.memory_space<vmem>>) dst(%dma_wait3A_125 : memref<64xf32, #tpu.memory_space<hbm>>)
        %dma_wait3A_126 = tpu.memref_slice %arg5[%mul3A_2] : memref<65536xf32, #tpu.memory_space<hbm>> -> memref<64xf32, #tpu.memory_space<hbm>>
        %dma_wait3A_127 = tpu.memref_slice %arg5[%mul3A_2] : memref<65536xf32, #tpu.memory_space<hbm>> -> memref<64xf32, #tpu.memory_space<hbm>>
        tpu.wait_dma2 semaphore(%arg20 : memref<!tpu.dma_semaphore, #tpu.memory_space<semaphore_mem>>) src(%arg14 : memref<64xf32, #tpu.memory_space<vmem>>) dst(%dma_wait3A_127 : memref<64xf32, #tpu.memory_space<hbm>>)
        %dma_wait3A_128 = tpu.memref_slice %arg6[%mul3A_2] : memref<65536xf32, #tpu.memory_space<hbm>> -> memref<64xf32, #tpu.memory_space<hbm>>
        %dma_wait3A_129 = tpu.memref_slice %arg6[%mul3A_2] : memref<65536xf32, #tpu.memory_space<hbm>> -> memref<64xf32, #tpu.memory_space<hbm>>
        tpu.wait_dma2 semaphore(%arg20 : memref<!tpu.dma_semaphore, #tpu.memory_space<semaphore_mem>>) src(%arg16 : memref<64xf32, #tpu.memory_space<vmem>>) dst(%dma_wait3A_129 : memref<64xf32, #tpu.memory_space<hbm>>)
      } else {
      }
      %scan3A_100 = arith.constant 0 : i32
      %scan3A_101 = arith.constant 0 : i32
      %scan3A_102 = arith.constant 4 : i32
      %scan3A_103 = arith.addi %scan3A_101, %scan3A_102 : i32
      %scan3A_104 = arith.constant 1 : i32
      %scan3A_105 = scf.for %scan3A_124 = %scan3A_101 to %scan3A_103 step %scan3A_104 iter_args(%scan3A_125 = %scan3A_100) -> (i32)  : i32 {
        %mul3A_126 = arith.constant 16 : i32
        %mul3A_127 = arith.muli %scan3A_124, %mul3A_126 : i32
        %add3A_128 = arith.constant 0 : i32
        %add3A_129 = arith.addi %mul3A_127, %add3A_128 : i32
        %add3A_130 = arith.constant 0 : i32
        %add3A_131 = arith.addi %add3A_129, %add3A_130 : i32
        %mul3A_132 = arith.constant 1000 : i32
        %mul3A_133 = arith.muli %add3A_131, %mul3A_132 : i32
        %add3A_134 = arith.constant 0 : i32
        %add3A_135 = arith.addi %mul3A_127, %add3A_134 : i32
        %add3A_136 = arith.constant 1 : i32
        %add3A_137 = arith.addi %add3A_135, %add3A_136 : i32
        %mul3A_138 = arith.constant 1000 : i32
        %mul3A_139 = arith.muli %add3A_137, %mul3A_138 : i32
        %add3A_140 = arith.constant 0 : i32
        %add3A_141 = arith.addi %mul3A_127, %add3A_140 : i32
        %add3A_142 = arith.constant 2 : i32
        %add3A_143 = arith.addi %add3A_141, %add3A_142 : i32
        %mul3A_144 = arith.constant 1000 : i32
        %mul3A_145 = arith.muli %add3A_143, %mul3A_144 : i32
        %add3A_146 = arith.constant 0 : i32
        %add3A_147 = arith.addi %mul3A_127, %add3A_146 : i32
        %add3A_148 = arith.constant 3 : i32
        %add3A_149 = arith.addi %add3A_147, %add3A_148 : i32
        %mul3A_150 = arith.constant 1000 : i32
        %mul3A_151 = arith.muli %add3A_149, %mul3A_150 : i32
        %parallel_loop3A = arith.constant 0 : i32
        %parallel_loop3A_152 = arith.constant 62 : i32
        %parallel_loop3A_153 = arith.constant 1 : i32
        %parallel_loop3A_154:8 = scf.for %parallel_loop3A_1862 = %parallel_loop3A to %parallel_loop3A_152 step %parallel_loop3A_153 iter_args(%parallel_loop3A_1863 = %broadcast_in_dim3A_7, %parallel_loop3A_1864 = %broadcast_in_dim3A_7, %parallel_loop3A_1865 = %broadcast_in_dim3A_7, %parallel_loop3A_1866 = %broadcast_in_dim3A_7, %parallel_loop3A_1867 = %broadcast_in_dim3A_7, %parallel_loop3A_1868 = %broadcast_in_dim3A_7, %parallel_loop3A_1869 = %broadcast_in_dim3A_7, %parallel_loop3A_1870 = %broadcast_in_dim3A_7) -> (vector<16xf32>, vector<16xf32>, vector<16xf32>, vector<16xf32>, vector<16xf32>, vector<16xf32>, vector<16xf32>, vector<16xf32>)  : i32 {
          %parallel_loop3A_1871 = arith.constant 16 : i32
          %parallel_loop3A_1872 = arith.muli %parallel_loop3A_1862, %parallel_loop3A_1871 : i32
          %parallel_loop3A_1873 = arith.addi %mul3A_133, %parallel_loop3A_1872 : i32
          %parallel_loop3A_1874 = arith.index_cast %parallel_loop3A_1873 : i32 to index
          %parallel_loop3A_1875 = tpu.vector_load %arg8[%parallel_loop3A_1874] {strides = array<i32>} : memref<64000xf32, #tpu.memory_space<vmem>>, vector<16xf32>,
          %parallel_loop3A_1876 = math.exp %parallel_loop3A_1875 : vector<16xf32>
          %parallel_loop3A_1877 = arith.addf %parallel_loop3A_1863, %parallel_loop3A_1876 : vector<16xf32>
          %parallel_loop3A_1878 = arith.mulf %parallel_loop3A_1875, %parallel_loop3A_1876 : vector<16xf32>
          %parallel_loop3A_1879 = arith.addf %parallel_loop3A_1864, %parallel_loop3A_1878 : vector<16xf32>
          %parallel_loop3A_1880 = arith.constant 16 : i32
          %parallel_loop3A_1881 = arith.muli %parallel_loop3A_1862, %parallel_loop3A_1880 : i32
          %parallel_loop3A_1882 = arith.addi %mul3A_139, %parallel_loop3A_1881 : i32
          %parallel_loop3A_1883 = arith.index_cast %parallel_loop3A_1882 : i32 to index
          %parallel_loop3A_1884 = tpu.vector_load %arg8[%parallel_loop3A_1883] {strides = array<i32>} : memref<64000xf32, #tpu.memory_space<vmem>>, vector<16xf32>,
          %parallel_loop3A_1885 = math.exp %parallel_loop3A_1884 : vector<16xf32>
          %parallel_loop3A_1886 = arith.addf %parallel_loop3A_1865, %parallel_loop3A_1885 : vector<16xf32>
          %parallel_loop3A_1887 = arith.mulf %parallel_loop3A_1884, %parallel_loop3A_1885 : vector<16xf32>
          %parallel_loop3A_1888 = arith.addf %parallel_loop3A_1866, %parallel_loop3A_1887 : vector<16xf32>
          %parallel_loop3A_1889 = arith.constant 16 : i32
          %parallel_loop3A_1890 = arith.muli %parallel_loop3A_1862, %parallel_loop3A_1889 : i32
          %parallel_loop3A_1891 = arith.addi %mul3A_145, %parallel_loop3A_1890 : i32
          %parallel_loop3A_1892 = arith.index_cast %parallel_loop3A_1891 : i32 to index
          %parallel_loop3A_1893 = tpu.vector_load %arg8[%parallel_loop3A_1892] {strides = array<i32>} : memref<64000xf32, #tpu.memory_space<vmem>>, vector<16xf32>,
          %parallel_loop3A_1894 = math.exp %parallel_loop3A_1893 : vector<16xf32>
          %parallel_loop3A_1895 = arith.addf %parallel_loop3A_1867, %parallel_loop3A_1894 : vector<16xf32>
          %parallel_loop3A_1896 = arith.mulf %parallel_loop3A_1893, %parallel_loop3A_1894 : vector<16xf32>
          %parallel_loop3A_1897 = arith.addf %parallel_loop3A_1868, %parallel_loop3A_1896 : vector<16xf32>
          %parallel_loop3A_1898 = arith.constant 16 : i32
          %parallel_loop3A_1899 = arith.muli %parallel_loop3A_1862, %parallel_loop3A_1898 : i32
          %parallel_loop3A_1900 = arith.addi %mul3A_151, %parallel_loop3A_1899 : i32
          %parallel_loop3A_1901 = arith.index_cast %parallel_loop3A_1900 : i32 to index
          %parallel_loop3A_1902 = tpu.vector_load %arg8[%parallel_loop3A_1901] {strides = array<i32>} : memref<64000xf32, #tpu.memory_space<vmem>>, vector<16xf32>,
          %parallel_loop3A_1903 = math.exp %parallel_loop3A_1902 : vector<16xf32>
          %parallel_loop3A_1904 = arith.addf %parallel_loop3A_1869, %parallel_loop3A_1903 : vector<16xf32>
          %parallel_loop3A_1905 = arith.mulf %parallel_loop3A_1902, %parallel_loop3A_1903 : vector<16xf32>
          %parallel_loop3A_1906 = arith.addf %parallel_loop3A_1870, %parallel_loop3A_1905 : vector<16xf32>
          scf.yield %parallel_loop3A_1877, %parallel_loop3A_1879, %parallel_loop3A_1886, %parallel_loop3A_1888, %parallel_loop3A_1895, %parallel_loop3A_1897, %parallel_loop3A_1904, %parallel_loop3A_1906 : vector<16xf32>, vector<16xf32>, vector<16xf32>, vector<16xf32>, vector<16xf32>, vector<16xf32>, vector<16xf32>, vector<16xf32>
        } {sc.loop_unroll_factor = 2 : i64, sc.parallel_access}
        %add3A_155 = arith.constant 1000 : i32
        %add3A_156 = arith.addi %mul3A_133, %add3A_155 : i32
        %sub3A = arith.constant 16 : i32
        %sub3A_157 = arith.subi %add3A_156, %sub3A : i32
        %get3A = arith.index_cast %sub3A_157 : i32 to index
        %get3A_158 = tpu.vector_load %arg8[%get3A] {strides = array<i32>} : memref<64000xf32, #tpu.memory_space<vmem>>, vector<16xf32>,
        %exp3A = math.exp %get3A_158 : vector<16xf32>
        %jit3A = arith.constant 0.000000e+00 : f32
        %broadcast_in_dim3A_159 = vector.broadcast %jit3A : f32 to vector<16xf32>
        %select_n3A = arith.select %ge3A_6, %exp3A, %broadcast_in_dim3A_159 : vector<16xi1>, vector<16xf32>
        %add3A_160 = arith.addf %parallel_loop3A_154#0, %select_n3A : vector<16xf32>
        %mul3A_161 = arith.mulf %get3A_158, %exp3A : vector<16xf32>
        %jit3A_162 = arith.constant 0.000000e+00 : f32
        %broadcast_in_dim3A_163 = vector.broadcast %jit3A_162 : f32 to vector<16xf32>
        %select_n3A_164 = arith.select %ge3A_6, %mul3A_161, %broadcast_in_dim3A_163 : vector<16xi1>, vector<16xf32>
        %add3A_165 = arith.addf %parallel_loop3A_154#1, %select_n3A_164 : vector<16xf32>
        %eq3A = arith.constant 0 : i32
        %eq3A_166 = vector.broadcast %eq3A : i32 to vector<16xi32>
        %eq3A_167 = arith.cmpi eq, %iota3A, %eq3A_166 : vector<16xi32>
        %add3A_168 = arith.constant 8 : i32
        %add3A_169 = vector.broadcast %add3A_168 : i32 to vector<16xi32>
        %add3A_170 = arith.addi %iota3A, %add3A_169 : vector<16xi32>
        %and3A = arith.constant 15 : i32
        %and3A_171 = vector.broadcast %and3A : i32 to vector<16xi32>
        %and3A_172 = arith.andi %add3A_170, %and3A_171 : vector<16xi32>
        %broadcast_in_dim3A_173 = vector.shape_cast %and3A_172 : vector<16xi32> to vector<16x1xi32>
        %gather3A = vector.shape_cast %broadcast_in_dim3A_173 : vector<16x1xi32> to vector<16xi32>
        %gather3A_174 = tpu.dynamic_gather %add3A_160[%gather3A] in [0] : vector<16xf32>, vector<16xi32> -> vector<16xf32>
        %add3A_175 = arith.addf %add3A_160, %gather3A_174 : vector<16xf32>
        %add3A_176 = arith.constant 4 : i32
        %add3A_177 = vector.broadcast %add3A_176 : i32 to vector<16xi32>
        %add3A_178 = arith.addi %iota3A, %add3A_177 : vector<16xi32>
        %and3A_179 = arith.constant 15 : i32
        %and3A_180 = vector.broadcast %and3A_179 : i32 to vector<16xi32>
        %and3A_181 = arith.andi %add3A_178, %and3A_180 : vector<16xi32>
        %broadcast_in_dim3A_182 = vector.shape_cast %and3A_181 : vector<16xi32> to vector<16x1xi32>
        %gather3A_183 = vector.shape_cast %broadcast_in_dim3A_182 : vector<16x1xi32> to vector<16xi32>
        %gather3A_184 = tpu.dynamic_gather %add3A_175[%gather3A_183] in [0] : vector<16xf32>, vector<16xi32> -> vector<16xf32>
        %add3A_185 = arith.addf %add3A_175, %gather3A_184 : vector<16xf32>
        %add3A_186 = arith.constant 2 : i32
        %add3A_187 = vector.broadcast %add3A_186 : i32 to vector<16xi32>
        %add3A_188 = arith.addi %iota3A, %add3A_187 : vector<16xi32>
        %and3A_189 = arith.constant 15 : i32
        %and3A_190 = vector.broadcast %and3A_189 : i32 to vector<16xi32>
        %and3A_191 = arith.andi %add3A_188, %and3A_190 : vector<16xi32>
        %broadcast_in_dim3A_192 = vector.shape_cast %and3A_191 : vector<16xi32> to vector<16x1xi32>
        %gather3A_193 = vector.shape_cast %broadcast_in_dim3A_192 : vector<16x1xi32> to vector<16xi32>
        %gather3A_194 = tpu.dynamic_gather %add3A_185[%gather3A_193] in [0] : vector<16xf32>, vector<16xi32> -> vector<16xf32>
        %add3A_195 = arith.addf %add3A_185, %gather3A_194 : vector<16xf32>
        %add3A_196 = arith.constant 1 : i32
        %add3A_197 = vector.broadcast %add3A_196 : i32 to vector<16xi32>
        %add3A_198 = arith.addi %iota3A, %add3A_197 : vector<16xi32>
        %and3A_199 = arith.constant 15 : i32
        %and3A_200 = vector.broadcast %and3A_199 : i32 to vector<16xi32>
        %and3A_201 = arith.andi %add3A_198, %and3A_200 : vector<16xi32>
        %broadcast_in_dim3A_202 = vector.shape_cast %and3A_201 : vector<16xi32> to vector<16x1xi32>
        %gather3A_203 = vector.shape_cast %broadcast_in_dim3A_202 : vector<16x1xi32> to vector<16xi32>
        %gather3A_204 = tpu.dynamic_gather %add3A_195[%gather3A_203] in [0] : vector<16xf32>, vector<16xi32> -> vector<16xf32>
        %add3A_205 = arith.addf %add3A_195, %gather3A_204 : vector<16xf32>
        %select_n3A_206 = arith.select %eq3A_167, %add3A_205, %broadcast_in_dim3A_7 : vector<16xi1>, vector<16xf32>
        %add3A_207 = arith.constant 8 : i32
        %add3A_208 = vector.broadcast %add3A_207 : i32 to vector<16xi32>
        %add3A_209 = arith.addi %iota3A, %add3A_208 : vector<16xi32>
        %and3A_210 = arith.constant 15 : i32
        %and3A_211 = vector.broadcast %and3A_210 : i32 to vector<16xi32>
        %and3A_212 = arith.andi %add3A_209, %and3A_211 : vector<16xi32>
        %broadcast_in_dim3A_213 = vector.shape_cast %and3A_212 : vector<16xi32> to vector<16x1xi32>
        %gather3A_214 = vector.shape_cast %broadcast_in_dim3A_213 : vector<16x1xi32> to vector<16xi32>
        %gather3A_215 = tpu.dynamic_gather %add3A_165[%gather3A_214] in [0] : vector<16xf32>, vector<16xi32> -> vector<16xf32>
        %add3A_216 = arith.addf %add3A_165, %gather3A_215 : vector<16xf32>
        %add3A_217 = arith.constant 4 : i32
        %add3A_218 = vector.broadcast %add3A_217 : i32 to vector<16xi32>
        %add3A_219 = arith.addi %iota3A, %add3A_218 : vector<16xi32>
        %and3A_220 = arith.constant 15 : i32
        %and3A_221 = vector.broadcast %and3A_220 : i32 to vector<16xi32>
        %and3A_222 = arith.andi %add3A_219, %and3A_221 : vector<16xi32>
        %broadcast_in_dim3A_223 = vector.shape_cast %and3A_222 : vector<16xi32> to vector<16x1xi32>
        %gather3A_224 = vector.shape_cast %broadcast_in_dim3A_223 : vector<16x1xi32> to vector<16xi32>
        %gather3A_225 = tpu.dynamic_gather %add3A_216[%gather3A_224] in [0] : vector<16xf32>, vector<16xi32> -> vector<16xf32>
        %add3A_226 = arith.addf %add3A_216, %gather3A_225 : vector<16xf32>
        %add3A_227 = arith.constant 2 : i32
        %add3A_228 = vector.broadcast %add3A_227 : i32 to vector<16xi32>
        %add3A_229 = arith.addi %iota3A, %add3A_228 : vector<16xi32>
        %and3A_230 = arith.constant 15 : i32
        %and3A_231 = vector.broadcast %and3A_230 : i32 to vector<16xi32>
        %and3A_232 = arith.andi %add3A_229, %and3A_231 : vector<16xi32>
        %broadcast_in_dim3A_233 = vector.shape_cast %and3A_232 : vector<16xi32> to vector<16x1xi32>
        %gather3A_234 = vector.shape_cast %broadcast_in_dim3A_233 : vector<16x1xi32> to vector<16xi32>
        %gather3A_235 = tpu.dynamic_gather %add3A_226[%gather3A_234] in [0] : vector<16xf32>, vector<16xi32> -> vector<16xf32>
        %add3A_236 = arith.addf %add3A_226, %gather3A_235 : vector<16xf32>
        %add3A_237 = arith.constant 1 : i32
        %add3A_238 = vector.broadcast %add3A_237 : i32 to vector<16xi32>
        %add3A_239 = arith.addi %iota3A, %add3A_238 : vector<16xi32>
        %and3A_240 = arith.constant 15 : i32
        %and3A_241 = vector.broadcast %and3A_240 : i32 to vector<16xi32>
        %and3A_242 = arith.andi %add3A_239, %and3A_241 : vector<16xi32>
        %broadcast_in_dim3A_243 = vector.shape_cast %and3A_242 : vector<16xi32> to vector<16x1xi32>
        %gather3A_244 = vector.shape_cast %broadcast_in_dim3A_243 : vector<16x1xi32> to vector<16xi32>
        %gather3A_245 = tpu.dynamic_gather %add3A_236[%gather3A_244] in [0] : vector<16xf32>, vector<16xi32> -> vector<16xf32>
        %add3A_246 = arith.addf %add3A_236, %gather3A_245 : vector<16xf32>
        %select_n3A_247 = arith.select %eq3A_167, %add3A_246, %broadcast_in_dim3A_7 : vector<16xi1>, vector<16xf32>
        %add3A_248 = arith.constant 1000 : i32
        %add3A_249 = arith.addi %mul3A_139, %add3A_248 : i32
        %sub3A_250 = arith.constant 16 : i32
        %sub3A_251 = arith.subi %add3A_249, %sub3A_250 : i32
        %get3A_252 = arith.index_cast %sub3A_251 : i32 to index
        %get3A_253 = tpu.vector_load %arg8[%get3A_252] {strides = array<i32>} : memref<64000xf32, #tpu.memory_space<vmem>>, vector<16xf32>,
        %exp3A_254 = math.exp %get3A_253 : vector<16xf32>
        %jit3A_255 = arith.constant 0.000000e+00 : f32
        %broadcast_in_dim3A_256 = vector.broadcast %jit3A_255 : f32 to vector<16xf32>
        %select_n3A_257 = arith.select %ge3A_6, %exp3A_254, %broadcast_in_dim3A_256 : vector<16xi1>, vector<16xf32>
        %add3A_258 = arith.addf %parallel_loop3A_154#2, %select_n3A_257 : vector<16xf32>
        %mul3A_259 = arith.mulf %get3A_253, %exp3A_254 : vector<16xf32>
        %jit3A_260 = arith.constant 0.000000e+00 : f32
        %broadcast_in_dim3A_261 = vector.broadcast %jit3A_260 : f32 to vector<16xf32>
        %select_n3A_262 = arith.select %ge3A_6, %mul3A_259, %broadcast_in_dim3A_261 : vector<16xi1>, vector<16xf32>
        %add3A_263 = arith.addf %parallel_loop3A_154#3, %select_n3A_262 : vector<16xf32>
        %eq3A_264 = arith.constant 1 : i32
        %eq3A_265 = vector.broadcast %eq3A_264 : i32 to vector<16xi32>
        %eq3A_266 = arith.cmpi eq, %iota3A, %eq3A_265 : vector<16xi32>
        %add3A_267 = arith.constant 8 : i32
        %add3A_268 = vector.broadcast %add3A_267 : i32 to vector<16xi32>
        %add3A_269 = arith.addi %iota3A, %add3A_268 : vector<16xi32>
        %and3A_270 = arith.constant 15 : i32
        %and3A_271 = vector.broadcast %and3A_270 : i32 to vector<16xi32>
        %and3A_272 = arith.andi %add3A_269, %and3A_271 : vector<16xi32>
        %broadcast_in_dim3A_273 = vector.shape_cast %and3A_272 : vector<16xi32> to vector<16x1xi32>
        %gather3A_274 = vector.shape_cast %broadcast_in_dim3A_273 : vector<16x1xi32> to vector<16xi32>
        %gather3A_275 = tpu.dynamic_gather %add3A_258[%gather3A_274] in [0] : vector<16xf32>, vector<16xi32> -> vector<16xf32>
        %add3A_276 = arith.addf %add3A_258, %gather3A_275 : vector<16xf32>
        %add3A_277 = arith.constant 4 : i32
        %add3A_278 = vector.broadcast %add3A_277 : i32 to vector<16xi32>
        %add3A_279 = arith.addi %iota3A, %add3A_278 : vector<16xi32>
        %and3A_280 = arith.constant 15 : i32
        %and3A_281 = vector.broadcast %and3A_280 : i32 to vector<16xi32>
        %and3A_282 = arith.andi %add3A_279, %and3A_281 : vector<16xi32>
        %broadcast_in_dim3A_283 = vector.shape_cast %and3A_282 : vector<16xi32> to vector<16x1xi32>
        %gather3A_284 = vector.shape_cast %broadcast_in_dim3A_283 : vector<16x1xi32> to vector<16xi32>
        %gather3A_285 = tpu.dynamic_gather %add3A_276[%gather3A_284] in [0] : vector<16xf32>, vector<16xi32> -> vector<16xf32>
        %add3A_286 = arith.addf %add3A_276, %gather3A_285 : vector<16xf32>
        %add3A_287 = arith.constant 2 : i32
        %add3A_288 = vector.broadcast %add3A_287 : i32 to vector<16xi32>
        %add3A_289 = arith.addi %iota3A, %add3A_288 : vector<16xi32>
        %and3A_290 = arith.constant 15 : i32
        %and3A_291 = vector.broadcast %and3A_290 : i32 to vector<16xi32>
        %and3A_292 = arith.andi %add3A_289, %and3A_291 : vector<16xi32>
        %broadcast_in_dim3A_293 = vector.shape_cast %and3A_292 : vector<16xi32> to vector<16x1xi32>
        %gather3A_294 = vector.shape_cast %broadcast_in_dim3A_293 : vector<16x1xi32> to vector<16xi32>
        %gather3A_295 = tpu.dynamic_gather %add3A_286[%gather3A_294] in [0] : vector<16xf32>, vector<16xi32> -> vector<16xf32>
        %add3A_296 = arith.addf %add3A_286, %gather3A_295 : vector<16xf32>
        %add3A_297 = arith.constant 1 : i32
        %add3A_298 = vector.broadcast %add3A_297 : i32 to vector<16xi32>
        %add3A_299 = arith.addi %iota3A, %add3A_298 : vector<16xi32>
        %and3A_300 = arith.constant 15 : i32
        %and3A_301 = vector.broadcast %and3A_300 : i32 to vector<16xi32>
        %and3A_302 = arith.andi %add3A_299, %and3A_301 : vector<16xi32>
        %broadcast_in_dim3A_303 = vector.shape_cast %and3A_302 : vector<16xi32> to vector<16x1xi32>
        %gather3A_304 = vector.shape_cast %broadcast_in_dim3A_303 : vector<16x1xi32> to vector<16xi32>
        %gather3A_305 = tpu.dynamic_gather %add3A_296[%gather3A_304] in [0] : vector<16xf32>, vector<16xi32> -> vector<16xf32>
        %add3A_306 = arith.addf %add3A_296, %gather3A_305 : vector<16xf32>
        %select_n3A_307 = arith.select %eq3A_266, %add3A_306, %select_n3A_206 : vector<16xi1>, vector<16xf32>
        %add3A_308 = arith.constant 8 : i32
        %add3A_309 = vector.broadcast %add3A_308 : i32 to vector<16xi32>
        %add3A_310 = arith.addi %iota3A, %add3A_309 : vector<16xi32>
        %and3A_311 = arith.constant 15 : i32
        %and3A_312 = vector.broadcast %and3A_311 : i32 to vector<16xi32>
        %and3A_313 = arith.andi %add3A_310, %and3A_312 : vector<16xi32>
        %broadcast_in_dim3A_314 = vector.shape_cast %and3A_313 : vector<16xi32> to vector<16x1xi32>
        %gather3A_315 = vector.shape_cast %broadcast_in_dim3A_314 : vector<16x1xi32> to vector<16xi32>
        %gather3A_316 = tpu.dynamic_gather %add3A_263[%gather3A_315] in [0] : vector<16xf32>, vector<16xi32> -> vector<16xf32>
        %add3A_317 = arith.addf %add3A_263, %gather3A_316 : vector<16xf32>
        %add3A_318 = arith.constant 4 : i32
        %add3A_319 = vector.broadcast %add3A_318 : i32 to vector<16xi32>
        %add3A_320 = arith.addi %iota3A, %add3A_319 : vector<16xi32>
        %and3A_321 = arith.constant 15 : i32
        %and3A_322 = vector.broadcast %and3A_321 : i32 to vector<16xi32>
        %and3A_323 = arith.andi %add3A_320, %and3A_322 : vector<16xi32>
        %broadcast_in_dim3A_324 = vector.shape_cast %and3A_323 : vector<16xi32> to vector<16x1xi32>
        %gather3A_325 = vector.shape_cast %broadcast_in_dim3A_324 : vector<16x1xi32> to vector<16xi32>
        %gather3A_326 = tpu.dynamic_gather %add3A_317[%gather3A_325] in [0] : vector<16xf32>, vector<16xi32> -> vector<16xf32>
        %add3A_327 = arith.addf %add3A_317, %gather3A_326 : vector<16xf32>
        %add3A_328 = arith.constant 2 : i32
        %add3A_329 = vector.broadcast %add3A_328 : i32 to vector<16xi32>
        %add3A_330 = arith.addi %iota3A, %add3A_329 : vector<16xi32>
        %and3A_331 = arith.constant 15 : i32
        %and3A_332 = vector.broadcast %and3A_331 : i32 to vector<16xi32>
        %and3A_333 = arith.andi %add3A_330, %and3A_332 : vector<16xi32>
        %broadcast_in_dim3A_334 = vector.shape_cast %and3A_333 : vector<16xi32> to vector<16x1xi32>
        %gather3A_335 = vector.shape_cast %broadcast_in_dim3A_334 : vector<16x1xi32> to vector<16xi32>
        %gather3A_336 = tpu.dynamic_gather %add3A_327[%gather3A_335] in [0] : vector<16xf32>, vector<16xi32> -> vector<16xf32>
        %add3A_337 = arith.addf %add3A_327, %gather3A_336 : vector<16xf32>
        %add3A_338 = arith.constant 1 : i32
        %add3A_339 = vector.broadcast %add3A_338 : i32 to vector<16xi32>
        %add3A_340 = arith.addi %iota3A, %add3A_339 : vector<16xi32>
        %and3A_341 = arith.constant 15 : i32
        %and3A_342 = vector.broadcast %and3A_341 : i32 to vector<16xi32>
        %and3A_343 = arith.andi %add3A_340, %and3A_342 : vector<16xi32>
        %broadcast_in_dim3A_344 = vector.shape_cast %and3A_343 : vector<16xi32> to vector<16x1xi32>
        %gather3A_345 = vector.shape_cast %broadcast_in_dim3A_344 : vector<16x1xi32> to vector<16xi32>
        %gather3A_346 = tpu.dynamic_gather %add3A_337[%gather3A_345] in [0] : vector<16xf32>, vector<16xi32> -> vector<16xf32>
        %add3A_347 = arith.addf %add3A_337, %gather3A_346 : vector<16xf32>
        %select_n3A_348 = arith.select %eq3A_266, %add3A_347, %select_n3A_247 : vector<16xi1>, vector<16xf32>
        %add3A_349 = arith.constant 1000 : i32
        %add3A_350 = arith.addi %mul3A_145, %add3A_349 : i32
        %sub3A_351 = arith.constant 16 : i32
        %sub3A_352 = arith.subi %add3A_350, %sub3A_351 : i32
        %get3A_353 = arith.index_cast %sub3A_352 : i32 to index
        %get3A_354 = tpu.vector_load %arg8[%get3A_353] {strides = array<i32>} : memref<64000xf32, #tpu.memory_space<vmem>>, vector<16xf32>,
        %exp3A_355 = math.exp %get3A_354 : vector<16xf32>
        %jit3A_356 = arith.constant 0.000000e+00 : f32
        %broadcast_in_dim3A_357 = vector.broadcast %jit3A_356 : f32 to vector<16xf32>
        %select_n3A_358 = arith.select %ge3A_6, %exp3A_355, %broadcast_in_dim3A_357 : vector<16xi1>, vector<16xf32>
        %add3A_359 = arith.addf %parallel_loop3A_154#4, %select_n3A_358 : vector<16xf32>
        %mul3A_360 = arith.mulf %get3A_354, %exp3A_355 : vector<16xf32>
        %jit3A_361 = arith.constant 0.000000e+00 : f32
        %broadcast_in_dim3A_362 = vector.broadcast %jit3A_361 : f32 to vector<16xf32>
        %select_n3A_363 = arith.select %ge3A_6, %mul3A_360, %broadcast_in_dim3A_362 : vector<16xi1>, vector<16xf32>
        %add3A_364 = arith.addf %parallel_loop3A_154#5, %select_n3A_363 : vector<16xf32>
        %eq3A_365 = arith.constant 2 : i32
        %eq3A_366 = vector.broadcast %eq3A_365 : i32 to vector<16xi32>
        %eq3A_367 = arith.cmpi eq, %iota3A, %eq3A_366 : vector<16xi32>
        %add3A_368 = arith.constant 8 : i32
        %add3A_369 = vector.broadcast %add3A_368 : i32 to vector<16xi32>
        %add3A_370 = arith.addi %iota3A, %add3A_369 : vector<16xi32>
        %and3A_371 = arith.constant 15 : i32
        %and3A_372 = vector.broadcast %and3A_371 : i32 to vector<16xi32>
        %and3A_373 = arith.andi %add3A_370, %and3A_372 : vector<16xi32>
        %broadcast_in_dim3A_374 = vector.shape_cast %and3A_373 : vector<16xi32> to vector<16x1xi32>
        %gather3A_375 = vector.shape_cast %broadcast_in_dim3A_374 : vector<16x1xi32> to vector<16xi32>
        %gather3A_376 = tpu.dynamic_gather %add3A_359[%gather3A_375] in [0] : vector<16xf32>, vector<16xi32> -> vector<16xf32>
        %add3A_377 = arith.addf %add3A_359, %gather3A_376 : vector<16xf32>
        %add3A_378 = arith.constant 4 : i32
        %add3A_379 = vector.broadcast %add3A_378 : i32 to vector<16xi32>
        %add3A_380 = arith.addi %iota3A, %add3A_379 : vector<16xi32>
        %and3A_381 = arith.constant 15 : i32
        %and3A_382 = vector.broadcast %and3A_381 : i32 to vector<16xi32>
        %and3A_383 = arith.andi %add3A_380, %and3A_382 : vector<16xi32>
        %broadcast_in_dim3A_384 = vector.shape_cast %and3A_383 : vector<16xi32> to vector<16x1xi32>
        %gather3A_385 = vector.shape_cast %broadcast_in_dim3A_384 : vector<16x1xi32> to vector<16xi32>
        %gather3A_386 = tpu.dynamic_gather %add3A_377[%gather3A_385] in [0] : vector<16xf32>, vector<16xi32> -> vector<16xf32>
        %add3A_387 = arith.addf %add3A_377, %gather3A_386 : vector<16xf32>
        %add3A_388 = arith.constant 2 : i32
        %add3A_389 = vector.broadcast %add3A_388 : i32 to vector<16xi32>
        %add3A_390 = arith.addi %iota3A, %add3A_389 : vector<16xi32>
        %and3A_391 = arith.constant 15 : i32
        %and3A_392 = vector.broadcast %and3A_391 : i32 to vector<16xi32>
        %and3A_393 = arith.andi %add3A_390, %and3A_392 : vector<16xi32>
        %broadcast_in_dim3A_394 = vector.shape_cast %and3A_393 : vector<16xi32> to vector<16x1xi32>
        %gather3A_395 = vector.shape_cast %broadcast_in_dim3A_394 : vector<16x1xi32> to vector<16xi32>
        %gather3A_396 = tpu.dynamic_gather %add3A_387[%gather3A_395] in [0] : vector<16xf32>, vector<16xi32> -> vector<16xf32>
        %add3A_397 = arith.addf %add3A_387, %gather3A_396 : vector<16xf32>
        %add3A_398 = arith.constant 1 : i32
        %add3A_399 = vector.broadcast %add3A_398 : i32 to vector<16xi32>
        %add3A_400 = arith.addi %iota3A, %add3A_399 : vector<16xi32>
        %and3A_401 = arith.constant 15 : i32
        %and3A_402 = vector.broadcast %and3A_401 : i32 to vector<16xi32>
        %and3A_403 = arith.andi %add3A_400, %and3A_402 : vector<16xi32>
        %broadcast_in_dim3A_404 = vector.shape_cast %and3A_403 : vector<16xi32> to vector<16x1xi32>
        %gather3A_405 = vector.shape_cast %broadcast_in_dim3A_404 : vector<16x1xi32> to vector<16xi32>
        %gather3A_406 = tpu.dynamic_gather %add3A_397[%gather3A_405] in [0] : vector<16xf32>, vector<16xi32> -> vector<16xf32>
        %add3A_407 = arith.addf %add3A_397, %gather3A_406 : vector<16xf32>
        %select_n3A_408 = arith.select %eq3A_367, %add3A_407, %select_n3A_307 : vector<16xi1>, vector<16xf32>
        %add3A_409 = arith.constant 8 : i32
        %add3A_410 = vector.broadcast %add3A_409 : i32 to vector<16xi32>
        %add3A_411 = arith.addi %iota3A, %add3A_410 : vector<16xi32>
        %and3A_412 = arith.constant 15 : i32
        %and3A_413 = vector.broadcast %and3A_412 : i32 to vector<16xi32>
        %and3A_414 = arith.andi %add3A_411, %and3A_413 : vector<16xi32>
        %broadcast_in_dim3A_415 = vector.shape_cast %and3A_414 : vector<16xi32> to vector<16x1xi32>
        %gather3A_416 = vector.shape_cast %broadcast_in_dim3A_415 : vector<16x1xi32> to vector<16xi32>
        %gather3A_417 = tpu.dynamic_gather %add3A_364[%gather3A_416] in [0] : vector<16xf32>, vector<16xi32> -> vector<16xf32>
        %add3A_418 = arith.addf %add3A_364, %gather3A_417 : vector<16xf32>
        %add3A_419 = arith.constant 4 : i32
        %add3A_420 = vector.broadcast %add3A_419 : i32 to vector<16xi32>
        %add3A_421 = arith.addi %iota3A, %add3A_420 : vector<16xi32>
        %and3A_422 = arith.constant 15 : i32
        %and3A_423 = vector.broadcast %and3A_422 : i32 to vector<16xi32>
        %and3A_424 = arith.andi %add3A_421, %and3A_423 : vector<16xi32>
        %broadcast_in_dim3A_425 = vector.shape_cast %and3A_424 : vector<16xi32> to vector<16x1xi32>
        %gather3A_426 = vector.shape_cast %broadcast_in_dim3A_425 : vector<16x1xi32> to vector<16xi32>
        %gather3A_427 = tpu.dynamic_gather %add3A_418[%gather3A_426] in [0] : vector<16xf32>, vector<16xi32> -> vector<16xf32>
        %add3A_428 = arith.addf %add3A_418, %gather3A_427 : vector<16xf32>
        %add3A_429 = arith.constant 2 : i32
        %add3A_430 = vector.broadcast %add3A_429 : i32 to vector<16xi32>
        %add3A_431 = arith.addi %iota3A, %add3A_430 : vector<16xi32>
        %and3A_432 = arith.constant 15 : i32
        %and3A_433 = vector.broadcast %and3A_432 : i32 to vector<16xi32>
        %and3A_434 = arith.andi %add3A_431, %and3A_433 : vector<16xi32>
        %broadcast_in_dim3A_435 = vector.shape_cast %and3A_434 : vector<16xi32> to vector<16x1xi32>
        %gather3A_436 = vector.shape_cast %broadcast_in_dim3A_435 : vector<16x1xi32> to vector<16xi32>
        %gather3A_437 = tpu.dynamic_gather %add3A_428[%gather3A_436] in [0] : vector<16xf32>, vector<16xi32> -> vector<16xf32>
        %add3A_438 = arith.addf %add3A_428, %gather3A_437 : vector<16xf32>
        %add3A_439 = arith.constant 1 : i32
        %add3A_440 = vector.broadcast %add3A_439 : i32 to vector<16xi32>
        %add3A_441 = arith.addi %iota3A, %add3A_440 : vector<16xi32>
        %and3A_442 = arith.constant 15 : i32
        %and3A_443 = vector.broadcast %and3A_442 : i32 to vector<16xi32>
        %and3A_444 = arith.andi %add3A_441, %and3A_443 : vector<16xi32>
        %broadcast_in_dim3A_445 = vector.shape_cast %and3A_444 : vector<16xi32> to vector<16x1xi32>
        %gather3A_446 = vector.shape_cast %broadcast_in_dim3A_445 : vector<16x1xi32> to vector<16xi32>
        %gather3A_447 = tpu.dynamic_gather %add3A_438[%gather3A_446] in [0] : vector<16xf32>, vector<16xi32> -> vector<16xf32>
        %add3A_448 = arith.addf %add3A_438, %gather3A_447 : vector<16xf32>
        %select_n3A_449 = arith.select %eq3A_367, %add3A_448, %select_n3A_348 : vector<16xi1>, vector<16xf32>
        %add3A_450 = arith.constant 1000 : i32
        %add3A_451 = arith.addi %mul3A_151, %add3A_450 : i32
        %sub3A_452 = arith.constant 16 : i32
        %sub3A_453 = arith.subi %add3A_451, %sub3A_452 : i32
        %get3A_454 = arith.index_cast %sub3A_453 : i32 to index
        %get3A_455 = tpu.vector_load %arg8[%get3A_454] {strides = array<i32>} : memref<64000xf32, #tpu.memory_space<vmem>>, vector<16xf32>,
        %exp3A_456 = math.exp %get3A_455 : vector<16xf32>
        %jit3A_457 = arith.constant 0.000000e+00 : f32
        %broadcast_in_dim3A_458 = vector.broadcast %jit3A_457 : f32 to vector<16xf32>
        %select_n3A_459 = arith.select %ge3A_6, %exp3A_456, %broadcast_in_dim3A_458 : vector<16xi1>, vector<16xf32>
        %add3A_460 = arith.addf %parallel_loop3A_154#6, %select_n3A_459 : vector<16xf32>
        %mul3A_461 = arith.mulf %get3A_455, %exp3A_456 : vector<16xf32>
        %jit3A_462 = arith.constant 0.000000e+00 : f32
        %broadcast_in_dim3A_463 = vector.broadcast %jit3A_462 : f32 to vector<16xf32>
        %select_n3A_464 = arith.select %ge3A_6, %mul3A_461, %broadcast_in_dim3A_463 : vector<16xi1>, vector<16xf32>
        %add3A_465 = arith.addf %parallel_loop3A_154#7, %select_n3A_464 : vector<16xf32>
        %eq3A_466 = arith.constant 3 : i32
        %eq3A_467 = vector.broadcast %eq3A_466 : i32 to vector<16xi32>
        %eq3A_468 = arith.cmpi eq, %iota3A, %eq3A_467 : vector<16xi32>
        %add3A_469 = arith.constant 8 : i32
        %add3A_470 = vector.broadcast %add3A_469 : i32 to vector<16xi32>
        %add3A_471 = arith.addi %iota3A, %add3A_470 : vector<16xi32>
        %and3A_472 = arith.constant 15 : i32
        %and3A_473 = vector.broadcast %and3A_472 : i32 to vector<16xi32>
        %and3A_474 = arith.andi %add3A_471, %and3A_473 : vector<16xi32>
        %broadcast_in_dim3A_475 = vector.shape_cast %and3A_474 : vector<16xi32> to vector<16x1xi32>
        %gather3A_476 = vector.shape_cast %broadcast_in_dim3A_475 : vector<16x1xi32> to vector<16xi32>
        %gather3A_477 = tpu.dynamic_gather %add3A_460[%gather3A_476] in [0] : vector<16xf32>, vector<16xi32> -> vector<16xf32>
        %add3A_478 = arith.addf %add3A_460, %gather3A_477 : vector<16xf32>
        %add3A_479 = arith.constant 4 : i32
        %add3A_480 = vector.broadcast %add3A_479 : i32 to vector<16xi32>
        %add3A_481 = arith.addi %iota3A, %add3A_480 : vector<16xi32>
        %and3A_482 = arith.constant 15 : i32
        %and3A_483 = vector.broadcast %and3A_482 : i32 to vector<16xi32>
        %and3A_484 = arith.andi %add3A_481, %and3A_483 : vector<16xi32>
        %broadcast_in_dim3A_485 = vector.shape_cast %and3A_484 : vector<16xi32> to vector<16x1xi32>
        %gather3A_486 = vector.shape_cast %broadcast_in_dim3A_485 : vector<16x1xi32> to vector<16xi32>
        %gather3A_487 = tpu.dynamic_gather %add3A_478[%gather3A_486] in [0] : vector<16xf32>, vector<16xi32> -> vector<16xf32>
        %add3A_488 = arith.addf %add3A_478, %gather3A_487 : vector<16xf32>
        %add3A_489 = arith.constant 2 : i32
        %add3A_490 = vector.broadcast %add3A_489 : i32 to vector<16xi32>
        %add3A_491 = arith.addi %iota3A, %add3A_490 : vector<16xi32>
        %and3A_492 = arith.constant 15 : i32
        %and3A_493 = vector.broadcast %and3A_492 : i32 to vector<16xi32>
        %and3A_494 = arith.andi %add3A_491, %and3A_493 : vector<16xi32>
        %broadcast_in_dim3A_495 = vector.shape_cast %and3A_494 : vector<16xi32> to vector<16x1xi32>
        %gather3A_496 = vector.shape_cast %broadcast_in_dim3A_495 : vector<16x1xi32> to vector<16xi32>
        %gather3A_497 = tpu.dynamic_gather %add3A_488[%gather3A_496] in [0] : vector<16xf32>, vector<16xi32> -> vector<16xf32>
        %add3A_498 = arith.addf %add3A_488, %gather3A_497 : vector<16xf32>
        %add3A_499 = arith.constant 1 : i32
        %add3A_500 = vector.broadcast %add3A_499 : i32 to vector<16xi32>
        %add3A_501 = arith.addi %iota3A, %add3A_500 : vector<16xi32>
        %and3A_502 = arith.constant 15 : i32
        %and3A_503 = vector.broadcast %and3A_502 : i32 to vector<16xi32>
        %and3A_504 = arith.andi %add3A_501, %and3A_503 : vector<16xi32>
        %broadcast_in_dim3A_505 = vector.shape_cast %and3A_504 : vector<16xi32> to vector<16x1xi32>
        %gather3A_506 = vector.shape_cast %broadcast_in_dim3A_505 : vector<16x1xi32> to vector<16xi32>
        %gather3A_507 = tpu.dynamic_gather %add3A_498[%gather3A_506] in [0] : vector<16xf32>, vector<16xi32> -> vector<16xf32>
        %add3A_508 = arith.addf %add3A_498, %gather3A_507 : vector<16xf32>
        %select_n3A_509 = arith.select %eq3A_468, %add3A_508, %select_n3A_408 : vector<16xi1>, vector<16xf32>
        %add3A_510 = arith.constant 8 : i32
        %add3A_511 = vector.broadcast %add3A_510 : i32 to vector<16xi32>
        %add3A_512 = arith.addi %iota3A, %add3A_511 : vector<16xi32>
        %and3A_513 = arith.constant 15 : i32
        %and3A_514 = vector.broadcast %and3A_513 : i32 to vector<16xi32>
        %and3A_515 = arith.andi %add3A_512, %and3A_514 : vector<16xi32>
        %broadcast_in_dim3A_516 = vector.shape_cast %and3A_515 : vector<16xi32> to vector<16x1xi32>
        %gather3A_517 = vector.shape_cast %broadcast_in_dim3A_516 : vector<16x1xi32> to vector<16xi32>
        %gather3A_518 = tpu.dynamic_gather %add3A_465[%gather3A_517] in [0] : vector<16xf32>, vector<16xi32> -> vector<16xf32>
        %add3A_519 = arith.addf %add3A_465, %gather3A_518 : vector<16xf32>
        %add3A_520 = arith.constant 4 : i32
        %add3A_521 = vector.broadcast %add3A_520 : i32 to vector<16xi32>
        %add3A_522 = arith.addi %iota3A, %add3A_521 : vector<16xi32>
        %and3A_523 = arith.constant 15 : i32
        %and3A_524 = vector.broadcast %and3A_523 : i32 to vector<16xi32>
        %and3A_525 = arith.andi %add3A_522, %and3A_524 : vector<16xi32>
        %broadcast_in_dim3A_526 = vector.shape_cast %and3A_525 : vector<16xi32> to vector<16x1xi32>
        %gather3A_527 = vector.shape_cast %broadcast_in_dim3A_526 : vector<16x1xi32> to vector<16xi32>
        %gather3A_528 = tpu.dynamic_gather %add3A_519[%gather3A_527] in [0] : vector<16xf32>, vector<16xi32> -> vector<16xf32>
        %add3A_529 = arith.addf %add3A_519, %gather3A_528 : vector<16xf32>
        %add3A_530 = arith.constant 2 : i32
        %add3A_531 = vector.broadcast %add3A_530 : i32 to vector<16xi32>
        %add3A_532 = arith.addi %iota3A, %add3A_531 : vector<16xi32>
        %and3A_533 = arith.constant 15 : i32
        %and3A_534 = vector.broadcast %and3A_533 : i32 to vector<16xi32>
        %and3A_535 = arith.andi %add3A_532, %and3A_534 : vector<16xi32>
        %broadcast_in_dim3A_536 = vector.shape_cast %and3A_535 : vector<16xi32> to vector<16x1xi32>
        %gather3A_537 = vector.shape_cast %broadcast_in_dim3A_536 : vector<16x1xi32> to vector<16xi32>
        %gather3A_538 = tpu.dynamic_gather %add3A_529[%gather3A_537] in [0] : vector<16xf32>, vector<16xi32> -> vector<16xf32>
        %add3A_539 = arith.addf %add3A_529, %gather3A_538 : vector<16xf32>
        %add3A_540 = arith.constant 1 : i32
        %add3A_541 = vector.broadcast %add3A_540 : i32 to vector<16xi32>
        %add3A_542 = arith.addi %iota3A, %add3A_541 : vector<16xi32>
        %and3A_543 = arith.constant 15 : i32
        %and3A_544 = vector.broadcast %and3A_543 : i32 to vector<16xi32>
        %and3A_545 = arith.andi %add3A_542, %and3A_544 : vector<16xi32>
        %broadcast_in_dim3A_546 = vector.shape_cast %and3A_545 : vector<16xi32> to vector<16x1xi32>
        %gather3A_547 = vector.shape_cast %broadcast_in_dim3A_546 : vector<16x1xi32> to vector<16xi32>
        %gather3A_548 = tpu.dynamic_gather %add3A_539[%gather3A_547] in [0] : vector<16xf32>, vector<16xi32> -> vector<16xf32>
        %add3A_549 = arith.addf %add3A_539, %gather3A_548 : vector<16xf32>
        %select_n3A_550 = arith.select %eq3A_468, %add3A_549, %select_n3A_449 : vector<16xi1>, vector<16xf32>
        %add3A_551 = arith.constant 4 : i32
        %add3A_552 = arith.addi %mul3A_127, %add3A_551 : i32
        %add3A_553 = arith.constant 0 : i32
        %add3A_554 = arith.addi %add3A_552, %add3A_553 : i32
        %mul3A_555 = arith.constant 1000 : i32
        %mul3A_556 = arith.muli %add3A_554, %mul3A_555 : i32
        %add3A_557 = arith.constant 4 : i32
        %add3A_558 = arith.addi %mul3A_127, %add3A_557 : i32
        %add3A_559 = arith.constant 1 : i32
        %add3A_560 = arith.addi %add3A_558, %add3A_559 : i32
        %mul3A_561 = arith.constant 1000 : i32
        %mul3A_562 = arith.muli %add3A_560, %mul3A_561 : i32
        %add3A_563 = arith.constant 4 : i32
        %add3A_564 = arith.addi %mul3A_127, %add3A_563 : i32
        %add3A_565 = arith.constant 2 : i32
        %add3A_566 = arith.addi %add3A_564, %add3A_565 : i32
        %mul3A_567 = arith.constant 1000 : i32
        %mul3A_568 = arith.muli %add3A_566, %mul3A_567 : i32
        %add3A_569 = arith.constant 4 : i32
        %add3A_570 = arith.addi %mul3A_127, %add3A_569 : i32
        %add3A_571 = arith.constant 3 : i32
        %add3A_572 = arith.addi %add3A_570, %add3A_571 : i32
        %mul3A_573 = arith.constant 1000 : i32
        %mul3A_574 = arith.muli %add3A_572, %mul3A_573 : i32
        %parallel_loop3A_575 = arith.constant 0 : i32
        %parallel_loop3A_576 = arith.constant 62 : i32
        %parallel_loop3A_577 = arith.constant 1 : i32
        %parallel_loop3A_578:8 = scf.for %parallel_loop3A_1862 = %parallel_loop3A_575 to %parallel_loop3A_576 step %parallel_loop3A_577 iter_args(%parallel_loop3A_1863 = %broadcast_in_dim3A_7, %parallel_loop3A_1864 = %broadcast_in_dim3A_7, %parallel_loop3A_1865 = %broadcast_in_dim3A_7, %parallel_loop3A_1866 = %broadcast_in_dim3A_7, %parallel_loop3A_1867 = %broadcast_in_dim3A_7, %parallel_loop3A_1868 = %broadcast_in_dim3A_7, %parallel_loop3A_1869 = %broadcast_in_dim3A_7, %parallel_loop3A_1870 = %broadcast_in_dim3A_7) -> (vector<16xf32>, vector<16xf32>, vector<16xf32>, vector<16xf32>, vector<16xf32>, vector<16xf32>, vector<16xf32>, vector<16xf32>)  : i32 {
          %parallel_loop3A_1871 = arith.constant 16 : i32
          %parallel_loop3A_1872 = arith.muli %parallel_loop3A_1862, %parallel_loop3A_1871 : i32
          %parallel_loop3A_1873 = arith.addi %mul3A_556, %parallel_loop3A_1872 : i32
          %parallel_loop3A_1874 = arith.index_cast %parallel_loop3A_1873 : i32 to index
          %parallel_loop3A_1875 = tpu.vector_load %arg8[%parallel_loop3A_1874] {strides = array<i32>} : memref<64000xf32, #tpu.memory_space<vmem>>, vector<16xf32>,
          %parallel_loop3A_1876 = math.exp %parallel_loop3A_1875 : vector<16xf32>
          %parallel_loop3A_1877 = arith.addf %parallel_loop3A_1863, %parallel_loop3A_1876 : vector<16xf32>
          %parallel_loop3A_1878 = arith.mulf %parallel_loop3A_1875, %parallel_loop3A_1876 : vector<16xf32>
          %parallel_loop3A_1879 = arith.addf %parallel_loop3A_1864, %parallel_loop3A_1878 : vector<16xf32>
          %parallel_loop3A_1880 = arith.constant 16 : i32
          %parallel_loop3A_1881 = arith.muli %parallel_loop3A_1862, %parallel_loop3A_1880 : i32
          %parallel_loop3A_1882 = arith.addi %mul3A_562, %parallel_loop3A_1881 : i32
          %parallel_loop3A_1883 = arith.index_cast %parallel_loop3A_1882 : i32 to index
          %parallel_loop3A_1884 = tpu.vector_load %arg8[%parallel_loop3A_1883] {strides = array<i32>} : memref<64000xf32, #tpu.memory_space<vmem>>, vector<16xf32>,
          %parallel_loop3A_1885 = math.exp %parallel_loop3A_1884 : vector<16xf32>
          %parallel_loop3A_1886 = arith.addf %parallel_loop3A_1865, %parallel_loop3A_1885 : vector<16xf32>
          %parallel_loop3A_1887 = arith.mulf %parallel_loop3A_1884, %parallel_loop3A_1885 : vector<16xf32>
          %parallel_loop3A_1888 = arith.addf %parallel_loop3A_1866, %parallel_loop3A_1887 : vector<16xf32>
          %parallel_loop3A_1889 = arith.constant 16 : i32
          %parallel_loop3A_1890 = arith.muli %parallel_loop3A_1862, %parallel_loop3A_1889 : i32
          %parallel_loop3A_1891 = arith.addi %mul3A_568, %parallel_loop3A_1890 : i32
          %parallel_loop3A_1892 = arith.index_cast %parallel_loop3A_1891 : i32 to index
          %parallel_loop3A_1893 = tpu.vector_load %arg8[%parallel_loop3A_1892] {strides = array<i32>} : memref<64000xf32, #tpu.memory_space<vmem>>, vector<16xf32>,
          %parallel_loop3A_1894 = math.exp %parallel_loop3A_1893 : vector<16xf32>
          %parallel_loop3A_1895 = arith.addf %parallel_loop3A_1867, %parallel_loop3A_1894 : vector<16xf32>
          %parallel_loop3A_1896 = arith.mulf %parallel_loop3A_1893, %parallel_loop3A_1894 : vector<16xf32>
          %parallel_loop3A_1897 = arith.addf %parallel_loop3A_1868, %parallel_loop3A_1896 : vector<16xf32>
          %parallel_loop3A_1898 = arith.constant 16 : i32
          %parallel_loop3A_1899 = arith.muli %parallel_loop3A_1862, %parallel_loop3A_1898 : i32
          %parallel_loop3A_1900 = arith.addi %mul3A_574, %parallel_loop3A_1899 : i32
          %parallel_loop3A_1901 = arith.index_cast %parallel_loop3A_1900 : i32 to index
          %parallel_loop3A_1902 = tpu.vector_load %arg8[%parallel_loop3A_1901] {strides = array<i32>} : memref<64000xf32, #tpu.memory_space<vmem>>, vector<16xf32>,
          %parallel_loop3A_1903 = math.exp %parallel_loop3A_1902 : vector<16xf32>
          %parallel_loop3A_1904 = arith.addf %parallel_loop3A_1869, %parallel_loop3A_1903 : vector<16xf32>
          %parallel_loop3A_1905 = arith.mulf %parallel_loop3A_1902, %parallel_loop3A_1903 : vector<16xf32>
          %parallel_loop3A_1906 = arith.addf %parallel_loop3A_1870, %parallel_loop3A_1905 : vector<16xf32>
          scf.yield %parallel_loop3A_1877, %parallel_loop3A_1879, %parallel_loop3A_1886, %parallel_loop3A_1888, %parallel_loop3A_1895, %parallel_loop3A_1897, %parallel_loop3A_1904, %parallel_loop3A_1906 : vector<16xf32>, vector<16xf32>, vector<16xf32>, vector<16xf32>, vector<16xf32>, vector<16xf32>, vector<16xf32>, vector<16xf32>
        } {sc.loop_unroll_factor = 2 : i64, sc.parallel_access}
        %add3A_579 = arith.constant 1000 : i32
        %add3A_580 = arith.addi %mul3A_556, %add3A_579 : i32
        %sub3A_581 = arith.constant 16 : i32
        %sub3A_582 = arith.subi %add3A_580, %sub3A_581 : i32
        %get3A_583 = arith.index_cast %sub3A_582 : i32 to index
        %get3A_584 = tpu.vector_load %arg8[%get3A_583] {strides = array<i32>} : memref<64000xf32, #tpu.memory_space<vmem>>, vector<16xf32>,
        %exp3A_585 = math.exp %get3A_584 : vector<16xf32>
        %jit3A_586 = arith.constant 0.000000e+00 : f32
        %broadcast_in_dim3A_587 = vector.broadcast %jit3A_586 : f32 to vector<16xf32>
        %select_n3A_588 = arith.select %ge3A_6, %exp3A_585, %broadcast_in_dim3A_587 : vector<16xi1>, vector<16xf32>
        %add3A_589 = arith.addf %parallel_loop3A_578#0, %select_n3A_588 : vector<16xf32>
        %mul3A_590 = arith.mulf %get3A_584, %exp3A_585 : vector<16xf32>
        %jit3A_591 = arith.constant 0.000000e+00 : f32
        %broadcast_in_dim3A_592 = vector.broadcast %jit3A_591 : f32 to vector<16xf32>
        %select_n3A_593 = arith.select %ge3A_6, %mul3A_590, %broadcast_in_dim3A_592 : vector<16xi1>, vector<16xf32>
        %add3A_594 = arith.addf %parallel_loop3A_578#1, %select_n3A_593 : vector<16xf32>
        %eq3A_595 = arith.constant 4 : i32
        %eq3A_596 = vector.broadcast %eq3A_595 : i32 to vector<16xi32>
        %eq3A_597 = arith.cmpi eq, %iota3A, %eq3A_596 : vector<16xi32>
        %add3A_598 = arith.constant 8 : i32
        %add3A_599 = vector.broadcast %add3A_598 : i32 to vector<16xi32>
        %add3A_600 = arith.addi %iota3A, %add3A_599 : vector<16xi32>
        %and3A_601 = arith.constant 15 : i32
        %and3A_602 = vector.broadcast %and3A_601 : i32 to vector<16xi32>
        %and3A_603 = arith.andi %add3A_600, %and3A_602 : vector<16xi32>
        %broadcast_in_dim3A_604 = vector.shape_cast %and3A_603 : vector<16xi32> to vector<16x1xi32>
        %gather3A_605 = vector.shape_cast %broadcast_in_dim3A_604 : vector<16x1xi32> to vector<16xi32>
        %gather3A_606 = tpu.dynamic_gather %add3A_589[%gather3A_605] in [0] : vector<16xf32>, vector<16xi32> -> vector<16xf32>
        %add3A_607 = arith.addf %add3A_589, %gather3A_606 : vector<16xf32>
        %add3A_608 = arith.constant 4 : i32
        %add3A_609 = vector.broadcast %add3A_608 : i32 to vector<16xi32>
        %add3A_610 = arith.addi %iota3A, %add3A_609 : vector<16xi32>
        %and3A_611 = arith.constant 15 : i32
        %and3A_612 = vector.broadcast %and3A_611 : i32 to vector<16xi32>
        %and3A_613 = arith.andi %add3A_610, %and3A_612 : vector<16xi32>
        %broadcast_in_dim3A_614 = vector.shape_cast %and3A_613 : vector<16xi32> to vector<16x1xi32>
        %gather3A_615 = vector.shape_cast %broadcast_in_dim3A_614 : vector<16x1xi32> to vector<16xi32>
        %gather3A_616 = tpu.dynamic_gather %add3A_607[%gather3A_615] in [0] : vector<16xf32>, vector<16xi32> -> vector<16xf32>
        %add3A_617 = arith.addf %add3A_607, %gather3A_616 : vector<16xf32>
        %add3A_618 = arith.constant 2 : i32
        %add3A_619 = vector.broadcast %add3A_618 : i32 to vector<16xi32>
        %add3A_620 = arith.addi %iota3A, %add3A_619 : vector<16xi32>
        %and3A_621 = arith.constant 15 : i32
        %and3A_622 = vector.broadcast %and3A_621 : i32 to vector<16xi32>
        %and3A_623 = arith.andi %add3A_620, %and3A_622 : vector<16xi32>
        %broadcast_in_dim3A_624 = vector.shape_cast %and3A_623 : vector<16xi32> to vector<16x1xi32>
        %gather3A_625 = vector.shape_cast %broadcast_in_dim3A_624 : vector<16x1xi32> to vector<16xi32>
        %gather3A_626 = tpu.dynamic_gather %add3A_617[%gather3A_625] in [0] : vector<16xf32>, vector<16xi32> -> vector<16xf32>
        %add3A_627 = arith.addf %add3A_617, %gather3A_626 : vector<16xf32>
        %add3A_628 = arith.constant 1 : i32
        %add3A_629 = vector.broadcast %add3A_628 : i32 to vector<16xi32>
        %add3A_630 = arith.addi %iota3A, %add3A_629 : vector<16xi32>
        %and3A_631 = arith.constant 15 : i32
        %and3A_632 = vector.broadcast %and3A_631 : i32 to vector<16xi32>
        %and3A_633 = arith.andi %add3A_630, %and3A_632 : vector<16xi32>
        %broadcast_in_dim3A_634 = vector.shape_cast %and3A_633 : vector<16xi32> to vector<16x1xi32>
        %gather3A_635 = vector.shape_cast %broadcast_in_dim3A_634 : vector<16x1xi32> to vector<16xi32>
        %gather3A_636 = tpu.dynamic_gather %add3A_627[%gather3A_635] in [0] : vector<16xf32>, vector<16xi32> -> vector<16xf32>
        %add3A_637 = arith.addf %add3A_627, %gather3A_636 : vector<16xf32>
        %select_n3A_638 = arith.select %eq3A_597, %add3A_637, %select_n3A_509 : vector<16xi1>, vector<16xf32>
        %add3A_639 = arith.constant 8 : i32
        %add3A_640 = vector.broadcast %add3A_639 : i32 to vector<16xi32>
        %add3A_641 = arith.addi %iota3A, %add3A_640 : vector<16xi32>
        %and3A_642 = arith.constant 15 : i32
        %and3A_643 = vector.broadcast %and3A_642 : i32 to vector<16xi32>
        %and3A_644 = arith.andi %add3A_641, %and3A_643 : vector<16xi32>
        %broadcast_in_dim3A_645 = vector.shape_cast %and3A_644 : vector<16xi32> to vector<16x1xi32>
        %gather3A_646 = vector.shape_cast %broadcast_in_dim3A_645 : vector<16x1xi32> to vector<16xi32>
        %gather3A_647 = tpu.dynamic_gather %add3A_594[%gather3A_646] in [0] : vector<16xf32>, vector<16xi32> -> vector<16xf32>
        %add3A_648 = arith.addf %add3A_594, %gather3A_647 : vector<16xf32>
        %add3A_649 = arith.constant 4 : i32
        %add3A_650 = vector.broadcast %add3A_649 : i32 to vector<16xi32>
        %add3A_651 = arith.addi %iota3A, %add3A_650 : vector<16xi32>
        %and3A_652 = arith.constant 15 : i32
        %and3A_653 = vector.broadcast %and3A_652 : i32 to vector<16xi32>
        %and3A_654 = arith.andi %add3A_651, %and3A_653 : vector<16xi32>
        %broadcast_in_dim3A_655 = vector.shape_cast %and3A_654 : vector<16xi32> to vector<16x1xi32>
        %gather3A_656 = vector.shape_cast %broadcast_in_dim3A_655 : vector<16x1xi32> to vector<16xi32>
        %gather3A_657 = tpu.dynamic_gather %add3A_648[%gather3A_656] in [0] : vector<16xf32>, vector<16xi32> -> vector<16xf32>
        %add3A_658 = arith.addf %add3A_648, %gather3A_657 : vector<16xf32>
        %add3A_659 = arith.constant 2 : i32
        %add3A_660 = vector.broadcast %add3A_659 : i32 to vector<16xi32>
        %add3A_661 = arith.addi %iota3A, %add3A_660 : vector<16xi32>
        %and3A_662 = arith.constant 15 : i32
        %and3A_663 = vector.broadcast %and3A_662 : i32 to vector<16xi32>
        %and3A_664 = arith.andi %add3A_661, %and3A_663 : vector<16xi32>
        %broadcast_in_dim3A_665 = vector.shape_cast %and3A_664 : vector<16xi32> to vector<16x1xi32>
        %gather3A_666 = vector.shape_cast %broadcast_in_dim3A_665 : vector<16x1xi32> to vector<16xi32>
        %gather3A_667 = tpu.dynamic_gather %add3A_658[%gather3A_666] in [0] : vector<16xf32>, vector<16xi32> -> vector<16xf32>
        %add3A_668 = arith.addf %add3A_658, %gather3A_667 : vector<16xf32>
        %add3A_669 = arith.constant 1 : i32
        %add3A_670 = vector.broadcast %add3A_669 : i32 to vector<16xi32>
        %add3A_671 = arith.addi %iota3A, %add3A_670 : vector<16xi32>
        %and3A_672 = arith.constant 15 : i32
        %and3A_673 = vector.broadcast %and3A_672 : i32 to vector<16xi32>
        %and3A_674 = arith.andi %add3A_671, %and3A_673 : vector<16xi32>
        %broadcast_in_dim3A_675 = vector.shape_cast %and3A_674 : vector<16xi32> to vector<16x1xi32>
        %gather3A_676 = vector.shape_cast %broadcast_in_dim3A_675 : vector<16x1xi32> to vector<16xi32>
        %gather3A_677 = tpu.dynamic_gather %add3A_668[%gather3A_676] in [0] : vector<16xf32>, vector<16xi32> -> vector<16xf32>
        %add3A_678 = arith.addf %add3A_668, %gather3A_677 : vector<16xf32>
        %select_n3A_679 = arith.select %eq3A_597, %add3A_678, %select_n3A_550 : vector<16xi1>, vector<16xf32>
        %add3A_680 = arith.constant 1000 : i32
        %add3A_681 = arith.addi %mul3A_562, %add3A_680 : i32
        %sub3A_682 = arith.constant 16 : i32
        %sub3A_683 = arith.subi %add3A_681, %sub3A_682 : i32
        %get3A_684 = arith.index_cast %sub3A_683 : i32 to index
        %get3A_685 = tpu.vector_load %arg8[%get3A_684] {strides = array<i32>} : memref<64000xf32, #tpu.memory_space<vmem>>, vector<16xf32>,
        %exp3A_686 = math.exp %get3A_685 : vector<16xf32>
        %jit3A_687 = arith.constant 0.000000e+00 : f32
        %broadcast_in_dim3A_688 = vector.broadcast %jit3A_687 : f32 to vector<16xf32>
        %select_n3A_689 = arith.select %ge3A_6, %exp3A_686, %broadcast_in_dim3A_688 : vector<16xi1>, vector<16xf32>
        %add3A_690 = arith.addf %parallel_loop3A_578#2, %select_n3A_689 : vector<16xf32>
        %mul3A_691 = arith.mulf %get3A_685, %exp3A_686 : vector<16xf32>
        %jit3A_692 = arith.constant 0.000000e+00 : f32
        %broadcast_in_dim3A_693 = vector.broadcast %jit3A_692 : f32 to vector<16xf32>
        %select_n3A_694 = arith.select %ge3A_6, %mul3A_691, %broadcast_in_dim3A_693 : vector<16xi1>, vector<16xf32>
        %add3A_695 = arith.addf %parallel_loop3A_578#3, %select_n3A_694 : vector<16xf32>
        %eq3A_696 = arith.constant 5 : i32
        %eq3A_697 = vector.broadcast %eq3A_696 : i32 to vector<16xi32>
        %eq3A_698 = arith.cmpi eq, %iota3A, %eq3A_697 : vector<16xi32>
        %add3A_699 = arith.constant 8 : i32
        %add3A_700 = vector.broadcast %add3A_699 : i32 to vector<16xi32>
        %add3A_701 = arith.addi %iota3A, %add3A_700 : vector<16xi32>
        %and3A_702 = arith.constant 15 : i32
        %and3A_703 = vector.broadcast %and3A_702 : i32 to vector<16xi32>
        %and3A_704 = arith.andi %add3A_701, %and3A_703 : vector<16xi32>
        %broadcast_in_dim3A_705 = vector.shape_cast %and3A_704 : vector<16xi32> to vector<16x1xi32>
        %gather3A_706 = vector.shape_cast %broadcast_in_dim3A_705 : vector<16x1xi32> to vector<16xi32>
        %gather3A_707 = tpu.dynamic_gather %add3A_690[%gather3A_706] in [0] : vector<16xf32>, vector<16xi32> -> vector<16xf32>
        %add3A_708 = arith.addf %add3A_690, %gather3A_707 : vector<16xf32>
        %add3A_709 = arith.constant 4 : i32
        %add3A_710 = vector.broadcast %add3A_709 : i32 to vector<16xi32>
        %add3A_711 = arith.addi %iota3A, %add3A_710 : vector<16xi32>
        %and3A_712 = arith.constant 15 : i32
        %and3A_713 = vector.broadcast %and3A_712 : i32 to vector<16xi32>
        %and3A_714 = arith.andi %add3A_711, %and3A_713 : vector<16xi32>
        %broadcast_in_dim3A_715 = vector.shape_cast %and3A_714 : vector<16xi32> to vector<16x1xi32>
        %gather3A_716 = vector.shape_cast %broadcast_in_dim3A_715 : vector<16x1xi32> to vector<16xi32>
        %gather3A_717 = tpu.dynamic_gather %add3A_708[%gather3A_716] in [0] : vector<16xf32>, vector<16xi32> -> vector<16xf32>
        %add3A_718 = arith.addf %add3A_708, %gather3A_717 : vector<16xf32>
        %add3A_719 = arith.constant 2 : i32
        %add3A_720 = vector.broadcast %add3A_719 : i32 to vector<16xi32>
        %add3A_721 = arith.addi %iota3A, %add3A_720 : vector<16xi32>
        %and3A_722 = arith.constant 15 : i32
        %and3A_723 = vector.broadcast %and3A_722 : i32 to vector<16xi32>
        %and3A_724 = arith.andi %add3A_721, %and3A_723 : vector<16xi32>
        %broadcast_in_dim3A_725 = vector.shape_cast %and3A_724 : vector<16xi32> to vector<16x1xi32>
        %gather3A_726 = vector.shape_cast %broadcast_in_dim3A_725 : vector<16x1xi32> to vector<16xi32>
        %gather3A_727 = tpu.dynamic_gather %add3A_718[%gather3A_726] in [0] : vector<16xf32>, vector<16xi32> -> vector<16xf32>
        %add3A_728 = arith.addf %add3A_718, %gather3A_727 : vector<16xf32>
        %add3A_729 = arith.constant 1 : i32
        %add3A_730 = vector.broadcast %add3A_729 : i32 to vector<16xi32>
        %add3A_731 = arith.addi %iota3A, %add3A_730 : vector<16xi32>
        %and3A_732 = arith.constant 15 : i32
        %and3A_733 = vector.broadcast %and3A_732 : i32 to vector<16xi32>
        %and3A_734 = arith.andi %add3A_731, %and3A_733 : vector<16xi32>
        %broadcast_in_dim3A_735 = vector.shape_cast %and3A_734 : vector<16xi32> to vector<16x1xi32>
        %gather3A_736 = vector.shape_cast %broadcast_in_dim3A_735 : vector<16x1xi32> to vector<16xi32>
        %gather3A_737 = tpu.dynamic_gather %add3A_728[%gather3A_736] in [0] : vector<16xf32>, vector<16xi32> -> vector<16xf32>
        %add3A_738 = arith.addf %add3A_728, %gather3A_737 : vector<16xf32>
        %select_n3A_739 = arith.select %eq3A_698, %add3A_738, %select_n3A_638 : vector<16xi1>, vector<16xf32>
        %add3A_740 = arith.constant 8 : i32
        %add3A_741 = vector.broadcast %add3A_740 : i32 to vector<16xi32>
        %add3A_742 = arith.addi %iota3A, %add3A_741 : vector<16xi32>
        %and3A_743 = arith.constant 15 : i32
        %and3A_744 = vector.broadcast %and3A_743 : i32 to vector<16xi32>
        %and3A_745 = arith.andi %add3A_742, %and3A_744 : vector<16xi32>
        %broadcast_in_dim3A_746 = vector.shape_cast %and3A_745 : vector<16xi32> to vector<16x1xi32>
        %gather3A_747 = vector.shape_cast %broadcast_in_dim3A_746 : vector<16x1xi32> to vector<16xi32>
        %gather3A_748 = tpu.dynamic_gather %add3A_695[%gather3A_747] in [0] : vector<16xf32>, vector<16xi32> -> vector<16xf32>
        %add3A_749 = arith.addf %add3A_695, %gather3A_748 : vector<16xf32>
        %add3A_750 = arith.constant 4 : i32
        %add3A_751 = vector.broadcast %add3A_750 : i32 to vector<16xi32>
        %add3A_752 = arith.addi %iota3A, %add3A_751 : vector<16xi32>
        %and3A_753 = arith.constant 15 : i32
        %and3A_754 = vector.broadcast %and3A_753 : i32 to vector<16xi32>
        %and3A_755 = arith.andi %add3A_752, %and3A_754 : vector<16xi32>
        %broadcast_in_dim3A_756 = vector.shape_cast %and3A_755 : vector<16xi32> to vector<16x1xi32>
        %gather3A_757 = vector.shape_cast %broadcast_in_dim3A_756 : vector<16x1xi32> to vector<16xi32>
        %gather3A_758 = tpu.dynamic_gather %add3A_749[%gather3A_757] in [0] : vector<16xf32>, vector<16xi32> -> vector<16xf32>
        %add3A_759 = arith.addf %add3A_749, %gather3A_758 : vector<16xf32>
        %add3A_760 = arith.constant 2 : i32
        %add3A_761 = vector.broadcast %add3A_760 : i32 to vector<16xi32>
        %add3A_762 = arith.addi %iota3A, %add3A_761 : vector<16xi32>
        %and3A_763 = arith.constant 15 : i32
        %and3A_764 = vector.broadcast %and3A_763 : i32 to vector<16xi32>
        %and3A_765 = arith.andi %add3A_762, %and3A_764 : vector<16xi32>
        %broadcast_in_dim3A_766 = vector.shape_cast %and3A_765 : vector<16xi32> to vector<16x1xi32>
        %gather3A_767 = vector.shape_cast %broadcast_in_dim3A_766 : vector<16x1xi32> to vector<16xi32>
        %gather3A_768 = tpu.dynamic_gather %add3A_759[%gather3A_767] in [0] : vector<16xf32>, vector<16xi32> -> vector<16xf32>
        %add3A_769 = arith.addf %add3A_759, %gather3A_768 : vector<16xf32>
        %add3A_770 = arith.constant 1 : i32
        %add3A_771 = vector.broadcast %add3A_770 : i32 to vector<16xi32>
        %add3A_772 = arith.addi %iota3A, %add3A_771 : vector<16xi32>
        %and3A_773 = arith.constant 15 : i32
        %and3A_774 = vector.broadcast %and3A_773 : i32 to vector<16xi32>
        %and3A_775 = arith.andi %add3A_772, %and3A_774 : vector<16xi32>
        %broadcast_in_dim3A_776 = vector.shape_cast %and3A_775 : vector<16xi32> to vector<16x1xi32>
        %gather3A_777 = vector.shape_cast %broadcast_in_dim3A_776 : vector<16x1xi32> to vector<16xi32>
        %gather3A_778 = tpu.dynamic_gather %add3A_769[%gather3A_777] in [0] : vector<16xf32>, vector<16xi32> -> vector<16xf32>
        %add3A_779 = arith.addf %add3A_769, %gather3A_778 : vector<16xf32>
        %select_n3A_780 = arith.select %eq3A_698, %add3A_779, %select_n3A_679 : vector<16xi1>, vector<16xf32>
        %add3A_781 = arith.constant 1000 : i32
        %add3A_782 = arith.addi %mul3A_568, %add3A_781 : i32
        %sub3A_783 = arith.constant 16 : i32
        %sub3A_784 = arith.subi %add3A_782, %sub3A_783 : i32
        %get3A_785 = arith.index_cast %sub3A_784 : i32 to index
        %get3A_786 = tpu.vector_load %arg8[%get3A_785] {strides = array<i32>} : memref<64000xf32, #tpu.memory_space<vmem>>, vector<16xf32>,
        %exp3A_787 = math.exp %get3A_786 : vector<16xf32>
        %jit3A_788 = arith.constant 0.000000e+00 : f32
        %broadcast_in_dim3A_789 = vector.broadcast %jit3A_788 : f32 to vector<16xf32>
        %select_n3A_790 = arith.select %ge3A_6, %exp3A_787, %broadcast_in_dim3A_789 : vector<16xi1>, vector<16xf32>
        %add3A_791 = arith.addf %parallel_loop3A_578#4, %select_n3A_790 : vector<16xf32>
        %mul3A_792 = arith.mulf %get3A_786, %exp3A_787 : vector<16xf32>
        %jit3A_793 = arith.constant 0.000000e+00 : f32
        %broadcast_in_dim3A_794 = vector.broadcast %jit3A_793 : f32 to vector<16xf32>
        %select_n3A_795 = arith.select %ge3A_6, %mul3A_792, %broadcast_in_dim3A_794 : vector<16xi1>, vector<16xf32>
        %add3A_796 = arith.addf %parallel_loop3A_578#5, %select_n3A_795 : vector<16xf32>
        %eq3A_797 = arith.constant 6 : i32
        %eq3A_798 = vector.broadcast %eq3A_797 : i32 to vector<16xi32>
        %eq3A_799 = arith.cmpi eq, %iota3A, %eq3A_798 : vector<16xi32>
        %add3A_800 = arith.constant 8 : i32
        %add3A_801 = vector.broadcast %add3A_800 : i32 to vector<16xi32>
        %add3A_802 = arith.addi %iota3A, %add3A_801 : vector<16xi32>
        %and3A_803 = arith.constant 15 : i32
        %and3A_804 = vector.broadcast %and3A_803 : i32 to vector<16xi32>
        %and3A_805 = arith.andi %add3A_802, %and3A_804 : vector<16xi32>
        %broadcast_in_dim3A_806 = vector.shape_cast %and3A_805 : vector<16xi32> to vector<16x1xi32>
        %gather3A_807 = vector.shape_cast %broadcast_in_dim3A_806 : vector<16x1xi32> to vector<16xi32>
        %gather3A_808 = tpu.dynamic_gather %add3A_791[%gather3A_807] in [0] : vector<16xf32>, vector<16xi32> -> vector<16xf32>
        %add3A_809 = arith.addf %add3A_791, %gather3A_808 : vector<16xf32>
        %add3A_810 = arith.constant 4 : i32
        %add3A_811 = vector.broadcast %add3A_810 : i32 to vector<16xi32>
        %add3A_812 = arith.addi %iota3A, %add3A_811 : vector<16xi32>
        %and3A_813 = arith.constant 15 : i32
        %and3A_814 = vector.broadcast %and3A_813 : i32 to vector<16xi32>
        %and3A_815 = arith.andi %add3A_812, %and3A_814 : vector<16xi32>
        %broadcast_in_dim3A_816 = vector.shape_cast %and3A_815 : vector<16xi32> to vector<16x1xi32>
        %gather3A_817 = vector.shape_cast %broadcast_in_dim3A_816 : vector<16x1xi32> to vector<16xi32>
        %gather3A_818 = tpu.dynamic_gather %add3A_809[%gather3A_817] in [0] : vector<16xf32>, vector<16xi32> -> vector<16xf32>
        %add3A_819 = arith.addf %add3A_809, %gather3A_818 : vector<16xf32>
        %add3A_820 = arith.constant 2 : i32
        %add3A_821 = vector.broadcast %add3A_820 : i32 to vector<16xi32>
        %add3A_822 = arith.addi %iota3A, %add3A_821 : vector<16xi32>
        %and3A_823 = arith.constant 15 : i32
        %and3A_824 = vector.broadcast %and3A_823 : i32 to vector<16xi32>
        %and3A_825 = arith.andi %add3A_822, %and3A_824 : vector<16xi32>
        %broadcast_in_dim3A_826 = vector.shape_cast %and3A_825 : vector<16xi32> to vector<16x1xi32>
        %gather3A_827 = vector.shape_cast %broadcast_in_dim3A_826 : vector<16x1xi32> to vector<16xi32>
        %gather3A_828 = tpu.dynamic_gather %add3A_819[%gather3A_827] in [0] : vector<16xf32>, vector<16xi32> -> vector<16xf32>
        %add3A_829 = arith.addf %add3A_819, %gather3A_828 : vector<16xf32>
        %add3A_830 = arith.constant 1 : i32
        %add3A_831 = vector.broadcast %add3A_830 : i32 to vector<16xi32>
        %add3A_832 = arith.addi %iota3A, %add3A_831 : vector<16xi32>
        %and3A_833 = arith.constant 15 : i32
        %and3A_834 = vector.broadcast %and3A_833 : i32 to vector<16xi32>
        %and3A_835 = arith.andi %add3A_832, %and3A_834 : vector<16xi32>
        %broadcast_in_dim3A_836 = vector.shape_cast %and3A_835 : vector<16xi32> to vector<16x1xi32>
        %gather3A_837 = vector.shape_cast %broadcast_in_dim3A_836 : vector<16x1xi32> to vector<16xi32>
        %gather3A_838 = tpu.dynamic_gather %add3A_829[%gather3A_837] in [0] : vector<16xf32>, vector<16xi32> -> vector<16xf32>
        %add3A_839 = arith.addf %add3A_829, %gather3A_838 : vector<16xf32>
        %select_n3A_840 = arith.select %eq3A_799, %add3A_839, %select_n3A_739 : vector<16xi1>, vector<16xf32>
        %add3A_841 = arith.constant 8 : i32
        %add3A_842 = vector.broadcast %add3A_841 : i32 to vector<16xi32>
        %add3A_843 = arith.addi %iota3A, %add3A_842 : vector<16xi32>
        %and3A_844 = arith.constant 15 : i32
        %and3A_845 = vector.broadcast %and3A_844 : i32 to vector<16xi32>
        %and3A_846 = arith.andi %add3A_843, %and3A_845 : vector<16xi32>
        %broadcast_in_dim3A_847 = vector.shape_cast %and3A_846 : vector<16xi32> to vector<16x1xi32>
        %gather3A_848 = vector.shape_cast %broadcast_in_dim3A_847 : vector<16x1xi32> to vector<16xi32>
        %gather3A_849 = tpu.dynamic_gather %add3A_796[%gather3A_848] in [0] : vector<16xf32>, vector<16xi32> -> vector<16xf32>
        %add3A_850 = arith.addf %add3A_796, %gather3A_849 : vector<16xf32>
        %add3A_851 = arith.constant 4 : i32
        %add3A_852 = vector.broadcast %add3A_851 : i32 to vector<16xi32>
        %add3A_853 = arith.addi %iota3A, %add3A_852 : vector<16xi32>
        %and3A_854 = arith.constant 15 : i32
        %and3A_855 = vector.broadcast %and3A_854 : i32 to vector<16xi32>
        %and3A_856 = arith.andi %add3A_853, %and3A_855 : vector<16xi32>
        %broadcast_in_dim3A_857 = vector.shape_cast %and3A_856 : vector<16xi32> to vector<16x1xi32>
        %gather3A_858 = vector.shape_cast %broadcast_in_dim3A_857 : vector<16x1xi32> to vector<16xi32>
        %gather3A_859 = tpu.dynamic_gather %add3A_850[%gather3A_858] in [0] : vector<16xf32>, vector<16xi32> -> vector<16xf32>
        %add3A_860 = arith.addf %add3A_850, %gather3A_859 : vector<16xf32>
        %add3A_861 = arith.constant 2 : i32
        %add3A_862 = vector.broadcast %add3A_861 : i32 to vector<16xi32>
        %add3A_863 = arith.addi %iota3A, %add3A_862 : vector<16xi32>
        %and3A_864 = arith.constant 15 : i32
        %and3A_865 = vector.broadcast %and3A_864 : i32 to vector<16xi32>
        %and3A_866 = arith.andi %add3A_863, %and3A_865 : vector<16xi32>
        %broadcast_in_dim3A_867 = vector.shape_cast %and3A_866 : vector<16xi32> to vector<16x1xi32>
        %gather3A_868 = vector.shape_cast %broadcast_in_dim3A_867 : vector<16x1xi32> to vector<16xi32>
        %gather3A_869 = tpu.dynamic_gather %add3A_860[%gather3A_868] in [0] : vector<16xf32>, vector<16xi32> -> vector<16xf32>
        %add3A_870 = arith.addf %add3A_860, %gather3A_869 : vector<16xf32>
        %add3A_871 = arith.constant 1 : i32
        %add3A_872 = vector.broadcast %add3A_871 : i32 to vector<16xi32>
        %add3A_873 = arith.addi %iota3A, %add3A_872 : vector<16xi32>
        %and3A_874 = arith.constant 15 : i32
        %and3A_875 = vector.broadcast %and3A_874 : i32 to vector<16xi32>
        %and3A_876 = arith.andi %add3A_873, %and3A_875 : vector<16xi32>
        %broadcast_in_dim3A_877 = vector.shape_cast %and3A_876 : vector<16xi32> to vector<16x1xi32>
        %gather3A_878 = vector.shape_cast %broadcast_in_dim3A_877 : vector<16x1xi32> to vector<16xi32>
        %gather3A_879 = tpu.dynamic_gather %add3A_870[%gather3A_878] in [0] : vector<16xf32>, vector<16xi32> -> vector<16xf32>
        %add3A_880 = arith.addf %add3A_870, %gather3A_879 : vector<16xf32>
        %select_n3A_881 = arith.select %eq3A_799, %add3A_880, %select_n3A_780 : vector<16xi1>, vector<16xf32>
        %add3A_882 = arith.constant 1000 : i32
        %add3A_883 = arith.addi %mul3A_574, %add3A_882 : i32
        %sub3A_884 = arith.constant 16 : i32
        %sub3A_885 = arith.subi %add3A_883, %sub3A_884 : i32
        %get3A_886 = arith.index_cast %sub3A_885 : i32 to index
        %get3A_887 = tpu.vector_load %arg8[%get3A_886] {strides = array<i32>} : memref<64000xf32, #tpu.memory_space<vmem>>, vector<16xf32>,
        %exp3A_888 = math.exp %get3A_887 : vector<16xf32>
        %jit3A_889 = arith.constant 0.000000e+00 : f32
        %broadcast_in_dim3A_890 = vector.broadcast %jit3A_889 : f32 to vector<16xf32>
        %select_n3A_891 = arith.select %ge3A_6, %exp3A_888, %broadcast_in_dim3A_890 : vector<16xi1>, vector<16xf32>
        %add3A_892 = arith.addf %parallel_loop3A_578#6, %select_n3A_891 : vector<16xf32>
        %mul3A_893 = arith.mulf %get3A_887, %exp3A_888 : vector<16xf32>
        %jit3A_894 = arith.constant 0.000000e+00 : f32
        %broadcast_in_dim3A_895 = vector.broadcast %jit3A_894 : f32 to vector<16xf32>
        %select_n3A_896 = arith.select %ge3A_6, %mul3A_893, %broadcast_in_dim3A_895 : vector<16xi1>, vector<16xf32>
        %add3A_897 = arith.addf %parallel_loop3A_578#7, %select_n3A_896 : vector<16xf32>
        %eq3A_898 = arith.constant 7 : i32
        %eq3A_899 = vector.broadcast %eq3A_898 : i32 to vector<16xi32>
        %eq3A_900 = arith.cmpi eq, %iota3A, %eq3A_899 : vector<16xi32>
        %add3A_901 = arith.constant 8 : i32
        %add3A_902 = vector.broadcast %add3A_901 : i32 to vector<16xi32>
        %add3A_903 = arith.addi %iota3A, %add3A_902 : vector<16xi32>
        %and3A_904 = arith.constant 15 : i32
        %and3A_905 = vector.broadcast %and3A_904 : i32 to vector<16xi32>
        %and3A_906 = arith.andi %add3A_903, %and3A_905 : vector<16xi32>
        %broadcast_in_dim3A_907 = vector.shape_cast %and3A_906 : vector<16xi32> to vector<16x1xi32>
        %gather3A_908 = vector.shape_cast %broadcast_in_dim3A_907 : vector<16x1xi32> to vector<16xi32>
        %gather3A_909 = tpu.dynamic_gather %add3A_892[%gather3A_908] in [0] : vector<16xf32>, vector<16xi32> -> vector<16xf32>
        %add3A_910 = arith.addf %add3A_892, %gather3A_909 : vector<16xf32>
        %add3A_911 = arith.constant 4 : i32
        %add3A_912 = vector.broadcast %add3A_911 : i32 to vector<16xi32>
        %add3A_913 = arith.addi %iota3A, %add3A_912 : vector<16xi32>
        %and3A_914 = arith.constant 15 : i32
        %and3A_915 = vector.broadcast %and3A_914 : i32 to vector<16xi32>
        %and3A_916 = arith.andi %add3A_913, %and3A_915 : vector<16xi32>
        %broadcast_in_dim3A_917 = vector.shape_cast %and3A_916 : vector<16xi32> to vector<16x1xi32>
        %gather3A_918 = vector.shape_cast %broadcast_in_dim3A_917 : vector<16x1xi32> to vector<16xi32>
        %gather3A_919 = tpu.dynamic_gather %add3A_910[%gather3A_918] in [0] : vector<16xf32>, vector<16xi32> -> vector<16xf32>
        %add3A_920 = arith.addf %add3A_910, %gather3A_919 : vector<16xf32>
        %add3A_921 = arith.constant 2 : i32
        %add3A_922 = vector.broadcast %add3A_921 : i32 to vector<16xi32>
        %add3A_923 = arith.addi %iota3A, %add3A_922 : vector<16xi32>
        %and3A_924 = arith.constant 15 : i32
        %and3A_925 = vector.broadcast %and3A_924 : i32 to vector<16xi32>
        %and3A_926 = arith.andi %add3A_923, %and3A_925 : vector<16xi32>
        %broadcast_in_dim3A_927 = vector.shape_cast %and3A_926 : vector<16xi32> to vector<16x1xi32>
        %gather3A_928 = vector.shape_cast %broadcast_in_dim3A_927 : vector<16x1xi32> to vector<16xi32>
        %gather3A_929 = tpu.dynamic_gather %add3A_920[%gather3A_928] in [0] : vector<16xf32>, vector<16xi32> -> vector<16xf32>
        %add3A_930 = arith.addf %add3A_920, %gather3A_929 : vector<16xf32>
        %add3A_931 = arith.constant 1 : i32
        %add3A_932 = vector.broadcast %add3A_931 : i32 to vector<16xi32>
        %add3A_933 = arith.addi %iota3A, %add3A_932 : vector<16xi32>
        %and3A_934 = arith.constant 15 : i32
        %and3A_935 = vector.broadcast %and3A_934 : i32 to vector<16xi32>
        %and3A_936 = arith.andi %add3A_933, %and3A_935 : vector<16xi32>
        %broadcast_in_dim3A_937 = vector.shape_cast %and3A_936 : vector<16xi32> to vector<16x1xi32>
        %gather3A_938 = vector.shape_cast %broadcast_in_dim3A_937 : vector<16x1xi32> to vector<16xi32>
        %gather3A_939 = tpu.dynamic_gather %add3A_930[%gather3A_938] in [0] : vector<16xf32>, vector<16xi32> -> vector<16xf32>
        %add3A_940 = arith.addf %add3A_930, %gather3A_939 : vector<16xf32>
        %select_n3A_941 = arith.select %eq3A_900, %add3A_940, %select_n3A_840 : vector<16xi1>, vector<16xf32>
        %add3A_942 = arith.constant 8 : i32
        %add3A_943 = vector.broadcast %add3A_942 : i32 to vector<16xi32>
        %add3A_944 = arith.addi %iota3A, %add3A_943 : vector<16xi32>
        %and3A_945 = arith.constant 15 : i32
        %and3A_946 = vector.broadcast %and3A_945 : i32 to vector<16xi32>
        %and3A_947 = arith.andi %add3A_944, %and3A_946 : vector<16xi32>
        %broadcast_in_dim3A_948 = vector.shape_cast %and3A_947 : vector<16xi32> to vector<16x1xi32>
        %gather3A_949 = vector.shape_cast %broadcast_in_dim3A_948 : vector<16x1xi32> to vector<16xi32>
        %gather3A_950 = tpu.dynamic_gather %add3A_897[%gather3A_949] in [0] : vector<16xf32>, vector<16xi32> -> vector<16xf32>
        %add3A_951 = arith.addf %add3A_897, %gather3A_950 : vector<16xf32>
        %add3A_952 = arith.constant 4 : i32
        %add3A_953 = vector.broadcast %add3A_952 : i32 to vector<16xi32>
        %add3A_954 = arith.addi %iota3A, %add3A_953 : vector<16xi32>
        %and3A_955 = arith.constant 15 : i32
        %and3A_956 = vector.broadcast %and3A_955 : i32 to vector<16xi32>
        %and3A_957 = arith.andi %add3A_954, %and3A_956 : vector<16xi32>
        %broadcast_in_dim3A_958 = vector.shape_cast %and3A_957 : vector<16xi32> to vector<16x1xi32>
        %gather3A_959 = vector.shape_cast %broadcast_in_dim3A_958 : vector<16x1xi32> to vector<16xi32>
        %gather3A_960 = tpu.dynamic_gather %add3A_951[%gather3A_959] in [0] : vector<16xf32>, vector<16xi32> -> vector<16xf32>
        %add3A_961 = arith.addf %add3A_951, %gather3A_960 : vector<16xf32>
        %add3A_962 = arith.constant 2 : i32
        %add3A_963 = vector.broadcast %add3A_962 : i32 to vector<16xi32>
        %add3A_964 = arith.addi %iota3A, %add3A_963 : vector<16xi32>
        %and3A_965 = arith.constant 15 : i32
        %and3A_966 = vector.broadcast %and3A_965 : i32 to vector<16xi32>
        %and3A_967 = arith.andi %add3A_964, %and3A_966 : vector<16xi32>
        %broadcast_in_dim3A_968 = vector.shape_cast %and3A_967 : vector<16xi32> to vector<16x1xi32>
        %gather3A_969 = vector.shape_cast %broadcast_in_dim3A_968 : vector<16x1xi32> to vector<16xi32>
        %gather3A_970 = tpu.dynamic_gather %add3A_961[%gather3A_969] in [0] : vector<16xf32>, vector<16xi32> -> vector<16xf32>
        %add3A_971 = arith.addf %add3A_961, %gather3A_970 : vector<16xf32>
        %add3A_972 = arith.constant 1 : i32
        %add3A_973 = vector.broadcast %add3A_972 : i32 to vector<16xi32>
        %add3A_974 = arith.addi %iota3A, %add3A_973 : vector<16xi32>
        %and3A_975 = arith.constant 15 : i32
        %and3A_976 = vector.broadcast %and3A_975 : i32 to vector<16xi32>
        %and3A_977 = arith.andi %add3A_974, %and3A_976 : vector<16xi32>
        %broadcast_in_dim3A_978 = vector.shape_cast %and3A_977 : vector<16xi32> to vector<16x1xi32>
        %gather3A_979 = vector.shape_cast %broadcast_in_dim3A_978 : vector<16x1xi32> to vector<16xi32>
        %gather3A_980 = tpu.dynamic_gather %add3A_971[%gather3A_979] in [0] : vector<16xf32>, vector<16xi32> -> vector<16xf32>
        %add3A_981 = arith.addf %add3A_971, %gather3A_980 : vector<16xf32>
        %select_n3A_982 = arith.select %eq3A_900, %add3A_981, %select_n3A_881 : vector<16xi1>, vector<16xf32>
        %add3A_983 = arith.constant 8 : i32
        %add3A_984 = arith.addi %mul3A_127, %add3A_983 : i32
        %add3A_985 = arith.constant 0 : i32
        %add3A_986 = arith.addi %add3A_984, %add3A_985 : i32
        %mul3A_987 = arith.constant 1000 : i32
        %mul3A_988 = arith.muli %add3A_986, %mul3A_987 : i32
        %add3A_989 = arith.constant 8 : i32
        %add3A_990 = arith.addi %mul3A_127, %add3A_989 : i32
        %add3A_991 = arith.constant 1 : i32
        %add3A_992 = arith.addi %add3A_990, %add3A_991 : i32
        %mul3A_993 = arith.constant 1000 : i32
        %mul3A_994 = arith.muli %add3A_992, %mul3A_993 : i32
        %add3A_995 = arith.constant 8 : i32
        %add3A_996 = arith.addi %mul3A_127, %add3A_995 : i32
        %add3A_997 = arith.constant 2 : i32
        %add3A_998 = arith.addi %add3A_996, %add3A_997 : i32
        %mul3A_999 = arith.constant 1000 : i32
        %mul3A_1000 = arith.muli %add3A_998, %mul3A_999 : i32
        %add3A_1001 = arith.constant 8 : i32
        %add3A_1002 = arith.addi %mul3A_127, %add3A_1001 : i32
        %add3A_1003 = arith.constant 3 : i32
        %add3A_1004 = arith.addi %add3A_1002, %add3A_1003 : i32
        %mul3A_1005 = arith.constant 1000 : i32
        %mul3A_1006 = arith.muli %add3A_1004, %mul3A_1005 : i32
        %parallel_loop3A_1007 = arith.constant 0 : i32
        %parallel_loop3A_1008 = arith.constant 62 : i32
        %parallel_loop3A_1009 = arith.constant 1 : i32
        %parallel_loop3A_1010:8 = scf.for %parallel_loop3A_1862 = %parallel_loop3A_1007 to %parallel_loop3A_1008 step %parallel_loop3A_1009 iter_args(%parallel_loop3A_1863 = %broadcast_in_dim3A_7, %parallel_loop3A_1864 = %broadcast_in_dim3A_7, %parallel_loop3A_1865 = %broadcast_in_dim3A_7, %parallel_loop3A_1866 = %broadcast_in_dim3A_7, %parallel_loop3A_1867 = %broadcast_in_dim3A_7, %parallel_loop3A_1868 = %broadcast_in_dim3A_7, %parallel_loop3A_1869 = %broadcast_in_dim3A_7, %parallel_loop3A_1870 = %broadcast_in_dim3A_7) -> (vector<16xf32>, vector<16xf32>, vector<16xf32>, vector<16xf32>, vector<16xf32>, vector<16xf32>, vector<16xf32>, vector<16xf32>)  : i32 {
          %parallel_loop3A_1871 = arith.constant 16 : i32
          %parallel_loop3A_1872 = arith.muli %parallel_loop3A_1862, %parallel_loop3A_1871 : i32
          %parallel_loop3A_1873 = arith.addi %mul3A_988, %parallel_loop3A_1872 : i32
          %parallel_loop3A_1874 = arith.index_cast %parallel_loop3A_1873 : i32 to index
          %parallel_loop3A_1875 = tpu.vector_load %arg8[%parallel_loop3A_1874] {strides = array<i32>} : memref<64000xf32, #tpu.memory_space<vmem>>, vector<16xf32>,
          %parallel_loop3A_1876 = math.exp %parallel_loop3A_1875 : vector<16xf32>
          %parallel_loop3A_1877 = arith.addf %parallel_loop3A_1863, %parallel_loop3A_1876 : vector<16xf32>
          %parallel_loop3A_1878 = arith.mulf %parallel_loop3A_1875, %parallel_loop3A_1876 : vector<16xf32>
          %parallel_loop3A_1879 = arith.addf %parallel_loop3A_1864, %parallel_loop3A_1878 : vector<16xf32>
          %parallel_loop3A_1880 = arith.constant 16 : i32
          %parallel_loop3A_1881 = arith.muli %parallel_loop3A_1862, %parallel_loop3A_1880 : i32
          %parallel_loop3A_1882 = arith.addi %mul3A_994, %parallel_loop3A_1881 : i32
          %parallel_loop3A_1883 = arith.index_cast %parallel_loop3A_1882 : i32 to index
          %parallel_loop3A_1884 = tpu.vector_load %arg8[%parallel_loop3A_1883] {strides = array<i32>} : memref<64000xf32, #tpu.memory_space<vmem>>, vector<16xf32>,
          %parallel_loop3A_1885 = math.exp %parallel_loop3A_1884 : vector<16xf32>
          %parallel_loop3A_1886 = arith.addf %parallel_loop3A_1865, %parallel_loop3A_1885 : vector<16xf32>
          %parallel_loop3A_1887 = arith.mulf %parallel_loop3A_1884, %parallel_loop3A_1885 : vector<16xf32>
          %parallel_loop3A_1888 = arith.addf %parallel_loop3A_1866, %parallel_loop3A_1887 : vector<16xf32>
          %parallel_loop3A_1889 = arith.constant 16 : i32
          %parallel_loop3A_1890 = arith.muli %parallel_loop3A_1862, %parallel_loop3A_1889 : i32
          %parallel_loop3A_1891 = arith.addi %mul3A_1000, %parallel_loop3A_1890 : i32
          %parallel_loop3A_1892 = arith.index_cast %parallel_loop3A_1891 : i32 to index
          %parallel_loop3A_1893 = tpu.vector_load %arg8[%parallel_loop3A_1892] {strides = array<i32>} : memref<64000xf32, #tpu.memory_space<vmem>>, vector<16xf32>,
          %parallel_loop3A_1894 = math.exp %parallel_loop3A_1893 : vector<16xf32>
          %parallel_loop3A_1895 = arith.addf %parallel_loop3A_1867, %parallel_loop3A_1894 : vector<16xf32>
          %parallel_loop3A_1896 = arith.mulf %parallel_loop3A_1893, %parallel_loop3A_1894 : vector<16xf32>
          %parallel_loop3A_1897 = arith.addf %parallel_loop3A_1868, %parallel_loop3A_1896 : vector<16xf32>
          %parallel_loop3A_1898 = arith.constant 16 : i32
          %parallel_loop3A_1899 = arith.muli %parallel_loop3A_1862, %parallel_loop3A_1898 : i32
          %parallel_loop3A_1900 = arith.addi %mul3A_1006, %parallel_loop3A_1899 : i32
          %parallel_loop3A_1901 = arith.index_cast %parallel_loop3A_1900 : i32 to index
          %parallel_loop3A_1902 = tpu.vector_load %arg8[%parallel_loop3A_1901] {strides = array<i32>} : memref<64000xf32, #tpu.memory_space<vmem>>, vector<16xf32>,
          %parallel_loop3A_1903 = math.exp %parallel_loop3A_1902 : vector<16xf32>
          %parallel_loop3A_1904 = arith.addf %parallel_loop3A_1869, %parallel_loop3A_1903 : vector<16xf32>
          %parallel_loop3A_1905 = arith.mulf %parallel_loop3A_1902, %parallel_loop3A_1903 : vector<16xf32>
          %parallel_loop3A_1906 = arith.addf %parallel_loop3A_1870, %parallel_loop3A_1905 : vector<16xf32>
          scf.yield %parallel_loop3A_1877, %parallel_loop3A_1879, %parallel_loop3A_1886, %parallel_loop3A_1888, %parallel_loop3A_1895, %parallel_loop3A_1897, %parallel_loop3A_1904, %parallel_loop3A_1906 : vector<16xf32>, vector<16xf32>, vector<16xf32>, vector<16xf32>, vector<16xf32>, vector<16xf32>, vector<16xf32>, vector<16xf32>
        } {sc.loop_unroll_factor = 2 : i64, sc.parallel_access}
        %add3A_1011 = arith.constant 1000 : i32
        %add3A_1012 = arith.addi %mul3A_988, %add3A_1011 : i32
        %sub3A_1013 = arith.constant 16 : i32
        %sub3A_1014 = arith.subi %add3A_1012, %sub3A_1013 : i32
        %get3A_1015 = arith.index_cast %sub3A_1014 : i32 to index
        %get3A_1016 = tpu.vector_load %arg8[%get3A_1015] {strides = array<i32>} : memref<64000xf32, #tpu.memory_space<vmem>>, vector<16xf32>,
        %exp3A_1017 = math.exp %get3A_1016 : vector<16xf32>
        %jit3A_1018 = arith.constant 0.000000e+00 : f32
        %broadcast_in_dim3A_1019 = vector.broadcast %jit3A_1018 : f32 to vector<16xf32>
        %select_n3A_1020 = arith.select %ge3A_6, %exp3A_1017, %broadcast_in_dim3A_1019 : vector<16xi1>, vector<16xf32>
        %add3A_1021 = arith.addf %parallel_loop3A_1010#0, %select_n3A_1020 : vector<16xf32>
        %mul3A_1022 = arith.mulf %get3A_1016, %exp3A_1017 : vector<16xf32>
        %jit3A_1023 = arith.constant 0.000000e+00 : f32
        %broadcast_in_dim3A_1024 = vector.broadcast %jit3A_1023 : f32 to vector<16xf32>
        %select_n3A_1025 = arith.select %ge3A_6, %mul3A_1022, %broadcast_in_dim3A_1024 : vector<16xi1>, vector<16xf32>
        %add3A_1026 = arith.addf %parallel_loop3A_1010#1, %select_n3A_1025 : vector<16xf32>
        %eq3A_1027 = arith.constant 8 : i32
        %eq3A_1028 = vector.broadcast %eq3A_1027 : i32 to vector<16xi32>
        %eq3A_1029 = arith.cmpi eq, %iota3A, %eq3A_1028 : vector<16xi32>
        %add3A_1030 = arith.constant 8 : i32
        %add3A_1031 = vector.broadcast %add3A_1030 : i32 to vector<16xi32>
        %add3A_1032 = arith.addi %iota3A, %add3A_1031 : vector<16xi32>
        %and3A_1033 = arith.constant 15 : i32
        %and3A_1034 = vector.broadcast %and3A_1033 : i32 to vector<16xi32>
        %and3A_1035 = arith.andi %add3A_1032, %and3A_1034 : vector<16xi32>
        %broadcast_in_dim3A_1036 = vector.shape_cast %and3A_1035 : vector<16xi32> to vector<16x1xi32>
        %gather3A_1037 = vector.shape_cast %broadcast_in_dim3A_1036 : vector<16x1xi32> to vector<16xi32>
        %gather3A_1038 = tpu.dynamic_gather %add3A_1021[%gather3A_1037] in [0] : vector<16xf32>, vector<16xi32> -> vector<16xf32>
        %add3A_1039 = arith.addf %add3A_1021, %gather3A_1038 : vector<16xf32>
        %add3A_1040 = arith.constant 4 : i32
        %add3A_1041 = vector.broadcast %add3A_1040 : i32 to vector<16xi32>
        %add3A_1042 = arith.addi %iota3A, %add3A_1041 : vector<16xi32>
        %and3A_1043 = arith.constant 15 : i32
        %and3A_1044 = vector.broadcast %and3A_1043 : i32 to vector<16xi32>
        %and3A_1045 = arith.andi %add3A_1042, %and3A_1044 : vector<16xi32>
        %broadcast_in_dim3A_1046 = vector.shape_cast %and3A_1045 : vector<16xi32> to vector<16x1xi32>
        %gather3A_1047 = vector.shape_cast %broadcast_in_dim3A_1046 : vector<16x1xi32> to vector<16xi32>
        %gather3A_1048 = tpu.dynamic_gather %add3A_1039[%gather3A_1047] in [0] : vector<16xf32>, vector<16xi32> -> vector<16xf32>
        %add3A_1049 = arith.addf %add3A_1039, %gather3A_1048 : vector<16xf32>
        %add3A_1050 = arith.constant 2 : i32
        %add3A_1051 = vector.broadcast %add3A_1050 : i32 to vector<16xi32>
        %add3A_1052 = arith.addi %iota3A, %add3A_1051 : vector<16xi32>
        %and3A_1053 = arith.constant 15 : i32
        %and3A_1054 = vector.broadcast %and3A_1053 : i32 to vector<16xi32>
        %and3A_1055 = arith.andi %add3A_1052, %and3A_1054 : vector<16xi32>
        %broadcast_in_dim3A_1056 = vector.shape_cast %and3A_1055 : vector<16xi32> to vector<16x1xi32>
        %gather3A_1057 = vector.shape_cast %broadcast_in_dim3A_1056 : vector<16x1xi32> to vector<16xi32>
        %gather3A_1058 = tpu.dynamic_gather %add3A_1049[%gather3A_1057] in [0] : vector<16xf32>, vector<16xi32> -> vector<16xf32>
        %add3A_1059 = arith.addf %add3A_1049, %gather3A_1058 : vector<16xf32>
        %add3A_1060 = arith.constant 1 : i32
        %add3A_1061 = vector.broadcast %add3A_1060 : i32 to vector<16xi32>
        %add3A_1062 = arith.addi %iota3A, %add3A_1061 : vector<16xi32>
        %and3A_1063 = arith.constant 15 : i32
        %and3A_1064 = vector.broadcast %and3A_1063 : i32 to vector<16xi32>
        %and3A_1065 = arith.andi %add3A_1062, %and3A_1064 : vector<16xi32>
        %broadcast_in_dim3A_1066 = vector.shape_cast %and3A_1065 : vector<16xi32> to vector<16x1xi32>
        %gather3A_1067 = vector.shape_cast %broadcast_in_dim3A_1066 : vector<16x1xi32> to vector<16xi32>
        %gather3A_1068 = tpu.dynamic_gather %add3A_1059[%gather3A_1067] in [0] : vector<16xf32>, vector<16xi32> -> vector<16xf32>
        %add3A_1069 = arith.addf %add3A_1059, %gather3A_1068 : vector<16xf32>
        %select_n3A_1070 = arith.select %eq3A_1029, %add3A_1069, %select_n3A_941 : vector<16xi1>, vector<16xf32>
        %add3A_1071 = arith.constant 8 : i32
        %add3A_1072 = vector.broadcast %add3A_1071 : i32 to vector<16xi32>
        %add3A_1073 = arith.addi %iota3A, %add3A_1072 : vector<16xi32>
        %and3A_1074 = arith.constant 15 : i32
        %and3A_1075 = vector.broadcast %and3A_1074 : i32 to vector<16xi32>
        %and3A_1076 = arith.andi %add3A_1073, %and3A_1075 : vector<16xi32>
        %broadcast_in_dim3A_1077 = vector.shape_cast %and3A_1076 : vector<16xi32> to vector<16x1xi32>
        %gather3A_1078 = vector.shape_cast %broadcast_in_dim3A_1077 : vector<16x1xi32> to vector<16xi32>
        %gather3A_1079 = tpu.dynamic_gather %add3A_1026[%gather3A_1078] in [0] : vector<16xf32>, vector<16xi32> -> vector<16xf32>
        %add3A_1080 = arith.addf %add3A_1026, %gather3A_1079 : vector<16xf32>
        %add3A_1081 = arith.constant 4 : i32
        %add3A_1082 = vector.broadcast %add3A_1081 : i32 to vector<16xi32>
        %add3A_1083 = arith.addi %iota3A, %add3A_1082 : vector<16xi32>
        %and3A_1084 = arith.constant 15 : i32
        %and3A_1085 = vector.broadcast %and3A_1084 : i32 to vector<16xi32>
        %and3A_1086 = arith.andi %add3A_1083, %and3A_1085 : vector<16xi32>
        %broadcast_in_dim3A_1087 = vector.shape_cast %and3A_1086 : vector<16xi32> to vector<16x1xi32>
        %gather3A_1088 = vector.shape_cast %broadcast_in_dim3A_1087 : vector<16x1xi32> to vector<16xi32>
        %gather3A_1089 = tpu.dynamic_gather %add3A_1080[%gather3A_1088] in [0] : vector<16xf32>, vector<16xi32> -> vector<16xf32>
        %add3A_1090 = arith.addf %add3A_1080, %gather3A_1089 : vector<16xf32>
        %add3A_1091 = arith.constant 2 : i32
        %add3A_1092 = vector.broadcast %add3A_1091 : i32 to vector<16xi32>
        %add3A_1093 = arith.addi %iota3A, %add3A_1092 : vector<16xi32>
        %and3A_1094 = arith.constant 15 : i32
        %and3A_1095 = vector.broadcast %and3A_1094 : i32 to vector<16xi32>
        %and3A_1096 = arith.andi %add3A_1093, %and3A_1095 : vector<16xi32>
        %broadcast_in_dim3A_1097 = vector.shape_cast %and3A_1096 : vector<16xi32> to vector<16x1xi32>
        %gather3A_1098 = vector.shape_cast %broadcast_in_dim3A_1097 : vector<16x1xi32> to vector<16xi32>
        %gather3A_1099 = tpu.dynamic_gather %add3A_1090[%gather3A_1098] in [0] : vector<16xf32>, vector<16xi32> -> vector<16xf32>
        %add3A_1100 = arith.addf %add3A_1090, %gather3A_1099 : vector<16xf32>
        %add3A_1101 = arith.constant 1 : i32
        %add3A_1102 = vector.broadcast %add3A_1101 : i32 to vector<16xi32>
        %add3A_1103 = arith.addi %iota3A, %add3A_1102 : vector<16xi32>
        %and3A_1104 = arith.constant 15 : i32
        %and3A_1105 = vector.broadcast %and3A_1104 : i32 to vector<16xi32>
        %and3A_1106 = arith.andi %add3A_1103, %and3A_1105 : vector<16xi32>
        %broadcast_in_dim3A_1107 = vector.shape_cast %and3A_1106 : vector<16xi32> to vector<16x1xi32>
        %gather3A_1108 = vector.shape_cast %broadcast_in_dim3A_1107 : vector<16x1xi32> to vector<16xi32>
        %gather3A_1109 = tpu.dynamic_gather %add3A_1100[%gather3A_1108] in [0] : vector<16xf32>, vector<16xi32> -> vector<16xf32>
        %add3A_1110 = arith.addf %add3A_1100, %gather3A_1109 : vector<16xf32>
        %select_n3A_1111 = arith.select %eq3A_1029, %add3A_1110, %select_n3A_982 : vector<16xi1>, vector<16xf32>
        %add3A_1112 = arith.constant 1000 : i32
        %add3A_1113 = arith.addi %mul3A_994, %add3A_1112 : i32
        %sub3A_1114 = arith.constant 16 : i32
        %sub3A_1115 = arith.subi %add3A_1113, %sub3A_1114 : i32
        %get3A_1116 = arith.index_cast %sub3A_1115 : i32 to index
        %get3A_1117 = tpu.vector_load %arg8[%get3A_1116] {strides = array<i32>} : memref<64000xf32, #tpu.memory_space<vmem>>, vector<16xf32>,
        %exp3A_1118 = math.exp %get3A_1117 : vector<16xf32>
        %jit3A_1119 = arith.constant 0.000000e+00 : f32
        %broadcast_in_dim3A_1120 = vector.broadcast %jit3A_1119 : f32 to vector<16xf32>
        %select_n3A_1121 = arith.select %ge3A_6, %exp3A_1118, %broadcast_in_dim3A_1120 : vector<16xi1>, vector<16xf32>
        %add3A_1122 = arith.addf %parallel_loop3A_1010#2, %select_n3A_1121 : vector<16xf32>
        %mul3A_1123 = arith.mulf %get3A_1117, %exp3A_1118 : vector<16xf32>
        %jit3A_1124 = arith.constant 0.000000e+00 : f32
        %broadcast_in_dim3A_1125 = vector.broadcast %jit3A_1124 : f32 to vector<16xf32>
        %select_n3A_1126 = arith.select %ge3A_6, %mul3A_1123, %broadcast_in_dim3A_1125 : vector<16xi1>, vector<16xf32>
        %add3A_1127 = arith.addf %parallel_loop3A_1010#3, %select_n3A_1126 : vector<16xf32>
        %eq3A_1128 = arith.constant 9 : i32
        %eq3A_1129 = vector.broadcast %eq3A_1128 : i32 to vector<16xi32>
        %eq3A_1130 = arith.cmpi eq, %iota3A, %eq3A_1129 : vector<16xi32>
        %add3A_1131 = arith.constant 8 : i32
        %add3A_1132 = vector.broadcast %add3A_1131 : i32 to vector<16xi32>
        %add3A_1133 = arith.addi %iota3A, %add3A_1132 : vector<16xi32>
        %and3A_1134 = arith.constant 15 : i32
        %and3A_1135 = vector.broadcast %and3A_1134 : i32 to vector<16xi32>
        %and3A_1136 = arith.andi %add3A_1133, %and3A_1135 : vector<16xi32>
        %broadcast_in_dim3A_1137 = vector.shape_cast %and3A_1136 : vector<16xi32> to vector<16x1xi32>
        %gather3A_1138 = vector.shape_cast %broadcast_in_dim3A_1137 : vector<16x1xi32> to vector<16xi32>
        %gather3A_1139 = tpu.dynamic_gather %add3A_1122[%gather3A_1138] in [0] : vector<16xf32>, vector<16xi32> -> vector<16xf32>
        %add3A_1140 = arith.addf %add3A_1122, %gather3A_1139 : vector<16xf32>
        %add3A_1141 = arith.constant 4 : i32
        %add3A_1142 = vector.broadcast %add3A_1141 : i32 to vector<16xi32>
        %add3A_1143 = arith.addi %iota3A, %add3A_1142 : vector<16xi32>
        %and3A_1144 = arith.constant 15 : i32
        %and3A_1145 = vector.broadcast %and3A_1144 : i32 to vector<16xi32>
        %and3A_1146 = arith.andi %add3A_1143, %and3A_1145 : vector<16xi32>
        %broadcast_in_dim3A_1147 = vector.shape_cast %and3A_1146 : vector<16xi32> to vector<16x1xi32>
        %gather3A_1148 = vector.shape_cast %broadcast_in_dim3A_1147 : vector<16x1xi32> to vector<16xi32>
        %gather3A_1149 = tpu.dynamic_gather %add3A_1140[%gather3A_1148] in [0] : vector<16xf32>, vector<16xi32> -> vector<16xf32>
        %add3A_1150 = arith.addf %add3A_1140, %gather3A_1149 : vector<16xf32>
        %add3A_1151 = arith.constant 2 : i32
        %add3A_1152 = vector.broadcast %add3A_1151 : i32 to vector<16xi32>
        %add3A_1153 = arith.addi %iota3A, %add3A_1152 : vector<16xi32>
        %and3A_1154 = arith.constant 15 : i32
        %and3A_1155 = vector.broadcast %and3A_1154 : i32 to vector<16xi32>
        %and3A_1156 = arith.andi %add3A_1153, %and3A_1155 : vector<16xi32>
        %broadcast_in_dim3A_1157 = vector.shape_cast %and3A_1156 : vector<16xi32> to vector<16x1xi32>
        %gather3A_1158 = vector.shape_cast %broadcast_in_dim3A_1157 : vector<16x1xi32> to vector<16xi32>
        %gather3A_1159 = tpu.dynamic_gather %add3A_1150[%gather3A_1158] in [0] : vector<16xf32>, vector<16xi32> -> vector<16xf32>
        %add3A_1160 = arith.addf %add3A_1150, %gather3A_1159 : vector<16xf32>
        %add3A_1161 = arith.constant 1 : i32
        %add3A_1162 = vector.broadcast %add3A_1161 : i32 to vector<16xi32>
        %add3A_1163 = arith.addi %iota3A, %add3A_1162 : vector<16xi32>
        %and3A_1164 = arith.constant 15 : i32
        %and3A_1165 = vector.broadcast %and3A_1164 : i32 to vector<16xi32>
        %and3A_1166 = arith.andi %add3A_1163, %and3A_1165 : vector<16xi32>
        %broadcast_in_dim3A_1167 = vector.shape_cast %and3A_1166 : vector<16xi32> to vector<16x1xi32>
        %gather3A_1168 = vector.shape_cast %broadcast_in_dim3A_1167 : vector<16x1xi32> to vector<16xi32>
        %gather3A_1169 = tpu.dynamic_gather %add3A_1160[%gather3A_1168] in [0] : vector<16xf32>, vector<16xi32> -> vector<16xf32>
        %add3A_1170 = arith.addf %add3A_1160, %gather3A_1169 : vector<16xf32>
        %select_n3A_1171 = arith.select %eq3A_1130, %add3A_1170, %select_n3A_1070 : vector<16xi1>, vector<16xf32>
        %add3A_1172 = arith.constant 8 : i32
        %add3A_1173 = vector.broadcast %add3A_1172 : i32 to vector<16xi32>
        %add3A_1174 = arith.addi %iota3A, %add3A_1173 : vector<16xi32>
        %and3A_1175 = arith.constant 15 : i32
        %and3A_1176 = vector.broadcast %and3A_1175 : i32 to vector<16xi32>
        %and3A_1177 = arith.andi %add3A_1174, %and3A_1176 : vector<16xi32>
        %broadcast_in_dim3A_1178 = vector.shape_cast %and3A_1177 : vector<16xi32> to vector<16x1xi32>
        %gather3A_1179 = vector.shape_cast %broadcast_in_dim3A_1178 : vector<16x1xi32> to vector<16xi32>
        %gather3A_1180 = tpu.dynamic_gather %add3A_1127[%gather3A_1179] in [0] : vector<16xf32>, vector<16xi32> -> vector<16xf32>
        %add3A_1181 = arith.addf %add3A_1127, %gather3A_1180 : vector<16xf32>
        %add3A_1182 = arith.constant 4 : i32
        %add3A_1183 = vector.broadcast %add3A_1182 : i32 to vector<16xi32>
        %add3A_1184 = arith.addi %iota3A, %add3A_1183 : vector<16xi32>
        %and3A_1185 = arith.constant 15 : i32
        %and3A_1186 = vector.broadcast %and3A_1185 : i32 to vector<16xi32>
        %and3A_1187 = arith.andi %add3A_1184, %and3A_1186 : vector<16xi32>
        %broadcast_in_dim3A_1188 = vector.shape_cast %and3A_1187 : vector<16xi32> to vector<16x1xi32>
        %gather3A_1189 = vector.shape_cast %broadcast_in_dim3A_1188 : vector<16x1xi32> to vector<16xi32>
        %gather3A_1190 = tpu.dynamic_gather %add3A_1181[%gather3A_1189] in [0] : vector<16xf32>, vector<16xi32> -> vector<16xf32>
        %add3A_1191 = arith.addf %add3A_1181, %gather3A_1190 : vector<16xf32>
        %add3A_1192 = arith.constant 2 : i32
        %add3A_1193 = vector.broadcast %add3A_1192 : i32 to vector<16xi32>
        %add3A_1194 = arith.addi %iota3A, %add3A_1193 : vector<16xi32>
        %and3A_1195 = arith.constant 15 : i32
        %and3A_1196 = vector.broadcast %and3A_1195 : i32 to vector<16xi32>
        %and3A_1197 = arith.andi %add3A_1194, %and3A_1196 : vector<16xi32>
        %broadcast_in_dim3A_1198 = vector.shape_cast %and3A_1197 : vector<16xi32> to vector<16x1xi32>
        %gather3A_1199 = vector.shape_cast %broadcast_in_dim3A_1198 : vector<16x1xi32> to vector<16xi32>
        %gather3A_1200 = tpu.dynamic_gather %add3A_1191[%gather3A_1199] in [0] : vector<16xf32>, vector<16xi32> -> vector<16xf32>
        %add3A_1201 = arith.addf %add3A_1191, %gather3A_1200 : vector<16xf32>
        %add3A_1202 = arith.constant 1 : i32
        %add3A_1203 = vector.broadcast %add3A_1202 : i32 to vector<16xi32>
        %add3A_1204 = arith.addi %iota3A, %add3A_1203 : vector<16xi32>
        %and3A_1205 = arith.constant 15 : i32
        %and3A_1206 = vector.broadcast %and3A_1205 : i32 to vector<16xi32>
        %and3A_1207 = arith.andi %add3A_1204, %and3A_1206 : vector<16xi32>
        %broadcast_in_dim3A_1208 = vector.shape_cast %and3A_1207 : vector<16xi32> to vector<16x1xi32>
        %gather3A_1209 = vector.shape_cast %broadcast_in_dim3A_1208 : vector<16x1xi32> to vector<16xi32>
        %gather3A_1210 = tpu.dynamic_gather %add3A_1201[%gather3A_1209] in [0] : vector<16xf32>, vector<16xi32> -> vector<16xf32>
        %add3A_1211 = arith.addf %add3A_1201, %gather3A_1210 : vector<16xf32>
        %select_n3A_1212 = arith.select %eq3A_1130, %add3A_1211, %select_n3A_1111 : vector<16xi1>, vector<16xf32>
        %add3A_1213 = arith.constant 1000 : i32
        %add3A_1214 = arith.addi %mul3A_1000, %add3A_1213 : i32
        %sub3A_1215 = arith.constant 16 : i32
        %sub3A_1216 = arith.subi %add3A_1214, %sub3A_1215 : i32
        %get3A_1217 = arith.index_cast %sub3A_1216 : i32 to index
        %get3A_1218 = tpu.vector_load %arg8[%get3A_1217] {strides = array<i32>} : memref<64000xf32, #tpu.memory_space<vmem>>, vector<16xf32>,
        %exp3A_1219 = math.exp %get3A_1218 : vector<16xf32>
        %jit3A_1220 = arith.constant 0.000000e+00 : f32
        %broadcast_in_dim3A_1221 = vector.broadcast %jit3A_1220 : f32 to vector<16xf32>
        %select_n3A_1222 = arith.select %ge3A_6, %exp3A_1219, %broadcast_in_dim3A_1221 : vector<16xi1>, vector<16xf32>
        %add3A_1223 = arith.addf %parallel_loop3A_1010#4, %select_n3A_1222 : vector<16xf32>
        %mul3A_1224 = arith.mulf %get3A_1218, %exp3A_1219 : vector<16xf32>
        %jit3A_1225 = arith.constant 0.000000e+00 : f32
        %broadcast_in_dim3A_1226 = vector.broadcast %jit3A_1225 : f32 to vector<16xf32>
        %select_n3A_1227 = arith.select %ge3A_6, %mul3A_1224, %broadcast_in_dim3A_1226 : vector<16xi1>, vector<16xf32>
        %add3A_1228 = arith.addf %parallel_loop3A_1010#5, %select_n3A_1227 : vector<16xf32>
        %eq3A_1229 = arith.constant 10 : i32
        %eq3A_1230 = vector.broadcast %eq3A_1229 : i32 to vector<16xi32>
        %eq3A_1231 = arith.cmpi eq, %iota3A, %eq3A_1230 : vector<16xi32>
        %add3A_1232 = arith.constant 8 : i32
        %add3A_1233 = vector.broadcast %add3A_1232 : i32 to vector<16xi32>
        %add3A_1234 = arith.addi %iota3A, %add3A_1233 : vector<16xi32>
        %and3A_1235 = arith.constant 15 : i32
        %and3A_1236 = vector.broadcast %and3A_1235 : i32 to vector<16xi32>
        %and3A_1237 = arith.andi %add3A_1234, %and3A_1236 : vector<16xi32>
        %broadcast_in_dim3A_1238 = vector.shape_cast %and3A_1237 : vector<16xi32> to vector<16x1xi32>
        %gather3A_1239 = vector.shape_cast %broadcast_in_dim3A_1238 : vector<16x1xi32> to vector<16xi32>
        %gather3A_1240 = tpu.dynamic_gather %add3A_1223[%gather3A_1239] in [0] : vector<16xf32>, vector<16xi32> -> vector<16xf32>
        %add3A_1241 = arith.addf %add3A_1223, %gather3A_1240 : vector<16xf32>
        %add3A_1242 = arith.constant 4 : i32
        %add3A_1243 = vector.broadcast %add3A_1242 : i32 to vector<16xi32>
        %add3A_1244 = arith.addi %iota3A, %add3A_1243 : vector<16xi32>
        %and3A_1245 = arith.constant 15 : i32
        %and3A_1246 = vector.broadcast %and3A_1245 : i32 to vector<16xi32>
        %and3A_1247 = arith.andi %add3A_1244, %and3A_1246 : vector<16xi32>
        %broadcast_in_dim3A_1248 = vector.shape_cast %and3A_1247 : vector<16xi32> to vector<16x1xi32>
        %gather3A_1249 = vector.shape_cast %broadcast_in_dim3A_1248 : vector<16x1xi32> to vector<16xi32>
        %gather3A_1250 = tpu.dynamic_gather %add3A_1241[%gather3A_1249] in [0] : vector<16xf32>, vector<16xi32> -> vector<16xf32>
        %add3A_1251 = arith.addf %add3A_1241, %gather3A_1250 : vector<16xf32>
        %add3A_1252 = arith.constant 2 : i32
        %add3A_1253 = vector.broadcast %add3A_1252 : i32 to vector<16xi32>
        %add3A_1254 = arith.addi %iota3A, %add3A_1253 : vector<16xi32>
        %and3A_1255 = arith.constant 15 : i32
        %and3A_1256 = vector.broadcast %and3A_1255 : i32 to vector<16xi32>
        %and3A_1257 = arith.andi %add3A_1254, %and3A_1256 : vector<16xi32>
        %broadcast_in_dim3A_1258 = vector.shape_cast %and3A_1257 : vector<16xi32> to vector<16x1xi32>
        %gather3A_1259 = vector.shape_cast %broadcast_in_dim3A_1258 : vector<16x1xi32> to vector<16xi32>
        %gather3A_1260 = tpu.dynamic_gather %add3A_1251[%gather3A_1259] in [0] : vector<16xf32>, vector<16xi32> -> vector<16xf32>
        %add3A_1261 = arith.addf %add3A_1251, %gather3A_1260 : vector<16xf32>
        %add3A_1262 = arith.constant 1 : i32
        %add3A_1263 = vector.broadcast %add3A_1262 : i32 to vector<16xi32>
        %add3A_1264 = arith.addi %iota3A, %add3A_1263 : vector<16xi32>
        %and3A_1265 = arith.constant 15 : i32
        %and3A_1266 = vector.broadcast %and3A_1265 : i32 to vector<16xi32>
        %and3A_1267 = arith.andi %add3A_1264, %and3A_1266 : vector<16xi32>
        %broadcast_in_dim3A_1268 = vector.shape_cast %and3A_1267 : vector<16xi32> to vector<16x1xi32>
        %gather3A_1269 = vector.shape_cast %broadcast_in_dim3A_1268 : vector<16x1xi32> to vector<16xi32>
        %gather3A_1270 = tpu.dynamic_gather %add3A_1261[%gather3A_1269] in [0] : vector<16xf32>, vector<16xi32> -> vector<16xf32>
        %add3A_1271 = arith.addf %add3A_1261, %gather3A_1270 : vector<16xf32>
        %select_n3A_1272 = arith.select %eq3A_1231, %add3A_1271, %select_n3A_1171 : vector<16xi1>, vector<16xf32>
        %add3A_1273 = arith.constant 8 : i32
        %add3A_1274 = vector.broadcast %add3A_1273 : i32 to vector<16xi32>
        %add3A_1275 = arith.addi %iota3A, %add3A_1274 : vector<16xi32>
        %and3A_1276 = arith.constant 15 : i32
        %and3A_1277 = vector.broadcast %and3A_1276 : i32 to vector<16xi32>
        %and3A_1278 = arith.andi %add3A_1275, %and3A_1277 : vector<16xi32>
        %broadcast_in_dim3A_1279 = vector.shape_cast %and3A_1278 : vector<16xi32> to vector<16x1xi32>
        %gather3A_1280 = vector.shape_cast %broadcast_in_dim3A_1279 : vector<16x1xi32> to vector<16xi32>
        %gather3A_1281 = tpu.dynamic_gather %add3A_1228[%gather3A_1280] in [0] : vector<16xf32>, vector<16xi32> -> vector<16xf32>
        %add3A_1282 = arith.addf %add3A_1228, %gather3A_1281 : vector<16xf32>
        %add3A_1283 = arith.constant 4 : i32
        %add3A_1284 = vector.broadcast %add3A_1283 : i32 to vector<16xi32>
        %add3A_1285 = arith.addi %iota3A, %add3A_1284 : vector<16xi32>
        %and3A_1286 = arith.constant 15 : i32
        %and3A_1287 = vector.broadcast %and3A_1286 : i32 to vector<16xi32>
        %and3A_1288 = arith.andi %add3A_1285, %and3A_1287 : vector<16xi32>
        %broadcast_in_dim3A_1289 = vector.shape_cast %and3A_1288 : vector<16xi32> to vector<16x1xi32>
        %gather3A_1290 = vector.shape_cast %broadcast_in_dim3A_1289 : vector<16x1xi32> to vector<16xi32>
        %gather3A_1291 = tpu.dynamic_gather %add3A_1282[%gather3A_1290] in [0] : vector<16xf32>, vector<16xi32> -> vector<16xf32>
        %add3A_1292 = arith.addf %add3A_1282, %gather3A_1291 : vector<16xf32>
        %add3A_1293 = arith.constant 2 : i32
        %add3A_1294 = vector.broadcast %add3A_1293 : i32 to vector<16xi32>
        %add3A_1295 = arith.addi %iota3A, %add3A_1294 : vector<16xi32>
        %and3A_1296 = arith.constant 15 : i32
        %and3A_1297 = vector.broadcast %and3A_1296 : i32 to vector<16xi32>
        %and3A_1298 = arith.andi %add3A_1295, %and3A_1297 : vector<16xi32>
        %broadcast_in_dim3A_1299 = vector.shape_cast %and3A_1298 : vector<16xi32> to vector<16x1xi32>
        %gather3A_1300 = vector.shape_cast %broadcast_in_dim3A_1299 : vector<16x1xi32> to vector<16xi32>
        %gather3A_1301 = tpu.dynamic_gather %add3A_1292[%gather3A_1300] in [0] : vector<16xf32>, vector<16xi32> -> vector<16xf32>
        %add3A_1302 = arith.addf %add3A_1292, %gather3A_1301 : vector<16xf32>
        %add3A_1303 = arith.constant 1 : i32
        %add3A_1304 = vector.broadcast %add3A_1303 : i32 to vector<16xi32>
        %add3A_1305 = arith.addi %iota3A, %add3A_1304 : vector<16xi32>
        %and3A_1306 = arith.constant 15 : i32
        %and3A_1307 = vector.broadcast %and3A_1306 : i32 to vector<16xi32>
        %and3A_1308 = arith.andi %add3A_1305, %and3A_1307 : vector<16xi32>
        %broadcast_in_dim3A_1309 = vector.shape_cast %and3A_1308 : vector<16xi32> to vector<16x1xi32>
        %gather3A_1310 = vector.shape_cast %broadcast_in_dim3A_1309 : vector<16x1xi32> to vector<16xi32>
        %gather3A_1311 = tpu.dynamic_gather %add3A_1302[%gather3A_1310] in [0] : vector<16xf32>, vector<16xi32> -> vector<16xf32>
        %add3A_1312 = arith.addf %add3A_1302, %gather3A_1311 : vector<16xf32>
        %select_n3A_1313 = arith.select %eq3A_1231, %add3A_1312, %select_n3A_1212 : vector<16xi1>, vector<16xf32>
        %add3A_1314 = arith.constant 1000 : i32
        %add3A_1315 = arith.addi %mul3A_1006, %add3A_1314 : i32
        %sub3A_1316 = arith.constant 16 : i32
        %sub3A_1317 = arith.subi %add3A_1315, %sub3A_1316 : i32
        %get3A_1318 = arith.index_cast %sub3A_1317 : i32 to index
        %get3A_1319 = tpu.vector_load %arg8[%get3A_1318] {strides = array<i32>} : memref<64000xf32, #tpu.memory_space<vmem>>, vector<16xf32>,
        %exp3A_1320 = math.exp %get3A_1319 : vector<16xf32>
        %jit3A_1321 = arith.constant 0.000000e+00 : f32
        %broadcast_in_dim3A_1322 = vector.broadcast %jit3A_1321 : f32 to vector<16xf32>
        %select_n3A_1323 = arith.select %ge3A_6, %exp3A_1320, %broadcast_in_dim3A_1322 : vector<16xi1>, vector<16xf32>
        %add3A_1324 = arith.addf %parallel_loop3A_1010#6, %select_n3A_1323 : vector<16xf32>
        %mul3A_1325 = arith.mulf %get3A_1319, %exp3A_1320 : vector<16xf32>
        %jit3A_1326 = arith.constant 0.000000e+00 : f32
        %broadcast_in_dim3A_1327 = vector.broadcast %jit3A_1326 : f32 to vector<16xf32>
        %select_n3A_1328 = arith.select %ge3A_6, %mul3A_1325, %broadcast_in_dim3A_1327 : vector<16xi1>, vector<16xf32>
        %add3A_1329 = arith.addf %parallel_loop3A_1010#7, %select_n3A_1328 : vector<16xf32>
        %eq3A_1330 = arith.constant 11 : i32
        %eq3A_1331 = vector.broadcast %eq3A_1330 : i32 to vector<16xi32>
        %eq3A_1332 = arith.cmpi eq, %iota3A, %eq3A_1331 : vector<16xi32>
        %add3A_1333 = arith.constant 8 : i32
        %add3A_1334 = vector.broadcast %add3A_1333 : i32 to vector<16xi32>
        %add3A_1335 = arith.addi %iota3A, %add3A_1334 : vector<16xi32>
        %and3A_1336 = arith.constant 15 : i32
        %and3A_1337 = vector.broadcast %and3A_1336 : i32 to vector<16xi32>
        %and3A_1338 = arith.andi %add3A_1335, %and3A_1337 : vector<16xi32>
        %broadcast_in_dim3A_1339 = vector.shape_cast %and3A_1338 : vector<16xi32> to vector<16x1xi32>
        %gather3A_1340 = vector.shape_cast %broadcast_in_dim3A_1339 : vector<16x1xi32> to vector<16xi32>
        %gather3A_1341 = tpu.dynamic_gather %add3A_1324[%gather3A_1340] in [0] : vector<16xf32>, vector<16xi32> -> vector<16xf32>
        %add3A_1342 = arith.addf %add3A_1324, %gather3A_1341 : vector<16xf32>
        %add3A_1343 = arith.constant 4 : i32
        %add3A_1344 = vector.broadcast %add3A_1343 : i32 to vector<16xi32>
        %add3A_1345 = arith.addi %iota3A, %add3A_1344 : vector<16xi32>
        %and3A_1346 = arith.constant 15 : i32
        %and3A_1347 = vector.broadcast %and3A_1346 : i32 to vector<16xi32>
        %and3A_1348 = arith.andi %add3A_1345, %and3A_1347 : vector<16xi32>
        %broadcast_in_dim3A_1349 = vector.shape_cast %and3A_1348 : vector<16xi32> to vector<16x1xi32>
        %gather3A_1350 = vector.shape_cast %broadcast_in_dim3A_1349 : vector<16x1xi32> to vector<16xi32>
        %gather3A_1351 = tpu.dynamic_gather %add3A_1342[%gather3A_1350] in [0] : vector<16xf32>, vector<16xi32> -> vector<16xf32>
        %add3A_1352 = arith.addf %add3A_1342, %gather3A_1351 : vector<16xf32>
        %add3A_1353 = arith.constant 2 : i32
        %add3A_1354 = vector.broadcast %add3A_1353 : i32 to vector<16xi32>
        %add3A_1355 = arith.addi %iota3A, %add3A_1354 : vector<16xi32>
        %and3A_1356 = arith.constant 15 : i32
        %and3A_1357 = vector.broadcast %and3A_1356 : i32 to vector<16xi32>
        %and3A_1358 = arith.andi %add3A_1355, %and3A_1357 : vector<16xi32>
        %broadcast_in_dim3A_1359 = vector.shape_cast %and3A_1358 : vector<16xi32> to vector<16x1xi32>
        %gather3A_1360 = vector.shape_cast %broadcast_in_dim3A_1359 : vector<16x1xi32> to vector<16xi32>
        %gather3A_1361 = tpu.dynamic_gather %add3A_1352[%gather3A_1360] in [0] : vector<16xf32>, vector<16xi32> -> vector<16xf32>
        %add3A_1362 = arith.addf %add3A_1352, %gather3A_1361 : vector<16xf32>
        %add3A_1363 = arith.constant 1 : i32
        %add3A_1364 = vector.broadcast %add3A_1363 : i32 to vector<16xi32>
        %add3A_1365 = arith.addi %iota3A, %add3A_1364 : vector<16xi32>
        %and3A_1366 = arith.constant 15 : i32
        %and3A_1367 = vector.broadcast %and3A_1366 : i32 to vector<16xi32>
        %and3A_1368 = arith.andi %add3A_1365, %and3A_1367 : vector<16xi32>
        %broadcast_in_dim3A_1369 = vector.shape_cast %and3A_1368 : vector<16xi32> to vector<16x1xi32>
        %gather3A_1370 = vector.shape_cast %broadcast_in_dim3A_1369 : vector<16x1xi32> to vector<16xi32>
        %gather3A_1371 = tpu.dynamic_gather %add3A_1362[%gather3A_1370] in [0] : vector<16xf32>, vector<16xi32> -> vector<16xf32>
        %add3A_1372 = arith.addf %add3A_1362, %gather3A_1371 : vector<16xf32>
        %select_n3A_1373 = arith.select %eq3A_1332, %add3A_1372, %select_n3A_1272 : vector<16xi1>, vector<16xf32>
        %add3A_1374 = arith.constant 8 : i32
        %add3A_1375 = vector.broadcast %add3A_1374 : i32 to vector<16xi32>
        %add3A_1376 = arith.addi %iota3A, %add3A_1375 : vector<16xi32>
        %and3A_1377 = arith.constant 15 : i32
        %and3A_1378 = vector.broadcast %and3A_1377 : i32 to vector<16xi32>
        %and3A_1379 = arith.andi %add3A_1376, %and3A_1378 : vector<16xi32>
        %broadcast_in_dim3A_1380 = vector.shape_cast %and3A_1379 : vector<16xi32> to vector<16x1xi32>
        %gather3A_1381 = vector.shape_cast %broadcast_in_dim3A_1380 : vector<16x1xi32> to vector<16xi32>
        %gather3A_1382 = tpu.dynamic_gather %add3A_1329[%gather3A_1381] in [0] : vector<16xf32>, vector<16xi32> -> vector<16xf32>
        %add3A_1383 = arith.addf %add3A_1329, %gather3A_1382 : vector<16xf32>
        %add3A_1384 = arith.constant 4 : i32
        %add3A_1385 = vector.broadcast %add3A_1384 : i32 to vector<16xi32>
        %add3A_1386 = arith.addi %iota3A, %add3A_1385 : vector<16xi32>
        %and3A_1387 = arith.constant 15 : i32
        %and3A_1388 = vector.broadcast %and3A_1387 : i32 to vector<16xi32>
        %and3A_1389 = arith.andi %add3A_1386, %and3A_1388 : vector<16xi32>
        %broadcast_in_dim3A_1390 = vector.shape_cast %and3A_1389 : vector<16xi32> to vector<16x1xi32>
        %gather3A_1391 = vector.shape_cast %broadcast_in_dim3A_1390 : vector<16x1xi32> to vector<16xi32>
        %gather3A_1392 = tpu.dynamic_gather %add3A_1383[%gather3A_1391] in [0] : vector<16xf32>, vector<16xi32> -> vector<16xf32>
        %add3A_1393 = arith.addf %add3A_1383, %gather3A_1392 : vector<16xf32>
        %add3A_1394 = arith.constant 2 : i32
        %add3A_1395 = vector.broadcast %add3A_1394 : i32 to vector<16xi32>
        %add3A_1396 = arith.addi %iota3A, %add3A_1395 : vector<16xi32>
        %and3A_1397 = arith.constant 15 : i32
        %and3A_1398 = vector.broadcast %and3A_1397 : i32 to vector<16xi32>
        %and3A_1399 = arith.andi %add3A_1396, %and3A_1398 : vector<16xi32>
        %broadcast_in_dim3A_1400 = vector.shape_cast %and3A_1399 : vector<16xi32> to vector<16x1xi32>
        %gather3A_1401 = vector.shape_cast %broadcast_in_dim3A_1400 : vector<16x1xi32> to vector<16xi32>
        %gather3A_1402 = tpu.dynamic_gather %add3A_1393[%gather3A_1401] in [0] : vector<16xf32>, vector<16xi32> -> vector<16xf32>
        %add3A_1403 = arith.addf %add3A_1393, %gather3A_1402 : vector<16xf32>
        %add3A_1404 = arith.constant 1 : i32
        %add3A_1405 = vector.broadcast %add3A_1404 : i32 to vector<16xi32>
        %add3A_1406 = arith.addi %iota3A, %add3A_1405 : vector<16xi32>
        %and3A_1407 = arith.constant 15 : i32
        %and3A_1408 = vector.broadcast %and3A_1407 : i32 to vector<16xi32>
        %and3A_1409 = arith.andi %add3A_1406, %and3A_1408 : vector<16xi32>
        %broadcast_in_dim3A_1410 = vector.shape_cast %and3A_1409 : vector<16xi32> to vector<16x1xi32>
        %gather3A_1411 = vector.shape_cast %broadcast_in_dim3A_1410 : vector<16x1xi32> to vector<16xi32>
        %gather3A_1412 = tpu.dynamic_gather %add3A_1403[%gather3A_1411] in [0] : vector<16xf32>, vector<16xi32> -> vector<16xf32>
        %add3A_1413 = arith.addf %add3A_1403, %gather3A_1412 : vector<16xf32>
        %select_n3A_1414 = arith.select %eq3A_1332, %add3A_1413, %select_n3A_1313 : vector<16xi1>, vector<16xf32>
        %add3A_1415 = arith.constant 12 : i32
        %add3A_1416 = arith.addi %mul3A_127, %add3A_1415 : i32
        %add3A_1417 = arith.constant 0 : i32
        %add3A_1418 = arith.addi %add3A_1416, %add3A_1417 : i32
        %mul3A_1419 = arith.constant 1000 : i32
        %mul3A_1420 = arith.muli %add3A_1418, %mul3A_1419 : i32
        %add3A_1421 = arith.constant 12 : i32
        %add3A_1422 = arith.addi %mul3A_127, %add3A_1421 : i32
        %add3A_1423 = arith.constant 1 : i32
        %add3A_1424 = arith.addi %add3A_1422, %add3A_1423 : i32
        %mul3A_1425 = arith.constant 1000 : i32
        %mul3A_1426 = arith.muli %add3A_1424, %mul3A_1425 : i32
        %add3A_1427 = arith.constant 12 : i32
        %add3A_1428 = arith.addi %mul3A_127, %add3A_1427 : i32
        %add3A_1429 = arith.constant 2 : i32
        %add3A_1430 = arith.addi %add3A_1428, %add3A_1429 : i32
        %mul3A_1431 = arith.constant 1000 : i32
        %mul3A_1432 = arith.muli %add3A_1430, %mul3A_1431 : i32
        %add3A_1433 = arith.constant 12 : i32
        %add3A_1434 = arith.addi %mul3A_127, %add3A_1433 : i32
        %add3A_1435 = arith.constant 3 : i32
        %add3A_1436 = arith.addi %add3A_1434, %add3A_1435 : i32
        %mul3A_1437 = arith.constant 1000 : i32
        %mul3A_1438 = arith.muli %add3A_1436, %mul3A_1437 : i32
        %parallel_loop3A_1439 = arith.constant 0 : i32
        %parallel_loop3A_1440 = arith.constant 62 : i32
        %parallel_loop3A_1441 = arith.constant 1 : i32
        %parallel_loop3A_1442:8 = scf.for %parallel_loop3A_1862 = %parallel_loop3A_1439 to %parallel_loop3A_1440 step %parallel_loop3A_1441 iter_args(%parallel_loop3A_1863 = %broadcast_in_dim3A_7, %parallel_loop3A_1864 = %broadcast_in_dim3A_7, %parallel_loop3A_1865 = %broadcast_in_dim3A_7, %parallel_loop3A_1866 = %broadcast_in_dim3A_7, %parallel_loop3A_1867 = %broadcast_in_dim3A_7, %parallel_loop3A_1868 = %broadcast_in_dim3A_7, %parallel_loop3A_1869 = %broadcast_in_dim3A_7, %parallel_loop3A_1870 = %broadcast_in_dim3A_7) -> (vector<16xf32>, vector<16xf32>, vector<16xf32>, vector<16xf32>, vector<16xf32>, vector<16xf32>, vector<16xf32>, vector<16xf32>)  : i32 {
          %parallel_loop3A_1871 = arith.constant 16 : i32
          %parallel_loop3A_1872 = arith.muli %parallel_loop3A_1862, %parallel_loop3A_1871 : i32
          %parallel_loop3A_1873 = arith.addi %mul3A_1420, %parallel_loop3A_1872 : i32
          %parallel_loop3A_1874 = arith.index_cast %parallel_loop3A_1873 : i32 to index
          %parallel_loop3A_1875 = tpu.vector_load %arg8[%parallel_loop3A_1874] {strides = array<i32>} : memref<64000xf32, #tpu.memory_space<vmem>>, vector<16xf32>,
          %parallel_loop3A_1876 = math.exp %parallel_loop3A_1875 : vector<16xf32>
          %parallel_loop3A_1877 = arith.addf %parallel_loop3A_1863, %parallel_loop3A_1876 : vector<16xf32>
          %parallel_loop3A_1878 = arith.mulf %parallel_loop3A_1875, %parallel_loop3A_1876 : vector<16xf32>
          %parallel_loop3A_1879 = arith.addf %parallel_loop3A_1864, %parallel_loop3A_1878 : vector<16xf32>
          %parallel_loop3A_1880 = arith.constant 16 : i32
          %parallel_loop3A_1881 = arith.muli %parallel_loop3A_1862, %parallel_loop3A_1880 : i32
          %parallel_loop3A_1882 = arith.addi %mul3A_1426, %parallel_loop3A_1881 : i32
          %parallel_loop3A_1883 = arith.index_cast %parallel_loop3A_1882 : i32 to index
          %parallel_loop3A_1884 = tpu.vector_load %arg8[%parallel_loop3A_1883] {strides = array<i32>} : memref<64000xf32, #tpu.memory_space<vmem>>, vector<16xf32>,
          %parallel_loop3A_1885 = math.exp %parallel_loop3A_1884 : vector<16xf32>
          %parallel_loop3A_1886 = arith.addf %parallel_loop3A_1865, %parallel_loop3A_1885 : vector<16xf32>
          %parallel_loop3A_1887 = arith.mulf %parallel_loop3A_1884, %parallel_loop3A_1885 : vector<16xf32>
          %parallel_loop3A_1888 = arith.addf %parallel_loop3A_1866, %parallel_loop3A_1887 : vector<16xf32>
          %parallel_loop3A_1889 = arith.constant 16 : i32
          %parallel_loop3A_1890 = arith.muli %parallel_loop3A_1862, %parallel_loop3A_1889 : i32
          %parallel_loop3A_1891 = arith.addi %mul3A_1432, %parallel_loop3A_1890 : i32
          %parallel_loop3A_1892 = arith.index_cast %parallel_loop3A_1891 : i32 to index
          %parallel_loop3A_1893 = tpu.vector_load %arg8[%parallel_loop3A_1892] {strides = array<i32>} : memref<64000xf32, #tpu.memory_space<vmem>>, vector<16xf32>,
          %parallel_loop3A_1894 = math.exp %parallel_loop3A_1893 : vector<16xf32>
          %parallel_loop3A_1895 = arith.addf %parallel_loop3A_1867, %parallel_loop3A_1894 : vector<16xf32>
          %parallel_loop3A_1896 = arith.mulf %parallel_loop3A_1893, %parallel_loop3A_1894 : vector<16xf32>
          %parallel_loop3A_1897 = arith.addf %parallel_loop3A_1868, %parallel_loop3A_1896 : vector<16xf32>
          %parallel_loop3A_1898 = arith.constant 16 : i32
          %parallel_loop3A_1899 = arith.muli %parallel_loop3A_1862, %parallel_loop3A_1898 : i32
          %parallel_loop3A_1900 = arith.addi %mul3A_1438, %parallel_loop3A_1899 : i32
          %parallel_loop3A_1901 = arith.index_cast %parallel_loop3A_1900 : i32 to index
          %parallel_loop3A_1902 = tpu.vector_load %arg8[%parallel_loop3A_1901] {strides = array<i32>} : memref<64000xf32, #tpu.memory_space<vmem>>, vector<16xf32>,
          %parallel_loop3A_1903 = math.exp %parallel_loop3A_1902 : vector<16xf32>
          %parallel_loop3A_1904 = arith.addf %parallel_loop3A_1869, %parallel_loop3A_1903 : vector<16xf32>
          %parallel_loop3A_1905 = arith.mulf %parallel_loop3A_1902, %parallel_loop3A_1903 : vector<16xf32>
          %parallel_loop3A_1906 = arith.addf %parallel_loop3A_1870, %parallel_loop3A_1905 : vector<16xf32>
          scf.yield %parallel_loop3A_1877, %parallel_loop3A_1879, %parallel_loop3A_1886, %parallel_loop3A_1888, %parallel_loop3A_1895, %parallel_loop3A_1897, %parallel_loop3A_1904, %parallel_loop3A_1906 : vector<16xf32>, vector<16xf32>, vector<16xf32>, vector<16xf32>, vector<16xf32>, vector<16xf32>, vector<16xf32>, vector<16xf32>
        } {sc.loop_unroll_factor = 2 : i64, sc.parallel_access}
        %add3A_1443 = arith.constant 1000 : i32
        %add3A_1444 = arith.addi %mul3A_1420, %add3A_1443 : i32
        %sub3A_1445 = arith.constant 16 : i32
        %sub3A_1446 = arith.subi %add3A_1444, %sub3A_1445 : i32
        %get3A_1447 = arith.index_cast %sub3A_1446 : i32 to index
        %get3A_1448 = tpu.vector_load %arg8[%get3A_1447] {strides = array<i32>} : memref<64000xf32, #tpu.memory_space<vmem>>, vector<16xf32>,
        %exp3A_1449 = math.exp %get3A_1448 : vector<16xf32>
        %jit3A_1450 = arith.constant 0.000000e+00 : f32
        %broadcast_in_dim3A_1451 = vector.broadcast %jit3A_1450 : f32 to vector<16xf32>
        %select_n3A_1452 = arith.select %ge3A_6, %exp3A_1449, %broadcast_in_dim3A_1451 : vector<16xi1>, vector<16xf32>
        %add3A_1453 = arith.addf %parallel_loop3A_1442#0, %select_n3A_1452 : vector<16xf32>
        %mul3A_1454 = arith.mulf %get3A_1448, %exp3A_1449 : vector<16xf32>
        %jit3A_1455 = arith.constant 0.000000e+00 : f32
        %broadcast_in_dim3A_1456 = vector.broadcast %jit3A_1455 : f32 to vector<16xf32>
        %select_n3A_1457 = arith.select %ge3A_6, %mul3A_1454, %broadcast_in_dim3A_1456 : vector<16xi1>, vector<16xf32>
        %add3A_1458 = arith.addf %parallel_loop3A_1442#1, %select_n3A_1457 : vector<16xf32>
        %eq3A_1459 = arith.constant 12 : i32
        %eq3A_1460 = vector.broadcast %eq3A_1459 : i32 to vector<16xi32>
        %eq3A_1461 = arith.cmpi eq, %iota3A, %eq3A_1460 : vector<16xi32>
        %add3A_1462 = arith.constant 8 : i32
        %add3A_1463 = vector.broadcast %add3A_1462 : i32 to vector<16xi32>
        %add3A_1464 = arith.addi %iota3A, %add3A_1463 : vector<16xi32>
        %and3A_1465 = arith.constant 15 : i32
        %and3A_1466 = vector.broadcast %and3A_1465 : i32 to vector<16xi32>
        %and3A_1467 = arith.andi %add3A_1464, %and3A_1466 : vector<16xi32>
        %broadcast_in_dim3A_1468 = vector.shape_cast %and3A_1467 : vector<16xi32> to vector<16x1xi32>
        %gather3A_1469 = vector.shape_cast %broadcast_in_dim3A_1468 : vector<16x1xi32> to vector<16xi32>
        %gather3A_1470 = tpu.dynamic_gather %add3A_1453[%gather3A_1469] in [0] : vector<16xf32>, vector<16xi32> -> vector<16xf32>
        %add3A_1471 = arith.addf %add3A_1453, %gather3A_1470 : vector<16xf32>
        %add3A_1472 = arith.constant 4 : i32
        %add3A_1473 = vector.broadcast %add3A_1472 : i32 to vector<16xi32>
        %add3A_1474 = arith.addi %iota3A, %add3A_1473 : vector<16xi32>
        %and3A_1475 = arith.constant 15 : i32
        %and3A_1476 = vector.broadcast %and3A_1475 : i32 to vector<16xi32>
        %and3A_1477 = arith.andi %add3A_1474, %and3A_1476 : vector<16xi32>
        %broadcast_in_dim3A_1478 = vector.shape_cast %and3A_1477 : vector<16xi32> to vector<16x1xi32>
        %gather3A_1479 = vector.shape_cast %broadcast_in_dim3A_1478 : vector<16x1xi32> to vector<16xi32>
        %gather3A_1480 = tpu.dynamic_gather %add3A_1471[%gather3A_1479] in [0] : vector<16xf32>, vector<16xi32> -> vector<16xf32>
        %add3A_1481 = arith.addf %add3A_1471, %gather3A_1480 : vector<16xf32>
        %add3A_1482 = arith.constant 2 : i32
        %add3A_1483 = vector.broadcast %add3A_1482 : i32 to vector<16xi32>
        %add3A_1484 = arith.addi %iota3A, %add3A_1483 : vector<16xi32>
        %and3A_1485 = arith.constant 15 : i32
        %and3A_1486 = vector.broadcast %and3A_1485 : i32 to vector<16xi32>
        %and3A_1487 = arith.andi %add3A_1484, %and3A_1486 : vector<16xi32>
        %broadcast_in_dim3A_1488 = vector.shape_cast %and3A_1487 : vector<16xi32> to vector<16x1xi32>
        %gather3A_1489 = vector.shape_cast %broadcast_in_dim3A_1488 : vector<16x1xi32> to vector<16xi32>
        %gather3A_1490 = tpu.dynamic_gather %add3A_1481[%gather3A_1489] in [0] : vector<16xf32>, vector<16xi32> -> vector<16xf32>
        %add3A_1491 = arith.addf %add3A_1481, %gather3A_1490 : vector<16xf32>
        %add3A_1492 = arith.constant 1 : i32
        %add3A_1493 = vector.broadcast %add3A_1492 : i32 to vector<16xi32>
        %add3A_1494 = arith.addi %iota3A, %add3A_1493 : vector<16xi32>
        %and3A_1495 = arith.constant 15 : i32
        %and3A_1496 = vector.broadcast %and3A_1495 : i32 to vector<16xi32>
        %and3A_1497 = arith.andi %add3A_1494, %and3A_1496 : vector<16xi32>
        %broadcast_in_dim3A_1498 = vector.shape_cast %and3A_1497 : vector<16xi32> to vector<16x1xi32>
        %gather3A_1499 = vector.shape_cast %broadcast_in_dim3A_1498 : vector<16x1xi32> to vector<16xi32>
        %gather3A_1500 = tpu.dynamic_gather %add3A_1491[%gather3A_1499] in [0] : vector<16xf32>, vector<16xi32> -> vector<16xf32>
        %add3A_1501 = arith.addf %add3A_1491, %gather3A_1500 : vector<16xf32>
        %select_n3A_1502 = arith.select %eq3A_1461, %add3A_1501, %select_n3A_1373 : vector<16xi1>, vector<16xf32>
        %add3A_1503 = arith.constant 8 : i32
        %add3A_1504 = vector.broadcast %add3A_1503 : i32 to vector<16xi32>
        %add3A_1505 = arith.addi %iota3A, %add3A_1504 : vector<16xi32>
        %and3A_1506 = arith.constant 15 : i32
        %and3A_1507 = vector.broadcast %and3A_1506 : i32 to vector<16xi32>
        %and3A_1508 = arith.andi %add3A_1505, %and3A_1507 : vector<16xi32>
        %broadcast_in_dim3A_1509 = vector.shape_cast %and3A_1508 : vector<16xi32> to vector<16x1xi32>
        %gather3A_1510 = vector.shape_cast %broadcast_in_dim3A_1509 : vector<16x1xi32> to vector<16xi32>
        %gather3A_1511 = tpu.dynamic_gather %add3A_1458[%gather3A_1510] in [0] : vector<16xf32>, vector<16xi32> -> vector<16xf32>
        %add3A_1512 = arith.addf %add3A_1458, %gather3A_1511 : vector<16xf32>
        %add3A_1513 = arith.constant 4 : i32
        %add3A_1514 = vector.broadcast %add3A_1513 : i32 to vector<16xi32>
        %add3A_1515 = arith.addi %iota3A, %add3A_1514 : vector<16xi32>
        %and3A_1516 = arith.constant 15 : i32
        %and3A_1517 = vector.broadcast %and3A_1516 : i32 to vector<16xi32>
        %and3A_1518 = arith.andi %add3A_1515, %and3A_1517 : vector<16xi32>
        %broadcast_in_dim3A_1519 = vector.shape_cast %and3A_1518 : vector<16xi32> to vector<16x1xi32>
        %gather3A_1520 = vector.shape_cast %broadcast_in_dim3A_1519 : vector<16x1xi32> to vector<16xi32>
        %gather3A_1521 = tpu.dynamic_gather %add3A_1512[%gather3A_1520] in [0] : vector<16xf32>, vector<16xi32> -> vector<16xf32>
        %add3A_1522 = arith.addf %add3A_1512, %gather3A_1521 : vector<16xf32>
        %add3A_1523 = arith.constant 2 : i32
        %add3A_1524 = vector.broadcast %add3A_1523 : i32 to vector<16xi32>
        %add3A_1525 = arith.addi %iota3A, %add3A_1524 : vector<16xi32>
        %and3A_1526 = arith.constant 15 : i32
        %and3A_1527 = vector.broadcast %and3A_1526 : i32 to vector<16xi32>
        %and3A_1528 = arith.andi %add3A_1525, %and3A_1527 : vector<16xi32>
        %broadcast_in_dim3A_1529 = vector.shape_cast %and3A_1528 : vector<16xi32> to vector<16x1xi32>
        %gather3A_1530 = vector.shape_cast %broadcast_in_dim3A_1529 : vector<16x1xi32> to vector<16xi32>
        %gather3A_1531 = tpu.dynamic_gather %add3A_1522[%gather3A_1530] in [0] : vector<16xf32>, vector<16xi32> -> vector<16xf32>
        %add3A_1532 = arith.addf %add3A_1522, %gather3A_1531 : vector<16xf32>
        %add3A_1533 = arith.constant 1 : i32
        %add3A_1534 = vector.broadcast %add3A_1533 : i32 to vector<16xi32>
        %add3A_1535 = arith.addi %iota3A, %add3A_1534 : vector<16xi32>
        %and3A_1536 = arith.constant 15 : i32
        %and3A_1537 = vector.broadcast %and3A_1536 : i32 to vector<16xi32>
        %and3A_1538 = arith.andi %add3A_1535, %and3A_1537 : vector<16xi32>
        %broadcast_in_dim3A_1539 = vector.shape_cast %and3A_1538 : vector<16xi32> to vector<16x1xi32>
        %gather3A_1540 = vector.shape_cast %broadcast_in_dim3A_1539 : vector<16x1xi32> to vector<16xi32>
        %gather3A_1541 = tpu.dynamic_gather %add3A_1532[%gather3A_1540] in [0] : vector<16xf32>, vector<16xi32> -> vector<16xf32>
        %add3A_1542 = arith.addf %add3A_1532, %gather3A_1541 : vector<16xf32>
        %select_n3A_1543 = arith.select %eq3A_1461, %add3A_1542, %select_n3A_1414 : vector<16xi1>, vector<16xf32>
        %add3A_1544 = arith.constant 1000 : i32
        %add3A_1545 = arith.addi %mul3A_1426, %add3A_1544 : i32
        %sub3A_1546 = arith.constant 16 : i32
        %sub3A_1547 = arith.subi %add3A_1545, %sub3A_1546 : i32
        %get3A_1548 = arith.index_cast %sub3A_1547 : i32 to index
        %get3A_1549 = tpu.vector_load %arg8[%get3A_1548] {strides = array<i32>} : memref<64000xf32, #tpu.memory_space<vmem>>, vector<16xf32>,
        %exp3A_1550 = math.exp %get3A_1549 : vector<16xf32>
        %jit3A_1551 = arith.constant 0.000000e+00 : f32
        %broadcast_in_dim3A_1552 = vector.broadcast %jit3A_1551 : f32 to vector<16xf32>
        %select_n3A_1553 = arith.select %ge3A_6, %exp3A_1550, %broadcast_in_dim3A_1552 : vector<16xi1>, vector<16xf32>
        %add3A_1554 = arith.addf %parallel_loop3A_1442#2, %select_n3A_1553 : vector<16xf32>
        %mul3A_1555 = arith.mulf %get3A_1549, %exp3A_1550 : vector<16xf32>
        %jit3A_1556 = arith.constant 0.000000e+00 : f32
        %broadcast_in_dim3A_1557 = vector.broadcast %jit3A_1556 : f32 to vector<16xf32>
        %select_n3A_1558 = arith.select %ge3A_6, %mul3A_1555, %broadcast_in_dim3A_1557 : vector<16xi1>, vector<16xf32>
        %add3A_1559 = arith.addf %parallel_loop3A_1442#3, %select_n3A_1558 : vector<16xf32>
        %eq3A_1560 = arith.constant 13 : i32
        %eq3A_1561 = vector.broadcast %eq3A_1560 : i32 to vector<16xi32>
        %eq3A_1562 = arith.cmpi eq, %iota3A, %eq3A_1561 : vector<16xi32>
        %add3A_1563 = arith.constant 8 : i32
        %add3A_1564 = vector.broadcast %add3A_1563 : i32 to vector<16xi32>
        %add3A_1565 = arith.addi %iota3A, %add3A_1564 : vector<16xi32>
        %and3A_1566 = arith.constant 15 : i32
        %and3A_1567 = vector.broadcast %and3A_1566 : i32 to vector<16xi32>
        %and3A_1568 = arith.andi %add3A_1565, %and3A_1567 : vector<16xi32>
        %broadcast_in_dim3A_1569 = vector.shape_cast %and3A_1568 : vector<16xi32> to vector<16x1xi32>
        %gather3A_1570 = vector.shape_cast %broadcast_in_dim3A_1569 : vector<16x1xi32> to vector<16xi32>
        %gather3A_1571 = tpu.dynamic_gather %add3A_1554[%gather3A_1570] in [0] : vector<16xf32>, vector<16xi32> -> vector<16xf32>
        %add3A_1572 = arith.addf %add3A_1554, %gather3A_1571 : vector<16xf32>
        %add3A_1573 = arith.constant 4 : i32
        %add3A_1574 = vector.broadcast %add3A_1573 : i32 to vector<16xi32>
        %add3A_1575 = arith.addi %iota3A, %add3A_1574 : vector<16xi32>
        %and3A_1576 = arith.constant 15 : i32
        %and3A_1577 = vector.broadcast %and3A_1576 : i32 to vector<16xi32>
        %and3A_1578 = arith.andi %add3A_1575, %and3A_1577 : vector<16xi32>
        %broadcast_in_dim3A_1579 = vector.shape_cast %and3A_1578 : vector<16xi32> to vector<16x1xi32>
        %gather3A_1580 = vector.shape_cast %broadcast_in_dim3A_1579 : vector<16x1xi32> to vector<16xi32>
        %gather3A_1581 = tpu.dynamic_gather %add3A_1572[%gather3A_1580] in [0] : vector<16xf32>, vector<16xi32> -> vector<16xf32>
        %add3A_1582 = arith.addf %add3A_1572, %gather3A_1581 : vector<16xf32>
        %add3A_1583 = arith.constant 2 : i32
        %add3A_1584 = vector.broadcast %add3A_1583 : i32 to vector<16xi32>
        %add3A_1585 = arith.addi %iota3A, %add3A_1584 : vector<16xi32>
        %and3A_1586 = arith.constant 15 : i32
        %and3A_1587 = vector.broadcast %and3A_1586 : i32 to vector<16xi32>
        %and3A_1588 = arith.andi %add3A_1585, %and3A_1587 : vector<16xi32>
        %broadcast_in_dim3A_1589 = vector.shape_cast %and3A_1588 : vector<16xi32> to vector<16x1xi32>
        %gather3A_1590 = vector.shape_cast %broadcast_in_dim3A_1589 : vector<16x1xi32> to vector<16xi32>
        %gather3A_1591 = tpu.dynamic_gather %add3A_1582[%gather3A_1590] in [0] : vector<16xf32>, vector<16xi32> -> vector<16xf32>
        %add3A_1592 = arith.addf %add3A_1582, %gather3A_1591 : vector<16xf32>
        %add3A_1593 = arith.constant 1 : i32
        %add3A_1594 = vector.broadcast %add3A_1593 : i32 to vector<16xi32>
        %add3A_1595 = arith.addi %iota3A, %add3A_1594 : vector<16xi32>
        %and3A_1596 = arith.constant 15 : i32
        %and3A_1597 = vector.broadcast %and3A_1596 : i32 to vector<16xi32>
        %and3A_1598 = arith.andi %add3A_1595, %and3A_1597 : vector<16xi32>
        %broadcast_in_dim3A_1599 = vector.shape_cast %and3A_1598 : vector<16xi32> to vector<16x1xi32>
        %gather3A_1600 = vector.shape_cast %broadcast_in_dim3A_1599 : vector<16x1xi32> to vector<16xi32>
        %gather3A_1601 = tpu.dynamic_gather %add3A_1592[%gather3A_1600] in [0] : vector<16xf32>, vector<16xi32> -> vector<16xf32>
        %add3A_1602 = arith.addf %add3A_1592, %gather3A_1601 : vector<16xf32>
        %select_n3A_1603 = arith.select %eq3A_1562, %add3A_1602, %select_n3A_1502 : vector<16xi1>, vector<16xf32>
        %add3A_1604 = arith.constant 8 : i32
        %add3A_1605 = vector.broadcast %add3A_1604 : i32 to vector<16xi32>
        %add3A_1606 = arith.addi %iota3A, %add3A_1605 : vector<16xi32>
        %and3A_1607 = arith.constant 15 : i32
        %and3A_1608 = vector.broadcast %and3A_1607 : i32 to vector<16xi32>
        %and3A_1609 = arith.andi %add3A_1606, %and3A_1608 : vector<16xi32>
        %broadcast_in_dim3A_1610 = vector.shape_cast %and3A_1609 : vector<16xi32> to vector<16x1xi32>
        %gather3A_1611 = vector.shape_cast %broadcast_in_dim3A_1610 : vector<16x1xi32> to vector<16xi32>
        %gather3A_1612 = tpu.dynamic_gather %add3A_1559[%gather3A_1611] in [0] : vector<16xf32>, vector<16xi32> -> vector<16xf32>
        %add3A_1613 = arith.addf %add3A_1559, %gather3A_1612 : vector<16xf32>
        %add3A_1614 = arith.constant 4 : i32
        %add3A_1615 = vector.broadcast %add3A_1614 : i32 to vector<16xi32>
        %add3A_1616 = arith.addi %iota3A, %add3A_1615 : vector<16xi32>
        %and3A_1617 = arith.constant 15 : i32
        %and3A_1618 = vector.broadcast %and3A_1617 : i32 to vector<16xi32>
        %and3A_1619 = arith.andi %add3A_1616, %and3A_1618 : vector<16xi32>
        %broadcast_in_dim3A_1620 = vector.shape_cast %and3A_1619 : vector<16xi32> to vector<16x1xi32>
        %gather3A_1621 = vector.shape_cast %broadcast_in_dim3A_1620 : vector<16x1xi32> to vector<16xi32>
        %gather3A_1622 = tpu.dynamic_gather %add3A_1613[%gather3A_1621] in [0] : vector<16xf32>, vector<16xi32> -> vector<16xf32>
        %add3A_1623 = arith.addf %add3A_1613, %gather3A_1622 : vector<16xf32>
        %add3A_1624 = arith.constant 2 : i32
        %add3A_1625 = vector.broadcast %add3A_1624 : i32 to vector<16xi32>
        %add3A_1626 = arith.addi %iota3A, %add3A_1625 : vector<16xi32>
        %and3A_1627 = arith.constant 15 : i32
        %and3A_1628 = vector.broadcast %and3A_1627 : i32 to vector<16xi32>
        %and3A_1629 = arith.andi %add3A_1626, %and3A_1628 : vector<16xi32>
        %broadcast_in_dim3A_1630 = vector.shape_cast %and3A_1629 : vector<16xi32> to vector<16x1xi32>
        %gather3A_1631 = vector.shape_cast %broadcast_in_dim3A_1630 : vector<16x1xi32> to vector<16xi32>
        %gather3A_1632 = tpu.dynamic_gather %add3A_1623[%gather3A_1631] in [0] : vector<16xf32>, vector<16xi32> -> vector<16xf32>
        %add3A_1633 = arith.addf %add3A_1623, %gather3A_1632 : vector<16xf32>
        %add3A_1634 = arith.constant 1 : i32
        %add3A_1635 = vector.broadcast %add3A_1634 : i32 to vector<16xi32>
        %add3A_1636 = arith.addi %iota3A, %add3A_1635 : vector<16xi32>
        %and3A_1637 = arith.constant 15 : i32
        %and3A_1638 = vector.broadcast %and3A_1637 : i32 to vector<16xi32>
        %and3A_1639 = arith.andi %add3A_1636, %and3A_1638 : vector<16xi32>
        %broadcast_in_dim3A_1640 = vector.shape_cast %and3A_1639 : vector<16xi32> to vector<16x1xi32>
        %gather3A_1641 = vector.shape_cast %broadcast_in_dim3A_1640 : vector<16x1xi32> to vector<16xi32>
        %gather3A_1642 = tpu.dynamic_gather %add3A_1633[%gather3A_1641] in [0] : vector<16xf32>, vector<16xi32> -> vector<16xf32>
        %add3A_1643 = arith.addf %add3A_1633, %gather3A_1642 : vector<16xf32>
        %select_n3A_1644 = arith.select %eq3A_1562, %add3A_1643, %select_n3A_1543 : vector<16xi1>, vector<16xf32>
        %add3A_1645 = arith.constant 1000 : i32
        %add3A_1646 = arith.addi %mul3A_1432, %add3A_1645 : i32
        %sub3A_1647 = arith.constant 16 : i32
        %sub3A_1648 = arith.subi %add3A_1646, %sub3A_1647 : i32
        %get3A_1649 = arith.index_cast %sub3A_1648 : i32 to index
        %get3A_1650 = tpu.vector_load %arg8[%get3A_1649] {strides = array<i32>} : memref<64000xf32, #tpu.memory_space<vmem>>, vector<16xf32>,
        %exp3A_1651 = math.exp %get3A_1650 : vector<16xf32>
        %jit3A_1652 = arith.constant 0.000000e+00 : f32
        %broadcast_in_dim3A_1653 = vector.broadcast %jit3A_1652 : f32 to vector<16xf32>
        %select_n3A_1654 = arith.select %ge3A_6, %exp3A_1651, %broadcast_in_dim3A_1653 : vector<16xi1>, vector<16xf32>
        %add3A_1655 = arith.addf %parallel_loop3A_1442#4, %select_n3A_1654 : vector<16xf32>
        %mul3A_1656 = arith.mulf %get3A_1650, %exp3A_1651 : vector<16xf32>
        %jit3A_1657 = arith.constant 0.000000e+00 : f32
        %broadcast_in_dim3A_1658 = vector.broadcast %jit3A_1657 : f32 to vector<16xf32>
        %select_n3A_1659 = arith.select %ge3A_6, %mul3A_1656, %broadcast_in_dim3A_1658 : vector<16xi1>, vector<16xf32>
        %add3A_1660 = arith.addf %parallel_loop3A_1442#5, %select_n3A_1659 : vector<16xf32>
        %eq3A_1661 = arith.constant 14 : i32
        %eq3A_1662 = vector.broadcast %eq3A_1661 : i32 to vector<16xi32>
        %eq3A_1663 = arith.cmpi eq, %iota3A, %eq3A_1662 : vector<16xi32>
        %add3A_1664 = arith.constant 8 : i32
        %add3A_1665 = vector.broadcast %add3A_1664 : i32 to vector<16xi32>
        %add3A_1666 = arith.addi %iota3A, %add3A_1665 : vector<16xi32>
        %and3A_1667 = arith.constant 15 : i32
        %and3A_1668 = vector.broadcast %and3A_1667 : i32 to vector<16xi32>
        %and3A_1669 = arith.andi %add3A_1666, %and3A_1668 : vector<16xi32>
        %broadcast_in_dim3A_1670 = vector.shape_cast %and3A_1669 : vector<16xi32> to vector<16x1xi32>
        %gather3A_1671 = vector.shape_cast %broadcast_in_dim3A_1670 : vector<16x1xi32> to vector<16xi32>
        %gather3A_1672 = tpu.dynamic_gather %add3A_1655[%gather3A_1671] in [0] : vector<16xf32>, vector<16xi32> -> vector<16xf32>
        %add3A_1673 = arith.addf %add3A_1655, %gather3A_1672 : vector<16xf32>
        %add3A_1674 = arith.constant 4 : i32
        %add3A_1675 = vector.broadcast %add3A_1674 : i32 to vector<16xi32>
        %add3A_1676 = arith.addi %iota3A, %add3A_1675 : vector<16xi32>
        %and3A_1677 = arith.constant 15 : i32
        %and3A_1678 = vector.broadcast %and3A_1677 : i32 to vector<16xi32>
        %and3A_1679 = arith.andi %add3A_1676, %and3A_1678 : vector<16xi32>
        %broadcast_in_dim3A_1680 = vector.shape_cast %and3A_1679 : vector<16xi32> to vector<16x1xi32>
        %gather3A_1681 = vector.shape_cast %broadcast_in_dim3A_1680 : vector<16x1xi32> to vector<16xi32>
        %gather3A_1682 = tpu.dynamic_gather %add3A_1673[%gather3A_1681] in [0] : vector<16xf32>, vector<16xi32> -> vector<16xf32>
        %add3A_1683 = arith.addf %add3A_1673, %gather3A_1682 : vector<16xf32>
        %add3A_1684 = arith.constant 2 : i32
        %add3A_1685 = vector.broadcast %add3A_1684 : i32 to vector<16xi32>
        %add3A_1686 = arith.addi %iota3A, %add3A_1685 : vector<16xi32>
        %and3A_1687 = arith.constant 15 : i32
        %and3A_1688 = vector.broadcast %and3A_1687 : i32 to vector<16xi32>
        %and3A_1689 = arith.andi %add3A_1686, %and3A_1688 : vector<16xi32>
        %broadcast_in_dim3A_1690 = vector.shape_cast %and3A_1689 : vector<16xi32> to vector<16x1xi32>
        %gather3A_1691 = vector.shape_cast %broadcast_in_dim3A_1690 : vector<16x1xi32> to vector<16xi32>
        %gather3A_1692 = tpu.dynamic_gather %add3A_1683[%gather3A_1691] in [0] : vector<16xf32>, vector<16xi32> -> vector<16xf32>
        %add3A_1693 = arith.addf %add3A_1683, %gather3A_1692 : vector<16xf32>
        %add3A_1694 = arith.constant 1 : i32
        %add3A_1695 = vector.broadcast %add3A_1694 : i32 to vector<16xi32>
        %add3A_1696 = arith.addi %iota3A, %add3A_1695 : vector<16xi32>
        %and3A_1697 = arith.constant 15 : i32
        %and3A_1698 = vector.broadcast %and3A_1697 : i32 to vector<16xi32>
        %and3A_1699 = arith.andi %add3A_1696, %and3A_1698 : vector<16xi32>
        %broadcast_in_dim3A_1700 = vector.shape_cast %and3A_1699 : vector<16xi32> to vector<16x1xi32>
        %gather3A_1701 = vector.shape_cast %broadcast_in_dim3A_1700 : vector<16x1xi32> to vector<16xi32>
        %gather3A_1702 = tpu.dynamic_gather %add3A_1693[%gather3A_1701] in [0] : vector<16xf32>, vector<16xi32> -> vector<16xf32>
        %add3A_1703 = arith.addf %add3A_1693, %gather3A_1702 : vector<16xf32>
        %select_n3A_1704 = arith.select %eq3A_1663, %add3A_1703, %select_n3A_1603 : vector<16xi1>, vector<16xf32>
        %add3A_1705 = arith.constant 8 : i32
        %add3A_1706 = vector.broadcast %add3A_1705 : i32 to vector<16xi32>
        %add3A_1707 = arith.addi %iota3A, %add3A_1706 : vector<16xi32>
        %and3A_1708 = arith.constant 15 : i32
        %and3A_1709 = vector.broadcast %and3A_1708 : i32 to vector<16xi32>
        %and3A_1710 = arith.andi %add3A_1707, %and3A_1709 : vector<16xi32>
        %broadcast_in_dim3A_1711 = vector.shape_cast %and3A_1710 : vector<16xi32> to vector<16x1xi32>
        %gather3A_1712 = vector.shape_cast %broadcast_in_dim3A_1711 : vector<16x1xi32> to vector<16xi32>
        %gather3A_1713 = tpu.dynamic_gather %add3A_1660[%gather3A_1712] in [0] : vector<16xf32>, vector<16xi32> -> vector<16xf32>
        %add3A_1714 = arith.addf %add3A_1660, %gather3A_1713 : vector<16xf32>
        %add3A_1715 = arith.constant 4 : i32
        %add3A_1716 = vector.broadcast %add3A_1715 : i32 to vector<16xi32>
        %add3A_1717 = arith.addi %iota3A, %add3A_1716 : vector<16xi32>
        %and3A_1718 = arith.constant 15 : i32
        %and3A_1719 = vector.broadcast %and3A_1718 : i32 to vector<16xi32>
        %and3A_1720 = arith.andi %add3A_1717, %and3A_1719 : vector<16xi32>
        %broadcast_in_dim3A_1721 = vector.shape_cast %and3A_1720 : vector<16xi32> to vector<16x1xi32>
        %gather3A_1722 = vector.shape_cast %broadcast_in_dim3A_1721 : vector<16x1xi32> to vector<16xi32>
        %gather3A_1723 = tpu.dynamic_gather %add3A_1714[%gather3A_1722] in [0] : vector<16xf32>, vector<16xi32> -> vector<16xf32>
        %add3A_1724 = arith.addf %add3A_1714, %gather3A_1723 : vector<16xf32>
        %add3A_1725 = arith.constant 2 : i32
        %add3A_1726 = vector.broadcast %add3A_1725 : i32 to vector<16xi32>
        %add3A_1727 = arith.addi %iota3A, %add3A_1726 : vector<16xi32>
        %and3A_1728 = arith.constant 15 : i32
        %and3A_1729 = vector.broadcast %and3A_1728 : i32 to vector<16xi32>
        %and3A_1730 = arith.andi %add3A_1727, %and3A_1729 : vector<16xi32>
        %broadcast_in_dim3A_1731 = vector.shape_cast %and3A_1730 : vector<16xi32> to vector<16x1xi32>
        %gather3A_1732 = vector.shape_cast %broadcast_in_dim3A_1731 : vector<16x1xi32> to vector<16xi32>
        %gather3A_1733 = tpu.dynamic_gather %add3A_1724[%gather3A_1732] in [0] : vector<16xf32>, vector<16xi32> -> vector<16xf32>
        %add3A_1734 = arith.addf %add3A_1724, %gather3A_1733 : vector<16xf32>
        %add3A_1735 = arith.constant 1 : i32
        %add3A_1736 = vector.broadcast %add3A_1735 : i32 to vector<16xi32>
        %add3A_1737 = arith.addi %iota3A, %add3A_1736 : vector<16xi32>
        %and3A_1738 = arith.constant 15 : i32
        %and3A_1739 = vector.broadcast %and3A_1738 : i32 to vector<16xi32>
        %and3A_1740 = arith.andi %add3A_1737, %and3A_1739 : vector<16xi32>
        %broadcast_in_dim3A_1741 = vector.shape_cast %and3A_1740 : vector<16xi32> to vector<16x1xi32>
        %gather3A_1742 = vector.shape_cast %broadcast_in_dim3A_1741 : vector<16x1xi32> to vector<16xi32>
        %gather3A_1743 = tpu.dynamic_gather %add3A_1734[%gather3A_1742] in [0] : vector<16xf32>, vector<16xi32> -> vector<16xf32>
        %add3A_1744 = arith.addf %add3A_1734, %gather3A_1743 : vector<16xf32>
        %select_n3A_1745 = arith.select %eq3A_1663, %add3A_1744, %select_n3A_1644 : vector<16xi1>, vector<16xf32>
        %add3A_1746 = arith.constant 1000 : i32
        %add3A_1747 = arith.addi %mul3A_1438, %add3A_1746 : i32
        %sub3A_1748 = arith.constant 16 : i32
        %sub3A_1749 = arith.subi %add3A_1747, %sub3A_1748 : i32
        %get3A_1750 = arith.index_cast %sub3A_1749 : i32 to index
        %get3A_1751 = tpu.vector_load %arg8[%get3A_1750] {strides = array<i32>} : memref<64000xf32, #tpu.memory_space<vmem>>, vector<16xf32>,
        %exp3A_1752 = math.exp %get3A_1751 : vector<16xf32>
        %jit3A_1753 = arith.constant 0.000000e+00 : f32
        %broadcast_in_dim3A_1754 = vector.broadcast %jit3A_1753 : f32 to vector<16xf32>
        %select_n3A_1755 = arith.select %ge3A_6, %exp3A_1752, %broadcast_in_dim3A_1754 : vector<16xi1>, vector<16xf32>
        %add3A_1756 = arith.addf %parallel_loop3A_1442#6, %select_n3A_1755 : vector<16xf32>
        %mul3A_1757 = arith.mulf %get3A_1751, %exp3A_1752 : vector<16xf32>
        %jit3A_1758 = arith.constant 0.000000e+00 : f32
        %broadcast_in_dim3A_1759 = vector.broadcast %jit3A_1758 : f32 to vector<16xf32>
        %select_n3A_1760 = arith.select %ge3A_6, %mul3A_1757, %broadcast_in_dim3A_1759 : vector<16xi1>, vector<16xf32>
        %add3A_1761 = arith.addf %parallel_loop3A_1442#7, %select_n3A_1760 : vector<16xf32>
        %eq3A_1762 = arith.constant 15 : i32
        %eq3A_1763 = vector.broadcast %eq3A_1762 : i32 to vector<16xi32>
        %eq3A_1764 = arith.cmpi eq, %iota3A, %eq3A_1763 : vector<16xi32>
        %add3A_1765 = arith.constant 8 : i32
        %add3A_1766 = vector.broadcast %add3A_1765 : i32 to vector<16xi32>
        %add3A_1767 = arith.addi %iota3A, %add3A_1766 : vector<16xi32>
        %and3A_1768 = arith.constant 15 : i32
        %and3A_1769 = vector.broadcast %and3A_1768 : i32 to vector<16xi32>
        %and3A_1770 = arith.andi %add3A_1767, %and3A_1769 : vector<16xi32>
        %broadcast_in_dim3A_1771 = vector.shape_cast %and3A_1770 : vector<16xi32> to vector<16x1xi32>
        %gather3A_1772 = vector.shape_cast %broadcast_in_dim3A_1771 : vector<16x1xi32> to vector<16xi32>
        %gather3A_1773 = tpu.dynamic_gather %add3A_1756[%gather3A_1772] in [0] : vector<16xf32>, vector<16xi32> -> vector<16xf32>
        %add3A_1774 = arith.addf %add3A_1756, %gather3A_1773 : vector<16xf32>
        %add3A_1775 = arith.constant 4 : i32
        %add3A_1776 = vector.broadcast %add3A_1775 : i32 to vector<16xi32>
        %add3A_1777 = arith.addi %iota3A, %add3A_1776 : vector<16xi32>
        %and3A_1778 = arith.constant 15 : i32
        %and3A_1779 = vector.broadcast %and3A_1778 : i32 to vector<16xi32>
        %and3A_1780 = arith.andi %add3A_1777, %and3A_1779 : vector<16xi32>
        %broadcast_in_dim3A_1781 = vector.shape_cast %and3A_1780 : vector<16xi32> to vector<16x1xi32>
        %gather3A_1782 = vector.shape_cast %broadcast_in_dim3A_1781 : vector<16x1xi32> to vector<16xi32>
        %gather3A_1783 = tpu.dynamic_gather %add3A_1774[%gather3A_1782] in [0] : vector<16xf32>, vector<16xi32> -> vector<16xf32>
        %add3A_1784 = arith.addf %add3A_1774, %gather3A_1783 : vector<16xf32>
        %add3A_1785 = arith.constant 2 : i32
        %add3A_1786 = vector.broadcast %add3A_1785 : i32 to vector<16xi32>
        %add3A_1787 = arith.addi %iota3A, %add3A_1786 : vector<16xi32>
        %and3A_1788 = arith.constant 15 : i32
        %and3A_1789 = vector.broadcast %and3A_1788 : i32 to vector<16xi32>
        %and3A_1790 = arith.andi %add3A_1787, %and3A_1789 : vector<16xi32>
        %broadcast_in_dim3A_1791 = vector.shape_cast %and3A_1790 : vector<16xi32> to vector<16x1xi32>
        %gather3A_1792 = vector.shape_cast %broadcast_in_dim3A_1791 : vector<16x1xi32> to vector<16xi32>
        %gather3A_1793 = tpu.dynamic_gather %add3A_1784[%gather3A_1792] in [0] : vector<16xf32>, vector<16xi32> -> vector<16xf32>
        %add3A_1794 = arith.addf %add3A_1784, %gather3A_1793 : vector<16xf32>
        %add3A_1795 = arith.constant 1 : i32
        %add3A_1796 = vector.broadcast %add3A_1795 : i32 to vector<16xi32>
        %add3A_1797 = arith.addi %iota3A, %add3A_1796 : vector<16xi32>
        %and3A_1798 = arith.constant 15 : i32
        %and3A_1799 = vector.broadcast %and3A_1798 : i32 to vector<16xi32>
        %and3A_1800 = arith.andi %add3A_1797, %and3A_1799 : vector<16xi32>
        %broadcast_in_dim3A_1801 = vector.shape_cast %and3A_1800 : vector<16xi32> to vector<16x1xi32>
        %gather3A_1802 = vector.shape_cast %broadcast_in_dim3A_1801 : vector<16x1xi32> to vector<16xi32>
        %gather3A_1803 = tpu.dynamic_gather %add3A_1794[%gather3A_1802] in [0] : vector<16xf32>, vector<16xi32> -> vector<16xf32>
        %add3A_1804 = arith.addf %add3A_1794, %gather3A_1803 : vector<16xf32>
        %select_n3A_1805 = arith.select %eq3A_1764, %add3A_1804, %select_n3A_1704 : vector<16xi1>, vector<16xf32>
        %add3A_1806 = arith.constant 8 : i32
        %add3A_1807 = vector.broadcast %add3A_1806 : i32 to vector<16xi32>
        %add3A_1808 = arith.addi %iota3A, %add3A_1807 : vector<16xi32>
        %and3A_1809 = arith.constant 15 : i32
        %and3A_1810 = vector.broadcast %and3A_1809 : i32 to vector<16xi32>
        %and3A_1811 = arith.andi %add3A_1808, %and3A_1810 : vector<16xi32>
        %broadcast_in_dim3A_1812 = vector.shape_cast %and3A_1811 : vector<16xi32> to vector<16x1xi32>
        %gather3A_1813 = vector.shape_cast %broadcast_in_dim3A_1812 : vector<16x1xi32> to vector<16xi32>
        %gather3A_1814 = tpu.dynamic_gather %add3A_1761[%gather3A_1813] in [0] : vector<16xf32>, vector<16xi32> -> vector<16xf32>
        %add3A_1815 = arith.addf %add3A_1761, %gather3A_1814 : vector<16xf32>
        %add3A_1816 = arith.constant 4 : i32
        %add3A_1817 = vector.broadcast %add3A_1816 : i32 to vector<16xi32>
        %add3A_1818 = arith.addi %iota3A, %add3A_1817 : vector<16xi32>
        %and3A_1819 = arith.constant 15 : i32
        %and3A_1820 = vector.broadcast %and3A_1819 : i32 to vector<16xi32>
        %and3A_1821 = arith.andi %add3A_1818, %and3A_1820 : vector<16xi32>
        %broadcast_in_dim3A_1822 = vector.shape_cast %and3A_1821 : vector<16xi32> to vector<16x1xi32>
        %gather3A_1823 = vector.shape_cast %broadcast_in_dim3A_1822 : vector<16x1xi32> to vector<16xi32>
        %gather3A_1824 = tpu.dynamic_gather %add3A_1815[%gather3A_1823] in [0] : vector<16xf32>, vector<16xi32> -> vector<16xf32>
        %add3A_1825 = arith.addf %add3A_1815, %gather3A_1824 : vector<16xf32>
        %add3A_1826 = arith.constant 2 : i32
        %add3A_1827 = vector.broadcast %add3A_1826 : i32 to vector<16xi32>
        %add3A_1828 = arith.addi %iota3A, %add3A_1827 : vector<16xi32>
        %and3A_1829 = arith.constant 15 : i32
        %and3A_1830 = vector.broadcast %and3A_1829 : i32 to vector<16xi32>
        %and3A_1831 = arith.andi %add3A_1828, %and3A_1830 : vector<16xi32>
        %broadcast_in_dim3A_1832 = vector.shape_cast %and3A_1831 : vector<16xi32> to vector<16x1xi32>
        %gather3A_1833 = vector.shape_cast %broadcast_in_dim3A_1832 : vector<16x1xi32> to vector<16xi32>
        %gather3A_1834 = tpu.dynamic_gather %add3A_1825[%gather3A_1833] in [0] : vector<16xf32>, vector<16xi32> -> vector<16xf32>
        %add3A_1835 = arith.addf %add3A_1825, %gather3A_1834 : vector<16xf32>
        %add3A_1836 = arith.constant 1 : i32
        %add3A_1837 = vector.broadcast %add3A_1836 : i32 to vector<16xi32>
        %add3A_1838 = arith.addi %iota3A, %add3A_1837 : vector<16xi32>
        %and3A_1839 = arith.constant 15 : i32
        %and3A_1840 = vector.broadcast %and3A_1839 : i32 to vector<16xi32>
        %and3A_1841 = arith.andi %add3A_1838, %and3A_1840 : vector<16xi32>
        %broadcast_in_dim3A_1842 = vector.shape_cast %and3A_1841 : vector<16xi32> to vector<16x1xi32>
        %gather3A_1843 = vector.shape_cast %broadcast_in_dim3A_1842 : vector<16x1xi32> to vector<16xi32>
        %gather3A_1844 = tpu.dynamic_gather %add3A_1835[%gather3A_1843] in [0] : vector<16xf32>, vector<16xi32> -> vector<16xf32>
        %add3A_1845 = arith.addf %add3A_1835, %gather3A_1844 : vector<16xf32>
        %select_n3A_1846 = arith.select %eq3A_1764, %add3A_1845, %select_n3A_1745 : vector<16xi1>, vector<16xf32>
        %get3A_1847 = arith.index_cast %mul3A_127 : i32 to index
        %get3A_1848 = tpu.vector_load %arg10[%get3A_1847] {strides = array<i32>} : memref<64xi32, #tpu.memory_space<vmem>>, vector<16xi32>,
        %add3A_1849 = vector.broadcast %mul3A_127 : i32 to vector<16xi32>
        %add3A_1850 = arith.addi %add3A_1849, %iota3A : vector<16xi32>
        %mul3A_1851 = arith.constant 1000 : i32
        %mul3A_1852 = vector.broadcast %mul3A_1851 : i32 to vector<16xi32>
        %mul3A_1853 = arith.muli %add3A_1850, %mul3A_1852 : vector<16xi32>
        %add3A_1854 = arith.addi %mul3A_1853, %get3A_1848 : vector<16xi32>
        %gather3A_1855 = tpu.vector_load_idx %arg8[%add3A_1854] : memref<64000xf32, #tpu.memory_space<vmem>>[vector<16xi32>], vector<16xf32>,
        %swap3A = arith.index_cast %mul3A_127 : i32 to index
        %swap3A_1856 = tpu.vector_load %arg12[%swap3A] {strides = array<i32>} : memref<64xf32, #tpu.memory_space<vmem>>, vector<16xf32>,
        tpu.vector_store %arg12[%swap3A], %select_n3A_1805 {strides = array<i32>} : memref<64xf32, #tpu.memory_space<vmem>>, vector<16xf32>,
        %swap3A_1857 = arith.index_cast %mul3A_127 : i32 to index
        %swap3A_1858 = tpu.vector_load %arg14[%swap3A_1857] {strides = array<i32>} : memref<64xf32, #tpu.memory_space<vmem>>, vector<16xf32>,
        tpu.vector_store %arg14[%swap3A_1857], %select_n3A_1846 {strides = array<i32>} : memref<64xf32, #tpu.memory_space<vmem>>, vector<16xf32>,
        %swap3A_1859 = arith.index_cast %mul3A_127 : i32 to index
        %swap3A_1860 = tpu.vector_load %arg16[%swap3A_1859] {strides = array<i32>} : memref<64xf32, #tpu.memory_space<vmem>>, vector<16xf32>,
        tpu.vector_store %arg16[%swap3A_1859], %gather3A_1855 {strides = array<i32>} : memref<64xf32, #tpu.memory_space<vmem>>, vector<16xf32>,
        %scan3A_1861 = arith.constant 0 : i32
        scf.yield %scan3A_1861 : i32
      }
      %scan3A_106 = arith.constant 4 : i32
      %mul3A_107 = arith.constant 64 : i32
      %mul3A_108 = arith.muli %add3A_86, %mul3A_107 : i32
      %add3A_109 = arith.addi %mul3A_2, %mul3A_108 : i32
      %dma_start3A_110 = tpu.memref_slice %arg4[%add3A_109] : memref<65536xf32, #tpu.memory_space<hbm>> -> memref<64xf32, #tpu.memory_space<hbm>>
      %dma_start3A_111 = tpu.memref_slice %arg4[%add3A_109] : memref<65536xf32, #tpu.memory_space<hbm>> -> memref<64xf32, #tpu.memory_space<hbm>>
      tpu.enqueue_dma source(%arg12 : memref<64xf32, #tpu.memory_space<vmem>>) target(%dma_start3A_111 : memref<64xf32, #tpu.memory_space<hbm>>) target_semaphore(%arg20 : memref<!tpu.dma_semaphore, #tpu.memory_space<semaphore_mem>>)
      %dma_start3A_112 = tpu.memref_slice %arg5[%add3A_109] : memref<65536xf32, #tpu.memory_space<hbm>> -> memref<64xf32, #tpu.memory_space<hbm>>
      %dma_start3A_113 = tpu.memref_slice %arg5[%add3A_109] : memref<65536xf32, #tpu.memory_space<hbm>> -> memref<64xf32, #tpu.memory_space<hbm>>
      tpu.enqueue_dma source(%arg14 : memref<64xf32, #tpu.memory_space<vmem>>) target(%dma_start3A_113 : memref<64xf32, #tpu.memory_space<hbm>>) target_semaphore(%arg20 : memref<!tpu.dma_semaphore, #tpu.memory_space<semaphore_mem>>)
      %dma_start3A_114 = tpu.memref_slice %arg6[%add3A_109] : memref<65536xf32, #tpu.memory_space<hbm>> -> memref<64xf32, #tpu.memory_space<hbm>>
      %dma_start3A_115 = tpu.memref_slice %arg6[%add3A_109] : memref<65536xf32, #tpu.memory_space<hbm>> -> memref<64xf32, #tpu.memory_space<hbm>>
      tpu.enqueue_dma source(%arg16 : memref<64xf32, #tpu.memory_space<vmem>>) target(%dma_start3A_115 : memref<64xf32, #tpu.memory_space<hbm>>) target_semaphore(%arg20 : memref<!tpu.dma_semaphore, #tpu.memory_space<semaphore_mem>>)
      %add3A_116 = arith.constant 2 : i32
      %add3A_117 = arith.addi %add3A_86, %add3A_116 : i32
      %lt3A_118 = arith.constant 32 : i32
      %lt3A_119 = arith.cmpi slt, %add3A_117, %lt3A_118 : i32
      %convert_element_type3A_120 = arith.extui %lt3A_119 : i1 to i32
      %cond3A_121 = arith.constant 0 : i32
      %cond3A_122 = arith.cmpi ne, %convert_element_type3A_120, %cond3A_121 : i32
      scf.if %cond3A_122 {
        %add3A_124 = arith.constant 2 : i32
        %add3A_125 = arith.addi %add3A_86, %add3A_124 : i32
        %mul3A_126 = arith.constant 64 : i32
        %mul3A_127 = arith.muli %add3A_125, %mul3A_126 : i32
        %add3A_128 = arith.addi %add3A_4, %mul3A_127 : i32
        %mul3A_129 = arith.constant 1000 : i32
        %mul3A_130 = arith.muli %add3A_128, %mul3A_129 : i32
        %dma_start3A_131 = tpu.memref_slice %arg2[%mul3A_130] : memref<65536000xf32, #tpu.memory_space<hbm>> -> memref<64000xf32, #tpu.memory_space<hbm>>
        %dma_start3A_132 = tpu.memref_slice %arg2[%mul3A_130] : memref<65536000xf32, #tpu.memory_space<hbm>> -> memref<64000xf32, #tpu.memory_space<hbm>>
        tpu.enqueue_dma source(%dma_start3A_132 : memref<64000xf32, #tpu.memory_space<hbm>>) target(%arg8 : memref<64000xf32, #tpu.memory_space<vmem>>) target_semaphore(%arg18 : memref<!tpu.dma_semaphore, #tpu.memory_space<semaphore_mem>>)
        %mul3A_133 = arith.constant 64 : i32
        %mul3A_134 = arith.muli %add3A_125, %mul3A_133 : i32
        %add3A_135 = arith.addi %add3A_4, %mul3A_134 : i32
        %dma_start3A_136 = tpu.memref_slice %arg3[%add3A_135] : memref<65536xi32, #tpu.memory_space<hbm>> -> memref<64xi32, #tpu.memory_space<hbm>>
        %dma_start3A_137 = tpu.memref_slice %arg3[%add3A_135] : memref<65536xi32, #tpu.memory_space<hbm>> -> memref<64xi32, #tpu.memory_space<hbm>>
        tpu.enqueue_dma source(%dma_start3A_137 : memref<64xi32, #tpu.memory_space<hbm>>) target(%arg10 : memref<64xi32, #tpu.memory_space<vmem>>) target_semaphore(%arg18 : memref<!tpu.dma_semaphore, #tpu.memory_space<semaphore_mem>>)
      } else {
      }
      %scan3A_123 = arith.constant 0 : i32
      scf.yield %scan3A_123 : i32
    }
    %scan3A_32 = arith.constant 16 : i32
    %dma_wait3A = tpu.memref_slice %arg4[%mul3A_2] : memref<65536xf32, #tpu.memory_space<hbm>> -> memref<64xf32, #tpu.memory_space<hbm>>
    %dma_wait3A_33 = tpu.memref_slice %arg4[%mul3A_2] : memref<65536xf32, #tpu.memory_space<hbm>> -> memref<64xf32, #tpu.memory_space<hbm>>
    tpu.wait_dma2 semaphore(%arg19 : memref<!tpu.dma_semaphore, #tpu.memory_space<semaphore_mem>>) src(%arg11 : memref<64xf32, #tpu.memory_space<vmem>>) dst(%dma_wait3A_33 : memref<64xf32, #tpu.memory_space<hbm>>)
    %dma_wait3A_34 = tpu.memref_slice %arg5[%mul3A_2] : memref<65536xf32, #tpu.memory_space<hbm>> -> memref<64xf32, #tpu.memory_space<hbm>>
    %dma_wait3A_35 = tpu.memref_slice %arg5[%mul3A_2] : memref<65536xf32, #tpu.memory_space<hbm>> -> memref<64xf32, #tpu.memory_space<hbm>>
    tpu.wait_dma2 semaphore(%arg19 : memref<!tpu.dma_semaphore, #tpu.memory_space<semaphore_mem>>) src(%arg13 : memref<64xf32, #tpu.memory_space<vmem>>) dst(%dma_wait3A_35 : memref<64xf32, #tpu.memory_space<hbm>>)
    %dma_wait3A_36 = tpu.memref_slice %arg6[%mul3A_2] : memref<65536xf32, #tpu.memory_space<hbm>> -> memref<64xf32, #tpu.memory_space<hbm>>
    %dma_wait3A_37 = tpu.memref_slice %arg6[%mul3A_2] : memref<65536xf32, #tpu.memory_space<hbm>> -> memref<64xf32, #tpu.memory_space<hbm>>
    tpu.wait_dma2 semaphore(%arg19 : memref<!tpu.dma_semaphore, #tpu.memory_space<semaphore_mem>>) src(%arg15 : memref<64xf32, #tpu.memory_space<vmem>>) dst(%dma_wait3A_37 : memref<64xf32, #tpu.memory_space<hbm>>)
    %dma_wait3A_38 = tpu.memref_slice %arg4[%mul3A_2] : memref<65536xf32, #tpu.memory_space<hbm>> -> memref<64xf32, #tpu.memory_space<hbm>>
    %dma_wait3A_39 = tpu.memref_slice %arg4[%mul3A_2] : memref<65536xf32, #tpu.memory_space<hbm>> -> memref<64xf32, #tpu.memory_space<hbm>>
    tpu.wait_dma2 semaphore(%arg20 : memref<!tpu.dma_semaphore, #tpu.memory_space<semaphore_mem>>) src(%arg12 : memref<64xf32, #tpu.memory_space<vmem>>) dst(%dma_wait3A_39 : memref<64xf32, #tpu.memory_space<hbm>>)
    %dma_wait3A_40 = tpu.memref_slice %arg5[%mul3A_2] : memref<65536xf32, #tpu.memory_space<hbm>> -> memref<64xf32, #tpu.memory_space<hbm>>
    %dma_wait3A_41 = tpu.memref_slice %arg5[%mul3A_2] : memref<65536xf32, #tpu.memory_space<hbm>> -> memref<64xf32, #tpu.memory_space<hbm>>
    tpu.wait_dma2 semaphore(%arg20 : memref<!tpu.dma_semaphore, #tpu.memory_space<semaphore_mem>>) src(%arg14 : memref<64xf32, #tpu.memory_space<vmem>>) dst(%dma_wait3A_41 : memref<64xf32, #tpu.memory_space<hbm>>)
    %dma_wait3A_42 = tpu.memref_slice %arg6[%mul3A_2] : memref<65536xf32, #tpu.memory_space<hbm>> -> memref<64xf32, #tpu.memory_space<hbm>>
    %dma_wait3A_43 = tpu.memref_slice %arg6[%mul3A_2] : memref<65536xf32, #tpu.memory_space<hbm>> -> memref<64xf32, #tpu.memory_space<hbm>>
    tpu.wait_dma2 semaphore(%arg20 : memref<!tpu.dma_semaphore, #tpu.memory_space<semaphore_mem>>) src(%arg16 : memref<64xf32, #tpu.memory_space<vmem>>) dst(%dma_wait3A_43 : memref<64xf32, #tpu.memory_space<hbm>>)
    return
  }
}

</mosaic_0001>

<sc_bundles>
// kernel: _sc_stats.3.cloned.1.call-start
scs
__scs_entry_jumppad:
0x0: {  	(pc) =	sbr.rel $0x88, $3  }
0x1: {  	(tag) =	ssettag $0x0;
	lr =	simm.s32 $0x1  }
0x2: {  	[smem:$0x3F9F] =	sst lr;
	_ =	strace $0xD0000000  }
0x3: {  	_ = 	snop  }
0x4: {  	_ = 	snop  }
0x5: {  	_ = 	snop  }
0x6: {  	_ = 	snop  }
0x7: {  	_ = 	snop  }
__scs_overlays_trampoline_lowered:
0x8: {  	[smem:$0x3FAE] =	sst s0  }
0x9: {  	[smem:$0x3FAF] =	sst s1  }
0xa: {  	[smem:$0x3FB0] =	sst s2  }
0xb: {  	[smem:$0x3FB1] =	sst s3  }
0xc: {  	[smem:$0x3FB2] =	sst s4  }
0xd: {  	[smem:$0x3FB3] =	sst s5  }
0xe: {  	[smem:$0x3FB4] =	sst s6  }
0xf: {  	[smem:$0x3FB5] =	sst s7  }
0x10: {  	[smem:$0x3FB6] =	sst s8  }
0x11: {  	[smem:$0x3FB7] =	sst s9;
	s0 =	simm.s32 @!p0 $0x0  }
0x12: {  	s1 =	sld [smem:$0x3F9D];
	s0 =	simm.s32 @p0 $0x1  }
0x13: {  	[smem:$0x3FB8] =	sst s0;
	s0 =	simm.s32 @!p1 $0x0  }
0x14: {  	s2 =	sld [smem:$0x3F9C];
	s0 =	simm.s32 @p1 $0x1  }
0x15: {  	[smem:$0x3FB9] =	sst s0;
	s0 =	simm.s32 @!p2 $0x0  }
0x16: {  	s3 =	sld [smem:$0x3FDB];
	s0 =	simm.s32 @p2 $0x1  }
0x17: {  	s4 =	simm.s32 $0x1BF5;
	[smem:$0x3FBB] =	sst s0  }
0x18: {  	s0 =	sld [smem:$0x3F9E];
	_ =	swait.ge [sflag:s4], $0x0  }
0x19: {  	s7 =	sld [smem:$0x3F9F]  }
0x1a: {  	s8 =	sadd.s32 $0xFFFFE003, lr  }
0x1b: {  	s9 =	sadd.s32 $0xFFFFFEF7, lr;
	s5 =	simm.s32 $0xFFFFFFFF;
	p2 =	slt.u32 s8, $0xFFFFF086  }
0x1c: {  	p1 =	slt.u32 s9, $0xF7A;
	s5 =	simm.s32 @!p2 $0x0  }
0x1d: {  	s5 =	simm.s32 @p1 $0x1;
	p0 =	seq.s32 s7, s2  }
0x1e: {  	s7 =	smul.u32 @!p0 $0xF7A, s2;
	p2 =	seq.s32 @!p0 s5, $0x0  }
0x1f: {  	s9 =	smul.u32 $0xF7A, s1;
	s8 =	simm.s32 @!p0 $0x1BF5;
	p2 =	por !p2, p0  }
0x20: {  	[sflag:s8] =	ssyncset.s32 @!p0 $0xFFFFF086;
	s6 =	sadd.s32 @!p0 s3, s7;
	s7 =	simm.s32 @!p0 $0x108  }
0x21: {  	s3 =	sadd.s32 s3, s9;
	s6 =	sadd.s32 @!p0 $0x88, s6;
	s7 =	simm.s32 @p2 $0x1082  }
0x22: {  	[simem:s7], [sflag:s8] =	dma.local @!p0 [hbm:s6], $0xF7A  }
0x23: {  	s9 =	sor.u32 $0xD0000000, s2;
	s6 =	simm.s32 $0x108;
	_ =	swait.ge @!p0 [sflag:s8], $0x0  }
0x24: {  	s3 =	sadd.s32 $0x88, s3;
	s6 =	simm.s32 @!p1 $0x1082;
	[sflag:s4] =	ssyncset.s32 $0xFFFFF086  }
0x25: {  	[simem:s6], [sflag:s4] =	dma.local [hbm:s3], $0xF7A  }
0x26: {  	[smem:$0x3F9F] =	sst s1;
	(tag) =	ssettag s2;
	_ =	strace s9  }
0x27: {  	s1 =	sld [smem:$0x3FAF]  }
0x28: {  	s2 =	sld [smem:$0x3FB0]  }
0x29: {  	s4 =	sld [smem:$0x3FB2]  }
0x2a: {  	p0 =	seq.s32 s5, $0x0;
	s5 =	sld [smem:$0x3FB3]  }
0x2b: {  	s6 =	sld [smem:$0x3FB4]  }
0x2c: {  	s7 =	sld [smem:$0x3FB5]  }
0x2d: {  	s3 =	simm.s32 $0x108;
	s8 =	sld [smem:$0x3FB6]  }
0x2e: {  	s3 =	simm.s32 @!p0 $0x1082;
	s9 =	sld [smem:$0x3FB7]  }
0x2f: {  	lr =	sadd.s32 s0, s3;
	s0 =	sld [smem:$0x3FAE]  }
0x30: {  	s3 =	sld [smem:$0x3FB1]  }
0x31: {  	[smem:$0x3FBA] =	sst s10  }
0x32: {  	s10 =	sld [smem:$0x3FB8];
	_ =	sdelay $0x3  }
0x33: {  	p0 =	seq.s32 s10, $0x1;
	s10 =	sld [smem:$0x3FBA];
	_ =	sdelay $0x3  }
0x34: {  	[smem:$0x3FBA] =	sst s10  }
0x35: {  	s10 =	sld [smem:$0x3FB9];
	_ =	sdelay $0x3  }
0x36: {  	p1 =	seq.s32 s10, $0x1;
	s10 =	sld [smem:$0x3FBA];
	_ =	sdelay $0x3  }
0x37: {  	[smem:$0x3FBA] =	sst s10  }
0x38: {  	s10 =	sld [smem:$0x3FBB]  }
0x39: {  	_ = 	snop;
	(pc) =	sbr.ind lr, $3  }
0x3a: {  	_ = 	snop  }
0x3b: {  	_ = 	snop  }
0x3c: {  	p2 =	seq.s32 s10, $0x1;
	s10 =	sld [smem:$0x3FBA]  }
0x3d: {  	_ =	shalt  }
0x3e: {  	_ =	shalt  }
0x3f: {  	_ =	shalt  }
0x40: {  	_ =	shalt  }
0x41: {  	_ =	shalt  }
0x42: {  	_ =	shalt  }
0x43: {  	_ =	shalt  }
0x44: {  	_ =	shalt  }
0x45: {  	_ =	shalt  }
0x46: {  	_ =	shalt  }
0x47: {  	_ =	shalt  }
0x48: {  	_ =	shalt  }
0x49: {  	_ =	shalt  }
0x4a: {  	_ =	shalt  }
0x4b: {  	_ =	shalt  }
0x4c: {  	_ =	shalt  }
0x4d: {  	_ =	shalt  }
0x4e: {  	_ =	shalt  }
0x4f: {  	_ =	shalt  }
0x50: {  	_ =	shalt  }
0x51: {  	_ =	shalt  }
0x52: {  	_ =	shalt  }
0x53: {  	_ =	shalt  }
0x54: {  	_ =	shalt  }
0x55: {  	_ =	shalt  }
0x56: {  	_ =	shalt  }
0x57: {  	_ =	shalt  }
0x58: {  	_ =	shalt  }
0x59: {  	_ =	shalt  }
0x5a: {  	_ =	shalt  }
0x5b: {  	_ =	shalt  }
0x5c: {  	_ =	shalt  }
0x5d: {  	_ =	shalt  }
0x5e: {  	_ =	shalt  }
0x5f: {  	_ =	shalt  }
0x60: {  	_ =	shalt  }
0x61: {  	_ =	shalt  }
0x62: {  	_ =	shalt  }
0x63: {  	_ =	shalt  }
0x64: {  	_ =	shalt  }
0x65: {  	_ =	shalt  }
0x66: {  	_ =	shalt  }
0x67: {  	_ =	shalt  }
0x68: {  	_ =	shalt  }
0x69: {  	_ =	shalt  }
0x6a: {  	_ =	shalt  }
0x6b: {  	_ =	shalt  }
0x6c: {  	_ =	shalt  }
0x6d: {  	_ =	shalt  }
0x6e: {  	_ =	shalt  }
0x6f: {  	_ =	shalt  }
0x70: {  	_ =	shalt  }
0x71: {  	_ =	shalt  }
0x72: {  	_ =	shalt  }
0x73: {  	_ =	shalt  }
0x74: {  	_ =	shalt  }
0x75: {  	_ =	shalt  }
0x76: {  	_ =	shalt  }
0x77: {  	_ =	shalt  }
0x78: {  	_ =	shalt  }
0x79: {  	_ =	shalt  }
0x7a: {  	_ =	shalt  }
0x7b: {  	_ =	shalt  }
0x7c: {  	_ =	shalt  }
0x7d: {  	_ =	shalt  }
0x7e: {  	_ =	shalt  }
0x7f: {  	_ =	shalt  }
0x80: {  	_ =	shalt  }
0x81: {  	_ =	shalt  }
0x82: {  	_ =	shalt  }
0x83: {  	_ =	shalt  }
0x84: {  	_ =	shalt  }
0x85: {  	_ =	shalt  }
0x86: {  	_ =	shalt  }
0x87: {  	_ =	shalt  }
.Lfunc_end0:
.L_simem_size_0:
called_computation_lowered:
.L_overlay_start_0:
0x88: {  	s2 =	sld [smem:$0x3FD9]  }
0x89: {  	s3 =	sld [smem:$0x3FFE];
	_ =	sdelay $0x1  }
0x8a: {  	s1 =	srdreg.scid  }
0x8b: {  	s0 =	sand.u32 $0x1, s1  }
0x8c: {  	s15 =	sshll.u32 s0, $0xA;
	s2 =	sadd.s32 s3, s2  }
0x8d: {  	s2 =	sadd.s32 s2, s15  }
0x8e: {  	[smem:$0x3FC6] =	sst s2  }
0x8f: {  	_ = 	snop  }
0x90: {  	s2 =	sld [smem:$0x3FD0];
	_ =	sdelay $0x1  }
0x91: {  	s16 =	sld [smem:$0x3FC9]  }
0x92: {  	s5 =	simm.s32 $0xA;
	s6 =	simm.s32 $0x10;
	s4 =	sld [smem:$0x3FC8]  }
0x93: {  	[smem:s6], [sflag:s5] =	dma.local [hbm:s2], $0x1  }
0x94: {  	_ =	swait.eq [sflag:s5], $0x1  }
0x95: {  	s17 =	sld [smem:$0x10];
	[sflag:s5] =	ssyncset.done $0x0  }
0x96: {  	s18 =	sld [smem:$0x11];
	[sflag:s5] =	ssyncadd.s32 $0xFFFFFFFF  }
0x97: {  	s19 =	sld [smem:$0x12];
	(tm) =	ssettm $0x1  }
0x98: {  	s7 =	sld [smem:$0x3FFB];
	_ =	sdelay $0x3  }
0x99: {  	_ =	strace s7  }
0x9a: {  	s7 =	sld [smem:$0x3FFC];
	_ =	sdelay $0x3  }
0x9b: {  	_ =	strace s7  }
0x9c: {  	s7 =	sld [smem:$0x3FFD];
	_ =	sdelay $0x3  }
0x9d: {  	_ =	strace s7  }
0x9e: {  	_ =	strace $0x8FFFFFFF  }
0x9f: {  	s20 =	sld [smem:$0x3FDB];
	_ =	sdelay $0x1  }
0xa0: {  	s8 =	simm.s32 $_scs_section_size  }
0xa1: {  	s9 =	simm.s32 $_size__tile_overlayer_lowered;
	s10 =	simm.s32 $_tile_overlayer_lowered  }
0xa2: {  	s23 =	simm.s32 $0x1BFF;
	s22 =	sshll.u32 s10, $0x1;
	s7 =	sadd.s32 s8, s20  }
0xa3: {  	s11 =	simm.s32 $0x0;
	s21 =	sshll.u32 s9, $0x1;
	s9 =	sadd.s32 s22, s7  }
0xa4: {  	[timem:s11], [sflag:s23] =	dma.local [hbm:s9], s21  }
0xa5: {  	_ =	swait.ge [sflag:s23], s21  }
0xa6: {  	s8 =	ssub.s32 $0x0, s21;
	[sflag:s23] =	ssyncset.done $0x0  }
0xa7: {  	[sflag:s23] =	ssyncadd.s32 s8;
	_ =	sdelay $0x1  }
0xa8: {  	s24 =	simm.s32 $0x1B8B  }
0xa9: {  	_ =	swait.ge [sflag:s24], $0x1  }
0xaa: {  	[sflag:s24] =	ssyncset.done $0x0  }
0xab: {  	s25 =	simm.s32 $0x1B8E;
	[sflag:s24] =	ssyncadd.s32 $0xFFFFFFFF  }
0xac: {  	s26 =	simm.s32 $execute0_lowered;
	[smem:$0x3FD2] =	sst s25  }
0xad: {  	s8 =	sshll.u32 s26, $0x1;
	_ =	strace $0x80000046;
	[dreg:$0x1] =	wrdreg $0xFFFFFFFF  }
0xae: {  	s28 =	simm.s32 $_size_execute0_lowered;
	s7 =	sadd.s32 s7, s8;
	[dreg:$0x0] =	wrdreg $0x0  }
0xaf: {  	s8 =	sshll.u32 s28, $0x1;
	[dreg:$0x2] =	wrdreg s7  }
0xb0: {  	[dreg:$0x3] =	wrdreg s8  }
0xb1: {  	[dreg:$0x4] =	wrdreg $0xC0  }
0xb2: {  	_ =	task [dreg:s11], $0x5FFFF  }
0xb3: {  	[dreg:$0x1] =	wrdreg $0xFFFFFFFF  }
0xb4: {  	[dreg:$0x0] =	wrdreg $0x60  }
0xb5: {  	[dreg:$0x2] =	wrdreg s16  }
0xb6: {  	[dreg:$0x3] =	wrdreg s4  }
0xb7: {  	[dreg:$0x4] =	wrdreg s17  }
0xb8: {  	[dreg:$0x5] =	wrdreg s18  }
0xb9: {  	[dreg:$0x6] =	wrdreg s19  }
0xba: {  	[dreg:$0x7] =	wrdreg $0x9  }
0xbb: {  	_ =	task.clear_ibuf [dreg:s11], $0x8FFFF;
	_ =	strace $0x90000046  }
0xbc: {  	s29 =	simm.s32 $0x9;
	_ =	strace $0x80000048  }
0xbd: {  	_ =	swait.ge [sflag:s29], $0x1  }
0xbe: {  	[sflag:s29] =	ssyncadd.s32 $0xFFFFFFFF  }
0xbf: {  	_ =	strace $0x90000048  }
0xc0: {  	_ =	sfence  }
0xc1: {  	s30 =	sld [smem:$0x0];
	_ =	sdelay $0x2  }
0xc2: {  	s31 =	sshll.u32 s1, $0xD;
	s1 =	sshrl.u32 s1, $0x2  }
0xc3: {  	s3 =	sand.u32 $0x4000, s31;
	s1 =	sadd.s32 s1, s30  }
0xc4: {  	s0 =	sor.u32 s3, s0;
	s1 =	sshll.u32 s1, $0x11  }
0xc5: {  	s0 =	sor.u32 s1, s0  }
0xc6: {  	s0 =	sadd.s32 $0x8F2B, s0  }
0xc7: {  	[sflag:s0] =	ssyncadd.remote.s32 $0x1  }
0xc8: {  	_ =	sfence.sel $0xFFFF  }
0xc9: {  	[dreg:$0x0] =	wrdreg $0xFFFFFFFF;
	(pc) =	sbr.abs _section_cstart, $3  }
0xca: {  	[dreg:$0x1] =	wrdreg $0xFFFFFFFF  }
0xcb: {  	_ =	task.clear_ibuf [dreg:s11], $0x2FFFF;
	_ =	strace $0x9FFFFFFF  }
0xcc: {  	(tm) =	ssettm $0x7FFFFFFF  }
0xcd: {  	_ =	shalt  }
tec
execute0_lowered:
.L_overlay_start_1:
0x0: {  	(tag) =	ssettag $0x1  }
0x1: {  	v0 =	vimm.s32 $0x76543210  }
0x2: {  	s0 =	rddreg [dreg:$0x0];
	v1 =	vimm.s32 $0xFEDCBA98;
	v2 =	vimm.s32 $0x3210FEDC;
	v3 =	vimm.s32 $0xBA987654  }
0x3: {  	s2 =	rddreg [dreg:$0x1];
	v4 =	vimm.s32 $0x10FEDCBA;
	v5 =	vimm.s32 $0x98765432;
	v6 =	vimm.s32 $0xFEDCBA9  }
0x4: {  	s3 =	rddreg [dreg:$0x2];
	v7 =	vimm.s32 $0x87654321;
	vm0 =	vmmov $0xff;
	vm1 =	vmmov $0x1  }
0x5: {  	s5 =	rddreg [dreg:$0x3];
	s1 =	srdreg.scid;
	vm2 =	vmmov $0x3;
	vm3 =	vmmov $0x7;
	vm4 =	vmmov $0xf  }
0x6: {  	s4 =	stileid.u32;
	s6 =	rddreg [dreg:$0x4];
	s7 =	simm.s32 $0x0;
	vm5 =	vmmov $0x1f;
	vm6 =	vmmov $0x3f;
	vm7 =	vmmov $0x7f  }
0x7: {  	s17 =	simm.s32 $0xFA00;
	s19 =	simm.s32 $0x1;
	s23 =	simm.s32 $0x2;
	v0 =	vunpack.c.l.s4.s8 v0;
	v1 =	vunpack.c.l.s4.s8 v1;
	v2 =	vunpack.c.l.s4.s8 v2  }
0x8: {  	s25 =	simm.s32 $0x1F680;
	s1 =	sand.u32 $0x1, s1;
	s4 =	sshll.u32 s4, $0x1;
	v3 =	vunpack.c.l.s4.s8 v3;
	v4 =	vunpack.c.l.s4.s8 v4;
	v5 =	vunpack.c.l.s4.s8 v5  }
0x9: {  	[smem:$0x7FF] =	sst s7;
	v6 =	vunpack.c.l.s4.s8 v6;
	v7 =	vunpack.c.l.s4.s8 v7;
	s4 =	sor.u32 s1, s4;
	s1 =	ssub.s32 $0x2, s1;
	v2 =	vunpack.c.0.s8.s32 v2  }
0xa: {  	_ =	strace $0x80000047;
	s8 =	sshll.u32 s4, $0xB;
	s9 =	smul.u32 $0x3E800, s4;
	v3 =	vunpack.c.0.s8.s32 v3;
	v4 =	vunpack.c.0.s8.s32 v4;
	v5 =	vunpack.c.0.s8.s32 v5  }
0xb: {  	s11 =	sshrl.u32 s1, $0x1;
	s4 =	sshll.u32 s4, $0x8;
	v1 =	vunpack.c.0.s8.s32 v1;
	v6 =	vunpack.c.0.s8.s32 v6;
	v7 =	vunpack.c.0.s8.s32 v7;
	s10 =	sor.u32 $0x40, s8  }
0xc: {  	vm8 =	vmmov $0x1ff;
	v0 =	vunpack.c.0.s8.s32 v0;
	s1 =	ssub.s32 s1, s11;
	s4 =	sadd.s32 s2, s4;
	s12 =	smul.u32 $0x7D, s10;
	v2 =	vcombine.low v3, v2  }
.Ltmp0:
0xd: {  	s9 =	sadd.s32 s0, s9;
	[dreg:$0x7] =	wrdreg s4;
	v3 =	vcombine.low v5, v4;
	v4 =	vcombine.low v7, v6;
	v1 =	vand.u32 $0xF, v1;
	(pc) =	sbr.rel .LBB2_1-.Ltmp0, $4  }
0xe: {  	s31 =	sshrl.u32 s10, $0x3;
	s1 =	smax.u32 s1, $0x1;
	v5 =	vlaneseq.u32;
	[dreg:$0x6] =	wrdreg s9;
	v0 =	vcombine.low v1, v0;
	v1 =	vand.u32 $0xF, v2  }
0xf: {  	s26 =	simm.s32 $0x1F780;
	s4 =	sadd.s32 s2, s31;
	[dreg:$0xa] =	wrdreg s1;
	v2 =	vand.u32 $0xF, v3;
	v3 =	vand.u32 $0xF, v4;
	v4 =	vmul.u32 $0x3E8, v5  }
0x10: {  	vm9 =	vmmov $0x3ff;
	vm10 =	vmmov $0x7ff;
	vm11 =	vmmov $0xfff;
	s13 =	sor.u32 $0x80, s8;
	s30 =	sadd.s32 s0, s12;
	[dreg:$0x9] =	wrdreg s4  }
0x11: {  	vm12 =	vmmov $0x1fff;
	vm13 =	vmmov $0x3fff;
	vm14 =	vmmov $0x7fff;
	s14 =	sor.u32 $0xC0, s8;
	s9 =	simm.s32 $0x0;
	[dreg:$0x8] =	wrdreg s30;
	[tilespmem:$0x1FFF0] =	vst v4  }
.LBB2_24:
0x12: {  	s1 =	simm.s32 $0x3  }
0x13: {  	_ =	swait.ge [sflag:s1], $0x40  }
0x14: {  	[sflag:s1] =	ssyncset.done $0x0  }
0x15: {  	[sflag:s1] =	ssyncadd.s32 $0xFFFFFFC0  }
0x16: {  	_ =	swait.ge [sflag:s1], $0x40  }
0x17: {  	[sflag:s1] =	ssyncset.done $0x0  }
0x18: {  	[sflag:s1] =	ssyncadd.s32 $0xFFFFFFC0  }
0x19: {  	_ =	swait.ge [sflag:s1], $0x40  }
0x1a: {  	[sflag:s1] =	ssyncset.done $0x0  }
0x1b: {  	s4 =	simm.s32 $0x4;
	[sflag:s1] =	ssyncadd.s32 $0xFFFFFFC0  }
0x1c: {  	_ =	swait.ge [sflag:s4], $0x40  }
0x1d: {  	[sflag:s4] =	ssyncset.done $0x0  }
0x1e: {  	[sflag:s4] =	ssyncadd.s32 $0xFFFFFFC0  }
0x1f: {  	_ =	swait.ge [sflag:s4], $0x40  }
0x20: {  	[sflag:s4] =	ssyncset.done $0x0  }
0x21: {  	[sflag:s4] =	ssyncadd.s32 $0xFFFFFFC0  }
0x22: {  	_ =	swait.ge [sflag:s4], $0x40  }
0x23: {  	s9 =	rddreg [dreg:$0xb]  }
0x24: {  	s31 =	rddreg [dreg:$0xa];
	s9 =	sadd.s32 $0x1, s9  }
0x25: {  	p0 =	sne.s32 s9, s31  }
.Ltmp1:
0x26: {  	_ = 	snop;
	(pc) =	sbr.rel @!p0 .LBB2_25-.Ltmp1, $3  }
0x27: {  	_ =	sdelay $0x1  }
0x28: {  	[sflag:s4] =	ssyncset.done $0x0  }
0x29: {  	[sflag:s4] =	ssyncadd.s32 $0xFFFFFFC0  }
.LBB2_1:
0x2a: {  	[dreg:$0xb] =	wrdreg s9  }
0x2b: {  	s1 =	rddreg [dreg:$0x6]  }
0x2c: {  	[tilespmem:s7], [sflag:$0x1] =	stream.linear.gather [hbm4b:s1+s7], $0xFA00, $0x38;
	[tilespmem:$0x1F800] =	vst v63  }
0x2d: {  	s24 =	rddreg [dreg:$0x7];
	s4 =	simm.s32 $0x1F400  }
0x2e: {  	[tilespmem:s4], [sflag:$0x1] =	stream.linear.gather [hbm4b:s24+s7], $0x40, $0x38;
	[tilespmem:$0x1F800] =	vst v63  }
0x2f: {  	s28 =	rddreg [dreg:$0x8]  }
0x30: {  	[tilespmem:s17], [sflag:$0x2] =	stream.linear.gather [hbm4b:s28+s7], $0xFA00, $0x38;
	[tilespmem:$0x1F800] =	vst v63  }
0x31: {  	s29 =	rddreg [dreg:$0x9];
	s30 =	simm.s32 $0x1F480;
	s31 =	simm.s32 $0x0  }
0x32: {  	[tilespmem:s30], [sflag:$0x2] =	stream.linear.gather [hbm4b:s29+s7], $0x40, $0x38;
	[tilespmem:$0x1F800] =	vst v63  }
.LBB2_2:
0x33: {  	_ =	swait.ge [sflag:s19], $0xFA00  }
0x34: {  	[sflag:s19] =	ssyncset.done $0x0  }
0x35: {  	[sflag:s19] =	ssyncadd.s32 $0xFFFF0600  }
0x36: {  	_ =	swait.ge [sflag:s19], $0x40  }
0x37: {  	p0 =	seq.s32 s31, $0x0;
	[sflag:s19] =	ssyncset.done $0x0  }
0x38: {  	s1 =	simm.s32 @!p0 $0x3;
	[sflag:s19] =	ssyncadd.s32 $0xFFFFFFC0  }
0x39: {  	_ =	swait.ge @!p0 [sflag:s1], $0x40  }
0x3a: {  	[sflag:s1] =	ssyncset.done @!p0 $0x0  }
0x3b: {  	[sflag:s1] =	ssyncadd.s32 @!p0 $0xFFFFFFC0  }
0x3c: {  	_ =	swait.ge @!p0 [sflag:s1], $0x40  }
0x3d: {  	[sflag:s1] =	ssyncset.done @!p0 $0x0  }
0x3e: {  	s4 =	sshll.u32 s31, $0x7;
	s16 =	simm.s32 $0x7D0;
	[sflag:s1] =	ssyncadd.s32 @!p0 $0xFFFFFFC0  }
0x3f: {  	s9 =	simm.s32 $0x1B68;
	s10 =	simm.s32 $0x2B08;
	_ =	swait.ge @!p0 [sflag:s1], $0x40  }
0x40: {  	s11 =	simm.s32 $0x3AA8;
	s12 =	simm.s32 $0x0;
	[sflag:s1] =	ssyncset.done @!p0 $0x0  }
0x41: {  	s15 =	simm.s32 $0x0;
	[sflag:s1] =	ssyncadd.s32 @!p0 $0xFFFFFFC0;
	s1 =	simm.s32 $0x0  }
.LBB2_3:
0x42: {  	v7 =	vld [tilespmem:s16+$0x0];
	_ =	sdelay $0x3  }
0x43: {  	v15 =	vld [tilespmem:s16+$0x10]  }
0x44: {  	s18 =	sadd.s32 $0x0, s12;
	v16 =	vld [tilespmem:s16+$0xFFFFFC18];
	v4 =	vmul.f32 $1.442695020e+00, v7  }
0x45: {  	s20 =	sand.u32 $0x60, s1;
	v17 =	vld [tilespmem:s16+$0x3E8];
	s18 =	sand.u32 $0x1FF80, s18  }
0x46: {  	s20 =	sor.u32 s20, s18;
	(erf) = vpow2.f32 v4  }
0x47: {  	s28 =	simm.s32 $0x10;
	v19 =	vld [tilespmem:s20+$0x0]  }
0x48: {  	v11 =	vld [tilespmem:s16+$0xFFFFFC28];
	s22 =	sand.u32 $0x70, s28;
	v5 =	vmul.f32 $1.442695020e+00, v15  }
0x49: {  	v9 =	vld [tilespmem:s16+$0x3F8];
	s18 =	sor.u32 s22, s18;
	v4 =	vmul.f32 $1.442695020e+00, v16  }
0x4a: {  	s24 =	sadd.s32 $0x20, s16;
	v10 =	vld [tilespmem:s18+$0x0];
	(erf) = vpow2.f32 v5;
	v5 =	vmul.f32 $1.442695020e+00, v17  }
0x4b: {  	v8 =	vld [tilespmem:s24+$0x0];
	(erf) = vpow2.f32 v4  }
0x4c: {  	v14 =	vld [tilespmem:s24+$0xFFFFFC18];
	v6 =	vmul.f32 $1.442695020e+00, v19;
	(erf) = vpow2.f32 v5  }
0x4d: {  	v4 =	vmul.f32 $1.442695020e+00, v11;
	v5 =	vld [tilespmem:s24+$0x3E8]  }
0x4e: {  	s30 =	sadd.s32 $0x20, s12;
	s28 =	simm.s32 $0x30;
	(erf) = vpow2.f32 v6  }
0x4f: {  	s29 =	simm.s32 $0x20;
	s28 =	sand.u32 $0x70, s28;
	s18 =	sand.u32 $0x1FF80, s30;
	v12 =	vmul.f32 $1.442695020e+00, v10;
	v6 =	vld [tilespmem:s24+$0x10];
	(erf) = vpow2.f32 v4;
	v4 =	vimm.f32 $0.0e+00;
	v20 =	vpop (erf)  }
0x50: {  	s29 =	sand.u32 $0x60, s29;
	s28 =	sor.u32 s28, s18;
	v18 =	vmul.f32 $1.442695020e+00, v9;
	v23 =	vadd.f32 v20, v4  }
0x51: {  	s18 =	sor.u32 s29, s18;
	v13 =	vld [tilespmem:s28+$0x0];
	v21 =	vmul.f32 $1.442695020e+00, v8;
	(erf) = vpow2.f32 v12  }
0x52: {  	v31 =	vmul.f32 $1.442695020e+00, v14;
	v12 =	vld [tilespmem:s18+$0x0];
	v22 =	vmul.f32 $1.442695020e+00, v5  }
0x53: {  	(erf) = vpow2.f32 v18;
	v25 =	vmul.f32 v20, v7;
	v24 =	vpop (erf);
	v7 =	vld [tilespmem:s24+$0x3F8]  }
0x54: {  	v18 =	vmul.f32 $1.442695020e+00, v6;
	v20 =	vmul.f32 v24, v15;
	v15 =	vadd.f32 v24, v23;
	v23 =	vpop (erf)  }
0x55: {  	(erf) = vpow2.f32 v21;
	v28 =	vmul.f32 v23, v16;
	v16 =	vpop (erf)  }
0x56: {  	v21 =	vmul.f32 $1.442695020e+00, v13;
	v32 =	vmul.f32 v16, v17;
	v17 =	vld [tilespmem:s24+$0xFFFFFC28]  }
0x57: {  	v30 =	vmul.f32 $1.442695020e+00, v12;
	(erf) = vpow2.f32 v18;
	v27 =	vadd.f32 v23, v4  }
0x58: {  	v23 =	vmul.f32 $1.442695020e+00, v7;
	(erf) = vpow2.f32 v31;
	v31 =	vadd.f32 v25, v4;
	v26 =	vpop (erf)  }
0x59: {  	s20 =	sadd.s32 $0x20, s24;
	v24 =	vadd.f32 v16, v4;
	v18 =	vadd.f32 v26, v4;
	v29 =	vpop (erf);
	v26 =	vmul.f32 v26, v19  }
0x5a: {  	s29 =	simm.s32 $0x2;
	s28 =	smul.u32 $0x3E80, s15;
	s18 =	simm.s32 $0x40;
	v19 =	vimm.f32 $0.0e+00;
	v16 =	vadd.f32 v29, v27;
	v27 =	vadd.f32 v32, v4;
	v25 =	vpop (erf)  }
.LBB2_4:
0x5b: {  	s30 =	sadd.s32 s18, s12;
	v32 =	vld [tilespmem:s20+$0x0];
	s21 =	sadd.s32 $0x10, s18;
	s29 =	sadd.s32 $0x2, s29;
	v33 =	vmul.f32 $1.442695020e+00, v17;
	(erf) = vpow2.f32 v22;
	v4 =	vadd.f32 v28, v4;
	v28 =	vmovc v14  }
0x5c: {  	s22 =	sand.u32 $0x60, s18;
	v14 =	vmul.f32 v29, v11;
	s30 =	sand.u32 $0x1FF80, s30;
	v34 =	vld [tilespmem:s20+$0x3E8];
	s21 =	sand.u32 $0x70, s21;
	(erf) = vpow2.f32 v30;
	v31 =	vadd.f32 v20, v31;
	v11 =	vpop (erf)  }
0x5d: {  	p1 =	slt.u32 s29, $0x3C;
	s22 =	sor.u32 s22, s30;
	s21 =	sor.u32 s21, s30;
	v29 =	vld [tilespmem:s20+$0x10];
	(erf) = vpow2.f32 v33;
	v24 =	vadd.f32 v11, v24;
	v30 =	vmul.f32 v11, v9;
	v9 =	vmovc v7;
	v11 =	vmovc v17  }
0x5e: {  	v19 =	vadd.f32 v26, v19;
	v22 =	vmul.f32 v25, v10;
	v4 =	vadd.f32 v14, v4;
	v17 =	vld [tilespmem:s21+$0x0];
	v7 =	vpop (erf)  }
0x5f: {  	v10 =	vmovc v13;
	v33 =	vld [tilespmem:s22+$0x0];
	v35 =	vmul.f32 v7, v8;
	(erf) = vpow2.f32 v21;
	v27 =	vadd.f32 v30, v27  }
0x60: {  	v19 =	vadd.f32 v22, v19;
	v15 =	vadd.f32 v7, v15;
	v14 =	vld [tilespmem:s20+$0xFFFFFC18];
	v21 =	vmul.f32 $1.442695020e+00, v32;
	v20 =	vpop (erf)  }
0x61: {  	v18 =	vadd.f32 v25, v18;
	v8 =	vmovc v32;
	v22 =	vmul.f32 $1.442695020e+00, v34;
	(erf) = vpow2.f32 v23  }
0x62: {  	v15 =	vadd.f32 v20, v15;
	v20 =	vmul.f32 v20, v6;
	v23 =	vmul.f32 $1.442695020e+00, v29;
	v7 =	vld [tilespmem:s20+$0x3F8];
	v6 =	vmovc v29  }
0x63: {  	(erf) = vpow2.f32 v21;
	v25 =	vpop (erf);
	v13 =	vmov v17  }
.Ltmp2:
0x64: {  	v21 =	vmul.f32 $1.442695020e+00, v13;
	v17 =	vld [tilespmem:s20+$0xFFFFFC28];
	v16 =	vadd.f32 v25, v16;
	v28 =	vmul.f32 v25, v28;
	v25 =	vpop (erf);
	(pc) =	sbr.rel @p1 .LBB2_4-.Ltmp2, $4  }
0x65: {  	v32 =	vmul.f32 $1.442695020e+00, v14;
	(erf) = vpow2.f32 v23;
	v24 =	vadd.f32 v25, v24;
	v26 =	vpop (erf)  }
0x66: {  	v30 =	vmul.f32 $1.442695020e+00, v33;
	v36 =	vmul.f32 v25, v5;
	v18 =	vadd.f32 v26, v18;
	v29 =	vpop (erf)  }
0x67: {  	v5 =	vmovc v34;
	v26 =	vmul.f32 v26, v12;
	v12 =	vmovc v33;
	v23 =	vmul.f32 $1.442695020e+00, v7;
	v16 =	vadd.f32 v29, v16  }
0x68: {  	s18 =	sadd.s32 $0x20, s18;
	v31 =	vadd.f32 v35, v31;
	s20 =	sadd.s32 $0x20, s20;
	v27 =	vadd.f32 v36, v27;
	(erf) = vpow2.f32 v32;
	v25 =	vpop (erf)  }
0x69: {  	v32 =	vld [tilespmem:s28+$0x3D8];
	_ =	sdelay $0x1  }
0x6a: {  	v33 =	vmul.f32 $1.442695020e+00, v17;
	(erf) = vpow2.f32 v22  }
0x6b: {  	(erf) = vpow2.f32 v30  }
0x6c: {  	(erf) = vpow2.f32 v33  }
0x6d: {  	(erf) = vpow2.f32 v21;
	v21 =	vmul.f32 $1.442695020e+00, v32  }
0x6e: {  	v22 =	vld [tilespmem:s28+$0x7C0]  }
0x6f: {  	(erf) = vpow2.f32 v23  }
0x70: {  	v23 =	vpop (erf);
	(erf) = vpow2.f32 v21  }
0x71: {  	v21 =	vpop (erf)  }
0x72: {  	v4 =	vadd.f32 v28, v4;
	v30 =	vpop (erf)  }
0x73: {  	v11 =	vmul.f32 v29, v11;
	v19 =	vadd.f32 v26, v19;
	v29 =	vmul.f32 $1.442695020e+00, v22;
	v28 =	vpop (erf)  }
0x74: {  	v10 =	vmul.f32 v25, v10;
	v24 =	vadd.f32 v23, v24;
	v9 =	vmul.f32 v23, v9;
	v23 =	vpop (erf)  }
0x75: {  	v4 =	vadd.f32 v11, v4;
	v11 =	vadd.f32 v25, v18;
	(erf) = vpow2.f32 v29;
	v18 =	vpop (erf)  }
0x76: {  	v20 =	vadd.f32 v20, v31;
	v10 =	vadd.f32 v10, v19;
	v14 =	vmul.f32 v28, v14;
	v25 =	vpop (erf)  }
0x77: {  	v9 =	vadd.f32 v9, v27;
	v11 =	vadd.f32 v18, v11;
	v12 =	vmul.f32 v18, v12;
	v18 =	vpop (erf)  }
0x78: {  	v15 =	vadd.f32 v21, v15;
	v4 =	vadd.f32 v14, v4;
	v19 =	vpop (erf)  }
0x79: {  	v10 =	vadd.f32 v12, v10;
	v12 =	vmul.f32 v18, v13;
	v11 =	vadd.f32 v18, v11;
	v18 =	vld [tilespmem:s28+$0xBA8];
	v13 =	vpop (erf)  }
0x7a: {  	v14 =	vmul.f32 v25, v17;
	v26 =	vsel vm0, $0x0, v13;
	v13 =	vmul.f32 v13, v32  }
0x7b: {  	v8 =	vmul.f32 v21, v8;
	v10 =	vadd.f32 v12, v10;
	v12 =	vld [tilespmem:s28+$0xF90];
	v11 =	vadd.f32 v26, v11  }
0x7c: {  	v6 =	vmul.f32 v30, v6;
	v16 =	vadd.f32 v28, v16;
	v13 =	vsel vm0, $0x0, v13  }
0x7d: {  	v8 =	vadd.f32 v8, v20;
	v10 =	vadd.f32 v13, v10;
	v13 =	vperm.xlane v11, v0  }
0x7e: {  	v16 =	vadd.f32 v25, v16;
	v4 =	vadd.f32 v14, v4;
	v14 =	vpop (erf);
	v21 =	vmul.f32 $1.442695020e+00, v18  }
0x7f: {  	v22 =	vmul.f32 v14, v22;
	v11 =	vadd.f32 v11, v13;
	v13 =	vperm.xlane v10, v0  }
0x80: {  	v14 =	vsel vm0, $0x0, v14;
	(erf) = vpow2.f32 v21;
	v21 =	vmul.f32 $1.442695020e+00, v12  }
0x81: {  	v10 =	vadd.f32 v13, v10;
	v13 =	vadd.f32 v14, v16;
	v14 =	vperm.xlane v11, v1  }
0x82: {  	v5 =	vmul.f32 v23, v5;
	v16 =	vsel vm0, $0x0, v22;
	(erf) = vpow2.f32 v21  }
0x83: {  	v4 =	vadd.f32 v16, v4;
	v21 =	vperm.xlane v10, v1;
	v11 =	vadd.f32 v11, v14  }
0x84: {  	v6 =	vadd.f32 v6, v8;
	v17 =	vadd.f32 v23, v24;
	v16 =	vperm.xlane v13, v0  }
0x85: {  	v14 =	vperm.xlane v4, v0;
	v10 =	vadd.f32 v21, v10;
	v8 =	vperm.xlane v11, v2  }
0x86: {  	v5 =	vadd.f32 v5, v9;
	v7 =	vmul.f32 v19, v7;
	v13 =	vadd.f32 v13, v16  }
0x87: {  	v4 =	vadd.f32 v14, v4;
	v9 =	vperm.xlane v10, v2;
	v11 =	vadd.f32 v11, v8  }
0x88: {  	v5 =	vadd.f32 v7, v5;
	v14 =	vadd.f32 v19, v17;
	v16 =	vperm.xlane v13, v1  }
0x89: {  	v17 =	vadd.f32 v9, v10;
	v9 =	vperm.xlane v4, v1;
	v7 =	vperm.xlane v11, v3  }
0x8a: {  	v15 =	vadd.f32 v30, v15;
	v10 =	vpop (erf);
	[tilespmem:$0x1FEF0] =	vst v11  }
0x8b: {  	v8 =	vadd.f32 v13, v16;
	[tilespmem:$0x1FF00] =	vst v7;
	v7 =	vmul.f32 v10, v18;
	v11 =	vperm.xlane v17, v3  }
0x8c: {  	v4 =	vadd.f32 v9, v4;
	v10 =	vsel vm0, $0x0, v10  }
0x8d: {  	v10 =	vadd.f32 v10, v15;
	[tilespmem:$0x1FF20] =	vst v11;
	v11 =	vperm.xlane v8, v2;
	v9 =	vpop (erf);
	v7 =	vsel vm0, $0x0, v7  }
0x8e: {  	v12 =	vmul.f32 v9, v12;
	v6 =	vadd.f32 v7, v6;
	v7 =	vsel vm0, $0x0, v9  }
0x8f: {  	[tilespmem:$0x1FF10] =	vst v17;
	v9 =	vperm.xlane v4, v2;
	v13 =	vperm.xlane v10, v0;
	v16 =	vadd.f32 v8, v11  }
0x90: {  	v7 =	vadd.f32 v7, v14;
	v11 =	vld [tilespmem:s9+$0xFFFFFC18];
	v12 =	vsel vm0, $0x0, v12  }
0x91: {  	v15 =	vadd.f32 v9, v4;
	v9 =	vld [tilespmem:s9+$0xFFFFF830];
	v8 =	vadd.f32 v10, v13;
	v13 =	vperm.xlane v16, v3  }
0x92: {  	v14 =	vperm.xlane v6, v0;
	v5 =	vadd.f32 v12, v5;
	v12 =	vld [tilespmem:s9+$0xFFFFF820];
	[tilespmem:$0x1FF30] =	vst v16  }
0x93: {  	v4 =	vperm.xlane v7, v0;
	[tilespmem:$0x1FF40] =	vst v13;
	v13 =	vperm.xlane v15, v3  }
0x94: {  	[tilespmem:$0x1FF50] =	vst v15  }
0x95: {  	v6 =	vadd.f32 v14, v6;
	v10 =	vperm.xlane v5, v0;
	v4 =	vadd.f32 v7, v4;
	[tilespmem:$0x1FF60] =	vst v13  }
0x96: {  	v7 =	vperm.xlane v8, v1;
	v17 =	vld [tilespmem:s9+$0xFFFFF438]  }
0x97: {  	v13 =	vperm.xlane v6, v1;
	v5 =	vadd.f32 v10, v5;
	v10 =	vperm.xlane v4, v1;
	v31 =	vld [tilespmem:s9+$0xFFFFFC08]  }
0x98: {  	v7 =	vadd.f32 v8, v7;
	v15 =	vmul.f32 $1.442695020e+00, v9;
	v14 =	vmul.f32 $1.442695020e+00, v12;
	v28 =	vld [tilespmem:s9+$0xFFFFFFF0]  }
0x99: {  	v8 =	vperm.xlane v5, v1;
	v6 =	vadd.f32 v13, v6;
	v13 =	vmul.f32 $1.442695020e+00, v11  }
0x9a: {  	(erf) = vpow2.f32 v14;
	v14 =	vperm.xlane v7, v2  }
0x9b: {  	v4 =	vadd.f32 v4, v10;
	(erf) = vpow2.f32 v15;
	v10 =	vperm.xlane v6, v2  }
0x9c: {  	(erf) = vpow2.f32 v13;
	v14 =	vadd.f32 v7, v14;
	v13 =	vmul.f32 $1.442695020e+00, v17  }
0x9d: {  	v29 =	vld [tilespmem:s9+$0xFFFFF448];
	v18 =	vmul.f32 $1.442695020e+00, v31;
	v7 =	vmul.f32 $1.442695020e+00, v28  }
0x9e: {  	s20 =	sadd.s32 $0x20, s9;
	v25 =	vld [tilespmem:s9+$0x0];
	v10 =	vadd.f32 v10, v6;
	(erf) = vpow2.f32 v13;
	v13 =	vperm.xlane v14, v3  }
0x9f: {  	v27 =	vld [tilespmem:s20+$0xFFFFF820];
	v5 =	vadd.f32 v8, v5;
	v8 =	vperm.xlane v4, v2;
	[tilespmem:$0x1FF70] =	vst v14;
	(erf) = vpow2.f32 v18  }
0xa0: {  	[tilespmem:$0x1FF80] =	vst v13;
	(erf) = vpow2.f32 v7;
	v7 =	vperm.xlane v10, v3  }
0xa1: {  	v15 =	vperm.xlane v5, v2;
	v4 =	vadd.f32 v4, v8;
	v21 =	vld [tilespmem:s20+$0x0];
	[tilespmem:$0x1FF90] =	vst v10  }
0xa2: {  	[tilespmem:$0x1FFA0] =	vst v7  }
0xa3: {  	v7 =	vadd.f32 v15, v5;
	v26 =	vld [tilespmem:s20+$0xFFFFF830];
	[tilespmem:$0x1FFB0] =	vst v4;
	v4 =	vperm.xlane v4, v3  }
0xa4: {  	v6 =	vmul.f32 $1.442695020e+00, v29  }
0xa5: {  	[tilespmem:$0x1FFC0] =	vst v4;
	v4 =	vperm.xlane v7, v3  }
0xa6: {  	(erf) = vpow2.f32 v6;
	v6 =	vmul.f32 $1.442695020e+00, v25;
	v22 =	vld [tilespmem:s20+$0xFFFFFC18];
	[tilespmem:$0x1FFD0] =	vst v7  }
0xa7: {  	v8 =	vmul.f32 $1.442695020e+00, v27;
	[tilespmem:$0x1FFE0] =	vst v4  }
0xa8: {  	v5 =	vpop (erf);
	(erf) = vpow2.f32 v6;
	v24 =	vld [tilespmem:s20+$0xFFFFFC08]  }
0xa9: {  	v10 =	vpop (erf);
	v12 =	vmul.f32 v5, v12;
	(erf) = vpow2.f32 v8;
	v7 =	vimm.f32 $0.0e+00;
	v30 =	vld [tilespmem:s20+$0xFFFFF438]  }
0xaa: {  	v9 =	vmul.f32 v10, v9;
	v8 =	vmul.f32 $1.442695020e+00, v21;
	v5 =	vadd.f32 v5, v7;
	v23 =	vld [tilespmem:s20+$0xFFFFFFF0];
	v4 =	vpop (erf)  }
0xab: {  	v6 =	vmul.f32 $1.442695020e+00, v26;
	v32 =	vmul.f32 v4, v11;
	v35 =	vpop (erf)  }
0xac: {  	v11 =	vadd.f32 v12, v7;
	v12 =	vadd.f32 v10, v5;
	v5 =	vmul.f32 $1.442695020e+00, v22;
	v63 =	vpop (erf)  }
0xad: {  	(erf) = vpow2.f32 v6;
	v10 =	vadd.f32 v35, v7;
	v6 =	vmul.f32 v63, v31;
	v31 =	vld [tilespmem:s20+$0xFFFFF448]  }
0xae: {  	v18 =	vadd.f32 v63, v7;
	v19 =	vpop (erf);
	v20 =	vmul.f32 $1.442695020e+00, v24;
	v37 =	vmul.f32 $1.442695020e+00, v30  }
0xaf: {  	(erf) = vpow2.f32 v5;
	v34 =	vadd.f32 v19, v7;
	v36 =	vmul.f32 $1.442695020e+00, v23  }
0xb0: {  	v5 =	vpop (erf);
	(erf) = vpow2.f32 v37;
	v37 =	vmul.f32 v35, v17;
	v35 =	vadd.f32 v9, v11  }
0xb1: {  	s18 =	simm.s32 $0x2;
	s20 =	sadd.s32 $0x20, s20;
	v17 =	vimm.f32 $0.0e+00;
	v11 =	vimm.f32 $0.0e+00;
	v33 =	vadd.f32 v5, v10  }
.LBB2_6:
0xb2: {  	v9 =	vld [tilespmem:s20+$0xFFFFF820];
	s18 =	sadd.s32 $0x2, s18;
	v10 =	vmul.f32 $1.442695020e+00, v31;
	(erf) = vpow2.f32 v20;
	v6 =	vadd.f32 v6, v7  }
0xb3: {  	v5 =	vmul.f32 v5, v29;
	v20 =	vld [tilespmem:s20+$0xFFFFFC18];
	p1 =	slt.u32 s18, $0x3C;
	(erf) = vpow2.f32 v36;
	v7 =	vadd.f32 v37, v17;
	v36 =	vpop (erf)  }
0xb4: {  	v18 =	vadd.f32 v4, v18;
	v37 =	vld [tilespmem:s20+$0x0];
	v29 =	vpop (erf);
	(erf) = vpow2.f32 v10;
	v10 =	vmul.f32 v19, v28  }
0xb5: {  	v38 =	vld [tilespmem:s20+$0xFFFFF830];
	v12 =	vadd.f32 v29, v12;
	v17 =	vadd.f32 v5, v7;
	v5 =	vmul.f32 v36, v25;
	v25 =	vmovc v21  }
0xb6: {  	v19 =	vmul.f32 v29, v27;
	v7 =	vadd.f32 v32, v6;
	v29 =	vmovc v31;
	v10 =	vadd.f32 v10, v11;
	v31 =	vld [tilespmem:s20+$0xFFFFF448]  }
0xb7: {  	v34 =	vadd.f32 v36, v34;
	v6 =	vmul.f32 $1.442695020e+00, v9;
	v39 =	vld [tilespmem:s20+$0xFFFFFC08];
	v40 =	vpop (erf);
	v27 =	vmov v9  }
0xb8: {  	v28 =	vmov v23;
	v9 =	vld [tilespmem:s20+$0xFFFFF438];
	v4 =	vpop (erf);
	(erf) = vpow2.f32 v8;
	v11 =	vadd.f32 v5, v10  }
0xb9: {  	v10 =	vadd.f32 v19, v35;
	v23 =	vld [tilespmem:s20+$0xFFFFFFF0];
	(erf) = vpow2.f32 v6;
	v32 =	vmul.f32 v4, v22;
	v22 =	vmovc v20;
	v21 =	vmovc v37  }
0xba: {  	v12 =	vadd.f32 v40, v12;
	v13 =	vmul.f32 $1.442695020e+00, v38;
	v8 =	vmul.f32 $1.442695020e+00, v21;
	v35 =	vpop (erf)  }
.Ltmp3:
0xbb: {  	v40 =	vmul.f32 v40, v26;
	v6 =	vmul.f32 $1.442695020e+00, v22;
	v33 =	vadd.f32 v35, v33;
	v26 =	vpop (erf);
	(pc) =	sbr.rel @p1 .LBB2_6-.Ltmp3, $4  }
0xbc: {  	v20 =	vmul.f32 $1.442695020e+00, v39;
	(erf) = vpow2.f32 v13;
	v18 =	vadd.f32 v26, v18;
	v19 =	vpop (erf)  }
0xbd: {  	v37 =	vmul.f32 $1.442695020e+00, v9;
	(erf) = vpow2.f32 v6;
	v34 =	vadd.f32 v19, v34;
	v5 =	vpop (erf)  }
0xbe: {  	v6 =	vmul.f32 v26, v24;
	v26 =	vmovc v38;
	v24 =	vmovc v39;
	v36 =	vmul.f32 $1.442695020e+00, v23;
	v33 =	vadd.f32 v5, v33  }
0xbf: {  	s20 =	sadd.s32 $0x20, s20;
	(erf) = vpow2.f32 v37;
	v37 =	vmul.f32 v35, v30;
	v35 =	vadd.f32 v40, v10;
	v30 =	vmovc v9  }
0xc0: {  	v9 =	vld [tilespmem:s28+$0x1378];
	_ =	sdelay $0x2  }
0xc1: {  	v10 =	vmul.f32 $1.442695020e+00, v31;
	(erf) = vpow2.f32 v20  }
0xc2: {  	(erf) = vpow2.f32 v36  }
0xc3: {  	v20 =	vld [tilespmem:s28+$0x1760];
	(erf) = vpow2.f32 v10;
	v10 =	vmul.f32 $1.442695020e+00, v9;
	_ =	sdelay $0x1  }
0xc4: {  	(erf) = vpow2.f32 v8  }
0xc5: {  	v8 =	vpop (erf);
	(erf) = vpow2.f32 v10  }
0xc6: {  	v5 =	vmul.f32 v5, v29;
	v10 =	vpop (erf)  }
0xc7: {  	v19 =	vmul.f32 v19, v28;
	v29 =	vmul.f32 $1.442695020e+00, v20;
	v63 =	vpop (erf)  }
0xc8: {  	v6 =	vadd.f32 v6, v7;
	v7 =	vadd.f32 v37, v17;
	v17 =	vpop (erf)  }
0xc9: {  	v4 =	vadd.f32 v4, v18;
	v11 =	vadd.f32 v19, v11;
	(erf) = vpow2.f32 v29;
	v18 =	vpop (erf)  }
0xca: {  	v6 =	vadd.f32 v32, v6;
	v5 =	vadd.f32 v5, v7;
	v7 =	vmul.f32 v8, v25;
	v25 =	vpop (erf)  }
0xcb: {  	v8 =	vadd.f32 v8, v34;
	v12 =	vadd.f32 v10, v12;
	v10 =	vmul.f32 v10, v27;
	v19 =	vpop (erf)  }
0xcc: {  	v7 =	vadd.f32 v7, v11;
	v27 =	vadd.f32 v18, v33;
	v18 =	vmul.f32 v18, v30;
	v28 =	vpop (erf)  }
0xcd: {  	v26 =	vmul.f32 v63, v26;
	v10 =	vadd.f32 v10, v35;
	v24 =	vmul.f32 v25, v24;
	v11 =	vpop (erf)  }
0xce: {  	v29 =	vld [tilespmem:s28+$0x1B48];
	v5 =	vadd.f32 v18, v5;
	v27 =	vadd.f32 v28, v27;
	v18 =	vmul.f32 v28, v31;
	v28 =	vpop (erf)  }
0xcf: {  	v12 =	vadd.f32 v63, v12;
	v30 =	vsel vm0, $0x0, v28;
	v9 =	vmul.f32 v28, v9  }
0xd0: {  	v22 =	vmul.f32 v17, v22;
	v5 =	vadd.f32 v18, v5;
	v18 =	vadd.f32 v30, v27;
	v27 =	vld [tilespmem:s28+$0x1F30]  }
0xd1: {  	v4 =	vadd.f32 v25, v4;
	v10 =	vadd.f32 v26, v10;
	v9 =	vsel vm0, $0x0, v9  }
0xd2: {  	v6 =	vadd.f32 v24, v6;
	v24 =	vpop (erf);
	v5 =	vadd.f32 v9, v5;
	v9 =	vperm.xlane v18, v0  }
0xd3: {  	v8 =	vadd.f32 v19, v8;
	v25 =	vmul.f32 $1.442695020e+00, v29;
	v20 =	vmul.f32 v24, v20  }
0xd4: {  	v24 =	vsel vm0, $0x0, v24;
	v9 =	vadd.f32 v18, v9;
	v18 =	vperm.xlane v5, v0  }
0xd5: {  	(erf) = vpow2.f32 v25;
	v12 =	vadd.f32 v24, v12;
	v25 =	vmul.f32 $1.442695020e+00, v27  }
0xd6: {  	v20 =	vsel vm0, $0x0, v20;
	v5 =	vadd.f32 v18, v5;
	v18 =	vperm.xlane v9, v1  }
0xd7: {  	v10 =	vadd.f32 v20, v10;
	v20 =	vperm.xlane v12, v0;
	(erf) = vpow2.f32 v25  }
0xd8: {  	v19 =	vmul.f32 v19, v23;
	v24 =	vperm.xlane v5, v1;
	v9 =	vadd.f32 v9, v18  }
0xd9: {  	v4 =	vadd.f32 v17, v4;
	v12 =	vadd.f32 v12, v20;
	v17 =	vperm.xlane v10, v0  }
0xda: {  	v5 =	vadd.f32 v24, v5;
	v18 =	vperm.xlane v9, v2  }
0xdb: {  	v7 =	vadd.f32 v19, v7;
	v20 =	vperm.xlane v12, v1;
	v10 =	vadd.f32 v17, v10  }
0xdc: {  	v17 =	vmul.f32 v11, v21;
	v19 =	vperm.xlane v5, v2;
	v21 =	vadd.f32 v9, v18  }
0xdd: {  	v6 =	vadd.f32 v22, v6;
	v9 =	vperm.xlane v10, v1  }
0xde: {  	v22 =	vadd.f32 v19, v5;
	v5 =	vadd.f32 v12, v20;
	v12 =	vperm.xlane v21, v3  }
0xdf: {  	v8 =	vadd.f32 v11, v8;
	v11 =	vpop (erf);
	v7 =	vadd.f32 v17, v7  }
0xe0: {  	v9 =	vadd.f32 v9, v10;
	[tilespmem:$0x1FEA0] =	vst v12;
	v12 =	vmul.f32 v11, v29;
	v13 =	vperm.xlane v22, v3;
	v10 =	vpop (erf)  }
0xe1: {  	v17 =	vperm.xlane v5, v2;
	v11 =	vsel vm0, $0x0, v11;
	v18 =	vmul.f32 v10, v27  }
0xe2: {  	v4 =	vadd.f32 v11, v4;
	v10 =	vsel vm0, $0x0, v10;
	v11 =	vperm.xlane v9, v2  }
0xe3: {  	v12 =	vsel vm0, $0x0, v12;
	v8 =	vadd.f32 v10, v8;
	v26 =	vadd.f32 v5, v17  }
0xe4: {  	[tilespmem:$0x1FEB0] =	vst v13;
	v6 =	vadd.f32 v12, v6;
	v10 =	vsel vm0, $0x0, v18;
	v12 =	vperm.xlane v4, v0  }
0xe5: {  	v25 =	vadd.f32 v11, v9;
	v7 =	vadd.f32 v10, v7;
	v10 =	vld [tilespmem:s10+$0xFFFFF820];
	v13 =	vperm.xlane v26, v3  }
0xe6: {  	v9 =	vld [tilespmem:s10+$0xFFFFF830];
	v5 =	vperm.xlane v8, v0  }
0xe7: {  	v18 =	vperm.xlane v6, v0;
	v4 =	vadd.f32 v4, v12;
	v12 =	vld [tilespmem:s10+$0xFFFFFC18];
	[tilespmem:$0x1FEC0] =	vst v13;
	v13 =	vperm.xlane v25, v3  }
0xe8: {  	v11 =	vperm.xlane v7, v0;
	v5 =	vadd.f32 v8, v5  }
0xe9: {  	v6 =	vadd.f32 v18, v6;
	v8 =	vperm.xlane v4, v1;
	[tilespmem:$0x1FED0] =	vst v13  }
0xea: {  	v7 =	vadd.f32 v11, v7;
	v11 =	vperm.xlane v5, v1;
	v18 =	vmul.f32 $1.442695020e+00, v10;
	v24 =	vld [tilespmem:s10+$0xFFFFF438]  }
0xeb: {  	v19 =	vmul.f32 $1.442695020e+00, v9;
	v17 =	vperm.xlane v6, v1;
	v4 =	vadd.f32 v4, v8;
	v27 =	vld [tilespmem:s10+$0xFFFFFC08]  }
0xec: {  	v44 =	vld [tilespmem:s10+$0xFFFFFFF0];
	v8 =	vperm.xlane v7, v1;
	v5 =	vadd.f32 v5, v11;
	(erf) = vpow2.f32 v18  }
0xed: {  	v6 =	vadd.f32 v17, v6;
	v17 =	vmul.f32 $1.442695020e+00, v12;
	v18 =	vperm.xlane v4, v2  }
0xee: {  	(erf) = vpow2.f32 v19;
	v7 =	vadd.f32 v8, v7;
	v8 =	vperm.xlane v5, v2  }
0xef: {  	v45 =	vld [tilespmem:s10+$0xFFFFF448];
	(erf) = vpow2.f32 v17;
	v17 =	vmul.f32 $1.442695020e+00, v24  }
0xf0: {  	v30 =	vadd.f32 v4, v18;
	v20 =	vmul.f32 $1.442695020e+00, v27  }
0xf1: {  	s20 =	sadd.s32 $0x20, s10;
	v41 =	vld [tilespmem:s10+$0x0];
	v4 =	vmul.f32 $1.442695020e+00, v44;
	v29 =	vadd.f32 v5, v8;
	(erf) = vpow2.f32 v17  }
0xf2: {  	v43 =	vld [tilespmem:s20+$0xFFFFF820];
	v11 =	vperm.xlane v6, v2;
	(erf) = vpow2.f32 v20  }
0xf3: {  	(erf) = vpow2.f32 v4;
	v4 =	vperm.xlane v29, v3  }
0xf4: {  	v37 =	vld [tilespmem:s20+$0x0];
	v32 =	vadd.f32 v11, v6;
	v6 =	vmul.f32 $1.442695020e+00, v45  }
0xf5: {  	v42 =	vld [tilespmem:s20+$0xFFFFF830];
	v19 =	vperm.xlane v7, v2;
	[tilespmem:$0x1FEE0] =	vst v4  }
0xf6: {  	v5 =	vmul.f32 $1.442695020e+00, v41;
	v38 =	vld [tilespmem:s20+$0xFFFFFC18]  }
0xf7: {  	v8 =	vmul.f32 $1.442695020e+00, v43;
	v34 =	vperm.xlane v30, v3;
	v31 =	vadd.f32 v19, v7;
	v46 =	vld [tilespmem:s20+$0xFFFFF438]  }
0xf8: {  	v7 =	vimm.f32 $0.0e+00;
	v36 =	vperm.xlane v32, v3;
	(erf) = vpow2.f32 v6;
	v6 =	vpop (erf)  }
0xf9: {  	(erf) = vpow2.f32 v5;
	v11 =	vpop (erf);
	v10 =	vmul.f32 v6, v10;
	v5 =	vadd.f32 v6, v7  }
0xfa: {  	v40 =	vld [tilespmem:s20+$0xFFFFFC08];
	(erf) = vpow2.f32 v8;
	v6 =	vmul.f32 $1.442695020e+00, v42;
	v4 =	vpop (erf)  }
0xfb: {  	v39 =	vld [tilespmem:s20+$0xFFFFFFF0];
	v48 =	vmul.f32 v4, v12;
	v12 =	vadd.f32 v11, v5;
	v5 =	vmul.f32 $1.442695020e+00, v38  }
0xfc: {  	v17 =	vpop (erf);
	(erf) = vpow2.f32 v6;
	v47 =	vmul.f32 $1.442695020e+00, v46  }
0xfd: {  	v9 =	vmul.f32 v11, v9;
	v10 =	vadd.f32 v10, v7;
	v28 =	vpop (erf);
	(erf) = vpow2.f32 v5  }
0xfe: {  	v35 =	vperm.xlane v31, v3;
	(erf) = vpow2.f32 v47;
	v47 =	vld [tilespmem:s20+$0xFFFFF448]  }
0xff: {  	v8 =	vmul.f32 $1.442695020e+00, v37;
	v51 =	vadd.f32 v9, v10;
	v20 =	vmul.f32 $1.442695020e+00, v40  }
0x100: {  	v11 =	vadd.f32 v17, v7;
	v23 =	vmul.f32 $1.442695020e+00, v39;
	v24 =	vmul.f32 v17, v24;
	v19 =	vpop (erf)  }
0x101: {  	v17 =	vimm.f32 $0.0e+00;
	v18 =	vadd.f32 v28, v7;
	v6 =	vmul.f32 v28, v27;
	v5 =	vpop (erf)  }
0x102: {  	s18 =	simm.s32 $0x2;
	v50 =	vadd.f32 v19, v7;
	s20 =	sadd.s32 $0x20, s20;
	v49 =	vadd.f32 v5, v11;
	v11 =	vimm.f32 $0.0e+00  }
.LBB2_8:
0x103: {  	v9 =	vld [tilespmem:s20+$0xFFFFF820];
	s18 =	sadd.s32 $0x2, s18;
	v10 =	vmul.f32 $1.442695020e+00, v47;
	(erf) = vpow2.f32 v20;
	v6 =	vadd.f32 v6, v7  }
0x104: {  	v5 =	vmul.f32 v5, v45;
	v20 =	vld [tilespmem:s20+$0xFFFFFC18];
	p1 =	slt.u32 s18, $0x3C;
	(erf) = vpow2.f32 v23;
	v7 =	vadd.f32 v24, v17;
	v23 =	vpop (erf)  }
0x105: {  	v18 =	vadd.f32 v4, v18;
	v24 =	vld [tilespmem:s20+$0x0];
	v27 =	vpop (erf);
	(erf) = vpow2.f32 v10;
	v10 =	vmul.f32 v19, v44  }
0x106: {  	v28 =	vld [tilespmem:s20+$0xFFFFF830];
	v12 =	vadd.f32 v27, v12;
	v17 =	vadd.f32 v5, v7;
	v5 =	vmul.f32 v23, v41;
	v41 =	vmovc v37  }
0x107: {  	v45 =	vmovc v47;
	v19 =	vmul.f32 v27, v43;
	v7 =	vadd.f32 v48, v6;
	v10 =	vadd.f32 v10, v11;
	v47 =	vld [tilespmem:s20+$0xFFFFF448]  }
0x108: {  	v23 =	vadd.f32 v23, v50;
	v6 =	vmul.f32 $1.442695020e+00, v9;
	v27 =	vld [tilespmem:s20+$0xFFFFFC08];
	v52 =	vpop (erf);
	v43 =	vmov v9  }
0x109: {  	v44 =	vmov v39;
	v9 =	vld [tilespmem:s20+$0xFFFFF438];
	v4 =	vpop (erf);
	(erf) = vpow2.f32 v8;
	v11 =	vadd.f32 v5, v10  }
0x10a: {  	v10 =	vadd.f32 v19, v51;
	v39 =	vld [tilespmem:s20+$0xFFFFFFF0];
	(erf) = vpow2.f32 v6;
	v48 =	vmul.f32 v4, v38;
	v38 =	vmovc v20;
	v37 =	vmovc v24  }
0x10b: {  	v12 =	vadd.f32 v52, v12;
	v13 =	vmul.f32 $1.442695020e+00, v28;
	v8 =	vmul.f32 $1.442695020e+00, v37;
	v24 =	vpop (erf)  }
.Ltmp4:
0x10c: {  	v51 =	vmul.f32 v52, v42;
	v6 =	vmul.f32 $1.442695020e+00, v38;
	v49 =	vadd.f32 v24, v49;
	v42 =	vpop (erf);
	(pc) =	sbr.rel @p1 .LBB2_8-.Ltmp4, $4  }
0x10d: {  	v20 =	vmul.f32 $1.442695020e+00, v27;
	(erf) = vpow2.f32 v13;
	v18 =	vadd.f32 v42, v18;
	v19 =	vpop (erf)  }
0x10e: {  	v52 =	vmul.f32 $1.442695020e+00, v9;
	(erf) = vpow2.f32 v6;
	v50 =	vadd.f32 v19, v23;
	v5 =	vpop (erf)  }
0x10f: {  	v6 =	vmul.f32 v42, v40;
	v42 =	vmovc v28;
	v40 =	vmovc v27;
	v23 =	vmul.f32 $1.442695020e+00, v39;
	v49 =	vadd.f32 v5, v49  }
0x110: {  	s20 =	sadd.s32 $0x20, s20;
	v51 =	vadd.f32 v51, v10;
	v24 =	vmul.f32 v24, v46;
	v46 =	vmovc v9;
	(erf) = vpow2.f32 v52  }
0x111: {  	v9 =	vld [tilespmem:s28+$0x2318];
	_ =	sdelay $0x2  }
0x112: {  	v10 =	vmul.f32 $1.442695020e+00, v47;
	(erf) = vpow2.f32 v20  }
0x113: {  	(erf) = vpow2.f32 v23  }
0x114: {  	(erf) = vpow2.f32 v10;
	v10 =	vmul.f32 $1.442695020e+00, v9  }
0x115: {  	v20 =	vld [tilespmem:s28+$0x2700]  }
0x116: {  	(erf) = vpow2.f32 v8  }
0x117: {  	v8 =	vpop (erf);
	(erf) = vpow2.f32 v10  }
0x118: {  	v10 =	vpop (erf)  }
0x119: {  	v6 =	vadd.f32 v6, v7;
	v19 =	vmul.f32 v19, v44;
	v23 =	vpop (erf)  }
0x11a: {  	v5 =	vmul.f32 v5, v45;
	v7 =	vadd.f32 v24, v17;
	v24 =	vmul.f32 $1.442695020e+00, v20;
	v17 =	vpop (erf)  }
0x11b: {  	v4 =	vadd.f32 v4, v18;
	v11 =	vadd.f32 v19, v11;
	v18 =	vpop (erf)  }
0x11c: {  	v5 =	vadd.f32 v5, v7;
	v7 =	vmul.f32 v8, v41;
	(erf) = vpow2.f32 v24;
	v27 =	vpop (erf)  }
0x11d: {  	v6 =	vadd.f32 v48, v6;
	v12 =	vadd.f32 v10, v12;
	v19 =	vpop (erf)  }
0x11e: {  	v7 =	vadd.f32 v7, v11;
	v24 =	vadd.f32 v18, v49;
	v18 =	vmul.f32 v18, v46;
	v28 =	vpop (erf)  }
0x11f: {  	v62 =	vld [tilespmem:s28+$0x2AE8];
	v10 =	vmul.f32 v10, v43;
	v12 =	vadd.f32 v23, v12;
	v23 =	vmul.f32 v23, v42;
	v11 =	vpop (erf)  }
0x120: {  	v5 =	vadd.f32 v18, v5;
	v24 =	vadd.f32 v28, v24;
	v18 =	vmul.f32 v28, v47;
	v28 =	vpop (erf)  }
0x121: {  	v4 =	vadd.f32 v27, v4;
	v27 =	vmul.f32 v27, v40;
	v63 =	vsel vm0, $0x0, v28  }
0x122: {  	v9 =	vmul.f32 v28, v9;
	v5 =	vadd.f32 v18, v5;
	v18 =	vadd.f32 v63, v24;
	v24 =	vld [tilespmem:s28+$0x2ED0]  }
0x123: {  	v8 =	vadd.f32 v8, v50;
	v10 =	vadd.f32 v10, v51  }
0x124: {  	v6 =	vadd.f32 v27, v6;
	v27 =	vmul.f32 $1.442695020e+00, v62;
	v9 =	vsel vm0, $0x0, v9  }
0x125: {  	v10 =	vadd.f32 v23, v10;
	v23 =	vpop (erf);
	v5 =	vadd.f32 v9, v5;
	v9 =	vperm.xlane v18, v0  }
0x126: {  	v8 =	vadd.f32 v19, v8;
	(erf) = vpow2.f32 v27;
	v20 =	vmul.f32 v23, v20  }
0x127: {  	v9 =	vadd.f32 v18, v9;
	v18 =	vperm.xlane v5, v0;
	v27 =	vmul.f32 $1.442695020e+00, v24  }
0x128: {  	v19 =	vmul.f32 v19, v39;
	v4 =	vadd.f32 v17, v4;
	v23 =	vsel vm0, $0x0, v23  }
0x129: {  	v20 =	vsel vm0, $0x0, v20;
	v5 =	vadd.f32 v18, v5;
	(erf) = vpow2.f32 v27  }
0x12a: {  	v12 =	vadd.f32 v23, v12;
	v10 =	vadd.f32 v20, v10;
	v18 =	vperm.xlane v9, v1  }
0x12b: {  	s20 =	sadd.s32 $0x20, s11;
	v7 =	vadd.f32 v19, v7;
	v28 =	vmul.f32 v17, v38;
	v23 =	vperm.xlane v5, v1  }
0x12c: {  	v57 =	vld [tilespmem:s20+$0xFFFFFFF0];
	v20 =	vperm.xlane v12, v0;
	v17 =	vperm.xlane v10, v0;
	v9 =	vadd.f32 v9, v18  }
0x12d: {  	v8 =	vadd.f32 v11, v8;
	v5 =	vadd.f32 v23, v5  }
0x12e: {  	v12 =	vadd.f32 v12, v20;
	v10 =	vadd.f32 v17, v10;
	v18 =	vperm.xlane v9, v2  }
0x12f: {  	v6 =	vadd.f32 v28, v6;
	v17 =	vmul.f32 v11, v37;
	v19 =	vperm.xlane v5, v2  }
0x130: {  	v20 =	vperm.xlane v12, v1;
	v39 =	vadd.f32 v9, v18;
	v9 =	vperm.xlane v10, v1  }
0x131: {  	v28 =	vmul.f32 $1.442695020e+00, v57;
	v11 =	vpop (erf);
	v7 =	vadd.f32 v17, v7;
	v37 =	vadd.f32 v19, v5  }
0x132: {  	v5 =	vadd.f32 v12, v20;
	v40 =	vperm.xlane v39, v3;
	v9 =	vadd.f32 v9, v10;
	v10 =	vpop (erf)  }
0x133: {  	v12 =	vmul.f32 v11, v62;
	v11 =	vsel vm0, $0x0, v11;
	v18 =	vmul.f32 v10, v24  }
0x134: {  	v23 =	vld [tilespmem:s11+$0xFFFFFC08];
	v4 =	vadd.f32 v11, v4;
	v17 =	vperm.xlane v5, v2;
	v10 =	vsel vm0, $0x0, v10  }
0x135: {  	v12 =	vsel vm0, $0x0, v12;
	v8 =	vadd.f32 v10, v8;
	v10 =	vsel vm0, $0x0, v18  }
0x136: {  	v11 =	vperm.xlane v9, v2;
	v6 =	vadd.f32 v12, v6;
	v7 =	vadd.f32 v10, v7;
	v10 =	vld [tilespmem:s11+$0xFFFFF820]  }
0x137: {  	v38 =	vperm.xlane v37, v3;
	v12 =	vperm.xlane v4, v0  }
0x138: {  	v42 =	vadd.f32 v5, v17;
	v41 =	vadd.f32 v11, v9;
	v9 =	vld [tilespmem:s11+$0xFFFFF830];
	v18 =	vperm.xlane v6, v0  }
0x139: {  	v24 =	vmul.f32 $1.442695020e+00, v23;
	v4 =	vadd.f32 v4, v12;
	v12 =	vld [tilespmem:s11+$0xFFFFFC18];
	v5 =	vperm.xlane v8, v0  }
0x13a: {  	v45 =	vperm.xlane v42, v3;
	v43 =	vperm.xlane v41, v3;
	v6 =	vadd.f32 v18, v6  }
0x13b: {  	v20 =	vld [tilespmem:s11+$0xFFFFF438];
	v11 =	vperm.xlane v7, v0;
	v18 =	vmul.f32 $1.442695020e+00, v10  }
0x13c: {  	v5 =	vadd.f32 v8, v5;
	v8 =	vperm.xlane v4, v1;
	v17 =	vperm.xlane v6, v1  }
0x13d: {  	v19 =	vmul.f32 $1.442695020e+00, v9;
	v7 =	vadd.f32 v11, v7;
	(erf) = vpow2.f32 v18  }
0x13e: {  	v60 =	vld [tilespmem:s11+$0xFFFFFFF0];
	v11 =	vperm.xlane v5, v1;
	v6 =	vadd.f32 v17, v6;
	v17 =	vmul.f32 $1.442695020e+00, v12  }
0x13f: {  	v61 =	vld [tilespmem:s11+$0xFFFFF448];
	v4 =	vadd.f32 v4, v8;
	v8 =	vperm.xlane v7, v1;
	(erf) = vpow2.f32 v19  }
0x140: {  	v5 =	vadd.f32 v5, v11;
	(erf) = vpow2.f32 v17;
	v17 =	vmul.f32 $1.442695020e+00, v20  }
0x141: {  	v55 =	vld [tilespmem:s11+$0x0];
	v18 =	vperm.xlane v4, v2;
	v11 =	vperm.xlane v6, v2  }
0x142: {  	v58 =	vld [tilespmem:s20+$0xFFFFF820];
	v7 =	vadd.f32 v8, v7;
	v8 =	vperm.xlane v5, v2;
	(erf) = vpow2.f32 v17  }
0x143: {  	v51 =	vadd.f32 v4, v18;
	v4 =	vmul.f32 $1.442695020e+00, v60;
	(erf) = vpow2.f32 v24  }
0x144: {  	v62 =	vld [tilespmem:s20+$0xFFFFF830];
	v48 =	vadd.f32 v11, v6;
	v6 =	vmul.f32 $1.442695020e+00, v61;
	v19 =	vperm.xlane v7, v2  }
0x145: {  	v53 =	vld [tilespmem:s20+$0xFFFFFC18];
	v52 =	vperm.xlane v51, v3;
	(erf) = vpow2.f32 v4  }
0x146: {  	v59 =	vld [tilespmem:s20+$0xFFFFF438];
	v46 =	vadd.f32 v5, v8;
	v4 =	vmul.f32 $1.442695020e+00, v55;
	(erf) = vpow2.f32 v6;
	v5 =	vpop (erf)  }
0x147: {  	v11 =	vimm.f32 $0.0e+00;
	v6 =	vmul.f32 $1.442695020e+00, v58;
	v10 =	vmul.f32 v5, v10  }
0x148: {  	v50 =	vperm.xlane v48, v3;
	v44 =	vadd.f32 v19, v7;
	(erf) = vpow2.f32 v4;
	v18 =	vpop (erf)  }
0x149: {  	v54 =	vld [tilespmem:s20+$0x0];
	(erf) = vpow2.f32 v6;
	v8 =	vpop (erf);
	v13 =	vadd.f32 v10, v11;
	v10 =	vmul.f32 $1.442695020e+00, v62  }
0x14a: {  	v56 =	vld [tilespmem:s20+$0xFFFFFC08];
	v5 =	vadd.f32 v5, v11;
	v7 =	vmul.f32 v8, v12;
	v12 =	vmul.f32 $1.442695020e+00, v53  }
0x14b: {  	v63 =	vpop (erf);
	(erf) = vpow2.f32 v10;
	v10 =	vmul.f32 $1.442695020e+00, v59  }
0x14c: {  	v17 =	vadd.f32 v18, v5;
	v18 =	vmul.f32 v18, v9;
	v9 =	vpop (erf);
	(erf) = vpow2.f32 v12  }
0x14d: {  	v14 =	vadd.f32 v63, v11;
	(erf) = vpow2.f32 v10;
	v10 =	vmul.f32 v63, v20;
	v63 =	vld [tilespmem:s20+$0xFFFFF448]  }
0x14e: {  	v49 =	vperm.xlane v46, v3;
	v47 =	vperm.xlane v44, v3  }
0x14f: {  	v4 =	vmul.f32 $1.442695020e+00, v54;
	v6 =	vmul.f32 $1.442695020e+00, v56;
	v24 =	vadd.f32 v9, v11;
	v5 =	vpop (erf)  }
0x150: {  	v9 =	vmul.f32 v9, v23;
	v23 =	vadd.f32 v18, v13;
	v18 =	vimm.f32 $0.0e+00;
	v27 =	vpop (erf)  }
0x151: {  	s18 =	simm.s32 $0x2;
	v19 =	vadd.f32 v5, v11;
	s20 =	sadd.s32 $0x20, s20;
	v20 =	vimm.f32 $0.0e+00;
	v12 =	vadd.f32 v27, v14  }
.LBB2_10:
0x152: {  	v13 =	vld [tilespmem:s20+$0xFFFFF820];
	s18 =	sadd.s32 $0x2, s18;
	v14 =	vmul.f32 $1.442695020e+00, v63;
	(erf) = vpow2.f32 v6;
	v6 =	vadd.f32 v9, v11  }
0x153: {  	v11 =	vmul.f32 v27, v61;
	v9 =	vld [tilespmem:s20+$0xFFFFFC18];
	p1 =	slt.u32 s18, $0x3C;
	(erf) = vpow2.f32 v28;
	v10 =	vadd.f32 v10, v20;
	v27 =	vpop (erf)  }
0x154: {  	v5 =	vmul.f32 v5, v60;
	v28 =	vld [tilespmem:s20+$0x0];
	v61 =	vpop (erf);
	(erf) = vpow2.f32 v14;
	v14 =	vadd.f32 v8, v24  }
0x155: {  	v15 =	vld [tilespmem:s20+$0xFFFFF830];
	v17 =	vadd.f32 v61, v17;
	v20 =	vadd.f32 v11, v10;
	v10 =	vmul.f32 v27, v55;
	v55 =	vmovc v54  }
0x156: {  	v5 =	vadd.f32 v5, v18;
	v24 =	vmul.f32 v61, v58;
	v11 =	vadd.f32 v7, v6;
	v61 =	vmovc v63;
	v63 =	vld [tilespmem:s20+$0xFFFFF448]  }
0x157: {  	v19 =	vadd.f32 v27, v19;
	v6 =	vmul.f32 $1.442695020e+00, v13;
	v16 =	vld [tilespmem:s20+$0xFFFFFC08];
	v33 =	vpop (erf);
	v58 =	vmov v13  }
0x158: {  	v60 =	vmov v57;
	v18 =	vadd.f32 v10, v5;
	v13 =	vld [tilespmem:s20+$0xFFFFF438];
	v8 =	vpop (erf);
	(erf) = vpow2.f32 v4  }
0x159: {  	v23 =	vadd.f32 v24, v23;
	v57 =	vld [tilespmem:s20+$0xFFFFFFF0];
	(erf) = vpow2.f32 v6;
	v7 =	vmul.f32 v8, v53;
	v53 =	vmovc v9;
	v54 =	vmovc v28  }
0x15a: {  	v17 =	vadd.f32 v33, v17;
	v28 =	vmul.f32 $1.442695020e+00, v15;
	v4 =	vmul.f32 $1.442695020e+00, v54;
	v10 =	vpop (erf)  }
.Ltmp5:
0x15b: {  	v33 =	vmul.f32 v33, v62;
	v9 =	vmul.f32 $1.442695020e+00, v53;
	v12 =	vadd.f32 v10, v12;
	v62 =	vpop (erf);
	(pc) =	sbr.rel @p1 .LBB2_10-.Ltmp5, $4  }
0x15c: {  	v6 =	vmul.f32 $1.442695020e+00, v16;
	(erf) = vpow2.f32 v28;
	v24 =	vadd.f32 v62, v14;
	v5 =	vpop (erf)  }
0x15d: {  	v14 =	vmul.f32 $1.442695020e+00, v13;
	(erf) = vpow2.f32 v9;
	v19 =	vadd.f32 v5, v19;
	v27 =	vpop (erf)  }
0x15e: {  	v9 =	vmul.f32 v62, v56;
	v62 =	vmovc v15;
	v56 =	vmovc v16;
	v28 =	vmul.f32 $1.442695020e+00, v57;
	v12 =	vadd.f32 v27, v12  }
0x15f: {  	s20 =	sadd.s32 $0x20, s20;
	v23 =	vadd.f32 v33, v23;
	v10 =	vmul.f32 v10, v59;
	v59 =	vmovc v13;
	(erf) = vpow2.f32 v14  }
0x160: {  	v16 =	vmul.f32 $1.442695020e+00, v63;
	_ =	sdelay $0x1  }
0x161: {  	(erf) = vpow2.f32 v6;
	v61 =	vmul.f32 v27, v61  }
0x162: {  	v5 =	vmul.f32 v5, v60;
	v60 =	vld [tilespmem:$0x1FF00];
	(erf) = vpow2.f32 v28;
	v33 =	vadd.f32 v10, v20;
	v13 =	vpop (erf)  }
0x163: {  	v30 =	vadd.f32 v30, v34;
	v34 =	vld [tilespmem:$0x1FEE0];
	(erf) = vpow2.f32 v16;
	v16 =	vpop (erf)  }
0x164: {  	v6 =	vadd.f32 v61, v33;
	v61 =	vld [tilespmem:$0x1FF10];
	v20 =	vadd.f32 v16, v17;
	v14 =	vpop (erf)  }
0x165: {  	v27 =	vmul.f32 v14, v62;
	v62 =	vld [tilespmem:$0x1FF20]  }
0x166: {  	v9 =	vadd.f32 v9, v11;
	v11 =	vmul.f32 v16, v58;
	v10 =	vadd.f32 v14, v20;
	v14 =	vld [tilespmem:s28+$0x32B8]  }
0x167: {  	v20 =	vld [tilespmem:$0x1FF40]  }
0x168: {  	v8 =	vadd.f32 v8, v24;
	v15 =	vmul.f32 v13, v55;
	v16 =	vpop (erf);
	v11 =	vadd.f32 v11, v23;
	v23 =	vld [tilespmem:$0x1FF50]  }
0x169: {  	v5 =	vadd.f32 v5, v18;
	(erf) = vpow2.f32 v4;
	v58 =	vmul.f32 v16, v53;
	v53 =	vld [tilespmem:$0x1FF90];
	v4 =	vpop (erf)  }
0x16a: {  	v24 =	vadd.f32 v13, v19;
	v28 =	vpop (erf);
	v12 =	vadd.f32 v4, v12;
	v4 =	vmul.f32 v4, v59;
	v59 =	vld [tilespmem:$0x1FEF0]  }
0x16b: {  	v5 =	vadd.f32 v15, v5;
	v33 =	vpop (erf);
	v8 =	vadd.f32 v28, v8;
	v15 =	vmul.f32 v28, v56;
	v28 =	vld [tilespmem:$0x1FF70]  }
0x16c: {  	v7 =	vadd.f32 v7, v9;
	v55 =	vpop (erf);
	v9 =	vadd.f32 v33, v24;
	v24 =	vld [tilespmem:$0x1FF60]  }
0x16d: {  	v32 =	vadd.f32 v36, v32;
	v36 =	vadd.f32 v35, v31;
	v56 =	vmul.f32 v55, v63;
	v63 =	vld [tilespmem:$0x1FF30]  }
0x16e: {  	v39 =	vadd.f32 v39, v40;
	v40 =	vadd.f32 v38, v37;
	v57 =	vmul.f32 v33, v57;
	v33 =	vld [tilespmem:$0x1FF80]  }
0x16f: {  	v13 =	vadd.f32 v62, v61;
	v61 =	vld [tilespmem:$0x1FFE0];
	v7 =	vadd.f32 v15, v7  }
0x170: {  	v11 =	vadd.f32 v27, v11;
	v4 =	vadd.f32 v4, v6;
	v62 =	vld [tilespmem:$0x1FEA0];
	v27 =	vmul.f32 $1.442695020e+00, v14  }
0x171: {  	v6 =	vadd.f32 v55, v12;
	v55 =	vld [tilespmem:$0x1FFA0];
	v7 =	vadd.f32 v58, v7  }
0x172: {  	v12 =	vadd.f32 v59, v60;
	(erf) = vpow2.f32 v27;
	v58 =	vld [tilespmem:$0x1FFB0];
	v15 =	vadd.f32 v63, v20  }
0x173: {  	v45 =	vadd.f32 v42, v45;
	v17 =	vadd.f32 v29, v34;
	v60 =	vld [tilespmem:$0x1FFD0]  }
0x174: {  	v8 =	vadd.f32 v16, v8;
	v59 =	vld [tilespmem:$0x1FFC0];
	v12 =	vsel vm1, v12, v15;
	v15 =	vadd.f32 v28, v33  }
0x175: {  	v5 =	vadd.f32 v57, v5;
	v16 =	vadd.f32 v24, v23;
	v24 =	vld [tilespmem:$0x1FEC0]  }
0x176: {  	v4 =	vadd.f32 v56, v4;
	v56 =	vpop (erf);
	v18 =	vadd.f32 v55, v53;
	v12 =	vsel vm2, v12, v15;
	v15 =	vld [tilespmem:s28+$0x36A0]  }
0x177: {  	v27 =	vld [tilespmem:$0x1FED0];
	v19 =	vadd.f32 v21, v62;
	v57 =	vmul.f32 v56, v54;
	v13 =	vsel vm1, v13, v16  }
0x178: {  	v9 =	vadd.f32 v56, v9;
	v13 =	vsel vm2, v13, v18;
	v18 =	vadd.f32 v61, v60  }
0x179: {  	v63 =	vld [tilespmem:$0x1FEB0];
	v55 =	vadd.f32 v43, v41;
	v16 =	vadd.f32 v58, v59  }
0x17a: {  	v54 =	vld [tilespmem:s28+$0x3A88];
	v5 =	vadd.f32 v57, v5;
	v58 =	vadd.f32 v51, v52;
	v13 =	vsel vm3, v13, v18  }
0x17b: {  	v12 =	vsel vm3, v12, v16;
	v16 =	vadd.f32 v26, v24;
	v33 =	vpop (erf);
	v28 =	vmul.f32 $1.442695020e+00, v15  }
0x17c: {  	v18 =	vadd.f32 v27, v25;
	v12 =	vsel vm4, v12, v19;
	v14 =	vmul.f32 v33, v14  }
0x17d: {  	v57 =	vld [tilespmem:s28+$0x3E70];
	v12 =	vsel vm5, v12, v16;
	v16 =	vsel vm0, $0x0, v33;
	(erf) = vpow2.f32 v28  }
0x17e: {  	v25 =	vadd.f32 v46, v49;
	v6 =	vadd.f32 v16, v6;
	v14 =	vsel vm0, $0x0, v14  }
0x17f: {  	s18 =	sshll.u32 s15, $0x4;
	v20 =	vadd.f32 v63, v22;
	v61 =	vmul.f32 $1.442695020e+00, v54;
	v4 =	vadd.f32 v14, v4  }
0x180: {  	v49 =	vmov s18;
	v22 =	vadd.f32 v50, v48;
	v53 =	vperm.xlane v6, v0  }
0x181: {  	v13 =	vsel vm4, v13, v20;
	v56 =	vperm.xlane v4, v0;
	(erf) = vpow2.f32 v61  }
0x182: {  	v62 =	vmul.f32 $1.442695020e+00, v57;
	v13 =	vsel vm5, v13, v18;
	v6 =	vadd.f32 v6, v53  }
0x183: {  	v12 =	vsel vm6, v12, v30;
	v30 =	vadd.f32 v47, v44;
	v4 =	vadd.f32 v56, v4  }
0x184: {  	v13 =	vsel vm6, v13, v32;
	v12 =	vsel vm7, v12, v17;
	v17 =	vperm.xlane v6, v1  }
0x185: {  	v13 =	vsel vm7, v13, v36;
	v12 =	vsel vm0, v12, v39;
	v20 =	vperm.xlane v4, v1  }
0x186: {  	v13 =	vsel vm0, v13, v40;
	v6 =	vadd.f32 v6, v17;
	v59 =	vpop (erf);
	(erf) = vpow2.f32 v62  }
0x187: {  	v12 =	vsel vm8, v12, v45;
	v13 =	vsel vm8, v13, v55;
	v4 =	vadd.f32 v20, v4  }
0x188: {  	v12 =	vsel vm9, v12, v58;
	v13 =	vsel vm9, v13, v22;
	v23 =	vperm.xlane v6, v2  }
0x189: {  	v12 =	vsel vm10, v12, v25;
	v13 =	vsel vm10, v13, v30;
	v24 =	vperm.xlane v4, v2  }
0x18a: {  	v6 =	vadd.f32 v6, v23;
	v60 =	vsel vm0, $0x0, v59;
	v15 =	vmul.f32 v59, v15;
	v33 =	vpop (erf)  }
0x18b: {  	v10 =	vadd.f32 v60, v10;
	v4 =	vadd.f32 v24, v4;
	v34 =	vmul.f32 v33, v54  }
0x18c: {  	v28 =	vperm.xlane v6, v3;
	v26 =	vsel vm0, $0x0, v15;
	v15 =	vmul.u32 $0x3E8, v49  }
0x18d: {  	v63 =	vperm.xlane v10, v0;
	v11 =	vadd.f32 v26, v11;
	v38 =	vsel vm0, $0x0, v34  }
0x18e: {  	v29 =	vperm.xlane v4, v3;
	v6 =	vadd.f32 v6, v28;
	v7 =	vadd.f32 v38, v7  }
0x18f: {  	v53 =	vbroadcast v15, $0x0;
	v10 =	vadd.f32 v10, v63;
	v31 =	vperm.xlane v11, v0;
	v35 =	vpop (erf)  }
0x190: {  	v48 =	vld [tilespmem:s18+$0x1F400];
	v6 =	vsel vm11, v12, v6;
	v12 =	vsel vm0, $0x0, v33;
	v37 =	vmul.f32 v35, v57  }
0x191: {  	v59 =	vld [tilespmem:$0x1FFF0];
	v4 =	vadd.f32 v29, v4;
	v8 =	vadd.f32 v12, v8;
	v39 =	vsel vm0, $0x0, v35  }
0x192: {  	v43 =	vperm.xlane v7, v0;
	v9 =	vadd.f32 v39, v9;
	v40 =	vsel vm0, $0x0, v37  }
0x193: {  	v27 =	vperm.xlane v10, v1;
	v42 =	vperm.xlane v8, v0;
	v5 =	vadd.f32 v40, v5  }
0x194: {  	v11 =	vadd.f32 v31, v11;
	v4 =	vsel vm11, v13, v4;
	v44 =	vperm.xlane v9, v0  }
0x195: {  	v13 =	vadd.s32 v48, v53;
	v8 =	vadd.f32 v8, v42;
	v45 =	vperm.xlane v5, v0  }
0x196: {  	v7 =	vadd.f32 v43, v7;
	v13 =	vadd.s32 v59, v13;
	v9 =	vadd.f32 v9, v44  }
0x197: {  	v36 =	vperm.xlane v11, v1;
	v47 =	vperm.xlane v8, v1;
	v5 =	vadd.f32 v45, v5  }
0x198: {  	v10 =	vadd.f32 v10, v27;
	v50 =	vperm.xlane v7, v1;
	v51 =	vperm.xlane v9, v1  }
0x199: {  	v11 =	vadd.f32 v36, v11;
	v8 =	vadd.f32 v8, v47;
	v52 =	vperm.xlane v5, v1  }
0x19a: {  	v32 =	vperm.xlane v10, v2;
	v7 =	vadd.f32 v50, v7;
	v9 =	vadd.f32 v9, v51  }
0x19b: {  	v46 =	vperm.xlane v11, v2;
	v55 =	vperm.xlane v8, v2;
	v5 =	vadd.f32 v52, v5  }
0x19c: {  	v10 =	vadd.f32 v10, v32;
	v56 =	vperm.xlane v7, v2;
	v57 =	vperm.xlane v9, v2  }
0x19d: {  	v11 =	vadd.f32 v46, v11;
	v8 =	vadd.f32 v8, v55;
	v58 =	vperm.xlane v5, v2  }
0x19e: {  	v41 =	vperm.xlane v10, v3;
	v7 =	vadd.f32 v56, v7;
	v9 =	vadd.f32 v9, v57  }
0x19f: {  	v63 =	vld.idx.msk [tilespmem:v13+s7+$0x0], $0xffff;
	v54 =	vperm.xlane v11, v3;
	v60 =	vperm.xlane v8, v3;
	v5 =	vadd.f32 v58, v5  }
0x1a0: {  	s15 =	sadd.s32 $0x1, s15;
	v10 =	vadd.f32 v10, v41;
	v61 =	vperm.xlane v7, v3;
	v14 =	vperm.xlane v9, v3  }
0x1a1: {  	p1 =	sne.s32 s15, $0x4;
	v11 =	vadd.f32 v54, v11;
	v8 =	vadd.f32 v8, v60;
	v62 =	vperm.xlane v5, v3  }
.Ltmp6:
0x1a2: {  	v6 =	vsel vm12, v6, v10;
	v7 =	vadd.f32 v61, v7;
	v9 =	vadd.f32 v9, v14;
	(pc) =	sbr.rel @p1 .LBB2_3-.Ltmp6, $4  }
0x1a3: {  	v4 =	vsel vm12, v4, v11;
	v6 =	vsel vm13, v6, v8;
	v5 =	vadd.f32 v62, v5  }
0x1a4: {  	[tilespmem:s18+$0x1F700] =	vst v63;
	v4 =	vsel vm13, v4, v7;
	v6 =	vsel vm14, v6, v9  }
0x1a5: {  	s12 =	sadd.s32 $0x3E80, s12;
	s16 =	sadd.s32 $0x3E80, s16;
	[tilespmem:s18+$0x1F500] =	vst v6;
	v4 =	vsel vm14, v4, v5  }
0x1a6: {  	s9 =	sadd.s32 $0x3E80, s9;
	s10 =	sadd.s32 $0x3E80, s10;
	s11 =	sadd.s32 $0x3E80, s11;
	[tilespmem:s18+$0x1F600] =	vst v4  }
0x1a7: {  	s1 =	sor.u32 s8, s4  }
0x1a8: {  	s1 =	sshrl.u32 s1, $0x3  }
0x1a9: {  	s10 =	simm.s32 $0x1F500;
	p1 =	seq.s32 s31, $0xF;
	s9 =	sadd.s32 s3, s1  }
0x1aa: {  	[hbm4b:s9+s7] =	stream.linear.scatter [tilespmem:s10], [sflag:$0x3], $0x40, $0x38;
	[tilespmem:$0x1F800] =	vst v63  }
0x1ab: {  	s29 =	simm.s32 $0x1F600;
	s24 =	sadd.s32 s5, s1;
	s9 =	sadd.s32 @!p1 s4, s13  }
0x1ac: {  	[hbm4b:s24+s7] =	stream.linear.scatter [tilespmem:s29], [sflag:$0x3], $0x40, $0x38;
	[tilespmem:$0x1F800] =	vst v63  }
0x1ad: {  	s12 =	simm.s32 $0x1F700;
	s30 =	sadd.s32 s6, s1;
	s11 =	smul.u32 @!p1 $0x7D, s9  }
0x1ae: {  	[hbm4b:s30+s7] =	stream.linear.scatter [tilespmem:s12], [sflag:$0x3], $0x40, $0x38;
	[tilespmem:$0x1F800] =	vst v63  }
0x1af: {  	s9 =	sshrl.u32 @!p1 s9, $0x3;
	s10 =	sadd.s32 @!p1 s0, s11;
	s11 =	simm.s32 @!p1 $0x0  }
0x1b0: {  	[tilespmem:s11], [sflag:$0x1] =	stream.linear.gather @!p1 [hbm4b:s10+s11], $0xFA00, $0x38;
	[tilespmem:$0x1F800] =	vst v63  }
0x1b1: {  	s9 =	sadd.s32 @!p1 s2, s9;
	s10 =	simm.s32 @!p1 $0x1F400  }
0x1b2: {  	[tilespmem:s10], [sflag:$0x1] =	stream.linear.gather @!p1 [hbm4b:s9+s11], $0x40, $0x38;
	[tilespmem:$0x1F800] =	vst v63  }
0x1b3: {  	_ =	swait.ge [sflag:s23], $0xFA00  }
0x1b4: {  	[sflag:s23] =	ssyncset.done $0x0  }
0x1b5: {  	[sflag:s23] =	ssyncadd.s32 $0xFFFF0600  }
0x1b6: {  	_ =	swait.ge [sflag:s23], $0x40  }
0x1b7: {  	[sflag:s23] =	ssyncset.done $0x0  }
0x1b8: {  	s9 =	simm.s32 @!p0 $0x4;
	[sflag:s23] =	ssyncadd.s32 $0xFFFFFFC0  }
0x1b9: {  	_ =	swait.ge @!p0 [sflag:s9], $0x40  }
0x1ba: {  	[sflag:s9] =	ssyncset.done @!p0 $0x0  }
0x1bb: {  	[sflag:s9] =	ssyncadd.s32 @!p0 $0xFFFFFFC0  }
0x1bc: {  	_ =	swait.ge @!p0 [sflag:s9], $0x40  }
0x1bd: {  	[sflag:s9] =	ssyncset.done @!p0 $0x0  }
0x1be: {  	s15 =	simm.s32 $0x134A8;
	[sflag:s9] =	ssyncadd.s32 @!p0 $0xFFFFFFC0  }
0x1bf: {  	s16 =	simm.s32 $0x0;
	s28 =	simm.s32 $0x0;
	_ =	swait.ge @!p0 [sflag:s9], $0x40  }
0x1c0: {  	s12 =	simm.s32 $0x12508;
	s10 =	simm.s32 $0x101D0;
	[sflag:s9] =	ssyncset.done @!p0 $0x0  }
0x1c1: {  	s11 =	simm.s32 $0x11568;
	[sflag:s9] =	ssyncadd.s32 @!p0 $0xFFFFFFC0;
	s9 =	simm.s32 $0x0  }
.LBB2_13:
0x1c2: {  	v4 =	vld [tilespmem:s10+$0xFFFFFC18]  }
0x1c3: {  	s18 =	sadd.s32 $0x0, s16  }
0x1c4: {  	v16 =	vld [tilespmem:s10+$0x10];
	s18 =	sand.u32 $0x1FF80, s18  }
0x1c5: {  	s20 =	simm.s32 $0x10;
	s21 =	sand.u32 $0x60, s9;
	v18 =	vld [tilespmem:s10+$0x3E8];
	s18 =	sadd.s32 $0xFA00, s18  }
0x1c6: {  	v8 =	vld [tilespmem:s10+$0xFFFFFC28];
	s20 =	sand.u32 $0x70, s20;
	s21 =	sor.u32 s21, s18  }
0x1c7: {  	s18 =	sor.u32 s20, s18;
	v20 =	vld [tilespmem:s21+$0x0];
	v5 =	vmul.f32 $1.442695020e+00, v4  }
0x1c8: {  	v21 =	vld [tilespmem:s18+$0x0]  }
0x1c9: {  	v11 =	vld [tilespmem:s10+$0x0];
	v6 =	vmul.f32 $1.442695020e+00, v16;
	(erf) = vpow2.f32 v5  }
0x1ca: {  	v14 =	vld [tilespmem:s10+$0x3F8];
	s20 =	sadd.s32 $0x20, s10  }
0x1cb: {  	v13 =	vld [tilespmem:s20+$0xFFFFFC18];
	v5 =	vmul.f32 $1.442695020e+00, v18;
	(erf) = vpow2.f32 v6  }
0x1cc: {  	v9 =	vmul.f32 $1.442695020e+00, v8;
	v7 =	vmul.f32 $1.442695020e+00, v20  }
0x1cd: {  	v6 =	vld [tilespmem:s20+$0x10];
	(erf) = vpow2.f32 v5;
	v5 =	vmul.f32 $1.442695020e+00, v21  }
0x1ce: {  	v10 =	vmul.f32 $1.442695020e+00, v11;
	(erf) = vpow2.f32 v7  }
0x1cf: {  	s22 =	sadd.s32 $0x20, s16;
	v12 =	vmul.f32 $1.442695020e+00, v14;
	(erf) = vpow2.f32 v5  }
0x1d0: {  	s24 =	simm.s32 $0x20;
	s18 =	sand.u32 $0x1FF80, s22;
	s22 =	simm.s32 $0x30;
	v15 =	vmul.f32 $1.442695020e+00, v13;
	(erf) = vpow2.f32 v9;
	v9 =	vld [tilespmem:s20+$0x3E8]  }
0x1d1: {  	s21 =	sand.u32 $0x60, s24;
	s18 =	sadd.s32 $0xFA00, s18;
	s22 =	sand.u32 $0x70, s22;
	v7 =	vld [tilespmem:s20+$0x0];
	(erf) = vpow2.f32 v10  }
0x1d2: {  	s21 =	sor.u32 s21, s18;
	s18 =	sor.u32 s22, s18;
	v5 =	vld [tilespmem:s20+$0x3F8];
	v17 =	vmul.f32 $1.442695020e+00, v6;
	(erf) = vpow2.f32 v12;
	v22 =	vpop (erf)  }
0x1d3: {  	v10 =	vld [tilespmem:s18+$0x0];
	(erf) = vpow2.f32 v15;
	v4 =	vmul.f32 v22, v4  }
0x1d4: {  	v12 =	vld [tilespmem:s21+$0x0];
	v15 =	vpop (erf);
	(erf) = vpow2.f32 v17  }
0x1d5: {  	v17 =	vmul.f32 v15, v16;
	v16 =	vmul.f32 $1.442695020e+00, v9  }
0x1d6: {  	v24 =	vimm.f32 $0.0e+00;
	v27 =	vmul.f32 $1.442695020e+00, v7  }
0x1d7: {  	v32 =	vadd.f32 v22, v24;
	v19 =	vadd.f32 v4, v24;
	(erf) = vpow2.f32 v16;
	v16 =	vld [tilespmem:s20+$0xFFFFFC28];
	v4 =	vpop (erf)  }
0x1d8: {  	v23 =	vmul.f32 $1.442695020e+00, v5;
	v18 =	vmul.f32 v4, v18;
	v22 =	vadd.f32 v4, v24;
	v4 =	vpop (erf)  }
0x1d9: {  	v30 =	vmul.f32 $1.442695020e+00, v10;
	v31 =	vmul.f32 $1.442695020e+00, v12;
	v28 =	vadd.f32 v4, v24;
	v29 =	vpop (erf)  }
0x1da: {  	s29 =	smul.u32 $0x3E80, s28;
	v26 =	vmul.f32 v4, v20;
	v20 =	vimm.f32 $0.0e+00;
	v4 =	vadd.f32 v18, v24;
	v33 =	vpop (erf)  }
0x1db: {  	s30 =	simm.s32 $0x2;
	s18 =	simm.s32 $0x40;
	s20 =	sadd.s32 $0x20, s20;
	v25 =	vmul.f32 v29, v21;
	v21 =	vimm.f32 $0.0e+00;
	v18 =	vadd.f32 v33, v32;
	v32 =	vpop (erf)  }
.LBB2_14:
0x1dc: {  	s21 =	sadd.s32 s18, s16;
	v34 =	vld [tilespmem:s20+$0xFFFFFC18];
	s30 =	sadd.s32 $0x2, s30;
	v35 =	vmul.f32 $1.442695020e+00, v16;
	v24 =	vadd.f32 v32, v24;
	v39 =	vmul.f32 v33, v8;
	v36 =	vpop (erf)  }
0x1dd: {  	s22 =	sadd.s32 $0x10, s18;
	v28 =	vadd.f32 v29, v28;
	v8 =	vmovc v16;
	s21 =	sand.u32 $0x1FF80, s21;
	v37 =	vld [tilespmem:s20+$0x10];
	p0 =	slt.u32 s30, $0x3C;
	(erf) = vpow2.f32 v31;
	v29 =	vmul.f32 v36, v14;
	v31 =	vmovc v9  }
0x1de: {  	s24 =	sand.u32 $0x60, s18;
	v40 =	vmul.f32 v32, v11;
	s22 =	sand.u32 $0x70, s22;
	s21 =	sadd.s32 $0xFA00, s21;
	v16 =	vld [tilespmem:s20+$0xFFFFFC28];
	v38 =	vpop (erf);
	(erf) = vpow2.f32 v30;
	v19 =	vadd.f32 v39, v19  }
0x1df: {  	v22 =	vadd.f32 v36, v22;
	s24 =	sor.u32 s24, s21;
	v30 =	vld [tilespmem:s20+$0x0];
	s21 =	sor.u32 s22, s21;
	v32 =	vmul.f32 v38, v13;
	(erf) = vpow2.f32 v35;
	v33 =	vpop (erf)  }
0x1e0: {  	v21 =	vadd.f32 v26, v21;
	v11 =	vmovc v7;
	v14 =	vmovc v5;
	v20 =	vadd.f32 v40, v20;
	v9 =	vld [tilespmem:s20+$0x3E8];
	(erf) = vpow2.f32 v27  }
0x1e1: {  	v24 =	vadd.f32 v15, v24;
	v15 =	vmovc v33;
	v7 =	vmul.f32 $1.442695020e+00, v34;
	v5 =	vld [tilespmem:s20+$0x3F8];
	(erf) = vpow2.f32 v23;
	v13 =	vmovc v34  }
0x1e2: {  	v21 =	vadd.f32 v25, v21;
	v25 =	vmovc v12;
	v20 =	vadd.f32 v17, v20;
	v34 =	vmovc v10;
	v23 =	vmul.f32 $1.442695020e+00, v37;
	v12 =	vld [tilespmem:s24+$0x0]  }
0x1e3: {  	v4 =	vadd.f32 v29, v4;
	v19 =	vadd.f32 v32, v19;
	v10 =	vld [tilespmem:s21+$0x0];
	(erf) = vpow2.f32 v7  }
0x1e4: {  	v18 =	vadd.f32 v38, v18;
	v17 =	vmul.f32 v15, v6;
	(erf) = vpow2.f32 v23;
	v26 =	vpop (erf)  }
.Ltmp7:
0x1e5: {  	v6 =	vmov v37;
	v32 =	vmul.f32 $1.442695020e+00, v9;
	v7 =	vmov v30;
	(pc) =	sbr.rel @p0 .LBB2_14-.Ltmp7, $4  }
0x1e6: {  	v22 =	vadd.f32 v26, v22;
	v35 =	vmul.f32 v26, v31;
	v23 =	vmul.f32 $1.442695020e+00, v5;
	v26 =	vpop (erf)  }
0x1e7: {  	v27 =	vmul.f32 $1.442695020e+00, v7;
	v31 =	vmul.f32 $1.442695020e+00, v12;
	v28 =	vadd.f32 v26, v28;
	v29 =	vpop (erf)  }
0x1e8: {  	v26 =	vmul.f32 v26, v25;
	v4 =	vadd.f32 v35, v4;
	v30 =	vmul.f32 $1.442695020e+00, v10;
	v33 =	vpop (erf)  }
0x1e9: {  	s18 =	sadd.s32 $0x20, s18;
	s20 =	sadd.s32 $0x20, s20;
	v25 =	vmul.f32 v29, v34;
	(erf) = vpow2.f32 v32;
	v18 =	vadd.f32 v33, v18;
	v32 =	vpop (erf)  }
0x1ea: {  	v34 =	vld [tilespmem:s29+$0xFDD8];
	_ =	sdelay $0x1  }
0x1eb: {  	v35 =	vmul.f32 $1.442695020e+00, v16;
	(erf) = vpow2.f32 v31  }
0x1ec: {  	(erf) = vpow2.f32 v30  }
0x1ed: {  	(erf) = vpow2.f32 v35  }
0x1ee: {  	(erf) = vpow2.f32 v27;
	v27 =	vmul.f32 $1.442695020e+00, v34;
	_ =	sdelay $0x1  }
0x1ef: {  	v30 =	vld [tilespmem:s29+$0x101C0];
	(erf) = vpow2.f32 v23  }
0x1f0: {  	v23 =	vpop (erf);
	(erf) = vpow2.f32 v27  }
0x1f1: {  	v8 =	vmul.f32 v33, v8;
	v27 =	vpop (erf)  }
0x1f2: {  	v24 =	vadd.f32 v32, v24;
	v11 =	vmul.f32 v32, v11;
	v31 =	vpop (erf);
	v13 =	vmul.f32 v27, v13  }
0x1f3: {  	v8 =	vadd.f32 v8, v19;
	v19 =	vadd.f32 v26, v21;
	v21 =	vpop (erf)  }
0x1f4: {  	v11 =	vadd.f32 v11, v20;
	v22 =	vadd.f32 v23, v22;
	v26 =	vmul.f32 $1.442695020e+00, v30;
	v20 =	vpop (erf)  }
0x1f5: {  	v28 =	vadd.f32 v29, v28;
	v19 =	vadd.f32 v25, v19;
	v14 =	vmul.f32 v23, v14;
	v23 =	vpop (erf)  }
0x1f6: {  	v11 =	vadd.f32 v17, v11;
	(erf) = vpow2.f32 v26;
	v8 =	vadd.f32 v13, v8;
	v13 =	vpop (erf)  }
0x1f7: {  	v4 =	vadd.f32 v14, v4;
	v14 =	vadd.f32 v20, v28;
	v12 =	vmul.f32 v20, v12;
	v17 =	vpop (erf)  }
0x1f8: {  	v18 =	vadd.f32 v27, v18;
	v9 =	vmul.f32 v21, v9;
	v20 =	vadd.f32 v21, v22;
	v22 =	vpop (erf)  }
0x1f9: {  	v10 =	vmul.f32 v23, v10;
	v14 =	vadd.f32 v23, v14;
	v12 =	vadd.f32 v12, v19;
	v19 =	vpop (erf)  }
0x1fa: {  	v4 =	vadd.f32 v9, v4;
	v23 =	vld [tilespmem:s29+$0x105A8];
	v21 =	vsel vm0, $0x0, v19;
	v19 =	vmul.f32 v19, v34  }
0x1fb: {  	v9 =	vmul.f32 v13, v16;
	v10 =	vadd.f32 v10, v12;
	v12 =	vadd.f32 v21, v14  }
0x1fc: {  	v15 =	vadd.f32 v15, v24;
	v13 =	vadd.f32 v13, v18;
	v16 =	vsel vm0, $0x0, v19  }
0x1fd: {  	v7 =	vmul.f32 v17, v7;
	v14 =	vld [tilespmem:s29+$0x10990];
	v10 =	vadd.f32 v16, v10;
	v16 =	vperm.xlane v12, v0  }
0x1fe: {  	v15 =	vadd.f32 v17, v15;
	v8 =	vadd.f32 v9, v8  }
0x1ff: {  	v7 =	vadd.f32 v7, v11;
	v18 =	vmul.f32 $1.442695020e+00, v23;
	v9 =	vpop (erf);
	v12 =	vadd.f32 v12, v16  }
0x200: {  	v19 =	vmul.f32 v9, v30;
	v9 =	vsel vm0, $0x0, v9;
	v16 =	vperm.xlane v10, v0  }
0x201: {  	(erf) = vpow2.f32 v18;
	v9 =	vadd.f32 v9, v13;
	v13 =	vperm.xlane v12, v1  }
0x202: {  	v18 =	vmul.f32 $1.442695020e+00, v14;
	v10 =	vadd.f32 v16, v10;
	v16 =	vsel vm0, $0x0, v19  }
0x203: {  	v8 =	vadd.f32 v16, v8;
	v16 =	vperm.xlane v9, v0;
	v12 =	vadd.f32 v12, v13  }
0x204: {  	v11 =	vadd.f32 v31, v15;
	(erf) = vpow2.f32 v18;
	v18 =	vperm.xlane v10, v1  }
0x205: {  	v9 =	vadd.f32 v9, v16;
	v13 =	vperm.xlane v8, v0;
	v15 =	vperm.xlane v12, v2  }
0x206: {  	v6 =	vmul.f32 v31, v6;
	v5 =	vmul.f32 v22, v5;
	v10 =	vadd.f32 v18, v10  }
0x207: {  	v18 =	vperm.xlane v9, v1;
	v8 =	vadd.f32 v13, v8;
	v13 =	vadd.f32 v12, v15  }
0x208: {  	v4 =	vadd.f32 v5, v4;
	v6 =	vadd.f32 v6, v7;
	v16 =	vperm.xlane v10, v2  }
0x209: {  	v7 =	vadd.f32 v9, v18;
	v9 =	vperm.xlane v8, v1;
	v5 =	vperm.xlane v13, v3  }
0x20a: {  	v12 =	vadd.f32 v16, v10  }
0x20b: {  	v10 =	vpop (erf);
	[tilespmem:$0x1FDB0] =	vst v5  }
0x20c: {  	v5 =	vmul.f32 v10, v23;
	[tilespmem:$0x1FDC0] =	vst v12;
	v12 =	vperm.xlane v12, v3;
	v10 =	vsel vm0, $0x0, v10  }
0x20d: {  	[tilespmem:$0x1FDA0] =	vst v13;
	v8 =	vadd.f32 v9, v8;
	v9 =	vpop (erf);
	v10 =	vadd.f32 v10, v11  }
0x20e: {  	[tilespmem:$0x1FDD0] =	vst v12;
	v12 =	vperm.xlane v7, v2;
	v5 =	vsel vm0, $0x0, v5;
	v13 =	vmul.f32 v9, v14  }
0x20f: {  	v5 =	vadd.f32 v5, v6;
	v6 =	vsel vm0, $0x0, v9;
	v9 =	vperm.xlane v8, v2  }
0x210: {  	v11 =	vsel vm0, $0x0, v13;
	v13 =	vperm.xlane v10, v0;
	v16 =	vadd.f32 v7, v12  }
0x211: {  	v17 =	vadd.f32 v22, v20;
	v12 =	vld [tilespmem:s11+$0xFFFFFC18];
	v4 =	vadd.f32 v11, v4  }
0x212: {  	v11 =	vld [tilespmem:s11+$0xFFFFF820];
	v15 =	vadd.f32 v9, v8;
	v8 =	vadd.f32 v10, v13;
	v13 =	vperm.xlane v16, v3  }
0x213: {  	v6 =	vadd.f32 v6, v17;
	v9 =	vld [tilespmem:s11+$0xFFFFF830];
	[tilespmem:$0x1FDE0] =	vst v16  }
0x214: {  	v14 =	vperm.xlane v5, v0;
	[tilespmem:$0x1FDF0] =	vst v13;
	v13 =	vperm.xlane v15, v3  }
0x215: {  	v7 =	vperm.xlane v6, v0;
	[tilespmem:$0x1FE00] =	vst v15  }
0x216: {  	v5 =	vadd.f32 v14, v5;
	v10 =	vperm.xlane v4, v0;
	[tilespmem:$0x1FE10] =	vst v13  }
0x217: {  	v6 =	vadd.f32 v6, v7;
	v7 =	vperm.xlane v8, v1;
	v17 =	vld [tilespmem:s11+$0xFFFFF438]  }
0x218: {  	v4 =	vadd.f32 v10, v4;
	v13 =	vperm.xlane v5, v1;
	v14 =	vmul.f32 $1.442695020e+00, v11;
	v31 =	vld [tilespmem:s11+$0xFFFFFC08]  }
0x219: {  	v10 =	vperm.xlane v6, v1;
	v7 =	vadd.f32 v8, v7;
	v15 =	vmul.f32 $1.442695020e+00, v9;
	v28 =	vld [tilespmem:s11+$0xFFFFFFF0]  }
0x21a: {  	v8 =	vperm.xlane v4, v1;
	v5 =	vadd.f32 v13, v5;
	(erf) = vpow2.f32 v14  }
0x21b: {  	v13 =	vmul.f32 $1.442695020e+00, v12;
	v14 =	vperm.xlane v7, v2  }
0x21c: {  	v6 =	vadd.f32 v6, v10;
	(erf) = vpow2.f32 v15;
	v10 =	vperm.xlane v5, v2  }
0x21d: {  	v29 =	vld [tilespmem:s11+$0xFFFFF448];
	(erf) = vpow2.f32 v13;
	v13 =	vadd.f32 v7, v14;
	v15 =	vmul.f32 $1.442695020e+00, v17  }
0x21e: {  	s20 =	sadd.s32 $0x20, s11;
	v25 =	vld [tilespmem:s11+$0x0];
	v18 =	vmul.f32 $1.442695020e+00, v31;
	v7 =	vmul.f32 $1.442695020e+00, v28  }
0x21f: {  	v27 =	vld [tilespmem:s20+$0xFFFFF820];
	v10 =	vadd.f32 v10, v5;
	[tilespmem:$0x1FE20] =	vst v13;
	v13 =	vperm.xlane v13, v3;
	(erf) = vpow2.f32 v15  }
0x220: {  	v4 =	vadd.f32 v8, v4;
	v8 =	vperm.xlane v6, v2;
	(erf) = vpow2.f32 v18  }
0x221: {  	[tilespmem:$0x1FE30] =	vst v13;
	(erf) = vpow2.f32 v7;
	v7 =	vperm.xlane v10, v3  }
0x222: {  	v6 =	vadd.f32 v6, v8;
	v21 =	vld [tilespmem:s20+$0x0];
	[tilespmem:$0x1FE40] =	vst v10  }
0x223: {  	v16 =	vperm.xlane v4, v2;
	[tilespmem:$0x1FE50] =	vst v7  }
0x224: {  	v26 =	vld [tilespmem:s20+$0xFFFFF830];
	[tilespmem:$0x1FE60] =	vst v6;
	v6 =	vperm.xlane v6, v3  }
0x225: {  	v5 =	vmul.f32 $1.442695020e+00, v29;
	v4 =	vadd.f32 v16, v4  }
0x226: {  	[tilespmem:$0x1FE70] =	vst v6  }
0x227: {  	v22 =	vld [tilespmem:s20+$0xFFFFFC18];
	[tilespmem:$0x1FE80] =	vst v4;
	v4 =	vperm.xlane v4, v3  }
0x228: {  	(erf) = vpow2.f32 v5;
	v6 =	vmul.f32 $1.442695020e+00, v25  }
0x229: {  	v8 =	vmul.f32 $1.442695020e+00, v27;
	v5 =	vpop (erf)  }
0x22a: {  	v10 =	vpop (erf);
	v7 =	vimm.f32 $0.0e+00;
	v11 =	vmul.f32 v5, v11;
	(erf) = vpow2.f32 v6;
	[tilespmem:$0x1FE90] =	vst v4  }
0x22b: {  	v5 =	vadd.f32 v5, v7;
	(erf) = vpow2.f32 v8;
	v6 =	vmul.f32 $1.442695020e+00, v26;
	v30 =	vld [tilespmem:s20+$0xFFFFF438];
	v4 =	vpop (erf)  }
0x22c: {  	v11 =	vadd.f32 v11, v7;
	v8 =	vmul.f32 $1.442695020e+00, v21;
	v24 =	vld [tilespmem:s20+$0xFFFFFC08];
	v32 =	vmul.f32 v4, v12;
	v62 =	vpop (erf)  }
0x22d: {  	v23 =	vld [tilespmem:s20+$0xFFFFFFF0];
	v12 =	vadd.f32 v10, v5;
	v5 =	vmul.f32 $1.442695020e+00, v22;
	v10 =	vmul.f32 v10, v9;
	v36 =	vpop (erf)  }
0x22e: {  	(erf) = vpow2.f32 v6;
	v63 =	vadd.f32 v62, v7;
	v6 =	vmul.f32 v36, v31;
	v31 =	vld [tilespmem:s20+$0xFFFFF448]  }
0x22f: {  	v18 =	vadd.f32 v36, v7;
	(erf) = vpow2.f32 v5;
	v36 =	vmul.f32 v62, v17  }
0x230: {  	v19 =	vpop (erf);
	v35 =	vadd.f32 v10, v11;
	v17 =	vimm.f32 $0.0e+00;
	v37 =	vmul.f32 $1.442695020e+00, v30  }
0x231: {  	v11 =	vimm.f32 $0.0e+00;
	v20 =	vmul.f32 $1.442695020e+00, v24;
	v34 =	vadd.f32 v19, v7;
	v5 =	vpop (erf)  }
0x232: {  	s18 =	simm.s32 $0x2;
	s20 =	sadd.s32 $0x20, s20;
	v9 =	vmul.f32 $1.442695020e+00, v23;
	v33 =	vadd.f32 v5, v63;
	(erf) = vpow2.f32 v37  }
.LBB2_16:
0x233: {  	v10 =	vld [tilespmem:s20+$0xFFFFF820];
	s18 =	sadd.s32 $0x2, s18;
	v37 =	vmul.f32 $1.442695020e+00, v31;
	(erf) = vpow2.f32 v20;
	v6 =	vadd.f32 v6, v7  }
0x234: {  	v5 =	vmul.f32 v5, v29;
	v20 =	vld [tilespmem:s20+$0xFFFFFC18];
	p0 =	slt.u32 s18, $0x3C;
	(erf) = vpow2.f32 v9;
	v7 =	vadd.f32 v36, v17;
	v9 =	vpop (erf)  }
0x235: {  	v13 =	vmul.f32 v19, v28;
	v18 =	vadd.f32 v4, v18;
	v36 =	vld [tilespmem:s20+$0x0];
	v29 =	vpop (erf);
	(erf) = vpow2.f32 v37  }
0x236: {  	v37 =	vld [tilespmem:s20+$0xFFFFF830];
	v12 =	vadd.f32 v29, v12;
	v17 =	vadd.f32 v5, v7;
	v5 =	vmul.f32 v9, v25;
	v25 =	vmovc v21  }
0x237: {  	v11 =	vadd.f32 v13, v11;
	v14 =	vmul.f32 v29, v27;
	v7 =	vadd.f32 v32, v6;
	v29 =	vmovc v31;
	v31 =	vld [tilespmem:s20+$0xFFFFF448]  }
0x238: {  	v9 =	vadd.f32 v9, v34;
	v6 =	vmul.f32 $1.442695020e+00, v10;
	v38 =	vld [tilespmem:s20+$0xFFFFFC08];
	v19 =	vpop (erf);
	v27 =	vmov v10  }
0x239: {  	v28 =	vmov v23;
	v11 =	vadd.f32 v5, v11;
	v10 =	vld [tilespmem:s20+$0xFFFFF438];
	v4 =	vpop (erf);
	(erf) = vpow2.f32 v8  }
0x23a: {  	v35 =	vadd.f32 v14, v35;
	v23 =	vld [tilespmem:s20+$0xFFFFFFF0];
	(erf) = vpow2.f32 v6;
	v32 =	vmul.f32 v4, v22;
	v22 =	vmovc v20;
	v21 =	vmovc v36  }
0x23b: {  	v12 =	vadd.f32 v19, v12;
	v13 =	vmul.f32 $1.442695020e+00, v37;
	v8 =	vmul.f32 $1.442695020e+00, v21;
	v36 =	vpop (erf)  }
.Ltmp8:
0x23c: {  	v39 =	vmul.f32 v19, v26;
	v6 =	vmul.f32 $1.442695020e+00, v22;
	v33 =	vadd.f32 v36, v33;
	v26 =	vpop (erf);
	(pc) =	sbr.rel @p0 .LBB2_16-.Ltmp8, $4  }
0x23d: {  	v20 =	vmul.f32 $1.442695020e+00, v38;
	(erf) = vpow2.f32 v13;
	v18 =	vadd.f32 v26, v18;
	v19 =	vpop (erf)  }
0x23e: {  	v40 =	vmul.f32 $1.442695020e+00, v10;
	(erf) = vpow2.f32 v6;
	v34 =	vadd.f32 v19, v9;
	v5 =	vpop (erf)  }
0x23f: {  	v6 =	vmul.f32 v26, v24;
	v26 =	vmovc v37;
	v24 =	vmovc v38;
	v9 =	vmul.f32 $1.442695020e+00, v23;
	v33 =	vadd.f32 v5, v33  }
0x240: {  	s20 =	sadd.s32 $0x20, s20;
	v35 =	vadd.f32 v39, v35;
	v36 =	vmul.f32 v36, v30;
	v30 =	vmovc v10;
	(erf) = vpow2.f32 v40  }
0x241: {  	v10 =	vld [tilespmem:s29+$0x10D78];
	_ =	sdelay $0x3  }
0x242: {  	v37 =	vmul.f32 $1.442695020e+00, v31;
	(erf) = vpow2.f32 v20  }
0x243: {  	v20 =	vld [tilespmem:s29+$0x11160];
	(erf) = vpow2.f32 v9;
	v9 =	vmul.f32 $1.442695020e+00, v10  }
0x244: {  	(erf) = vpow2.f32 v37  }
0x245: {  	(erf) = vpow2.f32 v8  }
0x246: {  	v8 =	vpop (erf);
	(erf) = vpow2.f32 v9  }
0x247: {  	v5 =	vmul.f32 v5, v29;
	v9 =	vpop (erf)  }
0x248: {  	v19 =	vmul.f32 v19, v28;
	v29 =	vmul.f32 $1.442695020e+00, v20;
	v63 =	vpop (erf)  }
0x249: {  	v6 =	vadd.f32 v6, v7;
	v7 =	vadd.f32 v36, v17;
	v17 =	vpop (erf)  }
0x24a: {  	v4 =	vadd.f32 v4, v18;
	v11 =	vadd.f32 v19, v11;
	(erf) = vpow2.f32 v29;
	v18 =	vpop (erf)  }
0x24b: {  	v6 =	vadd.f32 v32, v6;
	v5 =	vadd.f32 v5, v7;
	v7 =	vmul.f32 v8, v25;
	v25 =	vpop (erf)  }
0x24c: {  	v8 =	vadd.f32 v8, v34;
	v12 =	vadd.f32 v9, v12;
	v9 =	vmul.f32 v9, v27;
	v19 =	vpop (erf)  }
0x24d: {  	v7 =	vadd.f32 v7, v11;
	v29 =	vld [tilespmem:s29+$0x11548];
	v27 =	vadd.f32 v18, v33;
	v18 =	vmul.f32 v18, v30;
	v28 =	vpop (erf)  }
0x24e: {  	v26 =	vmul.f32 v63, v26;
	v9 =	vadd.f32 v9, v35;
	v24 =	vmul.f32 v25, v24;
	v11 =	vpop (erf)  }
0x24f: {  	v5 =	vadd.f32 v18, v5;
	v27 =	vadd.f32 v28, v27;
	v18 =	vmul.f32 v28, v31;
	v28 =	vpop (erf)  }
0x250: {  	v12 =	vadd.f32 v63, v12;
	v30 =	vsel vm0, $0x0, v28;
	v10 =	vmul.f32 v28, v10  }
0x251: {  	v22 =	vmul.f32 v17, v22;
	v5 =	vadd.f32 v18, v5;
	v18 =	vadd.f32 v30, v27;
	v27 =	vld [tilespmem:s29+$0x11930]  }
0x252: {  	v4 =	vadd.f32 v25, v4;
	v25 =	vmul.f32 $1.442695020e+00, v29;
	v10 =	vsel vm0, $0x0, v10  }
0x253: {  	v6 =	vadd.f32 v24, v6;
	v24 =	vpop (erf);
	v5 =	vadd.f32 v10, v5;
	v10 =	vperm.xlane v18, v0  }
0x254: {  	v9 =	vadd.f32 v26, v9;
	(erf) = vpow2.f32 v25;
	v20 =	vmul.f32 v24, v20  }
0x255: {  	v24 =	vsel vm0, $0x0, v24;
	v10 =	vadd.f32 v18, v10;
	v18 =	vperm.xlane v5, v0  }
0x256: {  	v12 =	vadd.f32 v24, v12;
	v20 =	vsel vm0, $0x0, v20;
	v25 =	vmul.f32 $1.442695020e+00, v27  }
0x257: {  	v9 =	vadd.f32 v20, v9;
	v5 =	vadd.f32 v18, v5;
	v18 =	vperm.xlane v10, v1  }
0x258: {  	v4 =	vadd.f32 v17, v4;
	v20 =	vperm.xlane v12, v0;
	(erf) = vpow2.f32 v25  }
0x259: {  	v17 =	vperm.xlane v9, v0;
	v24 =	vperm.xlane v5, v1;
	v10 =	vadd.f32 v10, v18  }
0x25a: {  	v8 =	vadd.f32 v19, v8;
	v19 =	vmul.f32 v19, v23;
	v12 =	vadd.f32 v12, v20  }
0x25b: {  	v9 =	vadd.f32 v17, v9;
	v5 =	vadd.f32 v24, v5;
	v18 =	vperm.xlane v10, v2  }
0x25c: {  	v7 =	vadd.f32 v19, v7;
	v20 =	vperm.xlane v12, v1;
	v17 =	vmul.f32 v11, v21  }
0x25d: {  	v19 =	vperm.xlane v5, v2;
	v21 =	vadd.f32 v10, v18;
	v10 =	vperm.xlane v9, v1  }
0x25e: {  	v6 =	vadd.f32 v22, v6  }
0x25f: {  	v22 =	vadd.f32 v19, v5;
	v5 =	vadd.f32 v12, v20;
	v12 =	vperm.xlane v21, v3  }
0x260: {  	v8 =	vadd.f32 v11, v8;
	v11 =	vpop (erf);
	v7 =	vadd.f32 v17, v7  }
0x261: {  	v9 =	vadd.f32 v10, v9;
	[tilespmem:$0x1FD40] =	vst v12;
	v12 =	vmul.f32 v11, v29;
	v13 =	vperm.xlane v22, v3;
	v10 =	vpop (erf)  }
0x262: {  	v17 =	vperm.xlane v5, v2;
	v11 =	vsel vm0, $0x0, v11;
	v18 =	vmul.f32 v10, v27  }
0x263: {  	v4 =	vadd.f32 v11, v4;
	v10 =	vsel vm0, $0x0, v10;
	v11 =	vperm.xlane v9, v2  }
0x264: {  	v12 =	vsel vm0, $0x0, v12;
	v8 =	vadd.f32 v10, v8;
	v25 =	vadd.f32 v5, v17  }
0x265: {  	[tilespmem:$0x1FD50] =	vst v13;
	v6 =	vadd.f32 v12, v6;
	v10 =	vsel vm0, $0x0, v18;
	v12 =	vperm.xlane v4, v0  }
0x266: {  	v26 =	vadd.f32 v11, v9;
	v7 =	vadd.f32 v10, v7;
	v10 =	vld [tilespmem:s12+$0xFFFFF820];
	v13 =	vperm.xlane v25, v3  }
0x267: {  	v9 =	vld [tilespmem:s12+$0xFFFFF830];
	v18 =	vperm.xlane v6, v0  }
0x268: {  	v5 =	vperm.xlane v8, v0;
	v4 =	vadd.f32 v4, v12;
	v12 =	vld [tilespmem:s12+$0xFFFFFC18];
	[tilespmem:$0x1FD60] =	vst v13;
	v13 =	vperm.xlane v26, v3  }
0x269: {  	v6 =	vadd.f32 v18, v6  }
0x26a: {  	v11 =	vperm.xlane v7, v0;
	v5 =	vadd.f32 v8, v5;
	v8 =	vperm.xlane v4, v1;
	[tilespmem:$0x1FD70] =	vst v13  }
0x26b: {  	v17 =	vperm.xlane v6, v1;
	v18 =	vmul.f32 $1.442695020e+00, v10;
	v23 =	vld [tilespmem:s12+$0xFFFFF438]  }
0x26c: {  	v7 =	vadd.f32 v11, v7;
	v11 =	vperm.xlane v5, v1;
	v4 =	vadd.f32 v4, v8;
	v24 =	vld [tilespmem:s12+$0xFFFFFC08]  }
0x26d: {  	v19 =	vmul.f32 $1.442695020e+00, v9;
	v44 =	vld [tilespmem:s12+$0xFFFFFFF0];
	v6 =	vadd.f32 v17, v6;
	(erf) = vpow2.f32 v18  }
0x26e: {  	v17 =	vmul.f32 $1.442695020e+00, v12;
	v18 =	vperm.xlane v4, v2  }
0x26f: {  	v5 =	vadd.f32 v5, v11;
	(erf) = vpow2.f32 v19;
	v11 =	vperm.xlane v6, v2  }
0x270: {  	(erf) = vpow2.f32 v17;
	v17 =	vmul.f32 $1.442695020e+00, v23  }
0x271: {  	v45 =	vld [tilespmem:s12+$0xFFFFF448];
	v8 =	vperm.xlane v7, v1;
	v29 =	vadd.f32 v4, v18;
	v20 =	vmul.f32 $1.442695020e+00, v24  }
0x272: {  	v4 =	vmul.f32 $1.442695020e+00, v44;
	v30 =	vadd.f32 v11, v6;
	(erf) = vpow2.f32 v17  }
0x273: {  	s20 =	sadd.s32 $0x20, s12;
	v41 =	vld [tilespmem:s12+$0x0];
	v11 =	vperm.xlane v29, v3;
	(erf) = vpow2.f32 v20  }
0x274: {  	v43 =	vld [tilespmem:s20+$0xFFFFF820];
	(erf) = vpow2.f32 v4;
	v4 =	vperm.xlane v30, v3  }
0x275: {  	v7 =	vadd.f32 v8, v7;
	[tilespmem:$0x1FD80] =	vst v11  }
0x276: {  	v8 =	vperm.xlane v5, v2;
	v6 =	vmul.f32 $1.442695020e+00, v45;
	v37 =	vld [tilespmem:s20+$0x0];
	[tilespmem:$0x1FD90] =	vst v4  }
0x277: {  	v19 =	vperm.xlane v7, v2;
	v42 =	vld [tilespmem:s20+$0xFFFFF830]  }
0x278: {  	v31 =	vadd.f32 v5, v8;
	v38 =	vld [tilespmem:s20+$0xFFFFFC18]  }
0x279: {  	v5 =	vmul.f32 $1.442695020e+00, v41;
	v8 =	vmul.f32 $1.442695020e+00, v43;
	v32 =	vadd.f32 v19, v7;
	v46 =	vld [tilespmem:s20+$0xFFFFF438]  }
0x27a: {  	v35 =	vperm.xlane v31, v3;
	v7 =	vimm.f32 $0.0e+00;
	(erf) = vpow2.f32 v6;
	v6 =	vpop (erf)  }
0x27b: {  	(erf) = vpow2.f32 v5;
	v11 =	vpop (erf);
	v10 =	vmul.f32 v6, v10;
	v5 =	vadd.f32 v6, v7  }
0x27c: {  	v40 =	vld [tilespmem:s20+$0xFFFFFC08];
	(erf) = vpow2.f32 v8;
	v4 =	vpop (erf);
	v6 =	vmul.f32 $1.442695020e+00, v42  }
0x27d: {  	v39 =	vld [tilespmem:s20+$0xFFFFFFF0];
	v48 =	vmul.f32 v4, v12;
	v12 =	vadd.f32 v11, v5;
	v5 =	vmul.f32 $1.442695020e+00, v38  }
0x27e: {  	v17 =	vpop (erf);
	v47 =	vmul.f32 $1.442695020e+00, v46;
	(erf) = vpow2.f32 v6  }
0x27f: {  	v10 =	vadd.f32 v10, v7;
	v11 =	vmul.f32 v11, v9;
	v28 =	vpop (erf);
	(erf) = vpow2.f32 v5  }
0x280: {  	v36 =	vperm.xlane v32, v3;
	(erf) = vpow2.f32 v47;
	v47 =	vld [tilespmem:s20+$0xFFFFF448]  }
0x281: {  	v8 =	vmul.f32 $1.442695020e+00, v37;
	v51 =	vadd.f32 v11, v10;
	v11 =	vimm.f32 $0.0e+00  }
0x282: {  	v27 =	vadd.f32 v17, v7;
	v20 =	vmul.f32 $1.442695020e+00, v40;
	v9 =	vmul.f32 $1.442695020e+00, v39;
	v19 =	vpop (erf)  }
0x283: {  	v23 =	vmul.f32 v17, v23;
	v18 =	vadd.f32 v28, v7;
	v6 =	vmul.f32 v28, v24;
	v5 =	vpop (erf)  }
0x284: {  	s18 =	simm.s32 $0x2;
	v17 =	vimm.f32 $0.0e+00;
	v50 =	vadd.f32 v19, v7;
	s20 =	sadd.s32 $0x20, s20;
	v49 =	vadd.f32 v5, v27  }
.LBB2_18:
0x285: {  	v10 =	vld [tilespmem:s20+$0xFFFFF820];
	s18 =	sadd.s32 $0x2, s18;
	v24 =	vmul.f32 $1.442695020e+00, v47;
	(erf) = vpow2.f32 v20;
	v6 =	vadd.f32 v6, v7  }
0x286: {  	v5 =	vmul.f32 v5, v45;
	v20 =	vld [tilespmem:s20+$0xFFFFFC18];
	p0 =	slt.u32 s18, $0x3C;
	(erf) = vpow2.f32 v9;
	v7 =	vadd.f32 v23, v17;
	v9 =	vpop (erf)  }
0x287: {  	v13 =	vmul.f32 v19, v44;
	v18 =	vadd.f32 v4, v18;
	v23 =	vld [tilespmem:s20+$0x0];
	v27 =	vpop (erf);
	(erf) = vpow2.f32 v24  }
0x288: {  	v24 =	vld [tilespmem:s20+$0xFFFFF830];
	v12 =	vadd.f32 v27, v12;
	v17 =	vadd.f32 v5, v7;
	v5 =	vmul.f32 v9, v41;
	v41 =	vmovc v37  }
0x289: {  	v45 =	vmovc v47;
	v11 =	vadd.f32 v13, v11;
	v27 =	vmul.f32 v27, v43;
	v7 =	vadd.f32 v48, v6;
	v47 =	vld [tilespmem:s20+$0xFFFFF448]  }
0x28a: {  	v9 =	vadd.f32 v9, v50;
	v6 =	vmul.f32 $1.442695020e+00, v10;
	v28 =	vld [tilespmem:s20+$0xFFFFFC08];
	v19 =	vpop (erf);
	v43 =	vmov v10  }
0x28b: {  	v44 =	vmov v39;
	v11 =	vadd.f32 v5, v11;
	v10 =	vld [tilespmem:s20+$0xFFFFF438];
	v4 =	vpop (erf);
	(erf) = vpow2.f32 v8  }
0x28c: {  	v27 =	vadd.f32 v27, v51;
	v39 =	vld [tilespmem:s20+$0xFFFFFFF0];
	(erf) = vpow2.f32 v6;
	v48 =	vmul.f32 v4, v38;
	v38 =	vmovc v20;
	v37 =	vmovc v23  }
0x28d: {  	v12 =	vadd.f32 v19, v12;
	v13 =	vmul.f32 $1.442695020e+00, v24;
	v8 =	vmul.f32 $1.442695020e+00, v37;
	v23 =	vpop (erf)  }
.Ltmp9:
0x28e: {  	v51 =	vmul.f32 v19, v42;
	v6 =	vmul.f32 $1.442695020e+00, v38;
	v49 =	vadd.f32 v23, v49;
	v42 =	vpop (erf);
	(pc) =	sbr.rel @p0 .LBB2_18-.Ltmp9, $4  }
0x28f: {  	v20 =	vmul.f32 $1.442695020e+00, v28;
	(erf) = vpow2.f32 v13;
	v18 =	vadd.f32 v42, v18;
	v19 =	vpop (erf)  }
0x290: {  	v52 =	vmul.f32 $1.442695020e+00, v10;
	(erf) = vpow2.f32 v6;
	v50 =	vadd.f32 v19, v9;
	v5 =	vpop (erf)  }
0x291: {  	v6 =	vmul.f32 v42, v40;
	v42 =	vmovc v24;
	v40 =	vmovc v28;
	v9 =	vmul.f32 $1.442695020e+00, v39;
	v49 =	vadd.f32 v5, v49  }
0x292: {  	s20 =	sadd.s32 $0x20, s20;
	v51 =	vadd.f32 v51, v27;
	v23 =	vmul.f32 v23, v46;
	v46 =	vmovc v10;
	(erf) = vpow2.f32 v52  }
0x293: {  	v10 =	vld [tilespmem:s29+$0x11D18];
	_ =	sdelay $0x3  }
0x294: {  	v24 =	vmul.f32 $1.442695020e+00, v47;
	(erf) = vpow2.f32 v20  }
0x295: {  	v20 =	vld [tilespmem:s29+$0x12100];
	(erf) = vpow2.f32 v9;
	v9 =	vmul.f32 $1.442695020e+00, v10  }
0x296: {  	(erf) = vpow2.f32 v24  }
0x297: {  	(erf) = vpow2.f32 v8  }
0x298: {  	v8 =	vpop (erf);
	(erf) = vpow2.f32 v9  }
0x299: {  	v6 =	vadd.f32 v6, v7;
	v19 =	vmul.f32 v19, v44;
	v9 =	vpop (erf)  }
0x29a: {  	v4 =	vadd.f32 v4, v18;
	v7 =	vadd.f32 v23, v17;
	v23 =	vmul.f32 $1.442695020e+00, v20;
	v24 =	vpop (erf)  }
0x29b: {  	v5 =	vmul.f32 v5, v45;
	v11 =	vadd.f32 v19, v11;
	v6 =	vadd.f32 v48, v6;
	v17 =	vpop (erf)  }
0x29c: {  	v12 =	vadd.f32 v9, v12;
	v9 =	vmul.f32 v9, v43;
	(erf) = vpow2.f32 v23;
	v18 =	vpop (erf)  }
0x29d: {  	v5 =	vadd.f32 v5, v7;
	v7 =	vmul.f32 v8, v41;
	v8 =	vadd.f32 v8, v50;
	v27 =	vpop (erf)  }
0x29e: {  	v62 =	vld [tilespmem:s29+$0x124E8];
	v9 =	vadd.f32 v9, v51;
	v12 =	vadd.f32 v24, v12;
	v24 =	vmul.f32 v24, v42;
	v19 =	vpop (erf)  }
0x29f: {  	v7 =	vadd.f32 v7, v11;
	v23 =	vadd.f32 v18, v49;
	v18 =	vmul.f32 v18, v46;
	v28 =	vpop (erf)  }
0x2a0: {  	v4 =	vadd.f32 v27, v4;
	v27 =	vmul.f32 v27, v40;
	v9 =	vadd.f32 v24, v9;
	v11 =	vpop (erf)  }
0x2a1: {  	v5 =	vadd.f32 v18, v5;
	v23 =	vadd.f32 v28, v23;
	v18 =	vmul.f32 v28, v47;
	v28 =	vpop (erf)  }
0x2a2: {  	v6 =	vadd.f32 v27, v6;
	v63 =	vsel vm0, $0x0, v28;
	v10 =	vmul.f32 v28, v10  }
0x2a3: {  	v27 =	vmul.f32 $1.442695020e+00, v62;
	v5 =	vadd.f32 v18, v5;
	v18 =	vadd.f32 v63, v23;
	v23 =	vld [tilespmem:s29+$0x128D0]  }
0x2a4: {  	v8 =	vadd.f32 v19, v8;
	v19 =	vmul.f32 v19, v39;
	v10 =	vsel vm0, $0x0, v10  }
0x2a5: {  	(erf) = vpow2.f32 v27;
	v24 =	vpop (erf);
	v5 =	vadd.f32 v10, v5;
	v10 =	vperm.xlane v18, v0  }
0x2a6: {  	v28 =	vmul.f32 v17, v38;
	v20 =	vmul.f32 v24, v20  }
0x2a7: {  	v24 =	vsel vm0, $0x0, v24;
	v10 =	vadd.f32 v18, v10;
	v18 =	vperm.xlane v5, v0  }
0x2a8: {  	v12 =	vadd.f32 v24, v12;
	v20 =	vsel vm0, $0x0, v20;
	v27 =	vmul.f32 $1.442695020e+00, v23  }
0x2a9: {  	v9 =	vadd.f32 v20, v9;
	v5 =	vadd.f32 v18, v5;
	v18 =	vperm.xlane v10, v1  }
0x2aa: {  	v4 =	vadd.f32 v17, v4;
	v20 =	vperm.xlane v12, v0;
	(erf) = vpow2.f32 v27  }
0x2ab: {  	s20 =	sadd.s32 $0x20, s15;
	v17 =	vperm.xlane v9, v0;
	v24 =	vperm.xlane v5, v1;
	v10 =	vadd.f32 v10, v18  }
0x2ac: {  	v57 =	vld [tilespmem:s20+$0xFFFFF438];
	v7 =	vadd.f32 v19, v7;
	v12 =	vadd.f32 v12, v20  }
0x2ad: {  	v9 =	vadd.f32 v17, v9;
	v5 =	vadd.f32 v24, v5;
	v18 =	vperm.xlane v10, v2  }
0x2ae: {  	v8 =	vadd.f32 v11, v8;
	v20 =	vperm.xlane v12, v1;
	v17 =	vmul.f32 v11, v37  }
0x2af: {  	v19 =	vperm.xlane v5, v2;
	v38 =	vadd.f32 v10, v18;
	v10 =	vperm.xlane v9, v1  }
0x2b0: {  	v6 =	vadd.f32 v28, v6;
	v7 =	vadd.f32 v17, v7  }
0x2b1: {  	v63 =	vmul.f32 $1.442695020e+00, v57;
	v11 =	vpop (erf);
	v37 =	vadd.f32 v19, v5;
	v5 =	vadd.f32 v12, v20  }
0x2b2: {  	v12 =	vmul.f32 v11, v62;
	v9 =	vadd.f32 v10, v9;
	v11 =	vsel vm0, $0x0, v11  }
0x2b3: {  	v40 =	vperm.xlane v38, v3;
	v4 =	vadd.f32 v11, v4;
	v17 =	vperm.xlane v5, v2;
	v10 =	vpop (erf)  }
0x2b4: {  	v12 =	vsel vm0, $0x0, v12;
	v11 =	vperm.xlane v9, v2;
	v18 =	vmul.f32 v10, v23  }
0x2b5: {  	v6 =	vadd.f32 v12, v6;
	v10 =	vsel vm0, $0x0, v10;
	v12 =	vperm.xlane v4, v0;
	v23 =	vld [tilespmem:s15+$0xFFFFFC08]  }
0x2b6: {  	v8 =	vadd.f32 v10, v8;
	v41 =	vadd.f32 v11, v9;
	v9 =	vld [tilespmem:s15+$0xFFFFF830];
	v10 =	vsel vm0, $0x0, v18  }
0x2b7: {  	v42 =	vadd.f32 v5, v17;
	v18 =	vperm.xlane v6, v0;
	v7 =	vadd.f32 v10, v7;
	v10 =	vld [tilespmem:s15+$0xFFFFF820]  }
0x2b8: {  	v39 =	vperm.xlane v37, v3;
	v4 =	vadd.f32 v4, v12;
	v5 =	vperm.xlane v8, v0  }
0x2b9: {  	v17 =	vld [tilespmem:s15+$0xFFFFFC18];
	v44 =	vperm.xlane v42, v3;
	v43 =	vperm.xlane v41, v3;
	v6 =	vadd.f32 v18, v6  }
0x2ba: {  	v11 =	vperm.xlane v7, v0;
	v5 =	vadd.f32 v8, v5;
	v8 =	vperm.xlane v4, v1  }
0x2bb: {  	v24 =	vmul.f32 $1.442695020e+00, v23;
	v12 =	vperm.xlane v6, v1  }
0x2bc: {  	v20 =	vld [tilespmem:s15+$0xFFFFF438];
	v19 =	vmul.f32 $1.442695020e+00, v9;
	v18 =	vmul.f32 $1.442695020e+00, v10  }
0x2bd: {  	v7 =	vadd.f32 v11, v7;
	v11 =	vperm.xlane v5, v1;
	v4 =	vadd.f32 v4, v8  }
0x2be: {  	v60 =	vld [tilespmem:s15+$0xFFFFFFF0];
	v6 =	vadd.f32 v12, v6;
	v12 =	vmul.f32 $1.442695020e+00, v17;
	(erf) = vpow2.f32 v18  }
0x2bf: {  	v61 =	vld [tilespmem:s15+$0xFFFFF448];
	v8 =	vperm.xlane v7, v1;
	v18 =	vperm.xlane v4, v2  }
0x2c0: {  	v5 =	vadd.f32 v5, v11;
	v11 =	vperm.xlane v6, v2;
	(erf) = vpow2.f32 v19  }
0x2c1: {  	(erf) = vpow2.f32 v12;
	v12 =	vmul.f32 $1.442695020e+00, v20  }
0x2c2: {  	v55 =	vld [tilespmem:s15+$0x0];
	v7 =	vadd.f32 v8, v7;
	v8 =	vperm.xlane v5, v2;
	v51 =	vadd.f32 v4, v18  }
0x2c3: {  	v59 =	vld [tilespmem:s20+$0xFFFFF820];
	v4 =	vmul.f32 $1.442695020e+00, v60;
	v46 =	vadd.f32 v11, v6;
	(erf) = vpow2.f32 v12  }
0x2c4: {  	v53 =	vld [tilespmem:s20+$0xFFFFFC18];
	v6 =	vmul.f32 $1.442695020e+00, v61;
	v47 =	vadd.f32 v5, v8;
	(erf) = vpow2.f32 v24  }
0x2c5: {  	v62 =	vld [tilespmem:s20+$0xFFFFF830];
	v19 =	vperm.xlane v7, v2;
	v52 =	vperm.xlane v51, v3  }
0x2c6: {  	v49 =	vperm.xlane v46, v3;
	v50 =	vperm.xlane v47, v3  }
0x2c7: {  	v54 =	vld [tilespmem:s20+$0x0];
	(erf) = vpow2.f32 v4;
	v4 =	vmul.f32 $1.442695020e+00, v55;
	v5 =	vpop (erf)  }
0x2c8: {  	v58 =	vld [tilespmem:s20+$0xFFFFFC08];
	v12 =	vimm.f32 $0.0e+00;
	(erf) = vpow2.f32 v6;
	v10 =	vmul.f32 v5, v10  }
0x2c9: {  	v45 =	vadd.f32 v19, v7;
	v19 =	vmul.f32 $1.442695020e+00, v53;
	v6 =	vmul.f32 $1.442695020e+00, v59  }
0x2ca: {  	(erf) = vpow2.f32 v4;
	v8 =	vpop (erf);
	v18 =	vadd.f32 v10, v12;
	v10 =	vmul.f32 $1.442695020e+00, v62  }
0x2cb: {  	v56 =	vld [tilespmem:s20+$0xFFFFFFF0];
	v48 =	vperm.xlane v45, v3;
	(erf) = vpow2.f32 v6;
	v11 =	vpop (erf)  }
0x2cc: {  	v4 =	vmul.f32 $1.442695020e+00, v54;
	v5 =	vadd.f32 v5, v12;
	v28 =	vpop (erf);
	(erf) = vpow2.f32 v10  }
0x2cd: {  	v6 =	vmul.f32 $1.442695020e+00, v58;
	v27 =	vpop (erf);
	(erf) = vpow2.f32 v19  }
0x2ce: {  	v13 =	vmul.f32 v8, v9;
	(erf) = vpow2.f32 v63;
	v63 =	vld [tilespmem:s20+$0xFFFFF448]  }
0x2cf: {  	v7 =	vmul.f32 v11, v17;
	v17 =	vadd.f32 v8, v5;
	v8 =	vadd.f32 v28, v12  }
0x2d0: {  	v10 =	vmul.f32 $1.442695020e+00, v56;
	v28 =	vmul.f32 v28, v20;
	v20 =	vimm.f32 $0.0e+00;
	v5 =	vpop (erf)  }
0x2d1: {  	v24 =	vadd.f32 v27, v12;
	v27 =	vmul.f32 v27, v23;
	v23 =	vadd.f32 v13, v18;
	v9 =	vpop (erf)  }
0x2d2: {  	s18 =	simm.s32 $0x2;
	v18 =	vimm.f32 $0.0e+00;
	v19 =	vadd.f32 v5, v12;
	s20 =	sadd.s32 $0x20, s20;
	v8 =	vadd.f32 v9, v8  }
.LBB2_20:
0x2d3: {  	v13 =	vld [tilespmem:s20+$0xFFFFF820];
	s18 =	sadd.s32 $0x2, s18;
	v14 =	vmul.f32 $1.442695020e+00, v63;
	(erf) = vpow2.f32 v6;
	v6 =	vadd.f32 v27, v12  }
0x2d4: {  	v9 =	vmul.f32 v9, v61;
	v27 =	vld [tilespmem:s20+$0xFFFFFC18];
	p0 =	slt.u32 s18, $0x3C;
	(erf) = vpow2.f32 v10;
	v10 =	vadd.f32 v28, v20;
	v28 =	vpop (erf)  }
0x2d5: {  	v5 =	vmul.f32 v5, v60;
	v15 =	vld [tilespmem:s20+$0x0];
	v12 =	vpop (erf);
	(erf) = vpow2.f32 v14;
	v14 =	vadd.f32 v11, v24  }
0x2d6: {  	v16 =	vld [tilespmem:s20+$0xFFFFF830];
	v17 =	vadd.f32 v12, v17;
	v20 =	vadd.f32 v9, v10;
	v9 =	vmul.f32 v28, v55;
	v55 =	vmovc v54  }
0x2d7: {  	v61 =	vmovc v63;
	v5 =	vadd.f32 v5, v18;
	v10 =	vmul.f32 v12, v59;
	v12 =	vadd.f32 v7, v6;
	v63 =	vld [tilespmem:s20+$0xFFFFF448]  }
0x2d8: {  	v19 =	vadd.f32 v28, v19;
	v6 =	vmul.f32 $1.442695020e+00, v13;
	v33 =	vld [tilespmem:s20+$0xFFFFFC08];
	v24 =	vpop (erf);
	v59 =	vmov v13  }
0x2d9: {  	v60 =	vmov v56;
	v18 =	vadd.f32 v9, v5;
	v13 =	vld [tilespmem:s20+$0xFFFFF438];
	v11 =	vpop (erf);
	(erf) = vpow2.f32 v4  }
0x2da: {  	v23 =	vadd.f32 v10, v23;
	v56 =	vld [tilespmem:s20+$0xFFFFFFF0];
	(erf) = vpow2.f32 v6;
	v7 =	vmul.f32 v11, v53;
	v53 =	vmovc v27;
	v54 =	vmovc v15  }
0x2db: {  	v17 =	vadd.f32 v24, v17;
	v10 =	vmul.f32 $1.442695020e+00, v16;
	v4 =	vmul.f32 $1.442695020e+00, v54;
	v15 =	vpop (erf)  }
.Ltmp10:
0x2dc: {  	v34 =	vmul.f32 v24, v62;
	v28 =	vmul.f32 $1.442695020e+00, v53;
	v8 =	vadd.f32 v15, v8;
	v27 =	vpop (erf);
	(pc) =	sbr.rel @p0 .LBB2_20-.Ltmp10, $4  }
0x2dd: {  	v6 =	vmul.f32 $1.442695020e+00, v33;
	(erf) = vpow2.f32 v10;
	v24 =	vadd.f32 v27, v14;
	v5 =	vpop (erf)  }
0x2de: {  	v14 =	vmul.f32 $1.442695020e+00, v13;
	(erf) = vpow2.f32 v28;
	v19 =	vadd.f32 v5, v19;
	v9 =	vpop (erf)  }
0x2df: {  	v62 =	vmovc v16;
	v27 =	vmul.f32 v27, v58;
	v58 =	vmovc v33;
	v10 =	vmul.f32 $1.442695020e+00, v56;
	v8 =	vadd.f32 v9, v8  }
0x2e0: {  	s20 =	sadd.s32 $0x20, s20;
	v23 =	vadd.f32 v34, v23;
	v28 =	vmul.f32 v15, v57;
	v57 =	vmovc v13;
	(erf) = vpow2.f32 v14  }
0x2e1: {  	(erf) = vpow2.f32 v6  }
0x2e2: {  	v16 =	vmul.f32 $1.442695020e+00, v63;
	v9 =	vmul.f32 v9, v61;
	v12 =	vadd.f32 v27, v12  }
0x2e3: {  	v5 =	vmul.f32 v5, v60;
	v11 =	vadd.f32 v11, v24;
	v24 =	vld [tilespmem:$0x1FDC0];
	v28 =	vadd.f32 v28, v20;
	v33 =	vpop (erf)  }
0x2e4: {  	(erf) = vpow2.f32 v10;
	v15 =	vmul.f32 v33, v55;
	v10 =	vadd.f32 v33, v19;
	v33 =	vld [tilespmem:$0x1FDF0]  }
0x2e5: {  	v13 =	vpop (erf);
	v5 =	vadd.f32 v5, v18;
	v6 =	vadd.f32 v9, v28;
	v28 =	vld [tilespmem:$0x1FDE0]  }
0x2e6: {  	v27 =	vld [tilespmem:$0x1FDD0];
	(erf) = vpow2.f32 v16;
	v34 =	vadd.f32 v13, v17;
	v13 =	vmul.f32 v13, v59  }
0x2e7: {  	v20 =	vld [tilespmem:$0x1FDA0];
	(erf) = vpow2.f32 v4;
	v4 =	vadd.f32 v15, v5;
	v14 =	vpop (erf)  }
0x2e8: {  	v17 =	vld [tilespmem:s29+$0x12CB8];
	v5 =	vadd.f32 v13, v23;
	v9 =	vadd.f32 v14, v34;
	v14 =	vmul.f32 v14, v62  }
0x2e9: {  	v23 =	vld [tilespmem:$0x1FDB0];
	v16 =	vpop (erf)  }
0x2ea: {  	v18 =	vmul.f32 v16, v53;
	v53 =	vld [tilespmem:$0x1FE00];
	v5 =	vadd.f32 v14, v5;
	v14 =	vadd.f32 v28, v33  }
0x2eb: {  	v55 =	vpop (erf);
	v33 =	vadd.f32 v31, v35;
	v35 =	vadd.f32 v38, v40;
	v38 =	vld [tilespmem:s29+$0x13488]  }
0x2ec: {  	v7 =	vadd.f32 v7, v12;
	v8 =	vadd.f32 v55, v8;
	v12 =	vmul.f32 v55, v57;
	v55 =	vld [tilespmem:$0x1FE10]  }
0x2ed: {  	v59 =	vpop (erf);
	v57 =	vld [tilespmem:$0x1FE30]  }
0x2ee: {  	v60 =	vmul.f32 v59, v58;
	v58 =	vld [tilespmem:$0x1FE40]  }
0x2ef: {  	v11 =	vadd.f32 v59, v11;
	v61 =	vpop (erf);
	v59 =	vld [tilespmem:$0x1FE50]  }
0x2f0: {  	v6 =	vadd.f32 v12, v6;
	v13 =	vmul.f32 v61, v56;
	v56 =	vld [tilespmem:$0x1FE20]  }
0x2f1: {  	v19 =	vmul.f32 $1.442695020e+00, v17;
	v62 =	vpop (erf);
	v10 =	vadd.f32 v61, v10;
	v61 =	vld [tilespmem:$0x1FE70];
	v7 =	vadd.f32 v60, v7  }
0x2f2: {  	v8 =	vadd.f32 v62, v8;
	v63 =	vmul.f32 v62, v63;
	v11 =	vadd.f32 v16, v11;
	v60 =	vld [tilespmem:$0x1FE60]  }
0x2f3: {  	v62 =	vld [tilespmem:$0x1FE80];
	v4 =	vadd.f32 v13, v4;
	v13 =	vadd.f32 v27, v24  }
0x2f4: {  	(erf) = vpow2.f32 v19;
	v6 =	vadd.f32 v63, v6;
	v16 =	vadd.f32 v55, v53;
	v63 =	vld [tilespmem:$0x1FE90]  }
0x2f5: {  	v12 =	vadd.f32 v20, v23;
	v20 =	vld [tilespmem:s29+$0x130A0];
	v19 =	vadd.f32 v59, v58  }
0x2f6: {  	v23 =	vld [tilespmem:$0x1FD60];
	v34 =	vpop (erf);
	v13 =	vsel vm1, v13, v16  }
0x2f7: {  	v40 =	vadd.f32 v39, v37;
	v10 =	vadd.f32 v34, v10;
	v13 =	vsel vm2, v13, v19;
	v19 =	vld [tilespmem:$0x1FD40]  }
0x2f8: {  	v24 =	vld [tilespmem:$0x1FD70];
	v7 =	vadd.f32 v18, v7;
	v18 =	vadd.f32 v56, v57  }
0x2f9: {  	v12 =	vsel vm1, v12, v14;
	v14 =	vadd.f32 v60, v61;
	v16 =	vadd.f32 v63, v62  }
0x2fa: {  	v15 =	vmul.f32 v34, v54;
	v27 =	vld [tilespmem:$0x1FD80];
	v34 =	vadd.f32 v36, v32;
	v12 =	vsel vm2, v12, v18  }
0x2fb: {  	v54 =	vadd.f32 v42, v44;
	v12 =	vsel vm3, v12, v14;
	v13 =	vsel vm3, v13, v16  }
0x2fc: {  	v16 =	vadd.f32 v25, v23;
	v25 =	vmul.f32 $1.442695020e+00, v20;
	v14 =	vadd.f32 v21, v19;
	v21 =	vld [tilespmem:$0x1FD50]  }
0x2fd: {  	v53 =	vld [tilespmem:s29+$0x13870];
	v4 =	vadd.f32 v15, v4;
	v58 =	vmul.f32 $1.442695020e+00, v38;
	v19 =	vadd.f32 v24, v26;
	v26 =	vpop (erf)  }
0x2fe: {  	(erf) = vpow2.f32 v25;
	v28 =	vsel vm0, $0x0, v26;
	v12 =	vsel vm4, v12, v14  }
0x2ff: {  	v8 =	vadd.f32 v28, v8;
	v12 =	vsel vm5, v12, v16;
	v16 =	vadd.f32 v29, v27;
	v29 =	vld [tilespmem:$0x1FD90]  }
0x300: {  	v59 =	vadd.f32 v51, v52;
	v57 =	vadd.f32 v43, v41  }
0x301: {  	(erf) = vpow2.f32 v58;
	v36 =	vperm.xlane v8, v0;
	v18 =	vadd.f32 v21, v22  }
0x302: {  	v61 =	vmul.f32 $1.442695020e+00, v53;
	v25 =	vadd.f32 v49, v46;
	v12 =	vsel vm6, v12, v16  }
0x303: {  	v12 =	vsel vm7, v12, v33;
	v8 =	vadd.f32 v8, v36;
	v13 =	vsel vm4, v13, v18  }
0x304: {  	v12 =	vsel vm0, v12, v35;
	v13 =	vsel vm5, v13, v19;
	v18 =	vadd.f32 v29, v30  }
0x305: {  	s18 =	sshll.u32 s28, $0x4;
	v30 =	vmul.f32 v26, v17;
	v12 =	vsel vm8, v12, v54;
	v56 =	vperm.xlane v8, v1  }
0x306: {  	v26 =	vadd.f32 v47, v50;
	v29 =	vadd.f32 v48, v45;
	v47 =	vmov s18  }
0x307: {  	v12 =	vsel vm9, v12, v59;
	v14 =	vsel vm0, $0x0, v30;
	v13 =	vsel vm6, v13, v18  }
0x308: {  	v8 =	vadd.f32 v8, v56;
	v60 =	vpop (erf);
	(erf) = vpow2.f32 v61;
	v12 =	vsel vm10, v12, v26  }
0x309: {  	v6 =	vadd.f32 v14, v6;
	v13 =	vsel vm7, v13, v34;
	v63 =	vsel vm0, $0x0, v60  }
0x30a: {  	v15 =	vmul.f32 v60, v20;
	v33 =	vpop (erf);
	v13 =	vsel vm0, v13, v40;
	v23 =	vperm.xlane v8, v2  }
0x30b: {  	v9 =	vadd.f32 v63, v9;
	v34 =	vmul.f32 v33, v38;
	v55 =	vperm.xlane v6, v0  }
0x30c: {  	v13 =	vsel vm8, v13, v57;
	v15 =	vsel vm0, $0x0, v15;
	v8 =	vadd.f32 v8, v23  }
0x30d: {  	v24 =	vperm.xlane v9, v0;
	v37 =	vsel vm0, $0x0, v34;
	v6 =	vadd.f32 v55, v6  }
0x30e: {  	v5 =	vadd.f32 v15, v5;
	v7 =	vadd.f32 v37, v7;
	v28 =	vperm.xlane v8, v3  }
0x30f: {  	v13 =	vsel vm9, v13, v25;
	v9 =	vadd.f32 v9, v24;
	v62 =	vperm.xlane v6, v1  }
0x310: {  	v32 =	vperm.xlane v5, v0;
	v42 =	vperm.xlane v7, v0;
	v8 =	vadd.f32 v8, v28  }
0x311: {  	v13 =	vsel vm10, v13, v29;
	v30 =	vperm.xlane v9, v1;
	v6 =	vadd.f32 v62, v6  }
0x312: {  	v5 =	vadd.f32 v32, v5;
	v35 =	vpop (erf);
	v7 =	vadd.f32 v42, v7;
	v8 =	vsel vm11, v12, v8  }
0x313: {  	v12 =	vsel vm0, $0x0, v33;
	v14 =	vmul.f32 v35, v53;
	v27 =	vperm.xlane v6, v2  }
0x314: {  	v38 =	vsel vm0, $0x0, v35;
	v40 =	vperm.xlane v5, v1;
	v11 =	vadd.f32 v12, v11  }
0x315: {  	v10 =	vadd.f32 v38, v10;
	v39 =	vsel vm0, $0x0, v14;
	v6 =	vadd.f32 v27, v6  }
0x316: {  	v48 =	vperm.xlane v7, v1;
	v41 =	vperm.xlane v11, v0;
	v4 =	vadd.f32 v39, v4  }
0x317: {  	v46 =	vld [tilespmem:s18+$0x1F480];
	v9 =	vadd.f32 v9, v30;
	v43 =	vperm.xlane v10, v0;
	v31 =	vperm.xlane v6, v3  }
0x318: {  	v54 =	vld [tilespmem:$0x1FFF0];
	v14 =	vmul.u32 $0x3E8, v47;
	v11 =	vadd.f32 v11, v41;
	v44 =	vperm.xlane v4, v0  }
0x319: {  	v36 =	vperm.xlane v9, v2;
	v10 =	vadd.f32 v10, v43;
	v6 =	vadd.f32 v31, v6  }
0x31a: {  	v14 =	vbroadcast v14, $0x0;
	v45 =	vperm.xlane v11, v1;
	v4 =	vadd.f32 v44, v4  }
0x31b: {  	v5 =	vadd.f32 v40, v5;
	v16 =	vperm.xlane v10, v1;
	v6 =	vsel vm11, v13, v6  }
0x31c: {  	v11 =	vadd.f32 v11, v45;
	v50 =	vperm.xlane v4, v1;
	v13 =	vadd.s32 v46, v14  }
0x31d: {  	v7 =	vadd.f32 v48, v7;
	v10 =	vadd.f32 v10, v16;
	v13 =	vadd.s32 v54, v13  }
0x31e: {  	v49 =	vperm.xlane v5, v2;
	v51 =	vperm.xlane v11, v2;
	v4 =	vadd.f32 v50, v4  }
0x31f: {  	v9 =	vadd.f32 v9, v36;
	v52 =	vperm.xlane v7, v2;
	v16 =	vperm.xlane v10, v2  }
0x320: {  	v5 =	vadd.f32 v49, v5;
	v11 =	vadd.f32 v11, v51;
	v53 =	vperm.xlane v4, v2  }
0x321: {  	v55 =	vperm.xlane v9, v3;
	v7 =	vadd.f32 v52, v7;
	v10 =	vadd.f32 v10, v16  }
0x322: {  	v56 =	vperm.xlane v5, v3;
	v57 =	vperm.xlane v11, v3;
	v4 =	vadd.f32 v53, v4;
	v62 =	vld.idx.msk [tilespmem:v13+s17+$0x0], $0xffff  }
0x323: {  	s28 =	sadd.s32 $0x1, s28;
	v9 =	vadd.f32 v9, v55;
	v58 =	vperm.xlane v7, v3;
	v59 =	vperm.xlane v10, v3  }
0x324: {  	p0 =	sne.s32 s28, $0x4;
	v5 =	vadd.f32 v56, v5;
	v11 =	vadd.f32 v11, v57;
	v60 =	vperm.xlane v4, v3  }
.Ltmp11:
0x325: {  	v8 =	vsel vm12, v8, v9;
	v7 =	vadd.f32 v58, v7;
	v61 =	vadd.f32 v10, v59;
	(pc) =	sbr.rel @p0 .LBB2_13-.Ltmp11, $4  }
0x326: {  	v5 =	vsel vm12, v6, v5;
	v63 =	vsel vm13, v8, v11;
	v4 =	vadd.f32 v60, v4  }
0x327: {  	v5 =	vsel vm13, v5, v7;
	v6 =	vsel vm14, v63, v61;
	[tilespmem:s18+$0x1F780] =	vst v62  }
0x328: {  	s16 =	sadd.s32 $0x3E80, s16;
	s10 =	sadd.s32 $0x3E80, s10;
	v4 =	vsel vm14, v5, v4;
	[tilespmem:s18+$0x1F580] =	vst v6  }
0x329: {  	s11 =	sadd.s32 $0x3E80, s11;
	s12 =	sadd.s32 $0x3E80, s12;
	s15 =	sadd.s32 $0x3E80, s15;
	[tilespmem:s18+$0x1F680] =	vst v4  }
0x32a: {  	s1 =	sor.u32 $0x8, s1  }
0x32b: {  	s10 =	simm.s32 $0x1F580;
	s9 =	sadd.s32 s3, s1  }
0x32c: {  	[hbm4b:s9+s7] =	stream.linear.scatter [tilespmem:s10], [sflag:$0x4], $0x40, $0x38;
	[tilespmem:$0x1F800] =	vst v63  }
.Ltmp12:
0x32d: {  	_ = 	snop;
	(pc) =	sbr.rel @p1 .LBB2_24-.Ltmp12, $4  }
0x32e: {  	s30 =	sadd.s32 s5, s1  }
0x32f: {  	[hbm4b:s30+s7] =	stream.linear.scatter [tilespmem:s25], [sflag:$0x4], $0x40, $0x38;
	[tilespmem:$0x1F800] =	vst v63  }
0x330: {  	s1 =	sadd.s32 s6, s1  }
0x331: {  	[hbm4b:s1+s7] =	stream.linear.scatter [tilespmem:s26], [sflag:$0x4], $0x40, $0x38;
	[tilespmem:$0x1F800] =	vst v63  }
0x332: {  	s1 =	sadd.s32 s4, s14  }
0x333: {  	s4 =	smul.u32 $0x7D, s1  }
.Ltmp13:
0x334: {  	_ = 	snop;
	(pc) =	sbr.rel .LBB2_2-.Ltmp13, $4  }
0x335: {  	s1 =	sshrl.u32 s1, $0x3;
	s4 =	sadd.s32 s0, s4  }
0x336: {  	[tilespmem:s17], [sflag:$0x2] =	stream.linear.gather [hbm4b:s4+s7], $0xFA00, $0x38;
	[tilespmem:$0x1F800] =	vst v63  }
0x337: {  	s30 =	simm.s32 $0x1F480;
	s31 =	sadd.s32 $0x1, s31;
	s1 =	sadd.s32 s2, s1  }
0x338: {  	[tilespmem:s30], [sflag:$0x2] =	stream.linear.gather [hbm4b:s1+s7], $0x40, $0x38;
	[tilespmem:$0x1F800] =	vst v63  }
.LBB2_25:
0x339: {  	_ =	sfence.sel $0x180000  }
0x33a: {  	[bflag:$0x0] =	sbarrier.arrive $0xFFFF  }
0x33b: {  	_ =	strace $0x90000047  }
0x33c: {  	s0 =	stileid.u32;
	[bflag:$0x2] =	sbarrier.arrive $0xFFFF  }
0x33d: {  	p0 =	sne.s32 s0, $0x0;
	s0 =	rddreg [dreg:$0x5]  }
0x33e: {  	s0 =	sadd.s32 @!p0 $0x100000, s0  }
0x33f: {  	[sflag:s0] =	ssyncadd.tile.s32 @!p0 $0x1;
	_ =	shalt  }
.Lfunc_end2:
_tile_overlayer_lowered:
.L_overlay_start_2:
0x340: {  	(tag) =	ssettag $0x2  }
0x341: {  	s0 =	rddreg [dreg:$0x0];
	s2 =	stileid.u32  }
0x342: {  	s1 =	rddreg [dreg:$0x1];
	p0 =	sne.s32 s2, $0x0  }
0x343: {  	s3 =	rddreg [dreg:$0x2];
	[bflag:$0x3] =	sbarrier.arrive $0xFFFF;
	s2 =	simm.s32 @!p0 $0x1C05  }
0x344: {  	[timem:s3], [sflag:s2] =	dma.local @!p0 [hbm:s0], s1  }
0x345: {  	s0 =	simm.s32 @!p0 $0x5  }
0x346: {  	_ =	swait.ge @!p0 [sflag:s0], s1  }
0x347: {  	s1 =	ssub.s32 @!p0 $0x0, s1;
	[sflag:s0] =	ssyncset.done @!p0 $0x0  }
0x348: {  	[sflag:s0] =	ssyncadd.s32 @!p0 s1  }
0x349: {  	[bflag:$0x3] =	sbarrier.arrive $0xFFFF  }
0x34a: {  	_ =	shalt  }

</sc_bundles>
